<compile_context>
chip_gen: v7x
topology: tpu7x:2x2x1
jax: 0.10.2.dev20260603
libtpu: 0.0.44.dev20260713+nightly
codegen_flags: <defaults>
</compile_context>

<pallas_src>
import functools
import jax
import jax.numpy as jnp
from jax import lax
from jax.experimental import pallas as pl
from jax.experimental.pallas import tpu as pltpu
from jax.experimental.pallas import tpu_sc as plsc

N = 10000
E = 320000
D = 128
B = 100
L = 100
SMI = 300

NC = 2
NS = 16
NW = NC * NS
CH = 120
NRB = 3
NIB = 6
CPT = 84
LAG = 2
AHD = 4
E_P = NW * CPT * CH
N_ACC = N + 8
SLC = 624
SLC_LAST = N - SLC * (NS - 1)


def _seg_sum_body(h_hbm, src_hbm, dst_hbm, zeros_hbm, out_hbm,
                  acc_sh, idx_v, rows_v, *sems):
    isem = sems[0:NIB]
    rsem = sems[NIB:NIB + NRB]
    asem = sems[NIB + NRB:NIB + 2 * NRB]
    c = lax.axis_index("c")
    s = lax.axis_index("s")
    wid = s * NC + c
    off = pl.multiple_of(s * SLC, 8)

    @pl.when(s < NS - 1)
    def _():
        pltpu.sync_copy(zeros_hbm.at[pl.ds(off, SLC)],
                        acc_sh.at[pl.ds(off, SLC)])

    @pl.when(s == NS - 1)
    def _():
        pltpu.sync_copy(zeros_hbm.at[pl.ds(off, SLC_LAST + 8)],
                        acc_sh.at[pl.ds(off, SLC_LAST + 8)])

    plsc.subcore_barrier()

    def idx_start(j, ib):
        base = pl.multiple_of((wid + j * NW) * CH, 8)
        pltpu.async_copy(src_hbm.at[pl.ds(base, CH)], idx_v.at[ib, 0], isem[ib])
        pltpu.async_copy(dst_hbm.at[pl.ds(base, CH)], idx_v.at[ib, 1], isem[ib])

    def idx_wait(ib):
        pltpu.make_async_copy(src_hbm.at[pl.ds(0, CH)], idx_v.at[ib, 0],
                              isem[ib]).wait()
        pltpu.make_async_copy(dst_hbm.at[pl.ds(0, CH)], idx_v.at[ib, 1],
                              isem[ib]).wait()

    def gather_start(ib, rb):
        pltpu.async_copy(h_hbm.at[idx_v.at[ib, 0]], rows_v.at[rb], rsem[rb])

    def rows_wait(rb):
        pltpu.make_async_copy(h_hbm.at[pl.ds(0, CH)], rows_v.at[rb],
                              rsem[rb]).wait()

    def scatter_start(ib, rb):
        pltpu.async_copy(rows_v.at[rb], acc_sh.at[idx_v.at[ib, 1]], asem[rb],
                         add=True)

    def add_wait(rb):
        pltpu.make_async_copy(rows_v.at[rb], acc_sh.at[pl.ds(0, CH)],
                              asem[rb]).wait()

    for j in range(AHD):
        idx_start(j, j)
    idx_wait(0)
    gather_start(0, 0)

    UN = 6

    def outer(o, carry):
        for u in range(UN):
            i = o * UN + u

            @pl.when(i >= LAG)
            def _():
                add_wait((u - LAG) % NRB)

            @pl.when(i + AHD < CPT)
            def _():
                idx_start(i + AHD, (u + AHD) % NIB)

            @pl.when(i + 1 < CPT)
            def _():
                idx_wait((u + 1) % NIB)
                gather_start((u + 1) % NIB, (u + 1) % NRB)

            rows_wait(u % NRB)
            scatter_start(u % NIB, u % NRB)
        return carry

    lax.fori_loop(0, CPT // UN, outer, 0)
    for k in range(LAG):
        add_wait((CPT - LAG + k) % NRB)
    plsc.subcore_barrier()

    @pl.when(s < NS - 1)
    def _():
        pltpu.sync_copy(acc_sh.at[pl.ds(off, SLC)],
                        out_hbm.at[c, pl.ds(off, SLC)])

    @pl.when(s == NS - 1)
    def _():
        pltpu.sync_copy(acc_sh.at[pl.ds(off, SLC_LAST)],
                        out_hbm.at[c, pl.ds(off, SLC_LAST)])


@functools.lru_cache(maxsize=1)
def _make_seg_sum():
    return pl.kernel(
        _seg_sum_body,
        out_type=jax.ShapeDtypeStruct((NC, N, D), jnp.float32),
        mesh=plsc.VectorSubcoreMesh(core_axis_name="c", subcore_axis_name="s",
                                    num_cores=NC, num_subcores=NS),
        scratch_types=[
            pltpu.VMEM_SHARED((N_ACC, D), jnp.float32),
            pltpu.VMEM((NIB, 2, CH), jnp.int32),
            pltpu.VMEM((NRB, CH, D), jnp.float32),
        ] + [pltpu.SemaphoreType.DMA] * (NIB + 2 * NRB),
    )


def _seg_sum(h, src_p, dst_p, zeros_nd):
    return _make_seg_sum()(h, src_p, dst_p, zeros_nd)


def _initsmi_body(x_ref, xs_ref, w_ref, w0_ref, w1_ref, w2_ref, bconv_ref,
                  gs_ref, bs_ref, wp_ref, bp_ref, wf2_ref, bfus_ref,
                  h0_ref, s2_ref):
    h0_ref[...] = jnp.dot(x_ref[...], w_ref[...], preferred_element_type=jnp.float32)
    zrow = jnp.zeros((1, D), jnp.float32)
    for t in range(2):
        xb = xs_ref[t]
        y0 = jnp.dot(xb, w0_ref[...], preferred_element_type=jnp.float32)
        y1 = jnp.dot(xb, w1_ref[...], preferred_element_type=jnp.float32)
        y2 = jnp.dot(xb, w2_ref[...], preferred_element_type=jnp.float32)
        c = y1 + jnp.concatenate([zrow, y0[:-1]], axis=0) \
               + jnp.concatenate([y2[1:], zrow], axis=0)
        z = jnp.maximum((c + bconv_ref[...]) * gs_ref[...] + bs_ref[...], 0.0)
        sf = jnp.max(z, axis=0, keepdims=True)
        s1 = jnp.dot(sf, wp_ref[...], preferred_element_type=jnp.float32) + bp_ref[...]
        s2_ref[t] = jnp.dot(s1, wf2_ref[...], preferred_element_type=jnp.float32) + bfus_ref[...]


def _mlayer0_body(sx_ref, h0_ref, wi_ref, wc_ref, bc_ref, wr_ref, br_ref,
                  g_ref, be_ref, o_ref):
    m0 = jnp.dot(sx_ref[0] + sx_ref[1], wi_ref[...], preferred_element_type=jnp.float32)
    conv = jnp.maximum(jnp.dot(m0, wc_ref[...], preferred_element_type=jnp.float32) + bc_ref[...], 0.0)
    res = jnp.dot(h0_ref[...], wr_ref[...], preferred_element_type=jnp.float32) + br_ref[...]
    o_ref[...] = (conv + res) * g_ref[...] + be_ref[...]


def _layerfuse_body(m_ref, h_ref, wc_ref, bc_ref, wr_ref, br_ref, g_ref,
                    be_ref, wf1_ref, s2x_ref, gf_ref, bf_ref, o_ref):
    m = m_ref[0] + m_ref[1]
    conv = jnp.maximum(jnp.dot(m, wc_ref[...], preferred_element_type=jnp.float32) + bc_ref[...], 0.0)
    res = jnp.dot(h_ref[...], wr_ref[...], preferred_element_type=jnp.float32) + br_ref[...]
    h2 = (conv + res) * g_ref[...] + be_ref[...]
    f = jnp.dot(h2, wf1_ref[...], preferred_element_type=jnp.float32) + s2x_ref[...]
    o_ref[...] = jnp.maximum(f * gf_ref[...] + bf_ref[...], 0.0)


def _row(v):
    return v.reshape(1, D)


def kernel(x, edge_index, smiles_embeddings, W_init, Wc0, bc0, Wr0, br0, g0, be0,
           Wc1, bc1, Wr1, br1, g1, be1, Wconv, bconv, gs, bs, Wproj, bproj,
           Wfus, bfus, gf, bf):
    zeros_nd = jnp.zeros((N_ACC, D), jnp.float32)
    src_p = jnp.concatenate([edge_index[0], jnp.zeros((E_P - E,), jnp.int32)])
    dst_p = jnp.concatenate([edge_index[1], jnp.full((E_P - E,), N, jnp.int32)])

    Wt = jnp.transpose(Wconv, (1, 0, 2))
    W0, W1, W2 = Wt[:, :, 0], Wt[:, :, 1], Wt[:, :, 2]
    Wf1, Wf2 = Wfus[:D], Wfus[D:]

    sx = _seg_sum(x, src_p, dst_p, zeros_nd)

    wspec = pl.BlockSpec((SMI, D), lambda b: (0, 0))
    vspec = pl.BlockSpec((1, D), lambda b: (0, 0))
    dspec = pl.BlockSpec((D, D), lambda b: (0, 0))
    h0, s2 = pl.pallas_call(
        _initsmi_body,
        grid=(B // 2,),
        in_specs=[
            pl.BlockSpec((2 * L, D), lambda b: (b, 0)),
            pl.BlockSpec((2, L, SMI), lambda b: (b, 0, 0)),
            dspec, wspec, wspec, wspec, vspec, vspec, vspec,
            dspec, vspec, dspec, vspec,
        ],
        out_specs=[
            pl.BlockSpec((2 * L, D), lambda b: (b, 0)),
            pl.BlockSpec((2, 1, D), lambda b: (b, 0, 0)),
        ],
        out_shape=[
            jax.ShapeDtypeStruct((N, D), jnp.float32),
            jax.ShapeDtypeStruct((B, 1, D), jnp.float32),
        ],
    )(x, smiles_embeddings, W_init, W0, W1, W2, _row(bconv), _row(gs),
      _row(bs), Wproj, _row(bproj), Wf2, _row(bfus))

    h1 = pl.pallas_call(
        _mlayer0_body,
        out_shape=jax.ShapeDtypeStruct((N, D), jnp.float32),
    )(sx, h0, W_init, Wc0, _row(bc0), Wr0, _row(br0), _row(g0), _row(be0))

    m1 = _seg_sum(h1, src_p, dst_p, zeros_nd)

    s2x = jnp.broadcast_to(s2, (B, L, D)).reshape(N, D)
    fused = pl.pallas_call(
        _layerfuse_body,
        out_shape=jax.ShapeDtypeStruct((N, D), jnp.float32),
    )(m1, h1, Wc1, _row(bc1), Wr1, _row(br1), _row(g1), _row(be1),
      Wf1, s2x, _row(gf), _row(bf))

    return fused.reshape(B, L, D)

# --- scband reference (transcript-rebuilt; emitter-appended) ---
"""Pipeline reference for scband-enhanced-molecular-gcn-11871289606775 (READ-ONLY COPY).

The authoritative reference and input builder live on the scoring server;
editing this copy changes nothing except your own understanding.
"""

import jax, jax.numpy as jnp
import numpy as np

N = 10000
E = 320000
D_IN = 128
D_EMB = 128
B = 100
L_SMI = 100
SMI_DIM = 300


def _init(key, shape, scale=0.05):
    return jax.random.normal(key, shape, dtype=jnp.float32) * scale


def setup_inputs(seed: int = 0) -> dict:
    key = jax.random.key(seed)
    ks = jax.random.split(key, 16)
    x = jax.random.normal(ks[0], (N, D_IN), dtype=jnp.float32)
    edge_index = jax.random.randint(ks[1], (2, E), 0, N, dtype=jnp.int32)
    smiles_embeddings = jax.random.normal(ks[2], (B, L_SMI, SMI_DIM), dtype=jnp.float32)
    W_init = _init(ks[3], (D_IN, D_EMB))
    W_init = W_init.at[:, -1].set(0.0)  # padding=True zeroes last output row of init_transform
    Wc0 = _init(ks[4], (D_EMB, D_EMB)); bc0 = jnp.zeros((D_EMB,), jnp.float32)
    Wr0 = _init(ks[5], (D_EMB, D_EMB)); br0 = jnp.zeros((D_EMB,), jnp.float32)
    g0 = jnp.ones((D_EMB,), jnp.float32); be0 = jnp.zeros((D_EMB,), jnp.float32)
    Wc1 = _init(ks[6], (D_EMB, D_EMB)); bc1 = jnp.zeros((D_EMB,), jnp.float32)
    Wr1 = _init(ks[7], (D_EMB, D_EMB)); br1 = jnp.zeros((D_EMB,), jnp.float32)
    g1 = jnp.ones((D_EMB,), jnp.float32); be1 = jnp.zeros((D_EMB,), jnp.float32)
    Wconv = _init(ks[8], (128, SMI_DIM, 3)); bconv = jnp.zeros((128,), jnp.float32)
    gs = jnp.ones((128,), jnp.float32); bs = jnp.zeros((128,), jnp.float32)
    Wproj = _init(ks[9], (128, D_EMB)); bproj = jnp.zeros((D_EMB,), jnp.float32)
    Wfus = _init(ks[10], (2 * D_EMB, D_EMB)); bfus = jnp.zeros((D_EMB,), jnp.float32)
    gf = jnp.ones((D_EMB,), jnp.float32); bf = jnp.zeros((D_EMB,), jnp.float32)
    return {
        'x': x, 'edge_index': edge_index, 'smiles_embeddings': smiles_embeddings,
        'W_init': W_init,
        'Wc0': Wc0, 'bc0': bc0, 'Wr0': Wr0, 'br0': br0, 'g0': g0, 'be0': be0,
        'Wc1': Wc1, 'bc1': bc1, 'Wr1': Wr1, 'br1': br1, 'g1': g1, 'be1': be1,
        'Wconv': Wconv, 'bconv': bconv, 'gs': gs, 'bs': bs,
        'Wproj': Wproj, 'bproj': bproj, 'Wfus': Wfus, 'bfus': bfus, 'gf': gf, 'bf': bf,
    }


def reference(x, edge_index, smiles_embeddings, W_init,
              Wc0, bc0, Wr0, br0, g0, be0,
              Wc1, bc1, Wr1, br1, g1, be1,
              Wconv, bconv, gs, bs, Wproj, bproj, Wfus, bfus, gf, bf):
    src = edge_index[0]
    dst = edge_index[1]
    # init_transform (no bias)
    h = x @ W_init
    # two GCN layers: sum-aggregate GraphConv + relu, linear residual, eval-mode batchnorm
    for (Wc, bc, Wr, br, g, be) in ((Wc0, bc0, Wr0, br0, g0, be0),
                                     (Wc1, bc1, Wr1, br1, g1, be1)):
        m = jax.ops.segment_sum(h[src], dst, num_segments=N)
        conv = jax.nn.relu(m @ Wc + bc)
        h = conv + (h @ Wr + br)
        h = h * g + be  # BatchNorm1d eval (running_mean=0, running_var=1)
    gcn_features = h.reshape(B, -1, D_EMB)
    # mol2vec smiles branch
    se = jnp.transpose(smiles_embeddings, (0, 2, 1))  # [B, 300, L]
    c = jax.lax.conv_general_dilated(se, Wconv, window_strides=(1,), padding=[(1, 1)],
                                     dimension_numbers=('NCH', 'OIH', 'NCH'))
    c = c + bconv[None, :, None]
    c = jax.nn.relu(c * gs[None, :, None] + bs[None, :, None])
    sf = jnp.max(c, axis=2)  # AdaptiveMaxPool1d(1) + squeeze
    sf = sf @ Wproj + bproj
    sf = jnp.broadcast_to(sf[:, None, :], gcn_features.shape)
    comb = jnp.concatenate([gcn_features, sf], axis=2)
    fused = comb @ Wfus + bfus
    fused = fused * gf + bf  # fusion_bn eval over channel dim
    fused = jax.nn.relu(fused)  # dropout is identity at eval
    return fused

if __name__ == "__main__":
    import jax
    _d = setup_inputs()
    print(jax.jit(kernel)(*tuple(_d.values())))

</pallas_src>

<mosaic_0001>
#map = affine_map<(d0, d1) -> (0, 0)>
#map1 = affine_map<(d0, d1) -> (0)>
#map2 = affine_map<(d0, d1) -> (0, 0, 0)>
module attributes {stable_mosaic.version = 14 : i64} {
  func.func @_seg_sum_body(%arg0: i32, %arg1: i32, %arg2: memref<10000x128xf32, #tpu.memory_space<hbm>>, %arg3: memref<322560xi32, #tpu.memory_space<hbm>>, %arg4: memref<322560xi32, #tpu.memory_space<hbm>>, %arg5: memref<10008x128xf32, #tpu.memory_space<hbm>>, %arg6: memref<2x10000x128xf32, #tpu.memory_space<hbm>>, %arg7: memref<10008x128xf32, #tpu.memory_space<vmem_shared>>, %arg8: memref<6x2x120xi32, #tpu.memory_space<vmem>>, %arg9: memref<3x120x128xf32, #tpu.memory_space<vmem>>, %arg10: memref<!tpu.dma_semaphore, #tpu.memory_space<semaphore_mem>>, %arg11: memref<!tpu.dma_semaphore, #tpu.memory_space<semaphore_mem>>, %arg12: memref<!tpu.dma_semaphore, #tpu.memory_space<semaphore_mem>>, %arg13: memref<!tpu.dma_semaphore, #tpu.memory_space<semaphore_mem>>, %arg14: memref<!tpu.dma_semaphore, #tpu.memory_space<semaphore_mem>>, %arg15: memref<!tpu.dma_semaphore, #tpu.memory_space<semaphore_mem>>, %arg16: memref<!tpu.dma_semaphore, #tpu.memory_space<semaphore_mem>>, %arg17: memref<!tpu.dma_semaphore, #tpu.memory_space<semaphore_mem>>, %arg18: memref<!tpu.dma_semaphore, #tpu.memory_space<semaphore_mem>>, %arg19: memref<!tpu.dma_semaphore, #tpu.memory_space<semaphore_mem>>, %arg20: memref<!tpu.dma_semaphore, #tpu.memory_space<semaphore_mem>>, %arg21: memref<!tpu.dma_semaphore, #tpu.memory_space<semaphore_mem>>) attributes {dimension_semantics = [#tpu.dimension_semantics<core_parallel>, #tpu.dimension_semantics<subcore_parallel>], iteration_bounds = array<i64: 2, 16>, scalar_prefetch = 0 : i64, scratch_operands = 15 : i64, tpu.core_type = #tpu.core_type<sc_vector_subcore>, window_params = [{transform_indices = #map}, {transform_indices = #map1}, {transform_indices = #map1}, {transform_indices = #map}, {transform_indices = #map2}]} {
    %mul3A = arith.constant 2 : i32
    %mul3A_0 = arith.muli %arg1, %mul3A : i32
    %add3A = arith.addi %mul3A_0, %arg0 : i32
    %mul3A_1 = arith.constant 624 : i32
    %mul3A_2 = arith.muli %arg1, %mul3A_1 : i32
    %multiple_of3A = tpu.assume_multiple %mul3A_2, 8 : i32
    %lt3A = arith.constant 15 : i32
    %lt3A_3 = arith.cmpi slt, %arg1, %lt3A : i32
    %convert_element_type3A = arith.extui %lt3A_3 : i1 to i32
    %cond3A = arith.constant 0 : i32
    %cond3A_4 = arith.cmpi ne, %convert_element_type3A, %cond3A : i32
    scf.if %cond3A_4 {
      "tpu.region"() ({
        %run_scoped3A = tpu.sem_alloc : memref<!tpu.dma_semaphore, #tpu.memory_space<semaphore_mem>>
        %dma_start3A_190 = arith.constant 0 : i32
        %dma_start3A_191 = tpu.memref_slice %arg7[%multiple_of3A, %dma_start3A_190] : memref<10008x128xf32, #tpu.memory_space<vmem_shared>> -> memref<624x128xf32, #tpu.memory_space<vmem_shared>>
        %dma_start3A_192 = arith.constant 0 : i32
        %dma_start3A_193 = tpu.memref_slice %arg5[%multiple_of3A, %dma_start3A_192] : memref<10008x128xf32, #tpu.memory_space<hbm>> -> memref<624x128xf32, #tpu.memory_space<hbm>>
        tpu.enqueue_dma source(%dma_start3A_193 : memref<624x128xf32, #tpu.memory_space<hbm>>) target(%dma_start3A_191 : memref<624x128xf32, #tpu.memory_space<vmem_shared>>) target_semaphore(%run_scoped3A : memref<!tpu.dma_semaphore, #tpu.memory_space<semaphore_mem>>)
        %dma_wait3A_194 = arith.constant 0 : i32
        %dma_wait3A_195 = tpu.memref_slice %arg7[%multiple_of3A, %dma_wait3A_194] : memref<10008x128xf32, #tpu.memory_space<vmem_shared>> -> memref<624x128xf32, #tpu.memory_space<vmem_shared>>
        %dma_wait3A_196 = arith.constant 0 : i32
        %dma_wait3A_197 = tpu.memref_slice %arg5[%multiple_of3A, %dma_wait3A_196] : memref<10008x128xf32, #tpu.memory_space<hbm>> -> memref<624x128xf32, #tpu.memory_space<hbm>>
        tpu.wait_dma2 semaphore(%run_scoped3A : memref<!tpu.dma_semaphore, #tpu.memory_space<semaphore_mem>>) src(%dma_wait3A_197 : memref<624x128xf32, #tpu.memory_space<hbm>>) dst(%dma_wait3A_195 : memref<624x128xf32, #tpu.memory_space<vmem_shared>>)
        tpu.yield
      }) : () -> ()
    } else {
    }
    %eq3A = arith.constant 15 : i32
    %eq3A_5 = arith.cmpi eq, %arg1, %eq3A : i32
    %convert_element_type3A_6 = arith.extui %eq3A_5 : i1 to i32
    %cond3A_7 = arith.constant 0 : i32
    %cond3A_8 = arith.cmpi ne, %convert_element_type3A_6, %cond3A_7 : i32
    scf.if %cond3A_8 {
      "tpu.region"() ({
        %run_scoped3A = tpu.sem_alloc : memref<!tpu.dma_semaphore, #tpu.memory_space<semaphore_mem>>
        %dma_start3A_190 = arith.constant 0 : i32
        %dma_start3A_191 = tpu.memref_slice %arg7[%multiple_of3A, %dma_start3A_190] : memref<10008x128xf32, #tpu.memory_space<vmem_shared>> -> memref<648x128xf32, #tpu.memory_space<vmem_shared>>
        %dma_start3A_192 = arith.constant 0 : i32
        %dma_start3A_193 = tpu.memref_slice %arg5[%multiple_of3A, %dma_start3A_192] : memref<10008x128xf32, #tpu.memory_space<hbm>> -> memref<648x128xf32, #tpu.memory_space<hbm>>
        tpu.enqueue_dma source(%dma_start3A_193 : memref<648x128xf32, #tpu.memory_space<hbm>>) target(%dma_start3A_191 : memref<648x128xf32, #tpu.memory_space<vmem_shared>>) target_semaphore(%run_scoped3A : memref<!tpu.dma_semaphore, #tpu.memory_space<semaphore_mem>>)
        %dma_wait3A_194 = arith.constant 0 : i32
        %dma_wait3A_195 = tpu.memref_slice %arg7[%multiple_of3A, %dma_wait3A_194] : memref<10008x128xf32, #tpu.memory_space<vmem_shared>> -> memref<648x128xf32, #tpu.memory_space<vmem_shared>>
        %dma_wait3A_196 = arith.constant 0 : i32
        %dma_wait3A_197 = tpu.memref_slice %arg5[%multiple_of3A, %dma_wait3A_196] : memref<10008x128xf32, #tpu.memory_space<hbm>> -> memref<648x128xf32, #tpu.memory_space<hbm>>
        tpu.wait_dma2 semaphore(%run_scoped3A : memref<!tpu.dma_semaphore, #tpu.memory_space<semaphore_mem>>) src(%dma_wait3A_197 : memref<648x128xf32, #tpu.memory_space<hbm>>) dst(%dma_wait3A_195 : memref<648x128xf32, #tpu.memory_space<vmem_shared>>)
        tpu.yield
      }) : () -> ()
    } else {
    }
    %barrier3A = arith.constant 0 : index
    tpu.barrier barrier_id(%barrier3A)
    %add3A_9 = arith.constant 0 : i32
    %add3A_10 = arith.addi %add3A, %add3A_9 : i32
    %mul3A_11 = arith.constant 120 : i32
    %mul3A_12 = arith.muli %add3A_10, %mul3A_11 : i32
    %multiple_of3A_13 = tpu.assume_multiple %mul3A_12, 8 : i32
    %dma_start3A = arith.constant 0 : i32
    %dma_start3A_14 = arith.constant 0 : i32
    %dma_start3A_15 = arith.constant 0 : i32
    %dma_start3A_16 = tpu.memref_slice %arg8[%dma_start3A, %dma_start3A_14, %dma_start3A_15] : memref<6x2x120xi32, #tpu.memory_space<vmem>> -> memref<1x1x120xi32, #tpu.memory_space<vmem>>
    %dma_start3A_17 = tpu.memref_squeeze %dma_start3A_16 : memref<1x1x120xi32, #tpu.memory_space<vmem>> -> memref<120xi32, #tpu.memory_space<vmem>>
    %dma_start3A_18 = tpu.memref_slice %arg3[%multiple_of3A_13] : memref<322560xi32, #tpu.memory_space<hbm>> -> memref<120xi32, #tpu.memory_space<hbm>>
    %dma_start3A_19 = arith.constant 0 : i32
    %dma_start3A_20 = tpu.memref_slice %arg8[%dma_start3A, %dma_start3A_14, %dma_start3A_19] : memref<6x2x120xi32, #tpu.memory_space<vmem>> -> memref<1x1x120xi32, #tpu.memory_space<vmem>>
    %dma_start3A_21 = tpu.memref_squeeze %dma_start3A_20 : memref<1x1x120xi32, #tpu.memory_space<vmem>> -> memref<120xi32, #tpu.memory_space<vmem>>
    %dma_start3A_22 = tpu.memref_slice %arg3[%multiple_of3A_13] : memref<322560xi32, #tpu.memory_space<hbm>> -> memref<120xi32, #tpu.memory_space<hbm>>
    tpu.enqueue_dma source(%dma_start3A_22 : memref<120xi32, #tpu.memory_space<hbm>>) target(%dma_start3A_21 : memref<120xi32, #tpu.memory_space<vmem>>) target_semaphore(%arg10 : memref<!tpu.dma_semaphore, #tpu.memory_space<semaphore_mem>>)
    %dma_start3A_23 = arith.constant 0 : i32
    %dma_start3A_24 = arith.constant 1 : i32
    %dma_start3A_25 = arith.constant 0 : i32
    %dma_start3A_26 = tpu.memref_slice %arg8[%dma_start3A_23, %dma_start3A_24, %dma_start3A_25] : memref<6x2x120xi32, #tpu.memory_space<vmem>> -> memref<1x1x120xi32, #tpu.memory_space<vmem>>
    %dma_start3A_27 = tpu.memref_squeeze %dma_start3A_26 : memref<1x1x120xi32, #tpu.memory_space<vmem>> -> memref<120xi32, #tpu.memory_space<vmem>>
    %dma_start3A_28 = tpu.memref_slice %arg4[%multiple_of3A_13] : memref<322560xi32, #tpu.memory_space<hbm>> -> memref<120xi32, #tpu.memory_space<hbm>>
    %dma_start3A_29 = arith.constant 0 : i32
    %dma_start3A_30 = tpu.memref_slice %arg8[%dma_start3A_23, %dma_start3A_24, %dma_start3A_29] : memref<6x2x120xi32, #tpu.memory_space<vmem>> -> memref<1x1x120xi32, #tpu.memory_space<vmem>>
    %dma_start3A_31 = tpu.memref_squeeze %dma_start3A_30 : memref<1x1x120xi32, #tpu.memory_space<vmem>> -> memref<120xi32, #tpu.memory_space<vmem>>
    %dma_start3A_32 = tpu.memref_slice %arg4[%multiple_of3A_13] : memref<322560xi32, #tpu.memory_space<hbm>> -> memref<120xi32, #tpu.memory_space<hbm>>
    tpu.enqueue_dma source(%dma_start3A_32 : memref<120xi32, #tpu.memory_space<hbm>>) target(%dma_start3A_31 : memref<120xi32, #tpu.memory_space<vmem>>) target_semaphore(%arg10 : memref<!tpu.dma_semaphore, #tpu.memory_space<semaphore_mem>>)
    %add3A_33 = arith.constant 32 : i32
    %add3A_34 = arith.addi %add3A, %add3A_33 : i32
    %mul3A_35 = arith.constant 120 : i32
    %mul3A_36 = arith.muli %add3A_34, %mul3A_35 : i32
    %multiple_of3A_37 = tpu.assume_multiple %mul3A_36, 8 : i32
    %dma_start3A_38 = arith.constant 1 : i32
    %dma_start3A_39 = arith.constant 0 : i32
    %dma_start3A_40 = arith.constant 0 : i32
    %dma_start3A_41 = tpu.memref_slice %arg8[%dma_start3A_38, %dma_start3A_39, %dma_start3A_40] : memref<6x2x120xi32, #tpu.memory_space<vmem>> -> memref<1x1x120xi32, #tpu.memory_space<vmem>>
    %dma_start3A_42 = tpu.memref_squeeze %dma_start3A_41 : memref<1x1x120xi32, #tpu.memory_space<vmem>> -> memref<120xi32, #tpu.memory_space<vmem>>
    %dma_start3A_43 = tpu.memref_slice %arg3[%multiple_of3A_37] : memref<322560xi32, #tpu.memory_space<hbm>> -> memref<120xi32, #tpu.memory_space<hbm>>
    %dma_start3A_44 = arith.constant 0 : i32
    %dma_start3A_45 = tpu.memref_slice %arg8[%dma_start3A_38, %dma_start3A_39, %dma_start3A_44] : memref<6x2x120xi32, #tpu.memory_space<vmem>> -> memref<1x1x120xi32, #tpu.memory_space<vmem>>
    %dma_start3A_46 = tpu.memref_squeeze %dma_start3A_45 : memref<1x1x120xi32, #tpu.memory_space<vmem>> -> memref<120xi32, #tpu.memory_space<vmem>>
    %dma_start3A_47 = tpu.memref_slice %arg3[%multiple_of3A_37] : memref<322560xi32, #tpu.memory_space<hbm>> -> memref<120xi32, #tpu.memory_space<hbm>>
    tpu.enqueue_dma source(%dma_start3A_47 : memref<120xi32, #tpu.memory_space<hbm>>) target(%dma_start3A_46 : memref<120xi32, #tpu.memory_space<vmem>>) target_semaphore(%arg11 : memref<!tpu.dma_semaphore, #tpu.memory_space<semaphore_mem>>)
    %dma_start3A_48 = arith.constant 1 : i32
    %dma_start3A_49 = arith.constant 1 : i32
    %dma_start3A_50 = arith.constant 0 : i32
    %dma_start3A_51 = tpu.memref_slice %arg8[%dma_start3A_48, %dma_start3A_49, %dma_start3A_50] : memref<6x2x120xi32, #tpu.memory_space<vmem>> -> memref<1x1x120xi32, #tpu.memory_space<vmem>>
    %dma_start3A_52 = tpu.memref_squeeze %dma_start3A_51 : memref<1x1x120xi32, #tpu.memory_space<vmem>> -> memref<120xi32, #tpu.memory_space<vmem>>
    %dma_start3A_53 = tpu.memref_slice %arg4[%multiple_of3A_37] : memref<322560xi32, #tpu.memory_space<hbm>> -> memref<120xi32, #tpu.memory_space<hbm>>
    %dma_start3A_54 = arith.constant 0 : i32
    %dma_start3A_55 = tpu.memref_slice %arg8[%dma_start3A_48, %dma_start3A_49, %dma_start3A_54] : memref<6x2x120xi32, #tpu.memory_space<vmem>> -> memref<1x1x120xi32, #tpu.memory_space<vmem>>
    %dma_start3A_56 = tpu.memref_squeeze %dma_start3A_55 : memref<1x1x120xi32, #tpu.memory_space<vmem>> -> memref<120xi32, #tpu.memory_space<vmem>>
    %dma_start3A_57 = tpu.memref_slice %arg4[%multiple_of3A_37] : memref<322560xi32, #tpu.memory_space<hbm>> -> memref<120xi32, #tpu.memory_space<hbm>>
    tpu.enqueue_dma source(%dma_start3A_57 : memref<120xi32, #tpu.memory_space<hbm>>) target(%dma_start3A_56 : memref<120xi32, #tpu.memory_space<vmem>>) target_semaphore(%arg11 : memref<!tpu.dma_semaphore, #tpu.memory_space<semaphore_mem>>)
    %add3A_58 = arith.constant 64 : i32
    %add3A_59 = arith.addi %add3A, %add3A_58 : i32
    %mul3A_60 = arith.constant 120 : i32
    %mul3A_61 = arith.muli %add3A_59, %mul3A_60 : i32
    %multiple_of3A_62 = tpu.assume_multiple %mul3A_61, 8 : i32
    %dma_start3A_63 = arith.constant 2 : i32
    %dma_start3A_64 = arith.constant 0 : i32
    %dma_start3A_65 = arith.constant 0 : i32
    %dma_start3A_66 = tpu.memref_slice %arg8[%dma_start3A_63, %dma_start3A_64, %dma_start3A_65] : memref<6x2x120xi32, #tpu.memory_space<vmem>> -> memref<1x1x120xi32, #tpu.memory_space<vmem>>
    %dma_start3A_67 = tpu.memref_squeeze %dma_start3A_66 : memref<1x1x120xi32, #tpu.memory_space<vmem>> -> memref<120xi32, #tpu.memory_space<vmem>>
    %dma_start3A_68 = tpu.memref_slice %arg3[%multiple_of3A_62] : memref<322560xi32, #tpu.memory_space<hbm>> -> memref<120xi32, #tpu.memory_space<hbm>>
    %dma_start3A_69 = arith.constant 0 : i32
    %dma_start3A_70 = tpu.memref_slice %arg8[%dma_start3A_63, %dma_start3A_64, %dma_start3A_69] : memref<6x2x120xi32, #tpu.memory_space<vmem>> -> memref<1x1x120xi32, #tpu.memory_space<vmem>>
    %dma_start3A_71 = tpu.memref_squeeze %dma_start3A_70 : memref<1x1x120xi32, #tpu.memory_space<vmem>> -> memref<120xi32, #tpu.memory_space<vmem>>
    %dma_start3A_72 = tpu.memref_slice %arg3[%multiple_of3A_62] : memref<322560xi32, #tpu.memory_space<hbm>> -> memref<120xi32, #tpu.memory_space<hbm>>
    tpu.enqueue_dma source(%dma_start3A_72 : memref<120xi32, #tpu.memory_space<hbm>>) target(%dma_start3A_71 : memref<120xi32, #tpu.memory_space<vmem>>) target_semaphore(%arg12 : memref<!tpu.dma_semaphore, #tpu.memory_space<semaphore_mem>>)
    %dma_start3A_73 = arith.constant 2 : i32
    %dma_start3A_74 = arith.constant 1 : i32
    %dma_start3A_75 = arith.constant 0 : i32
    %dma_start3A_76 = tpu.memref_slice %arg8[%dma_start3A_73, %dma_start3A_74, %dma_start3A_75] : memref<6x2x120xi32, #tpu.memory_space<vmem>> -> memref<1x1x120xi32, #tpu.memory_space<vmem>>
    %dma_start3A_77 = tpu.memref_squeeze %dma_start3A_76 : memref<1x1x120xi32, #tpu.memory_space<vmem>> -> memref<120xi32, #tpu.memory_space<vmem>>
    %dma_start3A_78 = tpu.memref_slice %arg4[%multiple_of3A_62] : memref<322560xi32, #tpu.memory_space<hbm>> -> memref<120xi32, #tpu.memory_space<hbm>>
    %dma_start3A_79 = arith.constant 0 : i32
    %dma_start3A_80 = tpu.memref_slice %arg8[%dma_start3A_73, %dma_start3A_74, %dma_start3A_79] : memref<6x2x120xi32, #tpu.memory_space<vmem>> -> memref<1x1x120xi32, #tpu.memory_space<vmem>>
    %dma_start3A_81 = tpu.memref_squeeze %dma_start3A_80 : memref<1x1x120xi32, #tpu.memory_space<vmem>> -> memref<120xi32, #tpu.memory_space<vmem>>
    %dma_start3A_82 = tpu.memref_slice %arg4[%multiple_of3A_62] : memref<322560xi32, #tpu.memory_space<hbm>> -> memref<120xi32, #tpu.memory_space<hbm>>
    tpu.enqueue_dma source(%dma_start3A_82 : memref<120xi32, #tpu.memory_space<hbm>>) target(%dma_start3A_81 : memref<120xi32, #tpu.memory_space<vmem>>) target_semaphore(%arg12 : memref<!tpu.dma_semaphore, #tpu.memory_space<semaphore_mem>>)
    %add3A_83 = arith.constant 96 : i32
    %add3A_84 = arith.addi %add3A, %add3A_83 : i32
    %mul3A_85 = arith.constant 120 : i32
    %mul3A_86 = arith.muli %add3A_84, %mul3A_85 : i32
    %multiple_of3A_87 = tpu.assume_multiple %mul3A_86, 8 : i32
    %dma_start3A_88 = arith.constant 3 : i32
    %dma_start3A_89 = arith.constant 0 : i32
    %dma_start3A_90 = arith.constant 0 : i32
    %dma_start3A_91 = tpu.memref_slice %arg8[%dma_start3A_88, %dma_start3A_89, %dma_start3A_90] : memref<6x2x120xi32, #tpu.memory_space<vmem>> -> memref<1x1x120xi32, #tpu.memory_space<vmem>>
    %dma_start3A_92 = tpu.memref_squeeze %dma_start3A_91 : memref<1x1x120xi32, #tpu.memory_space<vmem>> -> memref<120xi32, #tpu.memory_space<vmem>>
    %dma_start3A_93 = tpu.memref_slice %arg3[%multiple_of3A_87] : memref<322560xi32, #tpu.memory_space<hbm>> -> memref<120xi32, #tpu.memory_space<hbm>>
    %dma_start3A_94 = arith.constant 0 : i32
    %dma_start3A_95 = tpu.memref_slice %arg8[%dma_start3A_88, %dma_start3A_89, %dma_start3A_94] : memref<6x2x120xi32, #tpu.memory_space<vmem>> -> memref<1x1x120xi32, #tpu.memory_space<vmem>>
    %dma_start3A_96 = tpu.memref_squeeze %dma_start3A_95 : memref<1x1x120xi32, #tpu.memory_space<vmem>> -> memref<120xi32, #tpu.memory_space<vmem>>
    %dma_start3A_97 = tpu.memref_slice %arg3[%multiple_of3A_87] : memref<322560xi32, #tpu.memory_space<hbm>> -> memref<120xi32, #tpu.memory_space<hbm>>
    tpu.enqueue_dma source(%dma_start3A_97 : memref<120xi32, #tpu.memory_space<hbm>>) target(%dma_start3A_96 : memref<120xi32, #tpu.memory_space<vmem>>) target_semaphore(%arg13 : memref<!tpu.dma_semaphore, #tpu.memory_space<semaphore_mem>>)
    %dma_start3A_98 = arith.constant 3 : i32
    %dma_start3A_99 = arith.constant 1 : i32
    %dma_start3A_100 = arith.constant 0 : i32
    %dma_start3A_101 = tpu.memref_slice %arg8[%dma_start3A_98, %dma_start3A_99, %dma_start3A_100] : memref<6x2x120xi32, #tpu.memory_space<vmem>> -> memref<1x1x120xi32, #tpu.memory_space<vmem>>
    %dma_start3A_102 = tpu.memref_squeeze %dma_start3A_101 : memref<1x1x120xi32, #tpu.memory_space<vmem>> -> memref<120xi32, #tpu.memory_space<vmem>>
    %dma_start3A_103 = tpu.memref_slice %arg4[%multiple_of3A_87] : memref<322560xi32, #tpu.memory_space<hbm>> -> memref<120xi32, #tpu.memory_space<hbm>>
    %dma_start3A_104 = arith.constant 0 : i32
    %dma_start3A_105 = tpu.memref_slice %arg8[%dma_start3A_98, %dma_start3A_99, %dma_start3A_104] : memref<6x2x120xi32, #tpu.memory_space<vmem>> -> memref<1x1x120xi32, #tpu.memory_space<vmem>>
    %dma_start3A_106 = tpu.memref_squeeze %dma_start3A_105 : memref<1x1x120xi32, #tpu.memory_space<vmem>> -> memref<120xi32, #tpu.memory_space<vmem>>
    %dma_start3A_107 = tpu.memref_slice %arg4[%multiple_of3A_87] : memref<322560xi32, #tpu.memory_space<hbm>> -> memref<120xi32, #tpu.memory_space<hbm>>
    tpu.enqueue_dma source(%dma_start3A_107 : memref<120xi32, #tpu.memory_space<hbm>>) target(%dma_start3A_106 : memref<120xi32, #tpu.memory_space<vmem>>) target_semaphore(%arg13 : memref<!tpu.dma_semaphore, #tpu.memory_space<semaphore_mem>>)
    %dma_wait3A = arith.constant 0 : i32
    %dma_wait3A_108 = arith.constant 0 : i32
    %dma_wait3A_109 = arith.constant 0 : i32
    %dma_wait3A_110 = tpu.memref_slice %arg8[%dma_wait3A, %dma_wait3A_108, %dma_wait3A_109] : memref<6x2x120xi32, #tpu.memory_space<vmem>> -> memref<1x1x120xi32, #tpu.memory_space<vmem>>
    %dma_wait3A_111 = tpu.memref_squeeze %dma_wait3A_110 : memref<1x1x120xi32, #tpu.memory_space<vmem>> -> memref<120xi32, #tpu.memory_space<vmem>>
    %dma_wait3A_112 = arith.constant 0 : i32
    %dma_wait3A_113 = tpu.memref_slice %arg3[%dma_wait3A_112] : memref<322560xi32, #tpu.memory_space<hbm>> -> memref<120xi32, #tpu.memory_space<hbm>>
    %dma_wait3A_114 = arith.constant 0 : i32
    %dma_wait3A_115 = tpu.memref_slice %arg8[%dma_wait3A, %dma_wait3A_108, %dma_wait3A_114] : memref<6x2x120xi32, #tpu.memory_space<vmem>> -> memref<1x1x120xi32, #tpu.memory_space<vmem>>
    %dma_wait3A_116 = tpu.memref_squeeze %dma_wait3A_115 : memref<1x1x120xi32, #tpu.memory_space<vmem>> -> memref<120xi32, #tpu.memory_space<vmem>>
    %dma_wait3A_117 = arith.constant 0 : i32
    %dma_wait3A_118 = tpu.memref_slice %arg3[%dma_wait3A_117] : memref<322560xi32, #tpu.memory_space<hbm>> -> memref<120xi32, #tpu.memory_space<hbm>>
    tpu.wait_dma2 semaphore(%arg10 : memref<!tpu.dma_semaphore, #tpu.memory_space<semaphore_mem>>) src(%dma_wait3A_118 : memref<120xi32, #tpu.memory_space<hbm>>) dst(%dma_wait3A_116 : memref<120xi32, #tpu.memory_space<vmem>>)
    %dma_wait3A_119 = arith.constant 0 : i32
    %dma_wait3A_120 = arith.constant 1 : i32
    %dma_wait3A_121 = arith.constant 0 : i32
    %dma_wait3A_122 = tpu.memref_slice %arg8[%dma_wait3A_119, %dma_wait3A_120, %dma_wait3A_121] : memref<6x2x120xi32, #tpu.memory_space<vmem>> -> memref<1x1x120xi32, #tpu.memory_space<vmem>>
    %dma_wait3A_123 = tpu.memref_squeeze %dma_wait3A_122 : memref<1x1x120xi32, #tpu.memory_space<vmem>> -> memref<120xi32, #tpu.memory_space<vmem>>
    %dma_wait3A_124 = arith.constant 0 : i32
    %dma_wait3A_125 = tpu.memref_slice %arg4[%dma_wait3A_124] : memref<322560xi32, #tpu.memory_space<hbm>> -> memref<120xi32, #tpu.memory_space<hbm>>
    %dma_wait3A_126 = arith.constant 0 : i32
    %dma_wait3A_127 = tpu.memref_slice %arg8[%dma_wait3A_119, %dma_wait3A_120, %dma_wait3A_126] : memref<6x2x120xi32, #tpu.memory_space<vmem>> -> memref<1x1x120xi32, #tpu.memory_space<vmem>>
    %dma_wait3A_128 = tpu.memref_squeeze %dma_wait3A_127 : memref<1x1x120xi32, #tpu.memory_space<vmem>> -> memref<120xi32, #tpu.memory_space<vmem>>
    %dma_wait3A_129 = arith.constant 0 : i32
    %dma_wait3A_130 = tpu.memref_slice %arg4[%dma_wait3A_129] : memref<322560xi32, #tpu.memory_space<hbm>> -> memref<120xi32, #tpu.memory_space<hbm>>
    tpu.wait_dma2 semaphore(%arg10 : memref<!tpu.dma_semaphore, #tpu.memory_space<semaphore_mem>>) src(%dma_wait3A_130 : memref<120xi32, #tpu.memory_space<hbm>>) dst(%dma_wait3A_128 : memref<120xi32, #tpu.memory_space<vmem>>)
    %dma_start3A_131 = arith.constant 0 : i32
    %dma_start3A_132 = arith.constant 0 : i32
    %dma_start3A_133 = arith.constant 0 : i32
    %dma_start3A_134 = arith.constant 0 : i32
    %dma_start3A_135 = arith.constant 0 : i32
    %dma_start3A_136 = tpu.memref_slice %arg9[%dma_start3A_133, %dma_start3A_134, %dma_start3A_135] : memref<3x120x128xf32, #tpu.memory_space<vmem>> -> memref<1x120x128xf32, #tpu.memory_space<vmem>>
    %dma_start3A_137 = tpu.memref_squeeze %dma_start3A_136 : memref<1x120x128xf32, #tpu.memory_space<vmem>> -> memref<120x128xf32, #tpu.memory_space<vmem>>
    %dma_start3A_138 = arith.constant 0 : i32
    %dma_start3A_139 = tpu.memref_slice %arg8[%dma_start3A_131, %dma_start3A_132, %dma_start3A_138] : memref<6x2x120xi32, #tpu.memory_space<vmem>> -> memref<1x1x120xi32, #tpu.memory_space<vmem>>
    %dma_start3A_140 = tpu.memref_squeeze %dma_start3A_139 : memref<1x1x120xi32, #tpu.memory_space<vmem>> -> memref<120xi32, #tpu.memory_space<vmem>>
    %dma_start3A_141 = arith.constant 0 : i32
    %dma_start3A_142 = arith.constant 0 : i32
    %dma_start3A_143 = tpu.memref_slice %arg2[%dma_start3A_141, %dma_start3A_142] : memref<10000x128xf32, #tpu.memory_space<hbm>> -> memref<10000x128xf32, #tpu.memory_space<hbm>>
    tpu.enqueue_indirect_dma source(%dma_start3A_143 : memref<10000x128xf32, #tpu.memory_space<hbm>>) target(%dma_start3A_137 : memref<120x128xf32, #tpu.memory_space<vmem>>) offsets(%dma_start3A_140 : memref<120xi32, #tpu.memory_space<vmem>>) semaphore(%arg16 : memref<!tpu.dma_semaphore, #tpu.memory_space<semaphore_mem>>)
    %scan3A = arith.constant 0 : i32
    %scan3A_144 = arith.constant 0 : i32
    %scan3A_145 = arith.constant 14 : i32
    %scan3A_146 = arith.addi %scan3A_144, %scan3A_145 : i32
    %scan3A_147 = arith.constant 1 : i32
    scf.for %scan3A_190 = %scan3A_144 to %scan3A_146 step %scan3A_147  : i32 {
      %mul3A_191 = arith.constant 6 : i32
      %mul3A_192 = arith.muli %scan3A_190, %mul3A_191 : i32
      %add3A_193 = arith.constant 0 : i32
      %add3A_194 = arith.addi %mul3A_192, %add3A_193 : i32
      %ge3A = arith.constant 2 : i32
      %ge3A_195 = arith.cmpi sge, %add3A_194, %ge3A : i32
      %convert_element_type3A_196 = arith.extui %ge3A_195 : i1 to i32
      %cond3A_197 = arith.constant 0 : i32
      %cond3A_198 = arith.cmpi ne, %convert_element_type3A_196, %cond3A_197 : i32
      scf.if %cond3A_198 {
        %dma_wait3A_496 = arith.constant 1 : i32
        %dma_wait3A_497 = arith.constant 0 : i32
        %dma_wait3A_498 = arith.constant 0 : i32
        %dma_wait3A_499 = tpu.memref_slice %arg9[%dma_wait3A_496, %dma_wait3A_497, %dma_wait3A_498] : memref<3x120x128xf32, #tpu.memory_space<vmem>> -> memref<1x120x128xf32, #tpu.memory_space<vmem>>
        %dma_wait3A_500 = tpu.memref_squeeze %dma_wait3A_499 : memref<1x120x128xf32, #tpu.memory_space<vmem>> -> memref<120x128xf32, #tpu.memory_space<vmem>>
        %dma_wait3A_501 = arith.constant 0 : i32
        %dma_wait3A_502 = arith.constant 0 : i32
        %dma_wait3A_503 = tpu.memref_slice %arg7[%dma_wait3A_501, %dma_wait3A_502] : memref<10008x128xf32, #tpu.memory_space<vmem_shared>> -> memref<120x128xf32, #tpu.memory_space<vmem_shared>>
        %dma_wait3A_504 = arith.constant 0 : i32
        %dma_wait3A_505 = arith.constant 0 : i32
        %dma_wait3A_506 = tpu.memref_slice %arg7[%dma_wait3A_504, %dma_wait3A_505] : memref<10008x128xf32, #tpu.memory_space<vmem_shared>> -> memref<120x128xf32, #tpu.memory_space<vmem_shared>>
        %dma_wait3A_507 = arith.constant 0 : i32
        %dma_wait3A_508 = arith.constant 0 : i32
        %dma_wait3A_509 = tpu.memref_slice %arg9[%dma_wait3A_496, %dma_wait3A_507, %dma_wait3A_508] : memref<3x120x128xf32, #tpu.memory_space<vmem>> -> memref<1x120x128xf32, #tpu.memory_space<vmem>>
        %dma_wait3A_510 = tpu.memref_squeeze %dma_wait3A_509 : memref<1x120x128xf32, #tpu.memory_space<vmem>> -> memref<120x128xf32, #tpu.memory_space<vmem>>
        tpu.wait_dma2 semaphore(%arg20 : memref<!tpu.dma_semaphore, #tpu.memory_space<semaphore_mem>>) src(%dma_wait3A_510 : memref<120x128xf32, #tpu.memory_space<vmem>>) dst(%dma_wait3A_506 : memref<120x128xf32, #tpu.memory_space<vmem_shared>>)
      } else {
      }
      %add3A_199 = arith.constant 4 : i32
      %add3A_200 = arith.addi %add3A_194, %add3A_199 : i32
      %lt3A_201 = arith.constant 84 : i32
      %lt3A_202 = arith.cmpi slt, %add3A_200, %lt3A_201 : i32
      %convert_element_type3A_203 = arith.extui %lt3A_202 : i1 to i32
      %cond3A_204 = arith.constant 0 : i32
      %cond3A_205 = arith.cmpi ne, %convert_element_type3A_203, %cond3A_204 : i32
      scf.if %cond3A_205 {
        %add3A_496 = arith.constant 4 : i32
        %add3A_497 = arith.addi %add3A_194, %add3A_496 : i32
        %mul3A_498 = arith.constant 32 : i32
        %mul3A_499 = arith.muli %add3A_497, %mul3A_498 : i32
        %add3A_500 = arith.addi %add3A, %mul3A_499 : i32
        %mul3A_501 = arith.constant 120 : i32
        %mul3A_502 = arith.muli %add3A_500, %mul3A_501 : i32
        %multiple_of3A_503 = tpu.assume_multiple %mul3A_502, 8 : i32
        %dma_start3A_504 = arith.constant 4 : i32
        %dma_start3A_505 = arith.constant 0 : i32
        %dma_start3A_506 = arith.constant 0 : i32
        %dma_start3A_507 = tpu.memref_slice %arg8[%dma_start3A_504, %dma_start3A_505, %dma_start3A_506] : memref<6x2x120xi32, #tpu.memory_space<vmem>> -> memref<1x1x120xi32, #tpu.memory_space<vmem>>
        %dma_start3A_508 = tpu.memref_squeeze %dma_start3A_507 : memref<1x1x120xi32, #tpu.memory_space<vmem>> -> memref<120xi32, #tpu.memory_space<vmem>>
        %dma_start3A_509 = tpu.memref_slice %arg3[%multiple_of3A_503] : memref<322560xi32, #tpu.memory_space<hbm>> -> memref<120xi32, #tpu.memory_space<hbm>>
        %dma_start3A_510 = arith.constant 0 : i32
        %dma_start3A_511 = tpu.memref_slice %arg8[%dma_start3A_504, %dma_start3A_505, %dma_start3A_510] : memref<6x2x120xi32, #tpu.memory_space<vmem>> -> memref<1x1x120xi32, #tpu.memory_space<vmem>>
        %dma_start3A_512 = tpu.memref_squeeze %dma_start3A_511 : memref<1x1x120xi32, #tpu.memory_space<vmem>> -> memref<120xi32, #tpu.memory_space<vmem>>
        %dma_start3A_513 = tpu.memref_slice %arg3[%multiple_of3A_503] : memref<322560xi32, #tpu.memory_space<hbm>> -> memref<120xi32, #tpu.memory_space<hbm>>
        tpu.enqueue_dma source(%dma_start3A_513 : memref<120xi32, #tpu.memory_space<hbm>>) target(%dma_start3A_512 : memref<120xi32, #tpu.memory_space<vmem>>) target_semaphore(%arg14 : memref<!tpu.dma_semaphore, #tpu.memory_space<semaphore_mem>>)
        %dma_start3A_514 = arith.constant 4 : i32
        %dma_start3A_515 = arith.constant 1 : i32
        %dma_start3A_516 = arith.constant 0 : i32
        %dma_start3A_517 = tpu.memref_slice %arg8[%dma_start3A_514, %dma_start3A_515, %dma_start3A_516] : memref<6x2x120xi32, #tpu.memory_space<vmem>> -> memref<1x1x120xi32, #tpu.memory_space<vmem>>
        %dma_start3A_518 = tpu.memref_squeeze %dma_start3A_517 : memref<1x1x120xi32, #tpu.memory_space<vmem>> -> memref<120xi32, #tpu.memory_space<vmem>>
        %dma_start3A_519 = tpu.memref_slice %arg4[%multiple_of3A_503] : memref<322560xi32, #tpu.memory_space<hbm>> -> memref<120xi32, #tpu.memory_space<hbm>>
        %dma_start3A_520 = arith.constant 0 : i32
        %dma_start3A_521 = tpu.memref_slice %arg8[%dma_start3A_514, %dma_start3A_515, %dma_start3A_520] : memref<6x2x120xi32, #tpu.memory_space<vmem>> -> memref<1x1x120xi32, #tpu.memory_space<vmem>>
        %dma_start3A_522 = tpu.memref_squeeze %dma_start3A_521 : memref<1x1x120xi32, #tpu.memory_space<vmem>> -> memref<120xi32, #tpu.memory_space<vmem>>
        %dma_start3A_523 = tpu.memref_slice %arg4[%multiple_of3A_503] : memref<322560xi32, #tpu.memory_space<hbm>> -> memref<120xi32, #tpu.memory_space<hbm>>
        tpu.enqueue_dma source(%dma_start3A_523 : memref<120xi32, #tpu.memory_space<hbm>>) target(%dma_start3A_522 : memref<120xi32, #tpu.memory_space<vmem>>) target_semaphore(%arg14 : memref<!tpu.dma_semaphore, #tpu.memory_space<semaphore_mem>>)
      } else {
      }
      %add3A_206 = arith.constant 1 : i32
      %add3A_207 = arith.addi %add3A_194, %add3A_206 : i32
      %lt3A_208 = arith.constant 84 : i32
      %lt3A_209 = arith.cmpi slt, %add3A_207, %lt3A_208 : i32
      %convert_element_type3A_210 = arith.extui %lt3A_209 : i1 to i32
      %cond3A_211 = arith.constant 0 : i32
      %cond3A_212 = arith.cmpi ne, %convert_element_type3A_210, %cond3A_211 : i32
      scf.if %cond3A_212 {
        %dma_wait3A_496 = arith.constant 1 : i32
        %dma_wait3A_497 = arith.constant 0 : i32
        %dma_wait3A_498 = arith.constant 0 : i32
        %dma_wait3A_499 = tpu.memref_slice %arg8[%dma_wait3A_496, %dma_wait3A_497, %dma_wait3A_498] : memref<6x2x120xi32, #tpu.memory_space<vmem>> -> memref<1x1x120xi32, #tpu.memory_space<vmem>>
        %dma_wait3A_500 = tpu.memref_squeeze %dma_wait3A_499 : memref<1x1x120xi32, #tpu.memory_space<vmem>> -> memref<120xi32, #tpu.memory_space<vmem>>
        %dma_wait3A_501 = arith.constant 0 : i32
        %dma_wait3A_502 = tpu.memref_slice %arg3[%dma_wait3A_501] : memref<322560xi32, #tpu.memory_space<hbm>> -> memref<120xi32, #tpu.memory_space<hbm>>
        %dma_wait3A_503 = arith.constant 0 : i32
        %dma_wait3A_504 = tpu.memref_slice %arg8[%dma_wait3A_496, %dma_wait3A_497, %dma_wait3A_503] : memref<6x2x120xi32, #tpu.memory_space<vmem>> -> memref<1x1x120xi32, #tpu.memory_space<vmem>>
        %dma_wait3A_505 = tpu.memref_squeeze %dma_wait3A_504 : memref<1x1x120xi32, #tpu.memory_space<vmem>> -> memref<120xi32, #tpu.memory_space<vmem>>
        %dma_wait3A_506 = arith.constant 0 : i32
        %dma_wait3A_507 = tpu.memref_slice %arg3[%dma_wait3A_506] : memref<322560xi32, #tpu.memory_space<hbm>> -> memref<120xi32, #tpu.memory_space<hbm>>
        tpu.wait_dma2 semaphore(%arg11 : memref<!tpu.dma_semaphore, #tpu.memory_space<semaphore_mem>>) src(%dma_wait3A_507 : memref<120xi32, #tpu.memory_space<hbm>>) dst(%dma_wait3A_505 : memref<120xi32, #tpu.memory_space<vmem>>)
        %dma_wait3A_508 = arith.constant 1 : i32
        %dma_wait3A_509 = arith.constant 1 : i32
        %dma_wait3A_510 = arith.constant 0 : i32
        %dma_wait3A_511 = tpu.memref_slice %arg8[%dma_wait3A_508, %dma_wait3A_509, %dma_wait3A_510] : memref<6x2x120xi32, #tpu.memory_space<vmem>> -> memref<1x1x120xi32, #tpu.memory_space<vmem>>
        %dma_wait3A_512 = tpu.memref_squeeze %dma_wait3A_511 : memref<1x1x120xi32, #tpu.memory_space<vmem>> -> memref<120xi32, #tpu.memory_space<vmem>>
        %dma_wait3A_513 = arith.constant 0 : i32
        %dma_wait3A_514 = tpu.memref_slice %arg4[%dma_wait3A_513] : memref<322560xi32, #tpu.memory_space<hbm>> -> memref<120xi32, #tpu.memory_space<hbm>>
        %dma_wait3A_515 = arith.constant 0 : i32
        %dma_wait3A_516 = tpu.memref_slice %arg8[%dma_wait3A_508, %dma_wait3A_509, %dma_wait3A_515] : memref<6x2x120xi32, #tpu.memory_space<vmem>> -> memref<1x1x120xi32, #tpu.memory_space<vmem>>
        %dma_wait3A_517 = tpu.memref_squeeze %dma_wait3A_516 : memref<1x1x120xi32, #tpu.memory_space<vmem>> -> memref<120xi32, #tpu.memory_space<vmem>>
        %dma_wait3A_518 = arith.constant 0 : i32
        %dma_wait3A_519 = tpu.memref_slice %arg4[%dma_wait3A_518] : memref<322560xi32, #tpu.memory_space<hbm>> -> memref<120xi32, #tpu.memory_space<hbm>>
        tpu.wait_dma2 semaphore(%arg11 : memref<!tpu.dma_semaphore, #tpu.memory_space<semaphore_mem>>) src(%dma_wait3A_519 : memref<120xi32, #tpu.memory_space<hbm>>) dst(%dma_wait3A_517 : memref<120xi32, #tpu.memory_space<vmem>>)
        %dma_start3A_520 = arith.constant 1 : i32
        %dma_start3A_521 = arith.constant 0 : i32
        %dma_start3A_522 = arith.constant 1 : i32
        %dma_start3A_523 = arith.constant 0 : i32
        %dma_start3A_524 = arith.constant 0 : i32
        %dma_start3A_525 = tpu.memref_slice %arg9[%dma_start3A_522, %dma_start3A_523, %dma_start3A_524] : memref<3x120x128xf32, #tpu.memory_space<vmem>> -> memref<1x120x128xf32, #tpu.memory_space<vmem>>
        %dma_start3A_526 = tpu.memref_squeeze %dma_start3A_525 : memref<1x120x128xf32, #tpu.memory_space<vmem>> -> memref<120x128xf32, #tpu.memory_space<vmem>>
        %dma_start3A_527 = arith.constant 0 : i32
        %dma_start3A_528 = tpu.memref_slice %arg8[%dma_start3A_520, %dma_start3A_521, %dma_start3A_527] : memref<6x2x120xi32, #tpu.memory_space<vmem>> -> memref<1x1x120xi32, #tpu.memory_space<vmem>>
        %dma_start3A_529 = tpu.memref_squeeze %dma_start3A_528 : memref<1x1x120xi32, #tpu.memory_space<vmem>> -> memref<120xi32, #tpu.memory_space<vmem>>
        %dma_start3A_530 = arith.constant 0 : i32
        %dma_start3A_531 = arith.constant 0 : i32
        %dma_start3A_532 = tpu.memref_slice %arg2[%dma_start3A_530, %dma_start3A_531] : memref<10000x128xf32, #tpu.memory_space<hbm>> -> memref<10000x128xf32, #tpu.memory_space<hbm>>
        tpu.enqueue_indirect_dma source(%dma_start3A_532 : memref<10000x128xf32, #tpu.memory_space<hbm>>) target(%dma_start3A_526 : memref<120x128xf32, #tpu.memory_space<vmem>>) offsets(%dma_start3A_529 : memref<120xi32, #tpu.memory_space<vmem>>) semaphore(%arg17 : memref<!tpu.dma_semaphore, #tpu.memory_space<semaphore_mem>>)
      } else {
      }
      %dma_wait3A_213 = arith.constant 0 : i32
      %dma_wait3A_214 = arith.constant 0 : i32
      %dma_wait3A_215 = arith.constant 0 : i32
      %dma_wait3A_216 = tpu.memref_slice %arg9[%dma_wait3A_213, %dma_wait3A_214, %dma_wait3A_215] : memref<3x120x128xf32, #tpu.memory_space<vmem>> -> memref<1x120x128xf32, #tpu.memory_space<vmem>>
      %dma_wait3A_217 = tpu.memref_squeeze %dma_wait3A_216 : memref<1x120x128xf32, #tpu.memory_space<vmem>> -> memref<120x128xf32, #tpu.memory_space<vmem>>
      %dma_wait3A_218 = arith.constant 0 : i32
      %dma_wait3A_219 = arith.constant 0 : i32
      %dma_wait3A_220 = tpu.memref_slice %arg2[%dma_wait3A_218, %dma_wait3A_219] : memref<10000x128xf32, #tpu.memory_space<hbm>> -> memref<120x128xf32, #tpu.memory_space<hbm>>
      %dma_wait3A_221 = arith.constant 0 : i32
      %dma_wait3A_222 = arith.constant 0 : i32
      %dma_wait3A_223 = tpu.memref_slice %arg9[%dma_wait3A_213, %dma_wait3A_221, %dma_wait3A_222] : memref<3x120x128xf32, #tpu.memory_space<vmem>> -> memref<1x120x128xf32, #tpu.memory_space<vmem>>
      %dma_wait3A_224 = tpu.memref_squeeze %dma_wait3A_223 : memref<1x120x128xf32, #tpu.memory_space<vmem>> -> memref<120x128xf32, #tpu.memory_space<vmem>>
      %dma_wait3A_225 = arith.constant 0 : i32
      %dma_wait3A_226 = arith.constant 0 : i32
      %dma_wait3A_227 = tpu.memref_slice %arg2[%dma_wait3A_225, %dma_wait3A_226] : memref<10000x128xf32, #tpu.memory_space<hbm>> -> memref<120x128xf32, #tpu.memory_space<hbm>>
      tpu.wait_dma2 semaphore(%arg16 : memref<!tpu.dma_semaphore, #tpu.memory_space<semaphore_mem>>) src(%dma_wait3A_227 : memref<120x128xf32, #tpu.memory_space<hbm>>) dst(%dma_wait3A_224 : memref<120x128xf32, #tpu.memory_space<vmem>>)
      %dma_start3A_228 = arith.constant 0 : i32
      %dma_start3A_229 = arith.constant 0 : i32
      %dma_start3A_230 = arith.constant 1 : i32
      %dma_start3A_231 = arith.constant 0 : i32
      %dma_start3A_232 = arith.constant 0 : i32
      %dma_start3A_233 = tpu.memref_slice %arg9[%dma_start3A_228, %dma_start3A_231, %dma_start3A_232] : memref<3x120x128xf32, #tpu.memory_space<vmem>> -> memref<1x120x128xf32, #tpu.memory_space<vmem>>
      %dma_start3A_234 = tpu.memref_squeeze %dma_start3A_233 : memref<1x120x128xf32, #tpu.memory_space<vmem>> -> memref<120x128xf32, #tpu.memory_space<vmem>>
      %dma_start3A_235 = arith.constant 0 : i32
      %dma_start3A_236 = tpu.memref_slice %arg8[%dma_start3A_229, %dma_start3A_230, %dma_start3A_235] : memref<6x2x120xi32, #tpu.memory_space<vmem>> -> memref<1x1x120xi32, #tpu.memory_space<vmem>>
      %dma_start3A_237 = tpu.memref_squeeze %dma_start3A_236 : memref<1x1x120xi32, #tpu.memory_space<vmem>> -> memref<120xi32, #tpu.memory_space<vmem>>
      %dma_start3A_238 = arith.constant 0 : i32
      %dma_start3A_239 = arith.constant 0 : i32
      %dma_start3A_240 = tpu.memref_slice %arg7[%dma_start3A_238, %dma_start3A_239] : memref<10008x128xf32, #tpu.memory_space<vmem_shared>> -> memref<10008x128xf32, #tpu.memory_space<vmem_shared>>
      tpu.enqueue_indirect_dma source(%dma_start3A_234 : memref<120x128xf32, #tpu.memory_space<vmem>>) target(%dma_start3A_240 : memref<10008x128xf32, #tpu.memory_space<vmem_shared>>) offsets(%dma_start3A_237 : memref<120xi32, #tpu.memory_space<vmem>>) semaphore(%arg19 : memref<!tpu.dma_semaphore, #tpu.memory_space<semaphore_mem>>) {add = true}
      %mul3A_241 = arith.constant 6 : i32
      %mul3A_242 = arith.muli %scan3A_190, %mul3A_241 : i32
      %add3A_243 = arith.constant 1 : i32
      %add3A_244 = arith.addi %mul3A_242, %add3A_243 : i32
      %ge3A_245 = arith.constant 2 : i32
      %ge3A_246 = arith.cmpi sge, %add3A_244, %ge3A_245 : i32
      %convert_element_type3A_247 = arith.extui %ge3A_246 : i1 to i32
      %cond3A_248 = arith.constant 0 : i32
      %cond3A_249 = arith.cmpi ne, %convert_element_type3A_247, %cond3A_248 : i32
      scf.if %cond3A_249 {
        %dma_wait3A_496 = arith.constant 2 : i32
        %dma_wait3A_497 = arith.constant 0 : i32
        %dma_wait3A_498 = arith.constant 0 : i32
        %dma_wait3A_499 = tpu.memref_slice %arg9[%dma_wait3A_496, %dma_wait3A_497, %dma_wait3A_498] : memref<3x120x128xf32, #tpu.memory_space<vmem>> -> memref<1x120x128xf32, #tpu.memory_space<vmem>>
        %dma_wait3A_500 = tpu.memref_squeeze %dma_wait3A_499 : memref<1x120x128xf32, #tpu.memory_space<vmem>> -> memref<120x128xf32, #tpu.memory_space<vmem>>
        %dma_wait3A_501 = arith.constant 0 : i32
        %dma_wait3A_502 = arith.constant 0 : i32
        %dma_wait3A_503 = tpu.memref_slice %arg7[%dma_wait3A_501, %dma_wait3A_502] : memref<10008x128xf32, #tpu.memory_space<vmem_shared>> -> memref<120x128xf32, #tpu.memory_space<vmem_shared>>
        %dma_wait3A_504 = arith.constant 0 : i32
        %dma_wait3A_505 = arith.constant 0 : i32
        %dma_wait3A_506 = tpu.memref_slice %arg7[%dma_wait3A_504, %dma_wait3A_505] : memref<10008x128xf32, #tpu.memory_space<vmem_shared>> -> memref<120x128xf32, #tpu.memory_space<vmem_shared>>
        %dma_wait3A_507 = arith.constant 0 : i32
        %dma_wait3A_508 = arith.constant 0 : i32
        %dma_wait3A_509 = tpu.memref_slice %arg9[%dma_wait3A_496, %dma_wait3A_507, %dma_wait3A_508] : memref<3x120x128xf32, #tpu.memory_space<vmem>> -> memref<1x120x128xf32, #tpu.memory_space<vmem>>
        %dma_wait3A_510 = tpu.memref_squeeze %dma_wait3A_509 : memref<1x120x128xf32, #tpu.memory_space<vmem>> -> memref<120x128xf32, #tpu.memory_space<vmem>>
        tpu.wait_dma2 semaphore(%arg21 : memref<!tpu.dma_semaphore, #tpu.memory_space<semaphore_mem>>) src(%dma_wait3A_510 : memref<120x128xf32, #tpu.memory_space<vmem>>) dst(%dma_wait3A_506 : memref<120x128xf32, #tpu.memory_space<vmem_shared>>)
      } else {
      }
      %add3A_250 = arith.constant 4 : i32
      %add3A_251 = arith.addi %add3A_244, %add3A_250 : i32
      %lt3A_252 = arith.constant 84 : i32
      %lt3A_253 = arith.cmpi slt, %add3A_251, %lt3A_252 : i32
      %convert_element_type3A_254 = arith.extui %lt3A_253 : i1 to i32
      %cond3A_255 = arith.constant 0 : i32
      %cond3A_256 = arith.cmpi ne, %convert_element_type3A_254, %cond3A_255 : i32
      scf.if %cond3A_256 {
        %add3A_496 = arith.constant 4 : i32
        %add3A_497 = arith.addi %add3A_244, %add3A_496 : i32
        %mul3A_498 = arith.constant 32 : i32
        %mul3A_499 = arith.muli %add3A_497, %mul3A_498 : i32
        %add3A_500 = arith.addi %add3A, %mul3A_499 : i32
        %mul3A_501 = arith.constant 120 : i32
        %mul3A_502 = arith.muli %add3A_500, %mul3A_501 : i32
        %multiple_of3A_503 = tpu.assume_multiple %mul3A_502, 8 : i32
        %dma_start3A_504 = arith.constant 5 : i32
        %dma_start3A_505 = arith.constant 0 : i32
        %dma_start3A_506 = arith.constant 0 : i32
        %dma_start3A_507 = tpu.memref_slice %arg8[%dma_start3A_504, %dma_start3A_505, %dma_start3A_506] : memref<6x2x120xi32, #tpu.memory_space<vmem>> -> memref<1x1x120xi32, #tpu.memory_space<vmem>>
        %dma_start3A_508 = tpu.memref_squeeze %dma_start3A_507 : memref<1x1x120xi32, #tpu.memory_space<vmem>> -> memref<120xi32, #tpu.memory_space<vmem>>
        %dma_start3A_509 = tpu.memref_slice %arg3[%multiple_of3A_503] : memref<322560xi32, #tpu.memory_space<hbm>> -> memref<120xi32, #tpu.memory_space<hbm>>
        %dma_start3A_510 = arith.constant 0 : i32
        %dma_start3A_511 = tpu.memref_slice %arg8[%dma_start3A_504, %dma_start3A_505, %dma_start3A_510] : memref<6x2x120xi32, #tpu.memory_space<vmem>> -> memref<1x1x120xi32, #tpu.memory_space<vmem>>
        %dma_start3A_512 = tpu.memref_squeeze %dma_start3A_511 : memref<1x1x120xi32, #tpu.memory_space<vmem>> -> memref<120xi32, #tpu.memory_space<vmem>>
        %dma_start3A_513 = tpu.memref_slice %arg3[%multiple_of3A_503] : memref<322560xi32, #tpu.memory_space<hbm>> -> memref<120xi32, #tpu.memory_space<hbm>>
        tpu.enqueue_dma source(%dma_start3A_513 : memref<120xi32, #tpu.memory_space<hbm>>) target(%dma_start3A_512 : memref<120xi32, #tpu.memory_space<vmem>>) target_semaphore(%arg15 : memref<!tpu.dma_semaphore, #tpu.memory_space<semaphore_mem>>)
        %dma_start3A_514 = arith.constant 5 : i32
        %dma_start3A_515 = arith.constant 1 : i32
        %dma_start3A_516 = arith.constant 0 : i32
        %dma_start3A_517 = tpu.memref_slice %arg8[%dma_start3A_514, %dma_start3A_515, %dma_start3A_516] : memref<6x2x120xi32, #tpu.memory_space<vmem>> -> memref<1x1x120xi32, #tpu.memory_space<vmem>>
        %dma_start3A_518 = tpu.memref_squeeze %dma_start3A_517 : memref<1x1x120xi32, #tpu.memory_space<vmem>> -> memref<120xi32, #tpu.memory_space<vmem>>
        %dma_start3A_519 = tpu.memref_slice %arg4[%multiple_of3A_503] : memref<322560xi32, #tpu.memory_space<hbm>> -> memref<120xi32, #tpu.memory_space<hbm>>
        %dma_start3A_520 = arith.constant 0 : i32
        %dma_start3A_521 = tpu.memref_slice %arg8[%dma_start3A_514, %dma_start3A_515, %dma_start3A_520] : memref<6x2x120xi32, #tpu.memory_space<vmem>> -> memref<1x1x120xi32, #tpu.memory_space<vmem>>
        %dma_start3A_522 = tpu.memref_squeeze %dma_start3A_521 : memref<1x1x120xi32, #tpu.memory_space<vmem>> -> memref<120xi32, #tpu.memory_space<vmem>>
        %dma_start3A_523 = tpu.memref_slice %arg4[%multiple_of3A_503] : memref<322560xi32, #tpu.memory_space<hbm>> -> memref<120xi32, #tpu.memory_space<hbm>>
        tpu.enqueue_dma source(%dma_start3A_523 : memref<120xi32, #tpu.memory_space<hbm>>) target(%dma_start3A_522 : memref<120xi32, #tpu.memory_space<vmem>>) target_semaphore(%arg15 : memref<!tpu.dma_semaphore, #tpu.memory_space<semaphore_mem>>)
      } else {
      }
      %add3A_257 = arith.constant 1 : i32
      %add3A_258 = arith.addi %add3A_244, %add3A_257 : i32
      %lt3A_259 = arith.constant 84 : i32
      %lt3A_260 = arith.cmpi slt, %add3A_258, %lt3A_259 : i32
      %convert_element_type3A_261 = arith.extui %lt3A_260 : i1 to i32
      %cond3A_262 = arith.constant 0 : i32
      %cond3A_263 = arith.cmpi ne, %convert_element_type3A_261, %cond3A_262 : i32
      scf.if %cond3A_263 {
        %dma_wait3A_496 = arith.constant 2 : i32
        %dma_wait3A_497 = arith.constant 0 : i32
        %dma_wait3A_498 = arith.constant 0 : i32
        %dma_wait3A_499 = tpu.memref_slice %arg8[%dma_wait3A_496, %dma_wait3A_497, %dma_wait3A_498] : memref<6x2x120xi32, #tpu.memory_space<vmem>> -> memref<1x1x120xi32, #tpu.memory_space<vmem>>
        %dma_wait3A_500 = tpu.memref_squeeze %dma_wait3A_499 : memref<1x1x120xi32, #tpu.memory_space<vmem>> -> memref<120xi32, #tpu.memory_space<vmem>>
        %dma_wait3A_501 = arith.constant 0 : i32
        %dma_wait3A_502 = tpu.memref_slice %arg3[%dma_wait3A_501] : memref<322560xi32, #tpu.memory_space<hbm>> -> memref<120xi32, #tpu.memory_space<hbm>>
        %dma_wait3A_503 = arith.constant 0 : i32
        %dma_wait3A_504 = tpu.memref_slice %arg8[%dma_wait3A_496, %dma_wait3A_497, %dma_wait3A_503] : memref<6x2x120xi32, #tpu.memory_space<vmem>> -> memref<1x1x120xi32, #tpu.memory_space<vmem>>
        %dma_wait3A_505 = tpu.memref_squeeze %dma_wait3A_504 : memref<1x1x120xi32, #tpu.memory_space<vmem>> -> memref<120xi32, #tpu.memory_space<vmem>>
        %dma_wait3A_506 = arith.constant 0 : i32
        %dma_wait3A_507 = tpu.memref_slice %arg3[%dma_wait3A_506] : memref<322560xi32, #tpu.memory_space<hbm>> -> memref<120xi32, #tpu.memory_space<hbm>>
        tpu.wait_dma2 semaphore(%arg12 : memref<!tpu.dma_semaphore, #tpu.memory_space<semaphore_mem>>) src(%dma_wait3A_507 : memref<120xi32, #tpu.memory_space<hbm>>) dst(%dma_wait3A_505 : memref<120xi32, #tpu.memory_space<vmem>>)
        %dma_wait3A_508 = arith.constant 2 : i32
        %dma_wait3A_509 = arith.constant 1 : i32
        %dma_wait3A_510 = arith.constant 0 : i32
        %dma_wait3A_511 = tpu.memref_slice %arg8[%dma_wait3A_508, %dma_wait3A_509, %dma_wait3A_510] : memref<6x2x120xi32, #tpu.memory_space<vmem>> -> memref<1x1x120xi32, #tpu.memory_space<vmem>>
        %dma_wait3A_512 = tpu.memref_squeeze %dma_wait3A_511 : memref<1x1x120xi32, #tpu.memory_space<vmem>> -> memref<120xi32, #tpu.memory_space<vmem>>
        %dma_wait3A_513 = arith.constant 0 : i32
        %dma_wait3A_514 = tpu.memref_slice %arg4[%dma_wait3A_513] : memref<322560xi32, #tpu.memory_space<hbm>> -> memref<120xi32, #tpu.memory_space<hbm>>
        %dma_wait3A_515 = arith.constant 0 : i32
        %dma_wait3A_516 = tpu.memref_slice %arg8[%dma_wait3A_508, %dma_wait3A_509, %dma_wait3A_515] : memref<6x2x120xi32, #tpu.memory_space<vmem>> -> memref<1x1x120xi32, #tpu.memory_space<vmem>>
        %dma_wait3A_517 = tpu.memref_squeeze %dma_wait3A_516 : memref<1x1x120xi32, #tpu.memory_space<vmem>> -> memref<120xi32, #tpu.memory_space<vmem>>
        %dma_wait3A_518 = arith.constant 0 : i32
        %dma_wait3A_519 = tpu.memref_slice %arg4[%dma_wait3A_518] : memref<322560xi32, #tpu.memory_space<hbm>> -> memref<120xi32, #tpu.memory_space<hbm>>
        tpu.wait_dma2 semaphore(%arg12 : memref<!tpu.dma_semaphore, #tpu.memory_space<semaphore_mem>>) src(%dma_wait3A_519 : memref<120xi32, #tpu.memory_space<hbm>>) dst(%dma_wait3A_517 : memref<120xi32, #tpu.memory_space<vmem>>)
        %dma_start3A_520 = arith.constant 2 : i32
        %dma_start3A_521 = arith.constant 0 : i32
        %dma_start3A_522 = arith.constant 2 : i32
        %dma_start3A_523 = arith.constant 0 : i32
        %dma_start3A_524 = arith.constant 0 : i32
        %dma_start3A_525 = tpu.memref_slice %arg9[%dma_start3A_522, %dma_start3A_523, %dma_start3A_524] : memref<3x120x128xf32, #tpu.memory_space<vmem>> -> memref<1x120x128xf32, #tpu.memory_space<vmem>>
        %dma_start3A_526 = tpu.memref_squeeze %dma_start3A_525 : memref<1x120x128xf32, #tpu.memory_space<vmem>> -> memref<120x128xf32, #tpu.memory_space<vmem>>
        %dma_start3A_527 = arith.constant 0 : i32
        %dma_start3A_528 = tpu.memref_slice %arg8[%dma_start3A_520, %dma_start3A_521, %dma_start3A_527] : memref<6x2x120xi32, #tpu.memory_space<vmem>> -> memref<1x1x120xi32, #tpu.memory_space<vmem>>
        %dma_start3A_529 = tpu.memref_squeeze %dma_start3A_528 : memref<1x1x120xi32, #tpu.memory_space<vmem>> -> memref<120xi32, #tpu.memory_space<vmem>>
        %dma_start3A_530 = arith.constant 0 : i32
        %dma_start3A_531 = arith.constant 0 : i32
        %dma_start3A_532 = tpu.memref_slice %arg2[%dma_start3A_530, %dma_start3A_531] : memref<10000x128xf32, #tpu.memory_space<hbm>> -> memref<10000x128xf32, #tpu.memory_space<hbm>>
        tpu.enqueue_indirect_dma source(%dma_start3A_532 : memref<10000x128xf32, #tpu.memory_space<hbm>>) target(%dma_start3A_526 : memref<120x128xf32, #tpu.memory_space<vmem>>) offsets(%dma_start3A_529 : memref<120xi32, #tpu.memory_space<vmem>>) semaphore(%arg18 : memref<!tpu.dma_semaphore, #tpu.memory_space<semaphore_mem>>)
      } else {
      }
      %dma_wait3A_264 = arith.constant 1 : i32
      %dma_wait3A_265 = arith.constant 0 : i32
      %dma_wait3A_266 = arith.constant 0 : i32
      %dma_wait3A_267 = tpu.memref_slice %arg9[%dma_wait3A_264, %dma_wait3A_265, %dma_wait3A_266] : memref<3x120x128xf32, #tpu.memory_space<vmem>> -> memref<1x120x128xf32, #tpu.memory_space<vmem>>
      %dma_wait3A_268 = tpu.memref_squeeze %dma_wait3A_267 : memref<1x120x128xf32, #tpu.memory_space<vmem>> -> memref<120x128xf32, #tpu.memory_space<vmem>>
      %dma_wait3A_269 = arith.constant 0 : i32
      %dma_wait3A_270 = arith.constant 0 : i32
      %dma_wait3A_271 = tpu.memref_slice %arg2[%dma_wait3A_269, %dma_wait3A_270] : memref<10000x128xf32, #tpu.memory_space<hbm>> -> memref<120x128xf32, #tpu.memory_space<hbm>>
      %dma_wait3A_272 = arith.constant 0 : i32
      %dma_wait3A_273 = arith.constant 0 : i32
      %dma_wait3A_274 = tpu.memref_slice %arg9[%dma_wait3A_264, %dma_wait3A_272, %dma_wait3A_273] : memref<3x120x128xf32, #tpu.memory_space<vmem>> -> memref<1x120x128xf32, #tpu.memory_space<vmem>>
      %dma_wait3A_275 = tpu.memref_squeeze %dma_wait3A_274 : memref<1x120x128xf32, #tpu.memory_space<vmem>> -> memref<120x128xf32, #tpu.memory_space<vmem>>
      %dma_wait3A_276 = arith.constant 0 : i32
      %dma_wait3A_277 = arith.constant 0 : i32
      %dma_wait3A_278 = tpu.memref_slice %arg2[%dma_wait3A_276, %dma_wait3A_277] : memref<10000x128xf32, #tpu.memory_space<hbm>> -> memref<120x128xf32, #tpu.memory_space<hbm>>
      tpu.wait_dma2 semaphore(%arg17 : memref<!tpu.dma_semaphore, #tpu.memory_space<semaphore_mem>>) src(%dma_wait3A_278 : memref<120x128xf32, #tpu.memory_space<hbm>>) dst(%dma_wait3A_275 : memref<120x128xf32, #tpu.memory_space<vmem>>)
      %dma_start3A_279 = arith.constant 1 : i32
      %dma_start3A_280 = arith.constant 1 : i32
      %dma_start3A_281 = arith.constant 1 : i32
      %dma_start3A_282 = arith.constant 0 : i32
      %dma_start3A_283 = arith.constant 0 : i32
      %dma_start3A_284 = tpu.memref_slice %arg9[%dma_start3A_279, %dma_start3A_282, %dma_start3A_283] : memref<3x120x128xf32, #tpu.memory_space<vmem>> -> memref<1x120x128xf32, #tpu.memory_space<vmem>>
      %dma_start3A_285 = tpu.memref_squeeze %dma_start3A_284 : memref<1x120x128xf32, #tpu.memory_space<vmem>> -> memref<120x128xf32, #tpu.memory_space<vmem>>
      %dma_start3A_286 = arith.constant 0 : i32
      %dma_start3A_287 = tpu.memref_slice %arg8[%dma_start3A_280, %dma_start3A_281, %dma_start3A_286] : memref<6x2x120xi32, #tpu.memory_space<vmem>> -> memref<1x1x120xi32, #tpu.memory_space<vmem>>
      %dma_start3A_288 = tpu.memref_squeeze %dma_start3A_287 : memref<1x1x120xi32, #tpu.memory_space<vmem>> -> memref<120xi32, #tpu.memory_space<vmem>>
      %dma_start3A_289 = arith.constant 0 : i32
      %dma_start3A_290 = arith.constant 0 : i32
      %dma_start3A_291 = tpu.memref_slice %arg7[%dma_start3A_289, %dma_start3A_290] : memref<10008x128xf32, #tpu.memory_space<vmem_shared>> -> memref<10008x128xf32, #tpu.memory_space<vmem_shared>>
      tpu.enqueue_indirect_dma source(%dma_start3A_285 : memref<120x128xf32, #tpu.memory_space<vmem>>) target(%dma_start3A_291 : memref<10008x128xf32, #tpu.memory_space<vmem_shared>>) offsets(%dma_start3A_288 : memref<120xi32, #tpu.memory_space<vmem>>) semaphore(%arg20 : memref<!tpu.dma_semaphore, #tpu.memory_space<semaphore_mem>>) {add = true}
      %mul3A_292 = arith.constant 6 : i32
      %mul3A_293 = arith.muli %scan3A_190, %mul3A_292 : i32
      %add3A_294 = arith.constant 2 : i32
      %add3A_295 = arith.addi %mul3A_293, %add3A_294 : i32
      %ge3A_296 = arith.constant 2 : i32
      %ge3A_297 = arith.cmpi sge, %add3A_295, %ge3A_296 : i32
      %convert_element_type3A_298 = arith.extui %ge3A_297 : i1 to i32
      %cond3A_299 = arith.constant 0 : i32
      %cond3A_300 = arith.cmpi ne, %convert_element_type3A_298, %cond3A_299 : i32
      scf.if %cond3A_300 {
        %dma_wait3A_496 = arith.constant 0 : i32
        %dma_wait3A_497 = arith.constant 0 : i32
        %dma_wait3A_498 = arith.constant 0 : i32
        %dma_wait3A_499 = tpu.memref_slice %arg9[%dma_wait3A_496, %dma_wait3A_497, %dma_wait3A_498] : memref<3x120x128xf32, #tpu.memory_space<vmem>> -> memref<1x120x128xf32, #tpu.memory_space<vmem>>
        %dma_wait3A_500 = tpu.memref_squeeze %dma_wait3A_499 : memref<1x120x128xf32, #tpu.memory_space<vmem>> -> memref<120x128xf32, #tpu.memory_space<vmem>>
        %dma_wait3A_501 = arith.constant 0 : i32
        %dma_wait3A_502 = arith.constant 0 : i32
        %dma_wait3A_503 = tpu.memref_slice %arg7[%dma_wait3A_501, %dma_wait3A_502] : memref<10008x128xf32, #tpu.memory_space<vmem_shared>> -> memref<120x128xf32, #tpu.memory_space<vmem_shared>>
        %dma_wait3A_504 = arith.constant 0 : i32
        %dma_wait3A_505 = arith.constant 0 : i32
        %dma_wait3A_506 = tpu.memref_slice %arg7[%dma_wait3A_504, %dma_wait3A_505] : memref<10008x128xf32, #tpu.memory_space<vmem_shared>> -> memref<120x128xf32, #tpu.memory_space<vmem_shared>>
        %dma_wait3A_507 = arith.constant 0 : i32
        %dma_wait3A_508 = arith.constant 0 : i32
        %dma_wait3A_509 = tpu.memref_slice %arg9[%dma_wait3A_496, %dma_wait3A_507, %dma_wait3A_508] : memref<3x120x128xf32, #tpu.memory_space<vmem>> -> memref<1x120x128xf32, #tpu.memory_space<vmem>>
        %dma_wait3A_510 = tpu.memref_squeeze %dma_wait3A_509 : memref<1x120x128xf32, #tpu.memory_space<vmem>> -> memref<120x128xf32, #tpu.memory_space<vmem>>
        tpu.wait_dma2 semaphore(%arg19 : memref<!tpu.dma_semaphore, #tpu.memory_space<semaphore_mem>>) src(%dma_wait3A_510 : memref<120x128xf32, #tpu.memory_space<vmem>>) dst(%dma_wait3A_506 : memref<120x128xf32, #tpu.memory_space<vmem_shared>>)
      } else {
      }
      %add3A_301 = arith.constant 4 : i32
      %add3A_302 = arith.addi %add3A_295, %add3A_301 : i32
      %lt3A_303 = arith.constant 84 : i32
      %lt3A_304 = arith.cmpi slt, %add3A_302, %lt3A_303 : i32
      %convert_element_type3A_305 = arith.extui %lt3A_304 : i1 to i32
      %cond3A_306 = arith.constant 0 : i32
      %cond3A_307 = arith.cmpi ne, %convert_element_type3A_305, %cond3A_306 : i32
      scf.if %cond3A_307 {
        %add3A_496 = arith.constant 4 : i32
        %add3A_497 = arith.addi %add3A_295, %add3A_496 : i32
        %mul3A_498 = arith.constant 32 : i32
        %mul3A_499 = arith.muli %add3A_497, %mul3A_498 : i32
        %add3A_500 = arith.addi %add3A, %mul3A_499 : i32
        %mul3A_501 = arith.constant 120 : i32
        %mul3A_502 = arith.muli %add3A_500, %mul3A_501 : i32
        %multiple_of3A_503 = tpu.assume_multiple %mul3A_502, 8 : i32
        %dma_start3A_504 = arith.constant 0 : i32
        %dma_start3A_505 = arith.constant 0 : i32
        %dma_start3A_506 = arith.constant 0 : i32
        %dma_start3A_507 = tpu.memref_slice %arg8[%dma_start3A_504, %dma_start3A_505, %dma_start3A_506] : memref<6x2x120xi32, #tpu.memory_space<vmem>> -> memref<1x1x120xi32, #tpu.memory_space<vmem>>
        %dma_start3A_508 = tpu.memref_squeeze %dma_start3A_507 : memref<1x1x120xi32, #tpu.memory_space<vmem>> -> memref<120xi32, #tpu.memory_space<vmem>>
        %dma_start3A_509 = tpu.memref_slice %arg3[%multiple_of3A_503] : memref<322560xi32, #tpu.memory_space<hbm>> -> memref<120xi32, #tpu.memory_space<hbm>>
        %dma_start3A_510 = arith.constant 0 : i32
        %dma_start3A_511 = tpu.memref_slice %arg8[%dma_start3A_504, %dma_start3A_505, %dma_start3A_510] : memref<6x2x120xi32, #tpu.memory_space<vmem>> -> memref<1x1x120xi32, #tpu.memory_space<vmem>>
        %dma_start3A_512 = tpu.memref_squeeze %dma_start3A_511 : memref<1x1x120xi32, #tpu.memory_space<vmem>> -> memref<120xi32, #tpu.memory_space<vmem>>
        %dma_start3A_513 = tpu.memref_slice %arg3[%multiple_of3A_503] : memref<322560xi32, #tpu.memory_space<hbm>> -> memref<120xi32, #tpu.memory_space<hbm>>
        tpu.enqueue_dma source(%dma_start3A_513 : memref<120xi32, #tpu.memory_space<hbm>>) target(%dma_start3A_512 : memref<120xi32, #tpu.memory_space<vmem>>) target_semaphore(%arg10 : memref<!tpu.dma_semaphore, #tpu.memory_space<semaphore_mem>>)
        %dma_start3A_514 = arith.constant 0 : i32
        %dma_start3A_515 = arith.constant 1 : i32
        %dma_start3A_516 = arith.constant 0 : i32
        %dma_start3A_517 = tpu.memref_slice %arg8[%dma_start3A_514, %dma_start3A_515, %dma_start3A_516] : memref<6x2x120xi32, #tpu.memory_space<vmem>> -> memref<1x1x120xi32, #tpu.memory_space<vmem>>
        %dma_start3A_518 = tpu.memref_squeeze %dma_start3A_517 : memref<1x1x120xi32, #tpu.memory_space<vmem>> -> memref<120xi32, #tpu.memory_space<vmem>>
        %dma_start3A_519 = tpu.memref_slice %arg4[%multiple_of3A_503] : memref<322560xi32, #tpu.memory_space<hbm>> -> memref<120xi32, #tpu.memory_space<hbm>>
        %dma_start3A_520 = arith.constant 0 : i32
        %dma_start3A_521 = tpu.memref_slice %arg8[%dma_start3A_514, %dma_start3A_515, %dma_start3A_520] : memref<6x2x120xi32, #tpu.memory_space<vmem>> -> memref<1x1x120xi32, #tpu.memory_space<vmem>>
        %dma_start3A_522 = tpu.memref_squeeze %dma_start3A_521 : memref<1x1x120xi32, #tpu.memory_space<vmem>> -> memref<120xi32, #tpu.memory_space<vmem>>
        %dma_start3A_523 = tpu.memref_slice %arg4[%multiple_of3A_503] : memref<322560xi32, #tpu.memory_space<hbm>> -> memref<120xi32, #tpu.memory_space<hbm>>
        tpu.enqueue_dma source(%dma_start3A_523 : memref<120xi32, #tpu.memory_space<hbm>>) target(%dma_start3A_522 : memref<120xi32, #tpu.memory_space<vmem>>) target_semaphore(%arg10 : memref<!tpu.dma_semaphore, #tpu.memory_space<semaphore_mem>>)
      } else {
      }
      %add3A_308 = arith.constant 1 : i32
      %add3A_309 = arith.addi %add3A_295, %add3A_308 : i32
      %lt3A_310 = arith.constant 84 : i32
      %lt3A_311 = arith.cmpi slt, %add3A_309, %lt3A_310 : i32
      %convert_element_type3A_312 = arith.extui %lt3A_311 : i1 to i32
      %cond3A_313 = arith.constant 0 : i32
      %cond3A_314 = arith.cmpi ne, %convert_element_type3A_312, %cond3A_313 : i32
      scf.if %cond3A_314 {
        %dma_wait3A_496 = arith.constant 3 : i32
        %dma_wait3A_497 = arith.constant 0 : i32
        %dma_wait3A_498 = arith.constant 0 : i32
        %dma_wait3A_499 = tpu.memref_slice %arg8[%dma_wait3A_496, %dma_wait3A_497, %dma_wait3A_498] : memref<6x2x120xi32, #tpu.memory_space<vmem>> -> memref<1x1x120xi32, #tpu.memory_space<vmem>>
        %dma_wait3A_500 = tpu.memref_squeeze %dma_wait3A_499 : memref<1x1x120xi32, #tpu.memory_space<vmem>> -> memref<120xi32, #tpu.memory_space<vmem>>
        %dma_wait3A_501 = arith.constant 0 : i32
        %dma_wait3A_502 = tpu.memref_slice %arg3[%dma_wait3A_501] : memref<322560xi32, #tpu.memory_space<hbm>> -> memref<120xi32, #tpu.memory_space<hbm>>
        %dma_wait3A_503 = arith.constant 0 : i32
        %dma_wait3A_504 = tpu.memref_slice %arg8[%dma_wait3A_496, %dma_wait3A_497, %dma_wait3A_503] : memref<6x2x120xi32, #tpu.memory_space<vmem>> -> memref<1x1x120xi32, #tpu.memory_space<vmem>>
        %dma_wait3A_505 = tpu.memref_squeeze %dma_wait3A_504 : memref<1x1x120xi32, #tpu.memory_space<vmem>> -> memref<120xi32, #tpu.memory_space<vmem>>
        %dma_wait3A_506 = arith.constant 0 : i32
        %dma_wait3A_507 = tpu.memref_slice %arg3[%dma_wait3A_506] : memref<322560xi32, #tpu.memory_space<hbm>> -> memref<120xi32, #tpu.memory_space<hbm>>
        tpu.wait_dma2 semaphore(%arg13 : memref<!tpu.dma_semaphore, #tpu.memory_space<semaphore_mem>>) src(%dma_wait3A_507 : memref<120xi32, #tpu.memory_space<hbm>>) dst(%dma_wait3A_505 : memref<120xi32, #tpu.memory_space<vmem>>)
        %dma_wait3A_508 = arith.constant 3 : i32
        %dma_wait3A_509 = arith.constant 1 : i32
        %dma_wait3A_510 = arith.constant 0 : i32
        %dma_wait3A_511 = tpu.memref_slice %arg8[%dma_wait3A_508, %dma_wait3A_509, %dma_wait3A_510] : memref<6x2x120xi32, #tpu.memory_space<vmem>> -> memref<1x1x120xi32, #tpu.memory_space<vmem>>
        %dma_wait3A_512 = tpu.memref_squeeze %dma_wait3A_511 : memref<1x1x120xi32, #tpu.memory_space<vmem>> -> memref<120xi32, #tpu.memory_space<vmem>>
        %dma_wait3A_513 = arith.constant 0 : i32
        %dma_wait3A_514 = tpu.memref_slice %arg4[%dma_wait3A_513] : memref<322560xi32, #tpu.memory_space<hbm>> -> memref<120xi32, #tpu.memory_space<hbm>>
        %dma_wait3A_515 = arith.constant 0 : i32
        %dma_wait3A_516 = tpu.memref_slice %arg8[%dma_wait3A_508, %dma_wait3A_509, %dma_wait3A_515] : memref<6x2x120xi32, #tpu.memory_space<vmem>> -> memref<1x1x120xi32, #tpu.memory_space<vmem>>
        %dma_wait3A_517 = tpu.memref_squeeze %dma_wait3A_516 : memref<1x1x120xi32, #tpu.memory_space<vmem>> -> memref<120xi32, #tpu.memory_space<vmem>>
        %dma_wait3A_518 = arith.constant 0 : i32
        %dma_wait3A_519 = tpu.memref_slice %arg4[%dma_wait3A_518] : memref<322560xi32, #tpu.memory_space<hbm>> -> memref<120xi32, #tpu.memory_space<hbm>>
        tpu.wait_dma2 semaphore(%arg13 : memref<!tpu.dma_semaphore, #tpu.memory_space<semaphore_mem>>) src(%dma_wait3A_519 : memref<120xi32, #tpu.memory_space<hbm>>) dst(%dma_wait3A_517 : memref<120xi32, #tpu.memory_space<vmem>>)
        %dma_start3A_520 = arith.constant 3 : i32
        %dma_start3A_521 = arith.constant 0 : i32
        %dma_start3A_522 = arith.constant 0 : i32
        %dma_start3A_523 = arith.constant 0 : i32
        %dma_start3A_524 = arith.constant 0 : i32
        %dma_start3A_525 = tpu.memref_slice %arg9[%dma_start3A_522, %dma_start3A_523, %dma_start3A_524] : memref<3x120x128xf32, #tpu.memory_space<vmem>> -> memref<1x120x128xf32, #tpu.memory_space<vmem>>
        %dma_start3A_526 = tpu.memref_squeeze %dma_start3A_525 : memref<1x120x128xf32, #tpu.memory_space<vmem>> -> memref<120x128xf32, #tpu.memory_space<vmem>>
        %dma_start3A_527 = arith.constant 0 : i32
        %dma_start3A_528 = tpu.memref_slice %arg8[%dma_start3A_520, %dma_start3A_521, %dma_start3A_527] : memref<6x2x120xi32, #tpu.memory_space<vmem>> -> memref<1x1x120xi32, #tpu.memory_space<vmem>>
        %dma_start3A_529 = tpu.memref_squeeze %dma_start3A_528 : memref<1x1x120xi32, #tpu.memory_space<vmem>> -> memref<120xi32, #tpu.memory_space<vmem>>
        %dma_start3A_530 = arith.constant 0 : i32
        %dma_start3A_531 = arith.constant 0 : i32
        %dma_start3A_532 = tpu.memref_slice %arg2[%dma_start3A_530, %dma_start3A_531] : memref<10000x128xf32, #tpu.memory_space<hbm>> -> memref<10000x128xf32, #tpu.memory_space<hbm>>
        tpu.enqueue_indirect_dma source(%dma_start3A_532 : memref<10000x128xf32, #tpu.memory_space<hbm>>) target(%dma_start3A_526 : memref<120x128xf32, #tpu.memory_space<vmem>>) offsets(%dma_start3A_529 : memref<120xi32, #tpu.memory_space<vmem>>) semaphore(%arg16 : memref<!tpu.dma_semaphore, #tpu.memory_space<semaphore_mem>>)
      } else {
      }
      %dma_wait3A_315 = arith.constant 2 : i32
      %dma_wait3A_316 = arith.constant 0 : i32
      %dma_wait3A_317 = arith.constant 0 : i32
      %dma_wait3A_318 = tpu.memref_slice %arg9[%dma_wait3A_315, %dma_wait3A_316, %dma_wait3A_317] : memref<3x120x128xf32, #tpu.memory_space<vmem>> -> memref<1x120x128xf32, #tpu.memory_space<vmem>>
      %dma_wait3A_319 = tpu.memref_squeeze %dma_wait3A_318 : memref<1x120x128xf32, #tpu.memory_space<vmem>> -> memref<120x128xf32, #tpu.memory_space<vmem>>
      %dma_wait3A_320 = arith.constant 0 : i32
      %dma_wait3A_321 = arith.constant 0 : i32
      %dma_wait3A_322 = tpu.memref_slice %arg2[%dma_wait3A_320, %dma_wait3A_321] : memref<10000x128xf32, #tpu.memory_space<hbm>> -> memref<120x128xf32, #tpu.memory_space<hbm>>
      %dma_wait3A_323 = arith.constant 0 : i32
      %dma_wait3A_324 = arith.constant 0 : i32
      %dma_wait3A_325 = tpu.memref_slice %arg9[%dma_wait3A_315, %dma_wait3A_323, %dma_wait3A_324] : memref<3x120x128xf32, #tpu.memory_space<vmem>> -> memref<1x120x128xf32, #tpu.memory_space<vmem>>
      %dma_wait3A_326 = tpu.memref_squeeze %dma_wait3A_325 : memref<1x120x128xf32, #tpu.memory_space<vmem>> -> memref<120x128xf32, #tpu.memory_space<vmem>>
      %dma_wait3A_327 = arith.constant 0 : i32
      %dma_wait3A_328 = arith.constant 0 : i32
      %dma_wait3A_329 = tpu.memref_slice %arg2[%dma_wait3A_327, %dma_wait3A_328] : memref<10000x128xf32, #tpu.memory_space<hbm>> -> memref<120x128xf32, #tpu.memory_space<hbm>>
      tpu.wait_dma2 semaphore(%arg18 : memref<!tpu.dma_semaphore, #tpu.memory_space<semaphore_mem>>) src(%dma_wait3A_329 : memref<120x128xf32, #tpu.memory_space<hbm>>) dst(%dma_wait3A_326 : memref<120x128xf32, #tpu.memory_space<vmem>>)
      %dma_start3A_330 = arith.constant 2 : i32
      %dma_start3A_331 = arith.constant 2 : i32
      %dma_start3A_332 = arith.constant 1 : i32
      %dma_start3A_333 = arith.constant 0 : i32
      %dma_start3A_334 = arith.constant 0 : i32
      %dma_start3A_335 = tpu.memref_slice %arg9[%dma_start3A_330, %dma_start3A_333, %dma_start3A_334] : memref<3x120x128xf32, #tpu.memory_space<vmem>> -> memref<1x120x128xf32, #tpu.memory_space<vmem>>
      %dma_start3A_336 = tpu.memref_squeeze %dma_start3A_335 : memref<1x120x128xf32, #tpu.memory_space<vmem>> -> memref<120x128xf32, #tpu.memory_space<vmem>>
      %dma_start3A_337 = arith.constant 0 : i32
      %dma_start3A_338 = tpu.memref_slice %arg8[%dma_start3A_331, %dma_start3A_332, %dma_start3A_337] : memref<6x2x120xi32, #tpu.memory_space<vmem>> -> memref<1x1x120xi32, #tpu.memory_space<vmem>>
      %dma_start3A_339 = tpu.memref_squeeze %dma_start3A_338 : memref<1x1x120xi32, #tpu.memory_space<vmem>> -> memref<120xi32, #tpu.memory_space<vmem>>
      %dma_start3A_340 = arith.constant 0 : i32
      %dma_start3A_341 = arith.constant 0 : i32
      %dma_start3A_342 = tpu.memref_slice %arg7[%dma_start3A_340, %dma_start3A_341] : memref<10008x128xf32, #tpu.memory_space<vmem_shared>> -> memref<10008x128xf32, #tpu.memory_space<vmem_shared>>
      tpu.enqueue_indirect_dma source(%dma_start3A_336 : memref<120x128xf32, #tpu.memory_space<vmem>>) target(%dma_start3A_342 : memref<10008x128xf32, #tpu.memory_space<vmem_shared>>) offsets(%dma_start3A_339 : memref<120xi32, #tpu.memory_space<vmem>>) semaphore(%arg21 : memref<!tpu.dma_semaphore, #tpu.memory_space<semaphore_mem>>) {add = true}
      %mul3A_343 = arith.constant 6 : i32
      %mul3A_344 = arith.muli %scan3A_190, %mul3A_343 : i32
      %add3A_345 = arith.constant 3 : i32
      %add3A_346 = arith.addi %mul3A_344, %add3A_345 : i32
      %ge3A_347 = arith.constant 2 : i32
      %ge3A_348 = arith.cmpi sge, %add3A_346, %ge3A_347 : i32
      %convert_element_type3A_349 = arith.extui %ge3A_348 : i1 to i32
      %cond3A_350 = arith.constant 0 : i32
      %cond3A_351 = arith.cmpi ne, %convert_element_type3A_349, %cond3A_350 : i32
      scf.if %cond3A_351 {
        %dma_wait3A_496 = arith.constant 1 : i32
        %dma_wait3A_497 = arith.constant 0 : i32
        %dma_wait3A_498 = arith.constant 0 : i32
        %dma_wait3A_499 = tpu.memref_slice %arg9[%dma_wait3A_496, %dma_wait3A_497, %dma_wait3A_498] : memref<3x120x128xf32, #tpu.memory_space<vmem>> -> memref<1x120x128xf32, #tpu.memory_space<vmem>>
        %dma_wait3A_500 = tpu.memref_squeeze %dma_wait3A_499 : memref<1x120x128xf32, #tpu.memory_space<vmem>> -> memref<120x128xf32, #tpu.memory_space<vmem>>
        %dma_wait3A_501 = arith.constant 0 : i32
        %dma_wait3A_502 = arith.constant 0 : i32
        %dma_wait3A_503 = tpu.memref_slice %arg7[%dma_wait3A_501, %dma_wait3A_502] : memref<10008x128xf32, #tpu.memory_space<vmem_shared>> -> memref<120x128xf32, #tpu.memory_space<vmem_shared>>
        %dma_wait3A_504 = arith.constant 0 : i32
        %dma_wait3A_505 = arith.constant 0 : i32
        %dma_wait3A_506 = tpu.memref_slice %arg7[%dma_wait3A_504, %dma_wait3A_505] : memref<10008x128xf32, #tpu.memory_space<vmem_shared>> -> memref<120x128xf32, #tpu.memory_space<vmem_shared>>
        %dma_wait3A_507 = arith.constant 0 : i32
        %dma_wait3A_508 = arith.constant 0 : i32
        %dma_wait3A_509 = tpu.memref_slice %arg9[%dma_wait3A_496, %dma_wait3A_507, %dma_wait3A_508] : memref<3x120x128xf32, #tpu.memory_space<vmem>> -> memref<1x120x128xf32, #tpu.memory_space<vmem>>
        %dma_wait3A_510 = tpu.memref_squeeze %dma_wait3A_509 : memref<1x120x128xf32, #tpu.memory_space<vmem>> -> memref<120x128xf32, #tpu.memory_space<vmem>>
        tpu.wait_dma2 semaphore(%arg20 : memref<!tpu.dma_semaphore, #tpu.memory_space<semaphore_mem>>) src(%dma_wait3A_510 : memref<120x128xf32, #tpu.memory_space<vmem>>) dst(%dma_wait3A_506 : memref<120x128xf32, #tpu.memory_space<vmem_shared>>)
      } else {
      }
      %add3A_352 = arith.constant 4 : i32
      %add3A_353 = arith.addi %add3A_346, %add3A_352 : i32
      %lt3A_354 = arith.constant 84 : i32
      %lt3A_355 = arith.cmpi slt, %add3A_353, %lt3A_354 : i32
      %convert_element_type3A_356 = arith.extui %lt3A_355 : i1 to i32
      %cond3A_357 = arith.constant 0 : i32
      %cond3A_358 = arith.cmpi ne, %convert_element_type3A_356, %cond3A_357 : i32
      scf.if %cond3A_358 {
        %add3A_496 = arith.constant 4 : i32
        %add3A_497 = arith.addi %add3A_346, %add3A_496 : i32
        %mul3A_498 = arith.constant 32 : i32
        %mul3A_499 = arith.muli %add3A_497, %mul3A_498 : i32
        %add3A_500 = arith.addi %add3A, %mul3A_499 : i32
        %mul3A_501 = arith.constant 120 : i32
        %mul3A_502 = arith.muli %add3A_500, %mul3A_501 : i32
        %multiple_of3A_503 = tpu.assume_multiple %mul3A_502, 8 : i32
        %dma_start3A_504 = arith.constant 1 : i32
        %dma_start3A_505 = arith.constant 0 : i32
        %dma_start3A_506 = arith.constant 0 : i32
        %dma_start3A_507 = tpu.memref_slice %arg8[%dma_start3A_504, %dma_start3A_505, %dma_start3A_506] : memref<6x2x120xi32, #tpu.memory_space<vmem>> -> memref<1x1x120xi32, #tpu.memory_space<vmem>>
        %dma_start3A_508 = tpu.memref_squeeze %dma_start3A_507 : memref<1x1x120xi32, #tpu.memory_space<vmem>> -> memref<120xi32, #tpu.memory_space<vmem>>
        %dma_start3A_509 = tpu.memref_slice %arg3[%multiple_of3A_503] : memref<322560xi32, #tpu.memory_space<hbm>> -> memref<120xi32, #tpu.memory_space<hbm>>
        %dma_start3A_510 = arith.constant 0 : i32
        %dma_start3A_511 = tpu.memref_slice %arg8[%dma_start3A_504, %dma_start3A_505, %dma_start3A_510] : memref<6x2x120xi32, #tpu.memory_space<vmem>> -> memref<1x1x120xi32, #tpu.memory_space<vmem>>
        %dma_start3A_512 = tpu.memref_squeeze %dma_start3A_511 : memref<1x1x120xi32, #tpu.memory_space<vmem>> -> memref<120xi32, #tpu.memory_space<vmem>>
        %dma_start3A_513 = tpu.memref_slice %arg3[%multiple_of3A_503] : memref<322560xi32, #tpu.memory_space<hbm>> -> memref<120xi32, #tpu.memory_space<hbm>>
        tpu.enqueue_dma source(%dma_start3A_513 : memref<120xi32, #tpu.memory_space<hbm>>) target(%dma_start3A_512 : memref<120xi32, #tpu.memory_space<vmem>>) target_semaphore(%arg11 : memref<!tpu.dma_semaphore, #tpu.memory_space<semaphore_mem>>)
        %dma_start3A_514 = arith.constant 1 : i32
        %dma_start3A_515 = arith.constant 1 : i32
        %dma_start3A_516 = arith.constant 0 : i32
        %dma_start3A_517 = tpu.memref_slice %arg8[%dma_start3A_514, %dma_start3A_515, %dma_start3A_516] : memref<6x2x120xi32, #tpu.memory_space<vmem>> -> memref<1x1x120xi32, #tpu.memory_space<vmem>>
        %dma_start3A_518 = tpu.memref_squeeze %dma_start3A_517 : memref<1x1x120xi32, #tpu.memory_space<vmem>> -> memref<120xi32, #tpu.memory_space<vmem>>
        %dma_start3A_519 = tpu.memref_slice %arg4[%multiple_of3A_503] : memref<322560xi32, #tpu.memory_space<hbm>> -> memref<120xi32, #tpu.memory_space<hbm>>
        %dma_start3A_520 = arith.constant 0 : i32
        %dma_start3A_521 = tpu.memref_slice %arg8[%dma_start3A_514, %dma_start3A_515, %dma_start3A_520] : memref<6x2x120xi32, #tpu.memory_space<vmem>> -> memref<1x1x120xi32, #tpu.memory_space<vmem>>
        %dma_start3A_522 = tpu.memref_squeeze %dma_start3A_521 : memref<1x1x120xi32, #tpu.memory_space<vmem>> -> memref<120xi32, #tpu.memory_space<vmem>>
        %dma_start3A_523 = tpu.memref_slice %arg4[%multiple_of3A_503] : memref<322560xi32, #tpu.memory_space<hbm>> -> memref<120xi32, #tpu.memory_space<hbm>>
        tpu.enqueue_dma source(%dma_start3A_523 : memref<120xi32, #tpu.memory_space<hbm>>) target(%dma_start3A_522 : memref<120xi32, #tpu.memory_space<vmem>>) target_semaphore(%arg11 : memref<!tpu.dma_semaphore, #tpu.memory_space<semaphore_mem>>)
      } else {
      }
      %add3A_359 = arith.constant 1 : i32
      %add3A_360 = arith.addi %add3A_346, %add3A_359 : i32
      %lt3A_361 = arith.constant 84 : i32
      %lt3A_362 = arith.cmpi slt, %add3A_360, %lt3A_361 : i32
      %convert_element_type3A_363 = arith.extui %lt3A_362 : i1 to i32
      %cond3A_364 = arith.constant 0 : i32
      %cond3A_365 = arith.cmpi ne, %convert_element_type3A_363, %cond3A_364 : i32
      scf.if %cond3A_365 {
        %dma_wait3A_496 = arith.constant 4 : i32
        %dma_wait3A_497 = arith.constant 0 : i32
        %dma_wait3A_498 = arith.constant 0 : i32
        %dma_wait3A_499 = tpu.memref_slice %arg8[%dma_wait3A_496, %dma_wait3A_497, %dma_wait3A_498] : memref<6x2x120xi32, #tpu.memory_space<vmem>> -> memref<1x1x120xi32, #tpu.memory_space<vmem>>
        %dma_wait3A_500 = tpu.memref_squeeze %dma_wait3A_499 : memref<1x1x120xi32, #tpu.memory_space<vmem>> -> memref<120xi32, #tpu.memory_space<vmem>>
        %dma_wait3A_501 = arith.constant 0 : i32
        %dma_wait3A_502 = tpu.memref_slice %arg3[%dma_wait3A_501] : memref<322560xi32, #tpu.memory_space<hbm>> -> memref<120xi32, #tpu.memory_space<hbm>>
        %dma_wait3A_503 = arith.constant 0 : i32
        %dma_wait3A_504 = tpu.memref_slice %arg8[%dma_wait3A_496, %dma_wait3A_497, %dma_wait3A_503] : memref<6x2x120xi32, #tpu.memory_space<vmem>> -> memref<1x1x120xi32, #tpu.memory_space<vmem>>
        %dma_wait3A_505 = tpu.memref_squeeze %dma_wait3A_504 : memref<1x1x120xi32, #tpu.memory_space<vmem>> -> memref<120xi32, #tpu.memory_space<vmem>>
        %dma_wait3A_506 = arith.constant 0 : i32
        %dma_wait3A_507 = tpu.memref_slice %arg3[%dma_wait3A_506] : memref<322560xi32, #tpu.memory_space<hbm>> -> memref<120xi32, #tpu.memory_space<hbm>>
        tpu.wait_dma2 semaphore(%arg14 : memref<!tpu.dma_semaphore, #tpu.memory_space<semaphore_mem>>) src(%dma_wait3A_507 : memref<120xi32, #tpu.memory_space<hbm>>) dst(%dma_wait3A_505 : memref<120xi32, #tpu.memory_space<vmem>>)
        %dma_wait3A_508 = arith.constant 4 : i32
        %dma_wait3A_509 = arith.constant 1 : i32
        %dma_wait3A_510 = arith.constant 0 : i32
        %dma_wait3A_511 = tpu.memref_slice %arg8[%dma_wait3A_508, %dma_wait3A_509, %dma_wait3A_510] : memref<6x2x120xi32, #tpu.memory_space<vmem>> -> memref<1x1x120xi32, #tpu.memory_space<vmem>>
        %dma_wait3A_512 = tpu.memref_squeeze %dma_wait3A_511 : memref<1x1x120xi32, #tpu.memory_space<vmem>> -> memref<120xi32, #tpu.memory_space<vmem>>
        %dma_wait3A_513 = arith.constant 0 : i32
        %dma_wait3A_514 = tpu.memref_slice %arg4[%dma_wait3A_513] : memref<322560xi32, #tpu.memory_space<hbm>> -> memref<120xi32, #tpu.memory_space<hbm>>
        %dma_wait3A_515 = arith.constant 0 : i32
        %dma_wait3A_516 = tpu.memref_slice %arg8[%dma_wait3A_508, %dma_wait3A_509, %dma_wait3A_515] : memref<6x2x120xi32, #tpu.memory_space<vmem>> -> memref<1x1x120xi32, #tpu.memory_space<vmem>>
        %dma_wait3A_517 = tpu.memref_squeeze %dma_wait3A_516 : memref<1x1x120xi32, #tpu.memory_space<vmem>> -> memref<120xi32, #tpu.memory_space<vmem>>
        %dma_wait3A_518 = arith.constant 0 : i32
        %dma_wait3A_519 = tpu.memref_slice %arg4[%dma_wait3A_518] : memref<322560xi32, #tpu.memory_space<hbm>> -> memref<120xi32, #tpu.memory_space<hbm>>
        tpu.wait_dma2 semaphore(%arg14 : memref<!tpu.dma_semaphore, #tpu.memory_space<semaphore_mem>>) src(%dma_wait3A_519 : memref<120xi32, #tpu.memory_space<hbm>>) dst(%dma_wait3A_517 : memref<120xi32, #tpu.memory_space<vmem>>)
        %dma_start3A_520 = arith.constant 4 : i32
        %dma_start3A_521 = arith.constant 0 : i32
        %dma_start3A_522 = arith.constant 1 : i32
        %dma_start3A_523 = arith.constant 0 : i32
        %dma_start3A_524 = arith.constant 0 : i32
        %dma_start3A_525 = tpu.memref_slice %arg9[%dma_start3A_522, %dma_start3A_523, %dma_start3A_524] : memref<3x120x128xf32, #tpu.memory_space<vmem>> -> memref<1x120x128xf32, #tpu.memory_space<vmem>>
        %dma_start3A_526 = tpu.memref_squeeze %dma_start3A_525 : memref<1x120x128xf32, #tpu.memory_space<vmem>> -> memref<120x128xf32, #tpu.memory_space<vmem>>
        %dma_start3A_527 = arith.constant 0 : i32
        %dma_start3A_528 = tpu.memref_slice %arg8[%dma_start3A_520, %dma_start3A_521, %dma_start3A_527] : memref<6x2x120xi32, #tpu.memory_space<vmem>> -> memref<1x1x120xi32, #tpu.memory_space<vmem>>
        %dma_start3A_529 = tpu.memref_squeeze %dma_start3A_528 : memref<1x1x120xi32, #tpu.memory_space<vmem>> -> memref<120xi32, #tpu.memory_space<vmem>>
        %dma_start3A_530 = arith.constant 0 : i32
        %dma_start3A_531 = arith.constant 0 : i32
        %dma_start3A_532 = tpu.memref_slice %arg2[%dma_start3A_530, %dma_start3A_531] : memref<10000x128xf32, #tpu.memory_space<hbm>> -> memref<10000x128xf32, #tpu.memory_space<hbm>>
        tpu.enqueue_indirect_dma source(%dma_start3A_532 : memref<10000x128xf32, #tpu.memory_space<hbm>>) target(%dma_start3A_526 : memref<120x128xf32, #tpu.memory_space<vmem>>) offsets(%dma_start3A_529 : memref<120xi32, #tpu.memory_space<vmem>>) semaphore(%arg17 : memref<!tpu.dma_semaphore, #tpu.memory_space<semaphore_mem>>)
      } else {
      }
      %dma_wait3A_366 = arith.constant 0 : i32
      %dma_wait3A_367 = arith.constant 0 : i32
      %dma_wait3A_368 = arith.constant 0 : i32
      %dma_wait3A_369 = tpu.memref_slice %arg9[%dma_wait3A_366, %dma_wait3A_367, %dma_wait3A_368] : memref<3x120x128xf32, #tpu.memory_space<vmem>> -> memref<1x120x128xf32, #tpu.memory_space<vmem>>
      %dma_wait3A_370 = tpu.memref_squeeze %dma_wait3A_369 : memref<1x120x128xf32, #tpu.memory_space<vmem>> -> memref<120x128xf32, #tpu.memory_space<vmem>>
      %dma_wait3A_371 = arith.constant 0 : i32
      %dma_wait3A_372 = arith.constant 0 : i32
      %dma_wait3A_373 = tpu.memref_slice %arg2[%dma_wait3A_371, %dma_wait3A_372] : memref<10000x128xf32, #tpu.memory_space<hbm>> -> memref<120x128xf32, #tpu.memory_space<hbm>>
      %dma_wait3A_374 = arith.constant 0 : i32
      %dma_wait3A_375 = arith.constant 0 : i32
      %dma_wait3A_376 = tpu.memref_slice %arg9[%dma_wait3A_366, %dma_wait3A_374, %dma_wait3A_375] : memref<3x120x128xf32, #tpu.memory_space<vmem>> -> memref<1x120x128xf32, #tpu.memory_space<vmem>>
      %dma_wait3A_377 = tpu.memref_squeeze %dma_wait3A_376 : memref<1x120x128xf32, #tpu.memory_space<vmem>> -> memref<120x128xf32, #tpu.memory_space<vmem>>
      %dma_wait3A_378 = arith.constant 0 : i32
      %dma_wait3A_379 = arith.constant 0 : i32
      %dma_wait3A_380 = tpu.memref_slice %arg2[%dma_wait3A_378, %dma_wait3A_379] : memref<10000x128xf32, #tpu.memory_space<hbm>> -> memref<120x128xf32, #tpu.memory_space<hbm>>
      tpu.wait_dma2 semaphore(%arg16 : memref<!tpu.dma_semaphore, #tpu.memory_space<semaphore_mem>>) src(%dma_wait3A_380 : memref<120x128xf32, #tpu.memory_space<hbm>>) dst(%dma_wait3A_377 : memref<120x128xf32, #tpu.memory_space<vmem>>)
      %dma_start3A_381 = arith.constant 0 : i32
      %dma_start3A_382 = arith.constant 3 : i32
      %dma_start3A_383 = arith.constant 1 : i32
      %dma_start3A_384 = arith.constant 0 : i32
      %dma_start3A_385 = arith.constant 0 : i32
      %dma_start3A_386 = tpu.memref_slice %arg9[%dma_start3A_381, %dma_start3A_384, %dma_start3A_385] : memref<3x120x128xf32, #tpu.memory_space<vmem>> -> memref<1x120x128xf32, #tpu.memory_space<vmem>>
      %dma_start3A_387 = tpu.memref_squeeze %dma_start3A_386 : memref<1x120x128xf32, #tpu.memory_space<vmem>> -> memref<120x128xf32, #tpu.memory_space<vmem>>
      %dma_start3A_388 = arith.constant 0 : i32
      %dma_start3A_389 = tpu.memref_slice %arg8[%dma_start3A_382, %dma_start3A_383, %dma_start3A_388] : memref<6x2x120xi32, #tpu.memory_space<vmem>> -> memref<1x1x120xi32, #tpu.memory_space<vmem>>
      %dma_start3A_390 = tpu.memref_squeeze %dma_start3A_389 : memref<1x1x120xi32, #tpu.memory_space<vmem>> -> memref<120xi32, #tpu.memory_space<vmem>>
      %dma_start3A_391 = arith.constant 0 : i32
      %dma_start3A_392 = arith.constant 0 : i32
      %dma_start3A_393 = tpu.memref_slice %arg7[%dma_start3A_391, %dma_start3A_392] : memref<10008x128xf32, #tpu.memory_space<vmem_shared>> -> memref<10008x128xf32, #tpu.memory_space<vmem_shared>>
      tpu.enqueue_indirect_dma source(%dma_start3A_387 : memref<120x128xf32, #tpu.memory_space<vmem>>) target(%dma_start3A_393 : memref<10008x128xf32, #tpu.memory_space<vmem_shared>>) offsets(%dma_start3A_390 : memref<120xi32, #tpu.memory_space<vmem>>) semaphore(%arg19 : memref<!tpu.dma_semaphore, #tpu.memory_space<semaphore_mem>>) {add = true}
      %mul3A_394 = arith.constant 6 : i32
      %mul3A_395 = arith.muli %scan3A_190, %mul3A_394 : i32
      %add3A_396 = arith.constant 4 : i32
      %add3A_397 = arith.addi %mul3A_395, %add3A_396 : i32
      %ge3A_398 = arith.constant 2 : i32
      %ge3A_399 = arith.cmpi sge, %add3A_397, %ge3A_398 : i32
      %convert_element_type3A_400 = arith.extui %ge3A_399 : i1 to i32
      %cond3A_401 = arith.constant 0 : i32
      %cond3A_402 = arith.cmpi ne, %convert_element_type3A_400, %cond3A_401 : i32
      scf.if %cond3A_402 {
        %dma_wait3A_496 = arith.constant 2 : i32
        %dma_wait3A_497 = arith.constant 0 : i32
        %dma_wait3A_498 = arith.constant 0 : i32
        %dma_wait3A_499 = tpu.memref_slice %arg9[%dma_wait3A_496, %dma_wait3A_497, %dma_wait3A_498] : memref<3x120x128xf32, #tpu.memory_space<vmem>> -> memref<1x120x128xf32, #tpu.memory_space<vmem>>
        %dma_wait3A_500 = tpu.memref_squeeze %dma_wait3A_499 : memref<1x120x128xf32, #tpu.memory_space<vmem>> -> memref<120x128xf32, #tpu.memory_space<vmem>>
        %dma_wait3A_501 = arith.constant 0 : i32
        %dma_wait3A_502 = arith.constant 0 : i32
        %dma_wait3A_503 = tpu.memref_slice %arg7[%dma_wait3A_501, %dma_wait3A_502] : memref<10008x128xf32, #tpu.memory_space<vmem_shared>> -> memref<120x128xf32, #tpu.memory_space<vmem_shared>>
        %dma_wait3A_504 = arith.constant 0 : i32
        %dma_wait3A_505 = arith.constant 0 : i32
        %dma_wait3A_506 = tpu.memref_slice %arg7[%dma_wait3A_504, %dma_wait3A_505] : memref<10008x128xf32, #tpu.memory_space<vmem_shared>> -> memref<120x128xf32, #tpu.memory_space<vmem_shared>>
        %dma_wait3A_507 = arith.constant 0 : i32
        %dma_wait3A_508 = arith.constant 0 : i32
        %dma_wait3A_509 = tpu.memref_slice %arg9[%dma_wait3A_496, %dma_wait3A_507, %dma_wait3A_508] : memref<3x120x128xf32, #tpu.memory_space<vmem>> -> memref<1x120x128xf32, #tpu.memory_space<vmem>>
        %dma_wait3A_510 = tpu.memref_squeeze %dma_wait3A_509 : memref<1x120x128xf32, #tpu.memory_space<vmem>> -> memref<120x128xf32, #tpu.memory_space<vmem>>
        tpu.wait_dma2 semaphore(%arg21 : memref<!tpu.dma_semaphore, #tpu.memory_space<semaphore_mem>>) src(%dma_wait3A_510 : memref<120x128xf32, #tpu.memory_space<vmem>>) dst(%dma_wait3A_506 : memref<120x128xf32, #tpu.memory_space<vmem_shared>>)
      } else {
      }
      %add3A_403 = arith.constant 4 : i32
      %add3A_404 = arith.addi %add3A_397, %add3A_403 : i32
      %lt3A_405 = arith.constant 84 : i32
      %lt3A_406 = arith.cmpi slt, %add3A_404, %lt3A_405 : i32
      %convert_element_type3A_407 = arith.extui %lt3A_406 : i1 to i32
      %cond3A_408 = arith.constant 0 : i32
      %cond3A_409 = arith.cmpi ne, %convert_element_type3A_407, %cond3A_408 : i32
      scf.if %cond3A_409 {
        %add3A_496 = arith.constant 4 : i32
        %add3A_497 = arith.addi %add3A_397, %add3A_496 : i32
        %mul3A_498 = arith.constant 32 : i32
        %mul3A_499 = arith.muli %add3A_497, %mul3A_498 : i32
        %add3A_500 = arith.addi %add3A, %mul3A_499 : i32
        %mul3A_501 = arith.constant 120 : i32
        %mul3A_502 = arith.muli %add3A_500, %mul3A_501 : i32
        %multiple_of3A_503 = tpu.assume_multiple %mul3A_502, 8 : i32
        %dma_start3A_504 = arith.constant 2 : i32
        %dma_start3A_505 = arith.constant 0 : i32
        %dma_start3A_506 = arith.constant 0 : i32
        %dma_start3A_507 = tpu.memref_slice %arg8[%dma_start3A_504, %dma_start3A_505, %dma_start3A_506] : memref<6x2x120xi32, #tpu.memory_space<vmem>> -> memref<1x1x120xi32, #tpu.memory_space<vmem>>
        %dma_start3A_508 = tpu.memref_squeeze %dma_start3A_507 : memref<1x1x120xi32, #tpu.memory_space<vmem>> -> memref<120xi32, #tpu.memory_space<vmem>>
        %dma_start3A_509 = tpu.memref_slice %arg3[%multiple_of3A_503] : memref<322560xi32, #tpu.memory_space<hbm>> -> memref<120xi32, #tpu.memory_space<hbm>>
        %dma_start3A_510 = arith.constant 0 : i32
        %dma_start3A_511 = tpu.memref_slice %arg8[%dma_start3A_504, %dma_start3A_505, %dma_start3A_510] : memref<6x2x120xi32, #tpu.memory_space<vmem>> -> memref<1x1x120xi32, #tpu.memory_space<vmem>>
        %dma_start3A_512 = tpu.memref_squeeze %dma_start3A_511 : memref<1x1x120xi32, #tpu.memory_space<vmem>> -> memref<120xi32, #tpu.memory_space<vmem>>
        %dma_start3A_513 = tpu.memref_slice %arg3[%multiple_of3A_503] : memref<322560xi32, #tpu.memory_space<hbm>> -> memref<120xi32, #tpu.memory_space<hbm>>
        tpu.enqueue_dma source(%dma_start3A_513 : memref<120xi32, #tpu.memory_space<hbm>>) target(%dma_start3A_512 : memref<120xi32, #tpu.memory_space<vmem>>) target_semaphore(%arg12 : memref<!tpu.dma_semaphore, #tpu.memory_space<semaphore_mem>>)
        %dma_start3A_514 = arith.constant 2 : i32
        %dma_start3A_515 = arith.constant 1 : i32
        %dma_start3A_516 = arith.constant 0 : i32
        %dma_start3A_517 = tpu.memref_slice %arg8[%dma_start3A_514, %dma_start3A_515, %dma_start3A_516] : memref<6x2x120xi32, #tpu.memory_space<vmem>> -> memref<1x1x120xi32, #tpu.memory_space<vmem>>
        %dma_start3A_518 = tpu.memref_squeeze %dma_start3A_517 : memref<1x1x120xi32, #tpu.memory_space<vmem>> -> memref<120xi32, #tpu.memory_space<vmem>>
        %dma_start3A_519 = tpu.memref_slice %arg4[%multiple_of3A_503] : memref<322560xi32, #tpu.memory_space<hbm>> -> memref<120xi32, #tpu.memory_space<hbm>>
        %dma_start3A_520 = arith.constant 0 : i32
        %dma_start3A_521 = tpu.memref_slice %arg8[%dma_start3A_514, %dma_start3A_515, %dma_start3A_520] : memref<6x2x120xi32, #tpu.memory_space<vmem>> -> memref<1x1x120xi32, #tpu.memory_space<vmem>>
        %dma_start3A_522 = tpu.memref_squeeze %dma_start3A_521 : memref<1x1x120xi32, #tpu.memory_space<vmem>> -> memref<120xi32, #tpu.memory_space<vmem>>
        %dma_start3A_523 = tpu.memref_slice %arg4[%multiple_of3A_503] : memref<322560xi32, #tpu.memory_space<hbm>> -> memref<120xi32, #tpu.memory_space<hbm>>
        tpu.enqueue_dma source(%dma_start3A_523 : memref<120xi32, #tpu.memory_space<hbm>>) target(%dma_start3A_522 : memref<120xi32, #tpu.memory_space<vmem>>) target_semaphore(%arg12 : memref<!tpu.dma_semaphore, #tpu.memory_space<semaphore_mem>>)
      } else {
      }
      %add3A_410 = arith.constant 1 : i32
      %add3A_411 = arith.addi %add3A_397, %add3A_410 : i32
      %lt3A_412 = arith.constant 84 : i32
      %lt3A_413 = arith.cmpi slt, %add3A_411, %lt3A_412 : i32
      %convert_element_type3A_414 = arith.extui %lt3A_413 : i1 to i32
      %cond3A_415 = arith.constant 0 : i32
      %cond3A_416 = arith.cmpi ne, %convert_element_type3A_414, %cond3A_415 : i32
      scf.if %cond3A_416 {
        %dma_wait3A_496 = arith.constant 5 : i32
        %dma_wait3A_497 = arith.constant 0 : i32
        %dma_wait3A_498 = arith.constant 0 : i32
        %dma_wait3A_499 = tpu.memref_slice %arg8[%dma_wait3A_496, %dma_wait3A_497, %dma_wait3A_498] : memref<6x2x120xi32, #tpu.memory_space<vmem>> -> memref<1x1x120xi32, #tpu.memory_space<vmem>>
        %dma_wait3A_500 = tpu.memref_squeeze %dma_wait3A_499 : memref<1x1x120xi32, #tpu.memory_space<vmem>> -> memref<120xi32, #tpu.memory_space<vmem>>
        %dma_wait3A_501 = arith.constant 0 : i32
        %dma_wait3A_502 = tpu.memref_slice %arg3[%dma_wait3A_501] : memref<322560xi32, #tpu.memory_space<hbm>> -> memref<120xi32, #tpu.memory_space<hbm>>
        %dma_wait3A_503 = arith.constant 0 : i32
        %dma_wait3A_504 = tpu.memref_slice %arg8[%dma_wait3A_496, %dma_wait3A_497, %dma_wait3A_503] : memref<6x2x120xi32, #tpu.memory_space<vmem>> -> memref<1x1x120xi32, #tpu.memory_space<vmem>>
        %dma_wait3A_505 = tpu.memref_squeeze %dma_wait3A_504 : memref<1x1x120xi32, #tpu.memory_space<vmem>> -> memref<120xi32, #tpu.memory_space<vmem>>
        %dma_wait3A_506 = arith.constant 0 : i32
        %dma_wait3A_507 = tpu.memref_slice %arg3[%dma_wait3A_506] : memref<322560xi32, #tpu.memory_space<hbm>> -> memref<120xi32, #tpu.memory_space<hbm>>
        tpu.wait_dma2 semaphore(%arg15 : memref<!tpu.dma_semaphore, #tpu.memory_space<semaphore_mem>>) src(%dma_wait3A_507 : memref<120xi32, #tpu.memory_space<hbm>>) dst(%dma_wait3A_505 : memref<120xi32, #tpu.memory_space<vmem>>)
        %dma_wait3A_508 = arith.constant 5 : i32
        %dma_wait3A_509 = arith.constant 1 : i32
        %dma_wait3A_510 = arith.constant 0 : i32
        %dma_wait3A_511 = tpu.memref_slice %arg8[%dma_wait3A_508, %dma_wait3A_509, %dma_wait3A_510] : memref<6x2x120xi32, #tpu.memory_space<vmem>> -> memref<1x1x120xi32, #tpu.memory_space<vmem>>
        %dma_wait3A_512 = tpu.memref_squeeze %dma_wait3A_511 : memref<1x1x120xi32, #tpu.memory_space<vmem>> -> memref<120xi32, #tpu.memory_space<vmem>>
        %dma_wait3A_513 = arith.constant 0 : i32
        %dma_wait3A_514 = tpu.memref_slice %arg4[%dma_wait3A_513] : memref<322560xi32, #tpu.memory_space<hbm>> -> memref<120xi32, #tpu.memory_space<hbm>>
        %dma_wait3A_515 = arith.constant 0 : i32
        %dma_wait3A_516 = tpu.memref_slice %arg8[%dma_wait3A_508, %dma_wait3A_509, %dma_wait3A_515] : memref<6x2x120xi32, #tpu.memory_space<vmem>> -> memref<1x1x120xi32, #tpu.memory_space<vmem>>
        %dma_wait3A_517 = tpu.memref_squeeze %dma_wait3A_516 : memref<1x1x120xi32, #tpu.memory_space<vmem>> -> memref<120xi32, #tpu.memory_space<vmem>>
        %dma_wait3A_518 = arith.constant 0 : i32
        %dma_wait3A_519 = tpu.memref_slice %arg4[%dma_wait3A_518] : memref<322560xi32, #tpu.memory_space<hbm>> -> memref<120xi32, #tpu.memory_space<hbm>>
        tpu.wait_dma2 semaphore(%arg15 : memref<!tpu.dma_semaphore, #tpu.memory_space<semaphore_mem>>) src(%dma_wait3A_519 : memref<120xi32, #tpu.memory_space<hbm>>) dst(%dma_wait3A_517 : memref<120xi32, #tpu.memory_space<vmem>>)
        %dma_start3A_520 = arith.constant 5 : i32
        %dma_start3A_521 = arith.constant 0 : i32
        %dma_start3A_522 = arith.constant 2 : i32
        %dma_start3A_523 = arith.constant 0 : i32
        %dma_start3A_524 = arith.constant 0 : i32
        %dma_start3A_525 = tpu.memref_slice %arg9[%dma_start3A_522, %dma_start3A_523, %dma_start3A_524] : memref<3x120x128xf32, #tpu.memory_space<vmem>> -> memref<1x120x128xf32, #tpu.memory_space<vmem>>
        %dma_start3A_526 = tpu.memref_squeeze %dma_start3A_525 : memref<1x120x128xf32, #tpu.memory_space<vmem>> -> memref<120x128xf32, #tpu.memory_space<vmem>>
        %dma_start3A_527 = arith.constant 0 : i32
        %dma_start3A_528 = tpu.memref_slice %arg8[%dma_start3A_520, %dma_start3A_521, %dma_start3A_527] : memref<6x2x120xi32, #tpu.memory_space<vmem>> -> memref<1x1x120xi32, #tpu.memory_space<vmem>>
        %dma_start3A_529 = tpu.memref_squeeze %dma_start3A_528 : memref<1x1x120xi32, #tpu.memory_space<vmem>> -> memref<120xi32, #tpu.memory_space<vmem>>
        %dma_start3A_530 = arith.constant 0 : i32
        %dma_start3A_531 = arith.constant 0 : i32
        %dma_start3A_532 = tpu.memref_slice %arg2[%dma_start3A_530, %dma_start3A_531] : memref<10000x128xf32, #tpu.memory_space<hbm>> -> memref<10000x128xf32, #tpu.memory_space<hbm>>
        tpu.enqueue_indirect_dma source(%dma_start3A_532 : memref<10000x128xf32, #tpu.memory_space<hbm>>) target(%dma_start3A_526 : memref<120x128xf32, #tpu.memory_space<vmem>>) offsets(%dma_start3A_529 : memref<120xi32, #tpu.memory_space<vmem>>) semaphore(%arg18 : memref<!tpu.dma_semaphore, #tpu.memory_space<semaphore_mem>>)
      } else {
      }
      %dma_wait3A_417 = arith.constant 1 : i32
      %dma_wait3A_418 = arith.constant 0 : i32
      %dma_wait3A_419 = arith.constant 0 : i32
      %dma_wait3A_420 = tpu.memref_slice %arg9[%dma_wait3A_417, %dma_wait3A_418, %dma_wait3A_419] : memref<3x120x128xf32, #tpu.memory_space<vmem>> -> memref<1x120x128xf32, #tpu.memory_space<vmem>>
      %dma_wait3A_421 = tpu.memref_squeeze %dma_wait3A_420 : memref<1x120x128xf32, #tpu.memory_space<vmem>> -> memref<120x128xf32, #tpu.memory_space<vmem>>
      %dma_wait3A_422 = arith.constant 0 : i32
      %dma_wait3A_423 = arith.constant 0 : i32
      %dma_wait3A_424 = tpu.memref_slice %arg2[%dma_wait3A_422, %dma_wait3A_423] : memref<10000x128xf32, #tpu.memory_space<hbm>> -> memref<120x128xf32, #tpu.memory_space<hbm>>
      %dma_wait3A_425 = arith.constant 0 : i32
      %dma_wait3A_426 = arith.constant 0 : i32
      %dma_wait3A_427 = tpu.memref_slice %arg9[%dma_wait3A_417, %dma_wait3A_425, %dma_wait3A_426] : memref<3x120x128xf32, #tpu.memory_space<vmem>> -> memref<1x120x128xf32, #tpu.memory_space<vmem>>
      %dma_wait3A_428 = tpu.memref_squeeze %dma_wait3A_427 : memref<1x120x128xf32, #tpu.memory_space<vmem>> -> memref<120x128xf32, #tpu.memory_space<vmem>>
      %dma_wait3A_429 = arith.constant 0 : i32
      %dma_wait3A_430 = arith.constant 0 : i32
      %dma_wait3A_431 = tpu.memref_slice %arg2[%dma_wait3A_429, %dma_wait3A_430] : memref<10000x128xf32, #tpu.memory_space<hbm>> -> memref<120x128xf32, #tpu.memory_space<hbm>>
      tpu.wait_dma2 semaphore(%arg17 : memref<!tpu.dma_semaphore, #tpu.memory_space<semaphore_mem>>) src(%dma_wait3A_431 : memref<120x128xf32, #tpu.memory_space<hbm>>) dst(%dma_wait3A_428 : memref<120x128xf32, #tpu.memory_space<vmem>>)
      %dma_start3A_432 = arith.constant 1 : i32
      %dma_start3A_433 = arith.constant 4 : i32
      %dma_start3A_434 = arith.constant 1 : i32
      %dma_start3A_435 = arith.constant 0 : i32
      %dma_start3A_436 = arith.constant 0 : i32
      %dma_start3A_437 = tpu.memref_slice %arg9[%dma_start3A_432, %dma_start3A_435, %dma_start3A_436] : memref<3x120x128xf32, #tpu.memory_space<vmem>> -> memref<1x120x128xf32, #tpu.memory_space<vmem>>
      %dma_start3A_438 = tpu.memref_squeeze %dma_start3A_437 : memref<1x120x128xf32, #tpu.memory_space<vmem>> -> memref<120x128xf32, #tpu.memory_space<vmem>>
      %dma_start3A_439 = arith.constant 0 : i32
      %dma_start3A_440 = tpu.memref_slice %arg8[%dma_start3A_433, %dma_start3A_434, %dma_start3A_439] : memref<6x2x120xi32, #tpu.memory_space<vmem>> -> memref<1x1x120xi32, #tpu.memory_space<vmem>>
      %dma_start3A_441 = tpu.memref_squeeze %dma_start3A_440 : memref<1x1x120xi32, #tpu.memory_space<vmem>> -> memref<120xi32, #tpu.memory_space<vmem>>
      %dma_start3A_442 = arith.constant 0 : i32
      %dma_start3A_443 = arith.constant 0 : i32
      %dma_start3A_444 = tpu.memref_slice %arg7[%dma_start3A_442, %dma_start3A_443] : memref<10008x128xf32, #tpu.memory_space<vmem_shared>> -> memref<10008x128xf32, #tpu.memory_space<vmem_shared>>
      tpu.enqueue_indirect_dma source(%dma_start3A_438 : memref<120x128xf32, #tpu.memory_space<vmem>>) target(%dma_start3A_444 : memref<10008x128xf32, #tpu.memory_space<vmem_shared>>) offsets(%dma_start3A_441 : memref<120xi32, #tpu.memory_space<vmem>>) semaphore(%arg20 : memref<!tpu.dma_semaphore, #tpu.memory_space<semaphore_mem>>) {add = true}
      %mul3A_445 = arith.constant 6 : i32
      %mul3A_446 = arith.muli %scan3A_190, %mul3A_445 : i32
      %add3A_447 = arith.constant 5 : i32
      %add3A_448 = arith.addi %mul3A_446, %add3A_447 : i32
      %ge3A_449 = arith.constant 2 : i32
      %ge3A_450 = arith.cmpi sge, %add3A_448, %ge3A_449 : i32
      %convert_element_type3A_451 = arith.extui %ge3A_450 : i1 to i32
      %cond3A_452 = arith.constant 0 : i32
      %cond3A_453 = arith.cmpi ne, %convert_element_type3A_451, %cond3A_452 : i32
      scf.if %cond3A_453 {
        %dma_wait3A_496 = arith.constant 0 : i32
        %dma_wait3A_497 = arith.constant 0 : i32
        %dma_wait3A_498 = arith.constant 0 : i32
        %dma_wait3A_499 = tpu.memref_slice %arg9[%dma_wait3A_496, %dma_wait3A_497, %dma_wait3A_498] : memref<3x120x128xf32, #tpu.memory_space<vmem>> -> memref<1x120x128xf32, #tpu.memory_space<vmem>>
        %dma_wait3A_500 = tpu.memref_squeeze %dma_wait3A_499 : memref<1x120x128xf32, #tpu.memory_space<vmem>> -> memref<120x128xf32, #tpu.memory_space<vmem>>
        %dma_wait3A_501 = arith.constant 0 : i32
        %dma_wait3A_502 = arith.constant 0 : i32
        %dma_wait3A_503 = tpu.memref_slice %arg7[%dma_wait3A_501, %dma_wait3A_502] : memref<10008x128xf32, #tpu.memory_space<vmem_shared>> -> memref<120x128xf32, #tpu.memory_space<vmem_shared>>
        %dma_wait3A_504 = arith.constant 0 : i32
        %dma_wait3A_505 = arith.constant 0 : i32
        %dma_wait3A_506 = tpu.memref_slice %arg7[%dma_wait3A_504, %dma_wait3A_505] : memref<10008x128xf32, #tpu.memory_space<vmem_shared>> -> memref<120x128xf32, #tpu.memory_space<vmem_shared>>
        %dma_wait3A_507 = arith.constant 0 : i32
        %dma_wait3A_508 = arith.constant 0 : i32
        %dma_wait3A_509 = tpu.memref_slice %arg9[%dma_wait3A_496, %dma_wait3A_507, %dma_wait3A_508] : memref<3x120x128xf32, #tpu.memory_space<vmem>> -> memref<1x120x128xf32, #tpu.memory_space<vmem>>
        %dma_wait3A_510 = tpu.memref_squeeze %dma_wait3A_509 : memref<1x120x128xf32, #tpu.memory_space<vmem>> -> memref<120x128xf32, #tpu.memory_space<vmem>>
        tpu.wait_dma2 semaphore(%arg19 : memref<!tpu.dma_semaphore, #tpu.memory_space<semaphore_mem>>) src(%dma_wait3A_510 : memref<120x128xf32, #tpu.memory_space<vmem>>) dst(%dma_wait3A_506 : memref<120x128xf32, #tpu.memory_space<vmem_shared>>)
      } else {
      }
      %add3A_454 = arith.constant 4 : i32
      %add3A_455 = arith.addi %add3A_448, %add3A_454 : i32
      %lt3A_456 = arith.constant 84 : i32
      %lt3A_457 = arith.cmpi slt, %add3A_455, %lt3A_456 : i32
      %convert_element_type3A_458 = arith.extui %lt3A_457 : i1 to i32
      %cond3A_459 = arith.constant 0 : i32
      %cond3A_460 = arith.cmpi ne, %convert_element_type3A_458, %cond3A_459 : i32
      scf.if %cond3A_460 {
        %add3A_496 = arith.constant 4 : i32
        %add3A_497 = arith.addi %add3A_448, %add3A_496 : i32
        %mul3A_498 = arith.constant 32 : i32
        %mul3A_499 = arith.muli %add3A_497, %mul3A_498 : i32
        %add3A_500 = arith.addi %add3A, %mul3A_499 : i32
        %mul3A_501 = arith.constant 120 : i32
        %mul3A_502 = arith.muli %add3A_500, %mul3A_501 : i32
        %multiple_of3A_503 = tpu.assume_multiple %mul3A_502, 8 : i32
        %dma_start3A_504 = arith.constant 3 : i32
        %dma_start3A_505 = arith.constant 0 : i32
        %dma_start3A_506 = arith.constant 0 : i32
        %dma_start3A_507 = tpu.memref_slice %arg8[%dma_start3A_504, %dma_start3A_505, %dma_start3A_506] : memref<6x2x120xi32, #tpu.memory_space<vmem>> -> memref<1x1x120xi32, #tpu.memory_space<vmem>>
        %dma_start3A_508 = tpu.memref_squeeze %dma_start3A_507 : memref<1x1x120xi32, #tpu.memory_space<vmem>> -> memref<120xi32, #tpu.memory_space<vmem>>
        %dma_start3A_509 = tpu.memref_slice %arg3[%multiple_of3A_503] : memref<322560xi32, #tpu.memory_space<hbm>> -> memref<120xi32, #tpu.memory_space<hbm>>
        %dma_start3A_510 = arith.constant 0 : i32
        %dma_start3A_511 = tpu.memref_slice %arg8[%dma_start3A_504, %dma_start3A_505, %dma_start3A_510] : memref<6x2x120xi32, #tpu.memory_space<vmem>> -> memref<1x1x120xi32, #tpu.memory_space<vmem>>
        %dma_start3A_512 = tpu.memref_squeeze %dma_start3A_511 : memref<1x1x120xi32, #tpu.memory_space<vmem>> -> memref<120xi32, #tpu.memory_space<vmem>>
        %dma_start3A_513 = tpu.memref_slice %arg3[%multiple_of3A_503] : memref<322560xi32, #tpu.memory_space<hbm>> -> memref<120xi32, #tpu.memory_space<hbm>>
        tpu.enqueue_dma source(%dma_start3A_513 : memref<120xi32, #tpu.memory_space<hbm>>) target(%dma_start3A_512 : memref<120xi32, #tpu.memory_space<vmem>>) target_semaphore(%arg13 : memref<!tpu.dma_semaphore, #tpu.memory_space<semaphore_mem>>)
        %dma_start3A_514 = arith.constant 3 : i32
        %dma_start3A_515 = arith.constant 1 : i32
        %dma_start3A_516 = arith.constant 0 : i32
        %dma_start3A_517 = tpu.memref_slice %arg8[%dma_start3A_514, %dma_start3A_515, %dma_start3A_516] : memref<6x2x120xi32, #tpu.memory_space<vmem>> -> memref<1x1x120xi32, #tpu.memory_space<vmem>>
        %dma_start3A_518 = tpu.memref_squeeze %dma_start3A_517 : memref<1x1x120xi32, #tpu.memory_space<vmem>> -> memref<120xi32, #tpu.memory_space<vmem>>
        %dma_start3A_519 = tpu.memref_slice %arg4[%multiple_of3A_503] : memref<322560xi32, #tpu.memory_space<hbm>> -> memref<120xi32, #tpu.memory_space<hbm>>
        %dma_start3A_520 = arith.constant 0 : i32
        %dma_start3A_521 = tpu.memref_slice %arg8[%dma_start3A_514, %dma_start3A_515, %dma_start3A_520] : memref<6x2x120xi32, #tpu.memory_space<vmem>> -> memref<1x1x120xi32, #tpu.memory_space<vmem>>
        %dma_start3A_522 = tpu.memref_squeeze %dma_start3A_521 : memref<1x1x120xi32, #tpu.memory_space<vmem>> -> memref<120xi32, #tpu.memory_space<vmem>>
        %dma_start3A_523 = tpu.memref_slice %arg4[%multiple_of3A_503] : memref<322560xi32, #tpu.memory_space<hbm>> -> memref<120xi32, #tpu.memory_space<hbm>>
        tpu.enqueue_dma source(%dma_start3A_523 : memref<120xi32, #tpu.memory_space<hbm>>) target(%dma_start3A_522 : memref<120xi32, #tpu.memory_space<vmem>>) target_semaphore(%arg13 : memref<!tpu.dma_semaphore, #tpu.memory_space<semaphore_mem>>)
      } else {
      }
      %add3A_461 = arith.constant 1 : i32
      %add3A_462 = arith.addi %add3A_448, %add3A_461 : i32
      %lt3A_463 = arith.constant 84 : i32
      %lt3A_464 = arith.cmpi slt, %add3A_462, %lt3A_463 : i32
      %convert_element_type3A_465 = arith.extui %lt3A_464 : i1 to i32
      %cond3A_466 = arith.constant 0 : i32
      %cond3A_467 = arith.cmpi ne, %convert_element_type3A_465, %cond3A_466 : i32
      scf.if %cond3A_467 {
        %dma_wait3A_496 = arith.constant 0 : i32
        %dma_wait3A_497 = arith.constant 0 : i32
        %dma_wait3A_498 = arith.constant 0 : i32
        %dma_wait3A_499 = tpu.memref_slice %arg8[%dma_wait3A_496, %dma_wait3A_497, %dma_wait3A_498] : memref<6x2x120xi32, #tpu.memory_space<vmem>> -> memref<1x1x120xi32, #tpu.memory_space<vmem>>
        %dma_wait3A_500 = tpu.memref_squeeze %dma_wait3A_499 : memref<1x1x120xi32, #tpu.memory_space<vmem>> -> memref<120xi32, #tpu.memory_space<vmem>>
        %dma_wait3A_501 = arith.constant 0 : i32
        %dma_wait3A_502 = tpu.memref_slice %arg3[%dma_wait3A_501] : memref<322560xi32, #tpu.memory_space<hbm>> -> memref<120xi32, #tpu.memory_space<hbm>>
        %dma_wait3A_503 = arith.constant 0 : i32
        %dma_wait3A_504 = tpu.memref_slice %arg8[%dma_wait3A_496, %dma_wait3A_497, %dma_wait3A_503] : memref<6x2x120xi32, #tpu.memory_space<vmem>> -> memref<1x1x120xi32, #tpu.memory_space<vmem>>
        %dma_wait3A_505 = tpu.memref_squeeze %dma_wait3A_504 : memref<1x1x120xi32, #tpu.memory_space<vmem>> -> memref<120xi32, #tpu.memory_space<vmem>>
        %dma_wait3A_506 = arith.constant 0 : i32
        %dma_wait3A_507 = tpu.memref_slice %arg3[%dma_wait3A_506] : memref<322560xi32, #tpu.memory_space<hbm>> -> memref<120xi32, #tpu.memory_space<hbm>>
        tpu.wait_dma2 semaphore(%arg10 : memref<!tpu.dma_semaphore, #tpu.memory_space<semaphore_mem>>) src(%dma_wait3A_507 : memref<120xi32, #tpu.memory_space<hbm>>) dst(%dma_wait3A_505 : memref<120xi32, #tpu.memory_space<vmem>>)
        %dma_wait3A_508 = arith.constant 0 : i32
        %dma_wait3A_509 = arith.constant 1 : i32
        %dma_wait3A_510 = arith.constant 0 : i32
        %dma_wait3A_511 = tpu.memref_slice %arg8[%dma_wait3A_508, %dma_wait3A_509, %dma_wait3A_510] : memref<6x2x120xi32, #tpu.memory_space<vmem>> -> memref<1x1x120xi32, #tpu.memory_space<vmem>>
        %dma_wait3A_512 = tpu.memref_squeeze %dma_wait3A_511 : memref<1x1x120xi32, #tpu.memory_space<vmem>> -> memref<120xi32, #tpu.memory_space<vmem>>
        %dma_wait3A_513 = arith.constant 0 : i32
        %dma_wait3A_514 = tpu.memref_slice %arg4[%dma_wait3A_513] : memref<322560xi32, #tpu.memory_space<hbm>> -> memref<120xi32, #tpu.memory_space<hbm>>
        %dma_wait3A_515 = arith.constant 0 : i32
        %dma_wait3A_516 = tpu.memref_slice %arg8[%dma_wait3A_508, %dma_wait3A_509, %dma_wait3A_515] : memref<6x2x120xi32, #tpu.memory_space<vmem>> -> memref<1x1x120xi32, #tpu.memory_space<vmem>>
        %dma_wait3A_517 = tpu.memref_squeeze %dma_wait3A_516 : memref<1x1x120xi32, #tpu.memory_space<vmem>> -> memref<120xi32, #tpu.memory_space<vmem>>
        %dma_wait3A_518 = arith.constant 0 : i32
        %dma_wait3A_519 = tpu.memref_slice %arg4[%dma_wait3A_518] : memref<322560xi32, #tpu.memory_space<hbm>> -> memref<120xi32, #tpu.memory_space<hbm>>
        tpu.wait_dma2 semaphore(%arg10 : memref<!tpu.dma_semaphore, #tpu.memory_space<semaphore_mem>>) src(%dma_wait3A_519 : memref<120xi32, #tpu.memory_space<hbm>>) dst(%dma_wait3A_517 : memref<120xi32, #tpu.memory_space<vmem>>)
        %dma_start3A_520 = arith.constant 0 : i32
        %dma_start3A_521 = arith.constant 0 : i32
        %dma_start3A_522 = arith.constant 0 : i32
        %dma_start3A_523 = arith.constant 0 : i32
        %dma_start3A_524 = arith.constant 0 : i32
        %dma_start3A_525 = tpu.memref_slice %arg9[%dma_start3A_522, %dma_start3A_523, %dma_start3A_524] : memref<3x120x128xf32, #tpu.memory_space<vmem>> -> memref<1x120x128xf32, #tpu.memory_space<vmem>>
        %dma_start3A_526 = tpu.memref_squeeze %dma_start3A_525 : memref<1x120x128xf32, #tpu.memory_space<vmem>> -> memref<120x128xf32, #tpu.memory_space<vmem>>
        %dma_start3A_527 = arith.constant 0 : i32
        %dma_start3A_528 = tpu.memref_slice %arg8[%dma_start3A_520, %dma_start3A_521, %dma_start3A_527] : memref<6x2x120xi32, #tpu.memory_space<vmem>> -> memref<1x1x120xi32, #tpu.memory_space<vmem>>
        %dma_start3A_529 = tpu.memref_squeeze %dma_start3A_528 : memref<1x1x120xi32, #tpu.memory_space<vmem>> -> memref<120xi32, #tpu.memory_space<vmem>>
        %dma_start3A_530 = arith.constant 0 : i32
        %dma_start3A_531 = arith.constant 0 : i32
        %dma_start3A_532 = tpu.memref_slice %arg2[%dma_start3A_530, %dma_start3A_531] : memref<10000x128xf32, #tpu.memory_space<hbm>> -> memref<10000x128xf32, #tpu.memory_space<hbm>>
        tpu.enqueue_indirect_dma source(%dma_start3A_532 : memref<10000x128xf32, #tpu.memory_space<hbm>>) target(%dma_start3A_526 : memref<120x128xf32, #tpu.memory_space<vmem>>) offsets(%dma_start3A_529 : memref<120xi32, #tpu.memory_space<vmem>>) semaphore(%arg16 : memref<!tpu.dma_semaphore, #tpu.memory_space<semaphore_mem>>)
      } else {
      }
      %dma_wait3A_468 = arith.constant 2 : i32
      %dma_wait3A_469 = arith.constant 0 : i32
      %dma_wait3A_470 = arith.constant 0 : i32
      %dma_wait3A_471 = tpu.memref_slice %arg9[%dma_wait3A_468, %dma_wait3A_469, %dma_wait3A_470] : memref<3x120x128xf32, #tpu.memory_space<vmem>> -> memref<1x120x128xf32, #tpu.memory_space<vmem>>
      %dma_wait3A_472 = tpu.memref_squeeze %dma_wait3A_471 : memref<1x120x128xf32, #tpu.memory_space<vmem>> -> memref<120x128xf32, #tpu.memory_space<vmem>>
      %dma_wait3A_473 = arith.constant 0 : i32
      %dma_wait3A_474 = arith.constant 0 : i32
      %dma_wait3A_475 = tpu.memref_slice %arg2[%dma_wait3A_473, %dma_wait3A_474] : memref<10000x128xf32, #tpu.memory_space<hbm>> -> memref<120x128xf32, #tpu.memory_space<hbm>>
      %dma_wait3A_476 = arith.constant 0 : i32
      %dma_wait3A_477 = arith.constant 0 : i32
      %dma_wait3A_478 = tpu.memref_slice %arg9[%dma_wait3A_468, %dma_wait3A_476, %dma_wait3A_477] : memref<3x120x128xf32, #tpu.memory_space<vmem>> -> memref<1x120x128xf32, #tpu.memory_space<vmem>>
      %dma_wait3A_479 = tpu.memref_squeeze %dma_wait3A_478 : memref<1x120x128xf32, #tpu.memory_space<vmem>> -> memref<120x128xf32, #tpu.memory_space<vmem>>
      %dma_wait3A_480 = arith.constant 0 : i32
      %dma_wait3A_481 = arith.constant 0 : i32
      %dma_wait3A_482 = tpu.memref_slice %arg2[%dma_wait3A_480, %dma_wait3A_481] : memref<10000x128xf32, #tpu.memory_space<hbm>> -> memref<120x128xf32, #tpu.memory_space<hbm>>
      tpu.wait_dma2 semaphore(%arg18 : memref<!tpu.dma_semaphore, #tpu.memory_space<semaphore_mem>>) src(%dma_wait3A_482 : memref<120x128xf32, #tpu.memory_space<hbm>>) dst(%dma_wait3A_479 : memref<120x128xf32, #tpu.memory_space<vmem>>)
      %dma_start3A_483 = arith.constant 2 : i32
      %dma_start3A_484 = arith.constant 5 : i32
      %dma_start3A_485 = arith.constant 1 : i32
      %dma_start3A_486 = arith.constant 0 : i32
      %dma_start3A_487 = arith.constant 0 : i32
      %dma_start3A_488 = tpu.memref_slice %arg9[%dma_start3A_483, %dma_start3A_486, %dma_start3A_487] : memref<3x120x128xf32, #tpu.memory_space<vmem>> -> memref<1x120x128xf32, #tpu.memory_space<vmem>>
      %dma_start3A_489 = tpu.memref_squeeze %dma_start3A_488 : memref<1x120x128xf32, #tpu.memory_space<vmem>> -> memref<120x128xf32, #tpu.memory_space<vmem>>
      %dma_start3A_490 = arith.constant 0 : i32
      %dma_start3A_491 = tpu.memref_slice %arg8[%dma_start3A_484, %dma_start3A_485, %dma_start3A_490] : memref<6x2x120xi32, #tpu.memory_space<vmem>> -> memref<1x1x120xi32, #tpu.memory_space<vmem>>
      %dma_start3A_492 = tpu.memref_squeeze %dma_start3A_491 : memref<1x1x120xi32, #tpu.memory_space<vmem>> -> memref<120xi32, #tpu.memory_space<vmem>>
      %dma_start3A_493 = arith.constant 0 : i32
      %dma_start3A_494 = arith.constant 0 : i32
      %dma_start3A_495 = tpu.memref_slice %arg7[%dma_start3A_493, %dma_start3A_494] : memref<10008x128xf32, #tpu.memory_space<vmem_shared>> -> memref<10008x128xf32, #tpu.memory_space<vmem_shared>>
      tpu.enqueue_indirect_dma source(%dma_start3A_489 : memref<120x128xf32, #tpu.memory_space<vmem>>) target(%dma_start3A_495 : memref<10008x128xf32, #tpu.memory_space<vmem_shared>>) offsets(%dma_start3A_492 : memref<120xi32, #tpu.memory_space<vmem>>) semaphore(%arg21 : memref<!tpu.dma_semaphore, #tpu.memory_space<semaphore_mem>>) {add = true}
    }
    %scan3A_148 = arith.constant 14 : i32
    %dma_wait3A_149 = arith.constant 1 : i32
    %dma_wait3A_150 = arith.constant 0 : i32
    %dma_wait3A_151 = arith.constant 0 : i32
    %dma_wait3A_152 = tpu.memref_slice %arg9[%dma_wait3A_149, %dma_wait3A_150, %dma_wait3A_151] : memref<3x120x128xf32, #tpu.memory_space<vmem>> -> memref<1x120x128xf32, #tpu.memory_space<vmem>>
    %dma_wait3A_153 = tpu.memref_squeeze %dma_wait3A_152 : memref<1x120x128xf32, #tpu.memory_space<vmem>> -> memref<120x128xf32, #tpu.memory_space<vmem>>
    %dma_wait3A_154 = arith.constant 0 : i32
    %dma_wait3A_155 = arith.constant 0 : i32
    %dma_wait3A_156 = tpu.memref_slice %arg7[%dma_wait3A_154, %dma_wait3A_155] : memref<10008x128xf32, #tpu.memory_space<vmem_shared>> -> memref<120x128xf32, #tpu.memory_space<vmem_shared>>
    %dma_wait3A_157 = arith.constant 0 : i32
    %dma_wait3A_158 = arith.constant 0 : i32
    %dma_wait3A_159 = tpu.memref_slice %arg7[%dma_wait3A_157, %dma_wait3A_158] : memref<10008x128xf32, #tpu.memory_space<vmem_shared>> -> memref<120x128xf32, #tpu.memory_space<vmem_shared>>
    %dma_wait3A_160 = arith.constant 0 : i32
    %dma_wait3A_161 = arith.constant 0 : i32
    %dma_wait3A_162 = tpu.memref_slice %arg9[%dma_wait3A_149, %dma_wait3A_160, %dma_wait3A_161] : memref<3x120x128xf32, #tpu.memory_space<vmem>> -> memref<1x120x128xf32, #tpu.memory_space<vmem>>
    %dma_wait3A_163 = tpu.memref_squeeze %dma_wait3A_162 : memref<1x120x128xf32, #tpu.memory_space<vmem>> -> memref<120x128xf32, #tpu.memory_space<vmem>>
    tpu.wait_dma2 semaphore(%arg20 : memref<!tpu.dma_semaphore, #tpu.memory_space<semaphore_mem>>) src(%dma_wait3A_163 : memref<120x128xf32, #tpu.memory_space<vmem>>) dst(%dma_wait3A_159 : memref<120x128xf32, #tpu.memory_space<vmem_shared>>)
    %dma_wait3A_164 = arith.constant 2 : i32
    %dma_wait3A_165 = arith.constant 0 : i32
    %dma_wait3A_166 = arith.constant 0 : i32
    %dma_wait3A_167 = tpu.memref_slice %arg9[%dma_wait3A_164, %dma_wait3A_165, %dma_wait3A_166] : memref<3x120x128xf32, #tpu.memory_space<vmem>> -> memref<1x120x128xf32, #tpu.memory_space<vmem>>
    %dma_wait3A_168 = tpu.memref_squeeze %dma_wait3A_167 : memref<1x120x128xf32, #tpu.memory_space<vmem>> -> memref<120x128xf32, #tpu.memory_space<vmem>>
    %dma_wait3A_169 = arith.constant 0 : i32
    %dma_wait3A_170 = arith.constant 0 : i32
    %dma_wait3A_171 = tpu.memref_slice %arg7[%dma_wait3A_169, %dma_wait3A_170] : memref<10008x128xf32, #tpu.memory_space<vmem_shared>> -> memref<120x128xf32, #tpu.memory_space<vmem_shared>>
    %dma_wait3A_172 = arith.constant 0 : i32
    %dma_wait3A_173 = arith.constant 0 : i32
    %dma_wait3A_174 = tpu.memref_slice %arg7[%dma_wait3A_172, %dma_wait3A_173] : memref<10008x128xf32, #tpu.memory_space<vmem_shared>> -> memref<120x128xf32, #tpu.memory_space<vmem_shared>>
    %dma_wait3A_175 = arith.constant 0 : i32
    %dma_wait3A_176 = arith.constant 0 : i32
    %dma_wait3A_177 = tpu.memref_slice %arg9[%dma_wait3A_164, %dma_wait3A_175, %dma_wait3A_176] : memref<3x120x128xf32, #tpu.memory_space<vmem>> -> memref<1x120x128xf32, #tpu.memory_space<vmem>>
    %dma_wait3A_178 = tpu.memref_squeeze %dma_wait3A_177 : memref<1x120x128xf32, #tpu.memory_space<vmem>> -> memref<120x128xf32, #tpu.memory_space<vmem>>
    tpu.wait_dma2 semaphore(%arg21 : memref<!tpu.dma_semaphore, #tpu.memory_space<semaphore_mem>>) src(%dma_wait3A_178 : memref<120x128xf32, #tpu.memory_space<vmem>>) dst(%dma_wait3A_174 : memref<120x128xf32, #tpu.memory_space<vmem_shared>>)
    %barrier3A_179 = arith.constant 0 : index
    tpu.barrier barrier_id(%barrier3A_179)
    %lt3A_180 = arith.constant 15 : i32
    %lt3A_181 = arith.cmpi slt, %arg1, %lt3A_180 : i32
    %convert_element_type3A_182 = arith.extui %lt3A_181 : i1 to i32
    %cond3A_183 = arith.constant 0 : i32
    %cond3A_184 = arith.cmpi ne, %convert_element_type3A_182, %cond3A_183 : i32
    scf.if %cond3A_184 {
      "tpu.region"() ({
        %run_scoped3A = tpu.sem_alloc : memref<!tpu.dma_semaphore, #tpu.memory_space<semaphore_mem>>
        %dma_start3A_190 = arith.constant 0 : i32
        %dma_start3A_191 = tpu.memref_slice %arg6[%arg0, %multiple_of3A, %dma_start3A_190] : memref<2x10000x128xf32, #tpu.memory_space<hbm>> -> memref<1x624x128xf32, #tpu.memory_space<hbm>>
        %dma_start3A_192 = tpu.memref_squeeze %dma_start3A_191 : memref<1x624x128xf32, #tpu.memory_space<hbm>> -> memref<624x128xf32, #tpu.memory_space<hbm>>
        %dma_start3A_193 = arith.constant 0 : i32
        %dma_start3A_194 = tpu.memref_slice %arg7[%multiple_of3A, %dma_start3A_193] : memref<10008x128xf32, #tpu.memory_space<vmem_shared>> -> memref<624x128xf32, #tpu.memory_space<vmem_shared>>
        tpu.enqueue_dma source(%dma_start3A_194 : memref<624x128xf32, #tpu.memory_space<vmem_shared>>) target(%dma_start3A_192 : memref<624x128xf32, #tpu.memory_space<hbm>>) target_semaphore(%run_scoped3A : memref<!tpu.dma_semaphore, #tpu.memory_space<semaphore_mem>>)
        %dma_wait3A_195 = arith.constant 0 : i32
        %dma_wait3A_196 = tpu.memref_slice %arg6[%arg0, %multiple_of3A, %dma_wait3A_195] : memref<2x10000x128xf32, #tpu.memory_space<hbm>> -> memref<1x624x128xf32, #tpu.memory_space<hbm>>
        %dma_wait3A_197 = tpu.memref_squeeze %dma_wait3A_196 : memref<1x624x128xf32, #tpu.memory_space<hbm>> -> memref<624x128xf32, #tpu.memory_space<hbm>>
        %dma_wait3A_198 = arith.constant 0 : i32
        %dma_wait3A_199 = tpu.memref_slice %arg7[%multiple_of3A, %dma_wait3A_198] : memref<10008x128xf32, #tpu.memory_space<vmem_shared>> -> memref<624x128xf32, #tpu.memory_space<vmem_shared>>
        tpu.wait_dma2 semaphore(%run_scoped3A : memref<!tpu.dma_semaphore, #tpu.memory_space<semaphore_mem>>) src(%dma_wait3A_199 : memref<624x128xf32, #tpu.memory_space<vmem_shared>>) dst(%dma_wait3A_197 : memref<624x128xf32, #tpu.memory_space<hbm>>)
        tpu.yield
      }) : () -> ()
    } else {
    }
    %eq3A_185 = arith.constant 15 : i32
    %eq3A_186 = arith.cmpi eq, %arg1, %eq3A_185 : i32
    %convert_element_type3A_187 = arith.extui %eq3A_186 : i1 to i32
    %cond3A_188 = arith.constant 0 : i32
    %cond3A_189 = arith.cmpi ne, %convert_element_type3A_187, %cond3A_188 : i32
    scf.if %cond3A_189 {
      "tpu.region"() ({
        %run_scoped3A = tpu.sem_alloc : memref<!tpu.dma_semaphore, #tpu.memory_space<semaphore_mem>>
        %dma_start3A_190 = arith.constant 0 : i32
        %dma_start3A_191 = tpu.memref_slice %arg6[%arg0, %multiple_of3A, %dma_start3A_190] : memref<2x10000x128xf32, #tpu.memory_space<hbm>> -> memref<1x640x128xf32, #tpu.memory_space<hbm>>
        %dma_start3A_192 = tpu.memref_squeeze %dma_start3A_191 : memref<1x640x128xf32, #tpu.memory_space<hbm>> -> memref<640x128xf32, #tpu.memory_space<hbm>>
        %dma_start3A_193 = arith.constant 0 : i32
        %dma_start3A_194 = tpu.memref_slice %arg7[%multiple_of3A, %dma_start3A_193] : memref<10008x128xf32, #tpu.memory_space<vmem_shared>> -> memref<640x128xf32, #tpu.memory_space<vmem_shared>>
        tpu.enqueue_dma source(%dma_start3A_194 : memref<640x128xf32, #tpu.memory_space<vmem_shared>>) target(%dma_start3A_192 : memref<640x128xf32, #tpu.memory_space<hbm>>) target_semaphore(%run_scoped3A : memref<!tpu.dma_semaphore, #tpu.memory_space<semaphore_mem>>)
        %dma_wait3A_195 = arith.constant 0 : i32
        %dma_wait3A_196 = tpu.memref_slice %arg6[%arg0, %multiple_of3A, %dma_wait3A_195] : memref<2x10000x128xf32, #tpu.memory_space<hbm>> -> memref<1x640x128xf32, #tpu.memory_space<hbm>>
        %dma_wait3A_197 = tpu.memref_squeeze %dma_wait3A_196 : memref<1x640x128xf32, #tpu.memory_space<hbm>> -> memref<640x128xf32, #tpu.memory_space<hbm>>
        %dma_wait3A_198 = arith.constant 0 : i32
        %dma_wait3A_199 = tpu.memref_slice %arg7[%multiple_of3A, %dma_wait3A_198] : memref<10008x128xf32, #tpu.memory_space<vmem_shared>> -> memref<640x128xf32, #tpu.memory_space<vmem_shared>>
        tpu.wait_dma2 semaphore(%run_scoped3A : memref<!tpu.dma_semaphore, #tpu.memory_space<semaphore_mem>>) src(%dma_wait3A_199 : memref<640x128xf32, #tpu.memory_space<vmem_shared>>) dst(%dma_wait3A_197 : memref<640x128xf32, #tpu.memory_space<hbm>>)
        tpu.yield
      }) : () -> ()
    } else {
    }
    return
  }
}

#map = affine_map<(d0, d1) -> (0, 0)>
#map1 = affine_map<(d0, d1) -> (0)>
#map2 = affine_map<(d0, d1) -> (0, 0, 0)>
module attributes {stable_mosaic.version = 14 : i64} {
  func.func @_seg_sum_body(%arg0: i32, %arg1: i32, %arg2: memref<10000x128xf32, #tpu.memory_space<hbm>>, %arg3: memref<322560xi32, #tpu.memory_space<hbm>>, %arg4: memref<322560xi32, #tpu.memory_space<hbm>>, %arg5: memref<10008x128xf32, #tpu.memory_space<hbm>>, %arg6: memref<2x10000x128xf32, #tpu.memory_space<hbm>>, %arg7: memref<10008x128xf32, #tpu.memory_space<vmem_shared>>, %arg8: memref<6x2x120xi32, #tpu.memory_space<vmem>>, %arg9: memref<3x120x128xf32, #tpu.memory_space<vmem>>, %arg10: memref<!tpu.dma_semaphore, #tpu.memory_space<semaphore_mem>>, %arg11: memref<!tpu.dma_semaphore, #tpu.memory_space<semaphore_mem>>, %arg12: memref<!tpu.dma_semaphore, #tpu.memory_space<semaphore_mem>>, %arg13: memref<!tpu.dma_semaphore, #tpu.memory_space<semaphore_mem>>, %arg14: memref<!tpu.dma_semaphore, #tpu.memory_space<semaphore_mem>>, %arg15: memref<!tpu.dma_semaphore, #tpu.memory_space<semaphore_mem>>, %arg16: memref<!tpu.dma_semaphore, #tpu.memory_space<semaphore_mem>>, %arg17: memref<!tpu.dma_semaphore, #tpu.memory_space<semaphore_mem>>, %arg18: memref<!tpu.dma_semaphore, #tpu.memory_space<semaphore_mem>>, %arg19: memref<!tpu.dma_semaphore, #tpu.memory_space<semaphore_mem>>, %arg20: memref<!tpu.dma_semaphore, #tpu.memory_space<semaphore_mem>>, %arg21: memref<!tpu.dma_semaphore, #tpu.memory_space<semaphore_mem>>) attributes {dimension_semantics = [#tpu.dimension_semantics<core_parallel>, #tpu.dimension_semantics<subcore_parallel>], iteration_bounds = array<i64: 2, 16>, scalar_prefetch = 0 : i64, scratch_operands = 15 : i64, tpu.core_type = #tpu.core_type<sc_vector_subcore>, window_params = [{transform_indices = #map}, {transform_indices = #map1}, {transform_indices = #map1}, {transform_indices = #map}, {transform_indices = #map2}]} {
    %mul3A = arith.constant 2 : i32
    %mul3A_0 = arith.muli %arg1, %mul3A : i32
    %add3A = arith.addi %mul3A_0, %arg0 : i32
    %mul3A_1 = arith.constant 624 : i32
    %mul3A_2 = arith.muli %arg1, %mul3A_1 : i32
    %multiple_of3A = tpu.assume_multiple %mul3A_2, 8 : i32
    %lt3A = arith.constant 15 : i32
    %lt3A_3 = arith.cmpi slt, %arg1, %lt3A : i32
    %convert_element_type3A = arith.extui %lt3A_3 : i1 to i32
    %cond3A = arith.constant 0 : i32
    %cond3A_4 = arith.cmpi ne, %convert_element_type3A, %cond3A : i32
    scf.if %cond3A_4 {
      "tpu.region"() ({
        %run_scoped3A = tpu.sem_alloc : memref<!tpu.dma_semaphore, #tpu.memory_space<semaphore_mem>>
        %dma_start3A_190 = arith.constant 0 : i32
        %dma_start3A_191 = tpu.memref_slice %arg7[%multiple_of3A, %dma_start3A_190] : memref<10008x128xf32, #tpu.memory_space<vmem_shared>> -> memref<624x128xf32, #tpu.memory_space<vmem_shared>>
        %dma_start3A_192 = arith.constant 0 : i32
        %dma_start3A_193 = tpu.memref_slice %arg5[%multiple_of3A, %dma_start3A_192] : memref<10008x128xf32, #tpu.memory_space<hbm>> -> memref<624x128xf32, #tpu.memory_space<hbm>>
        tpu.enqueue_dma source(%dma_start3A_193 : memref<624x128xf32, #tpu.memory_space<hbm>>) target(%dma_start3A_191 : memref<624x128xf32, #tpu.memory_space<vmem_shared>>) target_semaphore(%run_scoped3A : memref<!tpu.dma_semaphore, #tpu.memory_space<semaphore_mem>>)
        %dma_wait3A_194 = arith.constant 0 : i32
        %dma_wait3A_195 = tpu.memref_slice %arg7[%multiple_of3A, %dma_wait3A_194] : memref<10008x128xf32, #tpu.memory_space<vmem_shared>> -> memref<624x128xf32, #tpu.memory_space<vmem_shared>>
        %dma_wait3A_196 = arith.constant 0 : i32
        %dma_wait3A_197 = tpu.memref_slice %arg5[%multiple_of3A, %dma_wait3A_196] : memref<10008x128xf32, #tpu.memory_space<hbm>> -> memref<624x128xf32, #tpu.memory_space<hbm>>
        tpu.wait_dma2 semaphore(%run_scoped3A : memref<!tpu.dma_semaphore, #tpu.memory_space<semaphore_mem>>) src(%dma_wait3A_197 : memref<624x128xf32, #tpu.memory_space<hbm>>) dst(%dma_wait3A_195 : memref<624x128xf32, #tpu.memory_space<vmem_shared>>)
        tpu.yield
      }) : () -> ()
    } else {
    }
    %eq3A = arith.constant 15 : i32
    %eq3A_5 = arith.cmpi eq, %arg1, %eq3A : i32
    %convert_element_type3A_6 = arith.extui %eq3A_5 : i1 to i32
    %cond3A_7 = arith.constant 0 : i32
    %cond3A_8 = arith.cmpi ne, %convert_element_type3A_6, %cond3A_7 : i32
    scf.if %cond3A_8 {
      "tpu.region"() ({
        %run_scoped3A = tpu.sem_alloc : memref<!tpu.dma_semaphore, #tpu.memory_space<semaphore_mem>>
        %dma_start3A_190 = arith.constant 0 : i32
        %dma_start3A_191 = tpu.memref_slice %arg7[%multiple_of3A, %dma_start3A_190] : memref<10008x128xf32, #tpu.memory_space<vmem_shared>> -> memref<648x128xf32, #tpu.memory_space<vmem_shared>>
        %dma_start3A_192 = arith.constant 0 : i32
        %dma_start3A_193 = tpu.memref_slice %arg5[%multiple_of3A, %dma_start3A_192] : memref<10008x128xf32, #tpu.memory_space<hbm>> -> memref<648x128xf32, #tpu.memory_space<hbm>>
        tpu.enqueue_dma source(%dma_start3A_193 : memref<648x128xf32, #tpu.memory_space<hbm>>) target(%dma_start3A_191 : memref<648x128xf32, #tpu.memory_space<vmem_shared>>) target_semaphore(%run_scoped3A : memref<!tpu.dma_semaphore, #tpu.memory_space<semaphore_mem>>)
        %dma_wait3A_194 = arith.constant 0 : i32
        %dma_wait3A_195 = tpu.memref_slice %arg7[%multiple_of3A, %dma_wait3A_194] : memref<10008x128xf32, #tpu.memory_space<vmem_shared>> -> memref<648x128xf32, #tpu.memory_space<vmem_shared>>
        %dma_wait3A_196 = arith.constant 0 : i32
        %dma_wait3A_197 = tpu.memref_slice %arg5[%multiple_of3A, %dma_wait3A_196] : memref<10008x128xf32, #tpu.memory_space<hbm>> -> memref<648x128xf32, #tpu.memory_space<hbm>>
        tpu.wait_dma2 semaphore(%run_scoped3A : memref<!tpu.dma_semaphore, #tpu.memory_space<semaphore_mem>>) src(%dma_wait3A_197 : memref<648x128xf32, #tpu.memory_space<hbm>>) dst(%dma_wait3A_195 : memref<648x128xf32, #tpu.memory_space<vmem_shared>>)
        tpu.yield
      }) : () -> ()
    } else {
    }
    %barrier3A = arith.constant 0 : index
    tpu.barrier barrier_id(%barrier3A)
    %add3A_9 = arith.constant 0 : i32
    %add3A_10 = arith.addi %add3A, %add3A_9 : i32
    %mul3A_11 = arith.constant 120 : i32
    %mul3A_12 = arith.muli %add3A_10, %mul3A_11 : i32
    %multiple_of3A_13 = tpu.assume_multiple %mul3A_12, 8 : i32
    %dma_start3A = arith.constant 0 : i32
    %dma_start3A_14 = arith.constant 0 : i32
    %dma_start3A_15 = arith.constant 0 : i32
    %dma_start3A_16 = tpu.memref_slice %arg8[%dma_start3A, %dma_start3A_14, %dma_start3A_15] : memref<6x2x120xi32, #tpu.memory_space<vmem>> -> memref<1x1x120xi32, #tpu.memory_space<vmem>>
    %dma_start3A_17 = tpu.memref_squeeze %dma_start3A_16 : memref<1x1x120xi32, #tpu.memory_space<vmem>> -> memref<120xi32, #tpu.memory_space<vmem>>
    %dma_start3A_18 = tpu.memref_slice %arg3[%multiple_of3A_13] : memref<322560xi32, #tpu.memory_space<hbm>> -> memref<120xi32, #tpu.memory_space<hbm>>
    %dma_start3A_19 = arith.constant 0 : i32
    %dma_start3A_20 = tpu.memref_slice %arg8[%dma_start3A, %dma_start3A_14, %dma_start3A_19] : memref<6x2x120xi32, #tpu.memory_space<vmem>> -> memref<1x1x120xi32, #tpu.memory_space<vmem>>
    %dma_start3A_21 = tpu.memref_squeeze %dma_start3A_20 : memref<1x1x120xi32, #tpu.memory_space<vmem>> -> memref<120xi32, #tpu.memory_space<vmem>>
    %dma_start3A_22 = tpu.memref_slice %arg3[%multiple_of3A_13] : memref<322560xi32, #tpu.memory_space<hbm>> -> memref<120xi32, #tpu.memory_space<hbm>>
    tpu.enqueue_dma source(%dma_start3A_22 : memref<120xi32, #tpu.memory_space<hbm>>) target(%dma_start3A_21 : memref<120xi32, #tpu.memory_space<vmem>>) target_semaphore(%arg10 : memref<!tpu.dma_semaphore, #tpu.memory_space<semaphore_mem>>)
    %dma_start3A_23 = arith.constant 0 : i32
    %dma_start3A_24 = arith.constant 1 : i32
    %dma_start3A_25 = arith.constant 0 : i32
    %dma_start3A_26 = tpu.memref_slice %arg8[%dma_start3A_23, %dma_start3A_24, %dma_start3A_25] : memref<6x2x120xi32, #tpu.memory_space<vmem>> -> memref<1x1x120xi32, #tpu.memory_space<vmem>>
    %dma_start3A_27 = tpu.memref_squeeze %dma_start3A_26 : memref<1x1x120xi32, #tpu.memory_space<vmem>> -> memref<120xi32, #tpu.memory_space<vmem>>
    %dma_start3A_28 = tpu.memref_slice %arg4[%multiple_of3A_13] : memref<322560xi32, #tpu.memory_space<hbm>> -> memref<120xi32, #tpu.memory_space<hbm>>
    %dma_start3A_29 = arith.constant 0 : i32
    %dma_start3A_30 = tpu.memref_slice %arg8[%dma_start3A_23, %dma_start3A_24, %dma_start3A_29] : memref<6x2x120xi32, #tpu.memory_space<vmem>> -> memref<1x1x120xi32, #tpu.memory_space<vmem>>
    %dma_start3A_31 = tpu.memref_squeeze %dma_start3A_30 : memref<1x1x120xi32, #tpu.memory_space<vmem>> -> memref<120xi32, #tpu.memory_space<vmem>>
    %dma_start3A_32 = tpu.memref_slice %arg4[%multiple_of3A_13] : memref<322560xi32, #tpu.memory_space<hbm>> -> memref<120xi32, #tpu.memory_space<hbm>>
    tpu.enqueue_dma source(%dma_start3A_32 : memref<120xi32, #tpu.memory_space<hbm>>) target(%dma_start3A_31 : memref<120xi32, #tpu.memory_space<vmem>>) target_semaphore(%arg10 : memref<!tpu.dma_semaphore, #tpu.memory_space<semaphore_mem>>)
    %add3A_33 = arith.constant 32 : i32
    %add3A_34 = arith.addi %add3A, %add3A_33 : i32
    %mul3A_35 = arith.constant 120 : i32
    %mul3A_36 = arith.muli %add3A_34, %mul3A_35 : i32
    %multiple_of3A_37 = tpu.assume_multiple %mul3A_36, 8 : i32
    %dma_start3A_38 = arith.constant 1 : i32
    %dma_start3A_39 = arith.constant 0 : i32
    %dma_start3A_40 = arith.constant 0 : i32
    %dma_start3A_41 = tpu.memref_slice %arg8[%dma_start3A_38, %dma_start3A_39, %dma_start3A_40] : memref<6x2x120xi32, #tpu.memory_space<vmem>> -> memref<1x1x120xi32, #tpu.memory_space<vmem>>
    %dma_start3A_42 = tpu.memref_squeeze %dma_start3A_41 : memref<1x1x120xi32, #tpu.memory_space<vmem>> -> memref<120xi32, #tpu.memory_space<vmem>>
    %dma_start3A_43 = tpu.memref_slice %arg3[%multiple_of3A_37] : memref<322560xi32, #tpu.memory_space<hbm>> -> memref<120xi32, #tpu.memory_space<hbm>>
    %dma_start3A_44 = arith.constant 0 : i32
    %dma_start3A_45 = tpu.memref_slice %arg8[%dma_start3A_38, %dma_start3A_39, %dma_start3A_44] : memref<6x2x120xi32, #tpu.memory_space<vmem>> -> memref<1x1x120xi32, #tpu.memory_space<vmem>>
    %dma_start3A_46 = tpu.memref_squeeze %dma_start3A_45 : memref<1x1x120xi32, #tpu.memory_space<vmem>> -> memref<120xi32, #tpu.memory_space<vmem>>
    %dma_start3A_47 = tpu.memref_slice %arg3[%multiple_of3A_37] : memref<322560xi32, #tpu.memory_space<hbm>> -> memref<120xi32, #tpu.memory_space<hbm>>
    tpu.enqueue_dma source(%dma_start3A_47 : memref<120xi32, #tpu.memory_space<hbm>>) target(%dma_start3A_46 : memref<120xi32, #tpu.memory_space<vmem>>) target_semaphore(%arg11 : memref<!tpu.dma_semaphore, #tpu.memory_space<semaphore_mem>>)
    %dma_start3A_48 = arith.constant 1 : i32
    %dma_start3A_49 = arith.constant 1 : i32
    %dma_start3A_50 = arith.constant 0 : i32
    %dma_start3A_51 = tpu.memref_slice %arg8[%dma_start3A_48, %dma_start3A_49, %dma_start3A_50] : memref<6x2x120xi32, #tpu.memory_space<vmem>> -> memref<1x1x120xi32, #tpu.memory_space<vmem>>
    %dma_start3A_52 = tpu.memref_squeeze %dma_start3A_51 : memref<1x1x120xi32, #tpu.memory_space<vmem>> -> memref<120xi32, #tpu.memory_space<vmem>>
    %dma_start3A_53 = tpu.memref_slice %arg4[%multiple_of3A_37] : memref<322560xi32, #tpu.memory_space<hbm>> -> memref<120xi32, #tpu.memory_space<hbm>>
    %dma_start3A_54 = arith.constant 0 : i32
    %dma_start3A_55 = tpu.memref_slice %arg8[%dma_start3A_48, %dma_start3A_49, %dma_start3A_54] : memref<6x2x120xi32, #tpu.memory_space<vmem>> -> memref<1x1x120xi32, #tpu.memory_space<vmem>>
    %dma_start3A_56 = tpu.memref_squeeze %dma_start3A_55 : memref<1x1x120xi32, #tpu.memory_space<vmem>> -> memref<120xi32, #tpu.memory_space<vmem>>
    %dma_start3A_57 = tpu.memref_slice %arg4[%multiple_of3A_37] : memref<322560xi32, #tpu.memory_space<hbm>> -> memref<120xi32, #tpu.memory_space<hbm>>
    tpu.enqueue_dma source(%dma_start3A_57 : memref<120xi32, #tpu.memory_space<hbm>>) target(%dma_start3A_56 : memref<120xi32, #tpu.memory_space<vmem>>) target_semaphore(%arg11 : memref<!tpu.dma_semaphore, #tpu.memory_space<semaphore_mem>>)
    %add3A_58 = arith.constant 64 : i32
    %add3A_59 = arith.addi %add3A, %add3A_58 : i32
    %mul3A_60 = arith.constant 120 : i32
    %mul3A_61 = arith.muli %add3A_59, %mul3A_60 : i32
    %multiple_of3A_62 = tpu.assume_multiple %mul3A_61, 8 : i32
    %dma_start3A_63 = arith.constant 2 : i32
    %dma_start3A_64 = arith.constant 0 : i32
    %dma_start3A_65 = arith.constant 0 : i32
    %dma_start3A_66 = tpu.memref_slice %arg8[%dma_start3A_63, %dma_start3A_64, %dma_start3A_65] : memref<6x2x120xi32, #tpu.memory_space<vmem>> -> memref<1x1x120xi32, #tpu.memory_space<vmem>>
    %dma_start3A_67 = tpu.memref_squeeze %dma_start3A_66 : memref<1x1x120xi32, #tpu.memory_space<vmem>> -> memref<120xi32, #tpu.memory_space<vmem>>
    %dma_start3A_68 = tpu.memref_slice %arg3[%multiple_of3A_62] : memref<322560xi32, #tpu.memory_space<hbm>> -> memref<120xi32, #tpu.memory_space<hbm>>
    %dma_start3A_69 = arith.constant 0 : i32
    %dma_start3A_70 = tpu.memref_slice %arg8[%dma_start3A_63, %dma_start3A_64, %dma_start3A_69] : memref<6x2x120xi32, #tpu.memory_space<vmem>> -> memref<1x1x120xi32, #tpu.memory_space<vmem>>
    %dma_start3A_71 = tpu.memref_squeeze %dma_start3A_70 : memref<1x1x120xi32, #tpu.memory_space<vmem>> -> memref<120xi32, #tpu.memory_space<vmem>>
    %dma_start3A_72 = tpu.memref_slice %arg3[%multiple_of3A_62] : memref<322560xi32, #tpu.memory_space<hbm>> -> memref<120xi32, #tpu.memory_space<hbm>>
    tpu.enqueue_dma source(%dma_start3A_72 : memref<120xi32, #tpu.memory_space<hbm>>) target(%dma_start3A_71 : memref<120xi32, #tpu.memory_space<vmem>>) target_semaphore(%arg12 : memref<!tpu.dma_semaphore, #tpu.memory_space<semaphore_mem>>)
    %dma_start3A_73 = arith.constant 2 : i32
    %dma_start3A_74 = arith.constant 1 : i32
    %dma_start3A_75 = arith.constant 0 : i32
    %dma_start3A_76 = tpu.memref_slice %arg8[%dma_start3A_73, %dma_start3A_74, %dma_start3A_75] : memref<6x2x120xi32, #tpu.memory_space<vmem>> -> memref<1x1x120xi32, #tpu.memory_space<vmem>>
    %dma_start3A_77 = tpu.memref_squeeze %dma_start3A_76 : memref<1x1x120xi32, #tpu.memory_space<vmem>> -> memref<120xi32, #tpu.memory_space<vmem>>
    %dma_start3A_78 = tpu.memref_slice %arg4[%multiple_of3A_62] : memref<322560xi32, #tpu.memory_space<hbm>> -> memref<120xi32, #tpu.memory_space<hbm>>
    %dma_start3A_79 = arith.constant 0 : i32
    %dma_start3A_80 = tpu.memref_slice %arg8[%dma_start3A_73, %dma_start3A_74, %dma_start3A_79] : memref<6x2x120xi32, #tpu.memory_space<vmem>> -> memref<1x1x120xi32, #tpu.memory_space<vmem>>
    %dma_start3A_81 = tpu.memref_squeeze %dma_start3A_80 : memref<1x1x120xi32, #tpu.memory_space<vmem>> -> memref<120xi32, #tpu.memory_space<vmem>>
    %dma_start3A_82 = tpu.memref_slice %arg4[%multiple_of3A_62] : memref<322560xi32, #tpu.memory_space<hbm>> -> memref<120xi32, #tpu.memory_space<hbm>>
    tpu.enqueue_dma source(%dma_start3A_82 : memref<120xi32, #tpu.memory_space<hbm>>) target(%dma_start3A_81 : memref<120xi32, #tpu.memory_space<vmem>>) target_semaphore(%arg12 : memref<!tpu.dma_semaphore, #tpu.memory_space<semaphore_mem>>)
    %add3A_83 = arith.constant 96 : i32
    %add3A_84 = arith.addi %add3A, %add3A_83 : i32
    %mul3A_85 = arith.constant 120 : i32
    %mul3A_86 = arith.muli %add3A_84, %mul3A_85 : i32
    %multiple_of3A_87 = tpu.assume_multiple %mul3A_86, 8 : i32
    %dma_start3A_88 = arith.constant 3 : i32
    %dma_start3A_89 = arith.constant 0 : i32
    %dma_start3A_90 = arith.constant 0 : i32
    %dma_start3A_91 = tpu.memref_slice %arg8[%dma_start3A_88, %dma_start3A_89, %dma_start3A_90] : memref<6x2x120xi32, #tpu.memory_space<vmem>> -> memref<1x1x120xi32, #tpu.memory_space<vmem>>
    %dma_start3A_92 = tpu.memref_squeeze %dma_start3A_91 : memref<1x1x120xi32, #tpu.memory_space<vmem>> -> memref<120xi32, #tpu.memory_space<vmem>>
    %dma_start3A_93 = tpu.memref_slice %arg3[%multiple_of3A_87] : memref<322560xi32, #tpu.memory_space<hbm>> -> memref<120xi32, #tpu.memory_space<hbm>>
    %dma_start3A_94 = arith.constant 0 : i32
    %dma_start3A_95 = tpu.memref_slice %arg8[%dma_start3A_88, %dma_start3A_89, %dma_start3A_94] : memref<6x2x120xi32, #tpu.memory_space<vmem>> -> memref<1x1x120xi32, #tpu.memory_space<vmem>>
    %dma_start3A_96 = tpu.memref_squeeze %dma_start3A_95 : memref<1x1x120xi32, #tpu.memory_space<vmem>> -> memref<120xi32, #tpu.memory_space<vmem>>
    %dma_start3A_97 = tpu.memref_slice %arg3[%multiple_of3A_87] : memref<322560xi32, #tpu.memory_space<hbm>> -> memref<120xi32, #tpu.memory_space<hbm>>
    tpu.enqueue_dma source(%dma_start3A_97 : memref<120xi32, #tpu.memory_space<hbm>>) target(%dma_start3A_96 : memref<120xi32, #tpu.memory_space<vmem>>) target_semaphore(%arg13 : memref<!tpu.dma_semaphore, #tpu.memory_space<semaphore_mem>>)
    %dma_start3A_98 = arith.constant 3 : i32
    %dma_start3A_99 = arith.constant 1 : i32
    %dma_start3A_100 = arith.constant 0 : i32
    %dma_start3A_101 = tpu.memref_slice %arg8[%dma_start3A_98, %dma_start3A_99, %dma_start3A_100] : memref<6x2x120xi32, #tpu.memory_space<vmem>> -> memref<1x1x120xi32, #tpu.memory_space<vmem>>
    %dma_start3A_102 = tpu.memref_squeeze %dma_start3A_101 : memref<1x1x120xi32, #tpu.memory_space<vmem>> -> memref<120xi32, #tpu.memory_space<vmem>>
    %dma_start3A_103 = tpu.memref_slice %arg4[%multiple_of3A_87] : memref<322560xi32, #tpu.memory_space<hbm>> -> memref<120xi32, #tpu.memory_space<hbm>>
    %dma_start3A_104 = arith.constant 0 : i32
    %dma_start3A_105 = tpu.memref_slice %arg8[%dma_start3A_98, %dma_start3A_99, %dma_start3A_104] : memref<6x2x120xi32, #tpu.memory_space<vmem>> -> memref<1x1x120xi32, #tpu.memory_space<vmem>>
    %dma_start3A_106 = tpu.memref_squeeze %dma_start3A_105 : memref<1x1x120xi32, #tpu.memory_space<vmem>> -> memref<120xi32, #tpu.memory_space<vmem>>
    %dma_start3A_107 = tpu.memref_slice %arg4[%multiple_of3A_87] : memref<322560xi32, #tpu.memory_space<hbm>> -> memref<120xi32, #tpu.memory_space<hbm>>
    tpu.enqueue_dma source(%dma_start3A_107 : memref<120xi32, #tpu.memory_space<hbm>>) target(%dma_start3A_106 : memref<120xi32, #tpu.memory_space<vmem>>) target_semaphore(%arg13 : memref<!tpu.dma_semaphore, #tpu.memory_space<semaphore_mem>>)
    %dma_wait3A = arith.constant 0 : i32
    %dma_wait3A_108 = arith.constant 0 : i32
    %dma_wait3A_109 = arith.constant 0 : i32
    %dma_wait3A_110 = tpu.memref_slice %arg8[%dma_wait3A, %dma_wait3A_108, %dma_wait3A_109] : memref<6x2x120xi32, #tpu.memory_space<vmem>> -> memref<1x1x120xi32, #tpu.memory_space<vmem>>
    %dma_wait3A_111 = tpu.memref_squeeze %dma_wait3A_110 : memref<1x1x120xi32, #tpu.memory_space<vmem>> -> memref<120xi32, #tpu.memory_space<vmem>>
    %dma_wait3A_112 = arith.constant 0 : i32
    %dma_wait3A_113 = tpu.memref_slice %arg3[%dma_wait3A_112] : memref<322560xi32, #tpu.memory_space<hbm>> -> memref<120xi32, #tpu.memory_space<hbm>>
    %dma_wait3A_114 = arith.constant 0 : i32
    %dma_wait3A_115 = tpu.memref_slice %arg8[%dma_wait3A, %dma_wait3A_108, %dma_wait3A_114] : memref<6x2x120xi32, #tpu.memory_space<vmem>> -> memref<1x1x120xi32, #tpu.memory_space<vmem>>
    %dma_wait3A_116 = tpu.memref_squeeze %dma_wait3A_115 : memref<1x1x120xi32, #tpu.memory_space<vmem>> -> memref<120xi32, #tpu.memory_space<vmem>>
    %dma_wait3A_117 = arith.constant 0 : i32
    %dma_wait3A_118 = tpu.memref_slice %arg3[%dma_wait3A_117] : memref<322560xi32, #tpu.memory_space<hbm>> -> memref<120xi32, #tpu.memory_space<hbm>>
    tpu.wait_dma2 semaphore(%arg10 : memref<!tpu.dma_semaphore, #tpu.memory_space<semaphore_mem>>) src(%dma_wait3A_118 : memref<120xi32, #tpu.memory_space<hbm>>) dst(%dma_wait3A_116 : memref<120xi32, #tpu.memory_space<vmem>>)
    %dma_wait3A_119 = arith.constant 0 : i32
    %dma_wait3A_120 = arith.constant 1 : i32
    %dma_wait3A_121 = arith.constant 0 : i32
    %dma_wait3A_122 = tpu.memref_slice %arg8[%dma_wait3A_119, %dma_wait3A_120, %dma_wait3A_121] : memref<6x2x120xi32, #tpu.memory_space<vmem>> -> memref<1x1x120xi32, #tpu.memory_space<vmem>>
    %dma_wait3A_123 = tpu.memref_squeeze %dma_wait3A_122 : memref<1x1x120xi32, #tpu.memory_space<vmem>> -> memref<120xi32, #tpu.memory_space<vmem>>
    %dma_wait3A_124 = arith.constant 0 : i32
    %dma_wait3A_125 = tpu.memref_slice %arg4[%dma_wait3A_124] : memref<322560xi32, #tpu.memory_space<hbm>> -> memref<120xi32, #tpu.memory_space<hbm>>
    %dma_wait3A_126 = arith.constant 0 : i32
    %dma_wait3A_127 = tpu.memref_slice %arg8[%dma_wait3A_119, %dma_wait3A_120, %dma_wait3A_126] : memref<6x2x120xi32, #tpu.memory_space<vmem>> -> memref<1x1x120xi32, #tpu.memory_space<vmem>>
    %dma_wait3A_128 = tpu.memref_squeeze %dma_wait3A_127 : memref<1x1x120xi32, #tpu.memory_space<vmem>> -> memref<120xi32, #tpu.memory_space<vmem>>
    %dma_wait3A_129 = arith.constant 0 : i32
    %dma_wait3A_130 = tpu.memref_slice %arg4[%dma_wait3A_129] : memref<322560xi32, #tpu.memory_space<hbm>> -> memref<120xi32, #tpu.memory_space<hbm>>
    tpu.wait_dma2 semaphore(%arg10 : memref<!tpu.dma_semaphore, #tpu.memory_space<semaphore_mem>>) src(%dma_wait3A_130 : memref<120xi32, #tpu.memory_space<hbm>>) dst(%dma_wait3A_128 : memref<120xi32, #tpu.memory_space<vmem>>)
    %dma_start3A_131 = arith.constant 0 : i32
    %dma_start3A_132 = arith.constant 0 : i32
    %dma_start3A_133 = arith.constant 0 : i32
    %dma_start3A_134 = arith.constant 0 : i32
    %dma_start3A_135 = arith.constant 0 : i32
    %dma_start3A_136 = tpu.memref_slice %arg9[%dma_start3A_133, %dma_start3A_134, %dma_start3A_135] : memref<3x120x128xf32, #tpu.memory_space<vmem>> -> memref<1x120x128xf32, #tpu.memory_space<vmem>>
    %dma_start3A_137 = tpu.memref_squeeze %dma_start3A_136 : memref<1x120x128xf32, #tpu.memory_space<vmem>> -> memref<120x128xf32, #tpu.memory_space<vmem>>
    %dma_start3A_138 = arith.constant 0 : i32
    %dma_start3A_139 = tpu.memref_slice %arg8[%dma_start3A_131, %dma_start3A_132, %dma_start3A_138] : memref<6x2x120xi32, #tpu.memory_space<vmem>> -> memref<1x1x120xi32, #tpu.memory_space<vmem>>
    %dma_start3A_140 = tpu.memref_squeeze %dma_start3A_139 : memref<1x1x120xi32, #tpu.memory_space<vmem>> -> memref<120xi32, #tpu.memory_space<vmem>>
    %dma_start3A_141 = arith.constant 0 : i32
    %dma_start3A_142 = arith.constant 0 : i32
    %dma_start3A_143 = tpu.memref_slice %arg2[%dma_start3A_141, %dma_start3A_142] : memref<10000x128xf32, #tpu.memory_space<hbm>> -> memref<10000x128xf32, #tpu.memory_space<hbm>>
    tpu.enqueue_indirect_dma source(%dma_start3A_143 : memref<10000x128xf32, #tpu.memory_space<hbm>>) target(%dma_start3A_137 : memref<120x128xf32, #tpu.memory_space<vmem>>) offsets(%dma_start3A_140 : memref<120xi32, #tpu.memory_space<vmem>>) semaphore(%arg16 : memref<!tpu.dma_semaphore, #tpu.memory_space<semaphore_mem>>)
    %scan3A = arith.constant 0 : i32
    %scan3A_144 = arith.constant 0 : i32
    %scan3A_145 = arith.constant 14 : i32
    %scan3A_146 = arith.addi %scan3A_144, %scan3A_145 : i32
    %scan3A_147 = arith.constant 1 : i32
    scf.for %scan3A_190 = %scan3A_144 to %scan3A_146 step %scan3A_147  : i32 {
      %mul3A_191 = arith.constant 6 : i32
      %mul3A_192 = arith.muli %scan3A_190, %mul3A_191 : i32
      %add3A_193 = arith.constant 0 : i32
      %add3A_194 = arith.addi %mul3A_192, %add3A_193 : i32
      %ge3A = arith.constant 2 : i32
      %ge3A_195 = arith.cmpi sge, %add3A_194, %ge3A : i32
      %convert_element_type3A_196 = arith.extui %ge3A_195 : i1 to i32
      %cond3A_197 = arith.constant 0 : i32
      %cond3A_198 = arith.cmpi ne, %convert_element_type3A_196, %cond3A_197 : i32
      scf.if %cond3A_198 {
        %dma_wait3A_496 = arith.constant 1 : i32
        %dma_wait3A_497 = arith.constant 0 : i32
        %dma_wait3A_498 = arith.constant 0 : i32
        %dma_wait3A_499 = tpu.memref_slice %arg9[%dma_wait3A_496, %dma_wait3A_497, %dma_wait3A_498] : memref<3x120x128xf32, #tpu.memory_space<vmem>> -> memref<1x120x128xf32, #tpu.memory_space<vmem>>
        %dma_wait3A_500 = tpu.memref_squeeze %dma_wait3A_499 : memref<1x120x128xf32, #tpu.memory_space<vmem>> -> memref<120x128xf32, #tpu.memory_space<vmem>>
        %dma_wait3A_501 = arith.constant 0 : i32
        %dma_wait3A_502 = arith.constant 0 : i32
        %dma_wait3A_503 = tpu.memref_slice %arg7[%dma_wait3A_501, %dma_wait3A_502] : memref<10008x128xf32, #tpu.memory_space<vmem_shared>> -> memref<120x128xf32, #tpu.memory_space<vmem_shared>>
        %dma_wait3A_504 = arith.constant 0 : i32
        %dma_wait3A_505 = arith.constant 0 : i32
        %dma_wait3A_506 = tpu.memref_slice %arg7[%dma_wait3A_504, %dma_wait3A_505] : memref<10008x128xf32, #tpu.memory_space<vmem_shared>> -> memref<120x128xf32, #tpu.memory_space<vmem_shared>>
        %dma_wait3A_507 = arith.constant 0 : i32
        %dma_wait3A_508 = arith.constant 0 : i32
        %dma_wait3A_509 = tpu.memref_slice %arg9[%dma_wait3A_496, %dma_wait3A_507, %dma_wait3A_508] : memref<3x120x128xf32, #tpu.memory_space<vmem>> -> memref<1x120x128xf32, #tpu.memory_space<vmem>>
        %dma_wait3A_510 = tpu.memref_squeeze %dma_wait3A_509 : memref<1x120x128xf32, #tpu.memory_space<vmem>> -> memref<120x128xf32, #tpu.memory_space<vmem>>
        tpu.wait_dma2 semaphore(%arg20 : memref<!tpu.dma_semaphore, #tpu.memory_space<semaphore_mem>>) src(%dma_wait3A_510 : memref<120x128xf32, #tpu.memory_space<vmem>>) dst(%dma_wait3A_506 : memref<120x128xf32, #tpu.memory_space<vmem_shared>>)
      } else {
      }
      %add3A_199 = arith.constant 4 : i32
      %add3A_200 = arith.addi %add3A_194, %add3A_199 : i32
      %lt3A_201 = arith.constant 84 : i32
      %lt3A_202 = arith.cmpi slt, %add3A_200, %lt3A_201 : i32
      %convert_element_type3A_203 = arith.extui %lt3A_202 : i1 to i32
      %cond3A_204 = arith.constant 0 : i32
      %cond3A_205 = arith.cmpi ne, %convert_element_type3A_203, %cond3A_204 : i32
      scf.if %cond3A_205 {
        %add3A_496 = arith.constant 4 : i32
        %add3A_497 = arith.addi %add3A_194, %add3A_496 : i32
        %mul3A_498 = arith.constant 32 : i32
        %mul3A_499 = arith.muli %add3A_497, %mul3A_498 : i32
        %add3A_500 = arith.addi %add3A, %mul3A_499 : i32
        %mul3A_501 = arith.constant 120 : i32
        %mul3A_502 = arith.muli %add3A_500, %mul3A_501 : i32
        %multiple_of3A_503 = tpu.assume_multiple %mul3A_502, 8 : i32
        %dma_start3A_504 = arith.constant 4 : i32
        %dma_start3A_505 = arith.constant 0 : i32
        %dma_start3A_506 = arith.constant 0 : i32
        %dma_start3A_507 = tpu.memref_slice %arg8[%dma_start3A_504, %dma_start3A_505, %dma_start3A_506] : memref<6x2x120xi32, #tpu.memory_space<vmem>> -> memref<1x1x120xi32, #tpu.memory_space<vmem>>
        %dma_start3A_508 = tpu.memref_squeeze %dma_start3A_507 : memref<1x1x120xi32, #tpu.memory_space<vmem>> -> memref<120xi32, #tpu.memory_space<vmem>>
        %dma_start3A_509 = tpu.memref_slice %arg3[%multiple_of3A_503] : memref<322560xi32, #tpu.memory_space<hbm>> -> memref<120xi32, #tpu.memory_space<hbm>>
        %dma_start3A_510 = arith.constant 0 : i32
        %dma_start3A_511 = tpu.memref_slice %arg8[%dma_start3A_504, %dma_start3A_505, %dma_start3A_510] : memref<6x2x120xi32, #tpu.memory_space<vmem>> -> memref<1x1x120xi32, #tpu.memory_space<vmem>>
        %dma_start3A_512 = tpu.memref_squeeze %dma_start3A_511 : memref<1x1x120xi32, #tpu.memory_space<vmem>> -> memref<120xi32, #tpu.memory_space<vmem>>
        %dma_start3A_513 = tpu.memref_slice %arg3[%multiple_of3A_503] : memref<322560xi32, #tpu.memory_space<hbm>> -> memref<120xi32, #tpu.memory_space<hbm>>
        tpu.enqueue_dma source(%dma_start3A_513 : memref<120xi32, #tpu.memory_space<hbm>>) target(%dma_start3A_512 : memref<120xi32, #tpu.memory_space<vmem>>) target_semaphore(%arg14 : memref<!tpu.dma_semaphore, #tpu.memory_space<semaphore_mem>>)
        %dma_start3A_514 = arith.constant 4 : i32
        %dma_start3A_515 = arith.constant 1 : i32
        %dma_start3A_516 = arith.constant 0 : i32
        %dma_start3A_517 = tpu.memref_slice %arg8[%dma_start3A_514, %dma_start3A_515, %dma_start3A_516] : memref<6x2x120xi32, #tpu.memory_space<vmem>> -> memref<1x1x120xi32, #tpu.memory_space<vmem>>
        %dma_start3A_518 = tpu.memref_squeeze %dma_start3A_517 : memref<1x1x120xi32, #tpu.memory_space<vmem>> -> memref<120xi32, #tpu.memory_space<vmem>>
        %dma_start3A_519 = tpu.memref_slice %arg4[%multiple_of3A_503] : memref<322560xi32, #tpu.memory_space<hbm>> -> memref<120xi32, #tpu.memory_space<hbm>>
        %dma_start3A_520 = arith.constant 0 : i32
        %dma_start3A_521 = tpu.memref_slice %arg8[%dma_start3A_514, %dma_start3A_515, %dma_start3A_520] : memref<6x2x120xi32, #tpu.memory_space<vmem>> -> memref<1x1x120xi32, #tpu.memory_space<vmem>>
        %dma_start3A_522 = tpu.memref_squeeze %dma_start3A_521 : memref<1x1x120xi32, #tpu.memory_space<vmem>> -> memref<120xi32, #tpu.memory_space<vmem>>
        %dma_start3A_523 = tpu.memref_slice %arg4[%multiple_of3A_503] : memref<322560xi32, #tpu.memory_space<hbm>> -> memref<120xi32, #tpu.memory_space<hbm>>
        tpu.enqueue_dma source(%dma_start3A_523 : memref<120xi32, #tpu.memory_space<hbm>>) target(%dma_start3A_522 : memref<120xi32, #tpu.memory_space<vmem>>) target_semaphore(%arg14 : memref<!tpu.dma_semaphore, #tpu.memory_space<semaphore_mem>>)
      } else {
      }
      %add3A_206 = arith.constant 1 : i32
      %add3A_207 = arith.addi %add3A_194, %add3A_206 : i32
      %lt3A_208 = arith.constant 84 : i32
      %lt3A_209 = arith.cmpi slt, %add3A_207, %lt3A_208 : i32
      %convert_element_type3A_210 = arith.extui %lt3A_209 : i1 to i32
      %cond3A_211 = arith.constant 0 : i32
      %cond3A_212 = arith.cmpi ne, %convert_element_type3A_210, %cond3A_211 : i32
      scf.if %cond3A_212 {
        %dma_wait3A_496 = arith.constant 1 : i32
        %dma_wait3A_497 = arith.constant 0 : i32
        %dma_wait3A_498 = arith.constant 0 : i32
        %dma_wait3A_499 = tpu.memref_slice %arg8[%dma_wait3A_496, %dma_wait3A_497, %dma_wait3A_498] : memref<6x2x120xi32, #tpu.memory_space<vmem>> -> memref<1x1x120xi32, #tpu.memory_space<vmem>>
        %dma_wait3A_500 = tpu.memref_squeeze %dma_wait3A_499 : memref<1x1x120xi32, #tpu.memory_space<vmem>> -> memref<120xi32, #tpu.memory_space<vmem>>
        %dma_wait3A_501 = arith.constant 0 : i32
        %dma_wait3A_502 = tpu.memref_slice %arg3[%dma_wait3A_501] : memref<322560xi32, #tpu.memory_space<hbm>> -> memref<120xi32, #tpu.memory_space<hbm>>
        %dma_wait3A_503 = arith.constant 0 : i32
        %dma_wait3A_504 = tpu.memref_slice %arg8[%dma_wait3A_496, %dma_wait3A_497, %dma_wait3A_503] : memref<6x2x120xi32, #tpu.memory_space<vmem>> -> memref<1x1x120xi32, #tpu.memory_space<vmem>>
        %dma_wait3A_505 = tpu.memref_squeeze %dma_wait3A_504 : memref<1x1x120xi32, #tpu.memory_space<vmem>> -> memref<120xi32, #tpu.memory_space<vmem>>
        %dma_wait3A_506 = arith.constant 0 : i32
        %dma_wait3A_507 = tpu.memref_slice %arg3[%dma_wait3A_506] : memref<322560xi32, #tpu.memory_space<hbm>> -> memref<120xi32, #tpu.memory_space<hbm>>
        tpu.wait_dma2 semaphore(%arg11 : memref<!tpu.dma_semaphore, #tpu.memory_space<semaphore_mem>>) src(%dma_wait3A_507 : memref<120xi32, #tpu.memory_space<hbm>>) dst(%dma_wait3A_505 : memref<120xi32, #tpu.memory_space<vmem>>)
        %dma_wait3A_508 = arith.constant 1 : i32
        %dma_wait3A_509 = arith.constant 1 : i32
        %dma_wait3A_510 = arith.constant 0 : i32
        %dma_wait3A_511 = tpu.memref_slice %arg8[%dma_wait3A_508, %dma_wait3A_509, %dma_wait3A_510] : memref<6x2x120xi32, #tpu.memory_space<vmem>> -> memref<1x1x120xi32, #tpu.memory_space<vmem>>
        %dma_wait3A_512 = tpu.memref_squeeze %dma_wait3A_511 : memref<1x1x120xi32, #tpu.memory_space<vmem>> -> memref<120xi32, #tpu.memory_space<vmem>>
        %dma_wait3A_513 = arith.constant 0 : i32
        %dma_wait3A_514 = tpu.memref_slice %arg4[%dma_wait3A_513] : memref<322560xi32, #tpu.memory_space<hbm>> -> memref<120xi32, #tpu.memory_space<hbm>>
        %dma_wait3A_515 = arith.constant 0 : i32
        %dma_wait3A_516 = tpu.memref_slice %arg8[%dma_wait3A_508, %dma_wait3A_509, %dma_wait3A_515] : memref<6x2x120xi32, #tpu.memory_space<vmem>> -> memref<1x1x120xi32, #tpu.memory_space<vmem>>
        %dma_wait3A_517 = tpu.memref_squeeze %dma_wait3A_516 : memref<1x1x120xi32, #tpu.memory_space<vmem>> -> memref<120xi32, #tpu.memory_space<vmem>>
        %dma_wait3A_518 = arith.constant 0 : i32
        %dma_wait3A_519 = tpu.memref_slice %arg4[%dma_wait3A_518] : memref<322560xi32, #tpu.memory_space<hbm>> -> memref<120xi32, #tpu.memory_space<hbm>>
        tpu.wait_dma2 semaphore(%arg11 : memref<!tpu.dma_semaphore, #tpu.memory_space<semaphore_mem>>) src(%dma_wait3A_519 : memref<120xi32, #tpu.memory_space<hbm>>) dst(%dma_wait3A_517 : memref<120xi32, #tpu.memory_space<vmem>>)
        %dma_start3A_520 = arith.constant 1 : i32
        %dma_start3A_521 = arith.constant 0 : i32
        %dma_start3A_522 = arith.constant 1 : i32
        %dma_start3A_523 = arith.constant 0 : i32
        %dma_start3A_524 = arith.constant 0 : i32
        %dma_start3A_525 = tpu.memref_slice %arg9[%dma_start3A_522, %dma_start3A_523, %dma_start3A_524] : memref<3x120x128xf32, #tpu.memory_space<vmem>> -> memref<1x120x128xf32, #tpu.memory_space<vmem>>
        %dma_start3A_526 = tpu.memref_squeeze %dma_start3A_525 : memref<1x120x128xf32, #tpu.memory_space<vmem>> -> memref<120x128xf32, #tpu.memory_space<vmem>>
        %dma_start3A_527 = arith.constant 0 : i32
        %dma_start3A_528 = tpu.memref_slice %arg8[%dma_start3A_520, %dma_start3A_521, %dma_start3A_527] : memref<6x2x120xi32, #tpu.memory_space<vmem>> -> memref<1x1x120xi32, #tpu.memory_space<vmem>>
        %dma_start3A_529 = tpu.memref_squeeze %dma_start3A_528 : memref<1x1x120xi32, #tpu.memory_space<vmem>> -> memref<120xi32, #tpu.memory_space<vmem>>
        %dma_start3A_530 = arith.constant 0 : i32
        %dma_start3A_531 = arith.constant 0 : i32
        %dma_start3A_532 = tpu.memref_slice %arg2[%dma_start3A_530, %dma_start3A_531] : memref<10000x128xf32, #tpu.memory_space<hbm>> -> memref<10000x128xf32, #tpu.memory_space<hbm>>
        tpu.enqueue_indirect_dma source(%dma_start3A_532 : memref<10000x128xf32, #tpu.memory_space<hbm>>) target(%dma_start3A_526 : memref<120x128xf32, #tpu.memory_space<vmem>>) offsets(%dma_start3A_529 : memref<120xi32, #tpu.memory_space<vmem>>) semaphore(%arg17 : memref<!tpu.dma_semaphore, #tpu.memory_space<semaphore_mem>>)
      } else {
      }
      %dma_wait3A_213 = arith.constant 0 : i32
      %dma_wait3A_214 = arith.constant 0 : i32
      %dma_wait3A_215 = arith.constant 0 : i32
      %dma_wait3A_216 = tpu.memref_slice %arg9[%dma_wait3A_213, %dma_wait3A_214, %dma_wait3A_215] : memref<3x120x128xf32, #tpu.memory_space<vmem>> -> memref<1x120x128xf32, #tpu.memory_space<vmem>>
      %dma_wait3A_217 = tpu.memref_squeeze %dma_wait3A_216 : memref<1x120x128xf32, #tpu.memory_space<vmem>> -> memref<120x128xf32, #tpu.memory_space<vmem>>
      %dma_wait3A_218 = arith.constant 0 : i32
      %dma_wait3A_219 = arith.constant 0 : i32
      %dma_wait3A_220 = tpu.memref_slice %arg2[%dma_wait3A_218, %dma_wait3A_219] : memref<10000x128xf32, #tpu.memory_space<hbm>> -> memref<120x128xf32, #tpu.memory_space<hbm>>
      %dma_wait3A_221 = arith.constant 0 : i32
      %dma_wait3A_222 = arith.constant 0 : i32
      %dma_wait3A_223 = tpu.memref_slice %arg9[%dma_wait3A_213, %dma_wait3A_221, %dma_wait3A_222] : memref<3x120x128xf32, #tpu.memory_space<vmem>> -> memref<1x120x128xf32, #tpu.memory_space<vmem>>
      %dma_wait3A_224 = tpu.memref_squeeze %dma_wait3A_223 : memref<1x120x128xf32, #tpu.memory_space<vmem>> -> memref<120x128xf32, #tpu.memory_space<vmem>>
      %dma_wait3A_225 = arith.constant 0 : i32
      %dma_wait3A_226 = arith.constant 0 : i32
      %dma_wait3A_227 = tpu.memref_slice %arg2[%dma_wait3A_225, %dma_wait3A_226] : memref<10000x128xf32, #tpu.memory_space<hbm>> -> memref<120x128xf32, #tpu.memory_space<hbm>>
      tpu.wait_dma2 semaphore(%arg16 : memref<!tpu.dma_semaphore, #tpu.memory_space<semaphore_mem>>) src(%dma_wait3A_227 : memref<120x128xf32, #tpu.memory_space<hbm>>) dst(%dma_wait3A_224 : memref<120x128xf32, #tpu.memory_space<vmem>>)
      %dma_start3A_228 = arith.constant 0 : i32
      %dma_start3A_229 = arith.constant 0 : i32
      %dma_start3A_230 = arith.constant 1 : i32
      %dma_start3A_231 = arith.constant 0 : i32
      %dma_start3A_232 = arith.constant 0 : i32
      %dma_start3A_233 = tpu.memref_slice %arg9[%dma_start3A_228, %dma_start3A_231, %dma_start3A_232] : memref<3x120x128xf32, #tpu.memory_space<vmem>> -> memref<1x120x128xf32, #tpu.memory_space<vmem>>
      %dma_start3A_234 = tpu.memref_squeeze %dma_start3A_233 : memref<1x120x128xf32, #tpu.memory_space<vmem>> -> memref<120x128xf32, #tpu.memory_space<vmem>>
      %dma_start3A_235 = arith.constant 0 : i32
      %dma_start3A_236 = tpu.memref_slice %arg8[%dma_start3A_229, %dma_start3A_230, %dma_start3A_235] : memref<6x2x120xi32, #tpu.memory_space<vmem>> -> memref<1x1x120xi32, #tpu.memory_space<vmem>>
      %dma_start3A_237 = tpu.memref_squeeze %dma_start3A_236 : memref<1x1x120xi32, #tpu.memory_space<vmem>> -> memref<120xi32, #tpu.memory_space<vmem>>
      %dma_start3A_238 = arith.constant 0 : i32
      %dma_start3A_239 = arith.constant 0 : i32
      %dma_start3A_240 = tpu.memref_slice %arg7[%dma_start3A_238, %dma_start3A_239] : memref<10008x128xf32, #tpu.memory_space<vmem_shared>> -> memref<10008x128xf32, #tpu.memory_space<vmem_shared>>
      tpu.enqueue_indirect_dma source(%dma_start3A_234 : memref<120x128xf32, #tpu.memory_space<vmem>>) target(%dma_start3A_240 : memref<10008x128xf32, #tpu.memory_space<vmem_shared>>) offsets(%dma_start3A_237 : memref<120xi32, #tpu.memory_space<vmem>>) semaphore(%arg19 : memref<!tpu.dma_semaphore, #tpu.memory_space<semaphore_mem>>) {add = true}
      %mul3A_241 = arith.constant 6 : i32
      %mul3A_242 = arith.muli %scan3A_190, %mul3A_241 : i32
      %add3A_243 = arith.constant 1 : i32
      %add3A_244 = arith.addi %mul3A_242, %add3A_243 : i32
      %ge3A_245 = arith.constant 2 : i32
      %ge3A_246 = arith.cmpi sge, %add3A_244, %ge3A_245 : i32
      %convert_element_type3A_247 = arith.extui %ge3A_246 : i1 to i32
      %cond3A_248 = arith.constant 0 : i32
      %cond3A_249 = arith.cmpi ne, %convert_element_type3A_247, %cond3A_248 : i32
      scf.if %cond3A_249 {
        %dma_wait3A_496 = arith.constant 2 : i32
        %dma_wait3A_497 = arith.constant 0 : i32
        %dma_wait3A_498 = arith.constant 0 : i32
        %dma_wait3A_499 = tpu.memref_slice %arg9[%dma_wait3A_496, %dma_wait3A_497, %dma_wait3A_498] : memref<3x120x128xf32, #tpu.memory_space<vmem>> -> memref<1x120x128xf32, #tpu.memory_space<vmem>>
        %dma_wait3A_500 = tpu.memref_squeeze %dma_wait3A_499 : memref<1x120x128xf32, #tpu.memory_space<vmem>> -> memref<120x128xf32, #tpu.memory_space<vmem>>
        %dma_wait3A_501 = arith.constant 0 : i32
        %dma_wait3A_502 = arith.constant 0 : i32
        %dma_wait3A_503 = tpu.memref_slice %arg7[%dma_wait3A_501, %dma_wait3A_502] : memref<10008x128xf32, #tpu.memory_space<vmem_shared>> -> memref<120x128xf32, #tpu.memory_space<vmem_shared>>
        %dma_wait3A_504 = arith.constant 0 : i32
        %dma_wait3A_505 = arith.constant 0 : i32
        %dma_wait3A_506 = tpu.memref_slice %arg7[%dma_wait3A_504, %dma_wait3A_505] : memref<10008x128xf32, #tpu.memory_space<vmem_shared>> -> memref<120x128xf32, #tpu.memory_space<vmem_shared>>
        %dma_wait3A_507 = arith.constant 0 : i32
        %dma_wait3A_508 = arith.constant 0 : i32
        %dma_wait3A_509 = tpu.memref_slice %arg9[%dma_wait3A_496, %dma_wait3A_507, %dma_wait3A_508] : memref<3x120x128xf32, #tpu.memory_space<vmem>> -> memref<1x120x128xf32, #tpu.memory_space<vmem>>
        %dma_wait3A_510 = tpu.memref_squeeze %dma_wait3A_509 : memref<1x120x128xf32, #tpu.memory_space<vmem>> -> memref<120x128xf32, #tpu.memory_space<vmem>>
        tpu.wait_dma2 semaphore(%arg21 : memref<!tpu.dma_semaphore, #tpu.memory_space<semaphore_mem>>) src(%dma_wait3A_510 : memref<120x128xf32, #tpu.memory_space<vmem>>) dst(%dma_wait3A_506 : memref<120x128xf32, #tpu.memory_space<vmem_shared>>)
      } else {
      }
      %add3A_250 = arith.constant 4 : i32
      %add3A_251 = arith.addi %add3A_244, %add3A_250 : i32
      %lt3A_252 = arith.constant 84 : i32
      %lt3A_253 = arith.cmpi slt, %add3A_251, %lt3A_252 : i32
      %convert_element_type3A_254 = arith.extui %lt3A_253 : i1 to i32
      %cond3A_255 = arith.constant 0 : i32
      %cond3A_256 = arith.cmpi ne, %convert_element_type3A_254, %cond3A_255 : i32
      scf.if %cond3A_256 {
        %add3A_496 = arith.constant 4 : i32
        %add3A_497 = arith.addi %add3A_244, %add3A_496 : i32
        %mul3A_498 = arith.constant 32 : i32
        %mul3A_499 = arith.muli %add3A_497, %mul3A_498 : i32
        %add3A_500 = arith.addi %add3A, %mul3A_499 : i32
        %mul3A_501 = arith.constant 120 : i32
        %mul3A_502 = arith.muli %add3A_500, %mul3A_501 : i32
        %multiple_of3A_503 = tpu.assume_multiple %mul3A_502, 8 : i32
        %dma_start3A_504 = arith.constant 5 : i32
        %dma_start3A_505 = arith.constant 0 : i32
        %dma_start3A_506 = arith.constant 0 : i32
        %dma_start3A_507 = tpu.memref_slice %arg8[%dma_start3A_504, %dma_start3A_505, %dma_start3A_506] : memref<6x2x120xi32, #tpu.memory_space<vmem>> -> memref<1x1x120xi32, #tpu.memory_space<vmem>>
        %dma_start3A_508 = tpu.memref_squeeze %dma_start3A_507 : memref<1x1x120xi32, #tpu.memory_space<vmem>> -> memref<120xi32, #tpu.memory_space<vmem>>
        %dma_start3A_509 = tpu.memref_slice %arg3[%multiple_of3A_503] : memref<322560xi32, #tpu.memory_space<hbm>> -> memref<120xi32, #tpu.memory_space<hbm>>
        %dma_start3A_510 = arith.constant 0 : i32
        %dma_start3A_511 = tpu.memref_slice %arg8[%dma_start3A_504, %dma_start3A_505, %dma_start3A_510] : memref<6x2x120xi32, #tpu.memory_space<vmem>> -> memref<1x1x120xi32, #tpu.memory_space<vmem>>
        %dma_start3A_512 = tpu.memref_squeeze %dma_start3A_511 : memref<1x1x120xi32, #tpu.memory_space<vmem>> -> memref<120xi32, #tpu.memory_space<vmem>>
        %dma_start3A_513 = tpu.memref_slice %arg3[%multiple_of3A_503] : memref<322560xi32, #tpu.memory_space<hbm>> -> memref<120xi32, #tpu.memory_space<hbm>>
        tpu.enqueue_dma source(%dma_start3A_513 : memref<120xi32, #tpu.memory_space<hbm>>) target(%dma_start3A_512 : memref<120xi32, #tpu.memory_space<vmem>>) target_semaphore(%arg15 : memref<!tpu.dma_semaphore, #tpu.memory_space<semaphore_mem>>)
        %dma_start3A_514 = arith.constant 5 : i32
        %dma_start3A_515 = arith.constant 1 : i32
        %dma_start3A_516 = arith.constant 0 : i32
        %dma_start3A_517 = tpu.memref_slice %arg8[%dma_start3A_514, %dma_start3A_515, %dma_start3A_516] : memref<6x2x120xi32, #tpu.memory_space<vmem>> -> memref<1x1x120xi32, #tpu.memory_space<vmem>>
        %dma_start3A_518 = tpu.memref_squeeze %dma_start3A_517 : memref<1x1x120xi32, #tpu.memory_space<vmem>> -> memref<120xi32, #tpu.memory_space<vmem>>
        %dma_start3A_519 = tpu.memref_slice %arg4[%multiple_of3A_503] : memref<322560xi32, #tpu.memory_space<hbm>> -> memref<120xi32, #tpu.memory_space<hbm>>
        %dma_start3A_520 = arith.constant 0 : i32
        %dma_start3A_521 = tpu.memref_slice %arg8[%dma_start3A_514, %dma_start3A_515, %dma_start3A_520] : memref<6x2x120xi32, #tpu.memory_space<vmem>> -> memref<1x1x120xi32, #tpu.memory_space<vmem>>
        %dma_start3A_522 = tpu.memref_squeeze %dma_start3A_521 : memref<1x1x120xi32, #tpu.memory_space<vmem>> -> memref<120xi32, #tpu.memory_space<vmem>>
        %dma_start3A_523 = tpu.memref_slice %arg4[%multiple_of3A_503] : memref<322560xi32, #tpu.memory_space<hbm>> -> memref<120xi32, #tpu.memory_space<hbm>>
        tpu.enqueue_dma source(%dma_start3A_523 : memref<120xi32, #tpu.memory_space<hbm>>) target(%dma_start3A_522 : memref<120xi32, #tpu.memory_space<vmem>>) target_semaphore(%arg15 : memref<!tpu.dma_semaphore, #tpu.memory_space<semaphore_mem>>)
      } else {
      }
      %add3A_257 = arith.constant 1 : i32
      %add3A_258 = arith.addi %add3A_244, %add3A_257 : i32
      %lt3A_259 = arith.constant 84 : i32
      %lt3A_260 = arith.cmpi slt, %add3A_258, %lt3A_259 : i32
      %convert_element_type3A_261 = arith.extui %lt3A_260 : i1 to i32
      %cond3A_262 = arith.constant 0 : i32
      %cond3A_263 = arith.cmpi ne, %convert_element_type3A_261, %cond3A_262 : i32
      scf.if %cond3A_263 {
        %dma_wait3A_496 = arith.constant 2 : i32
        %dma_wait3A_497 = arith.constant 0 : i32
        %dma_wait3A_498 = arith.constant 0 : i32
        %dma_wait3A_499 = tpu.memref_slice %arg8[%dma_wait3A_496, %dma_wait3A_497, %dma_wait3A_498] : memref<6x2x120xi32, #tpu.memory_space<vmem>> -> memref<1x1x120xi32, #tpu.memory_space<vmem>>
        %dma_wait3A_500 = tpu.memref_squeeze %dma_wait3A_499 : memref<1x1x120xi32, #tpu.memory_space<vmem>> -> memref<120xi32, #tpu.memory_space<vmem>>
        %dma_wait3A_501 = arith.constant 0 : i32
        %dma_wait3A_502 = tpu.memref_slice %arg3[%dma_wait3A_501] : memref<322560xi32, #tpu.memory_space<hbm>> -> memref<120xi32, #tpu.memory_space<hbm>>
        %dma_wait3A_503 = arith.constant 0 : i32
        %dma_wait3A_504 = tpu.memref_slice %arg8[%dma_wait3A_496, %dma_wait3A_497, %dma_wait3A_503] : memref<6x2x120xi32, #tpu.memory_space<vmem>> -> memref<1x1x120xi32, #tpu.memory_space<vmem>>
        %dma_wait3A_505 = tpu.memref_squeeze %dma_wait3A_504 : memref<1x1x120xi32, #tpu.memory_space<vmem>> -> memref<120xi32, #tpu.memory_space<vmem>>
        %dma_wait3A_506 = arith.constant 0 : i32
        %dma_wait3A_507 = tpu.memref_slice %arg3[%dma_wait3A_506] : memref<322560xi32, #tpu.memory_space<hbm>> -> memref<120xi32, #tpu.memory_space<hbm>>
        tpu.wait_dma2 semaphore(%arg12 : memref<!tpu.dma_semaphore, #tpu.memory_space<semaphore_mem>>) src(%dma_wait3A_507 : memref<120xi32, #tpu.memory_space<hbm>>) dst(%dma_wait3A_505 : memref<120xi32, #tpu.memory_space<vmem>>)
        %dma_wait3A_508 = arith.constant 2 : i32
        %dma_wait3A_509 = arith.constant 1 : i32
        %dma_wait3A_510 = arith.constant 0 : i32
        %dma_wait3A_511 = tpu.memref_slice %arg8[%dma_wait3A_508, %dma_wait3A_509, %dma_wait3A_510] : memref<6x2x120xi32, #tpu.memory_space<vmem>> -> memref<1x1x120xi32, #tpu.memory_space<vmem>>
        %dma_wait3A_512 = tpu.memref_squeeze %dma_wait3A_511 : memref<1x1x120xi32, #tpu.memory_space<vmem>> -> memref<120xi32, #tpu.memory_space<vmem>>
        %dma_wait3A_513 = arith.constant 0 : i32
        %dma_wait3A_514 = tpu.memref_slice %arg4[%dma_wait3A_513] : memref<322560xi32, #tpu.memory_space<hbm>> -> memref<120xi32, #tpu.memory_space<hbm>>
        %dma_wait3A_515 = arith.constant 0 : i32
        %dma_wait3A_516 = tpu.memref_slice %arg8[%dma_wait3A_508, %dma_wait3A_509, %dma_wait3A_515] : memref<6x2x120xi32, #tpu.memory_space<vmem>> -> memref<1x1x120xi32, #tpu.memory_space<vmem>>
        %dma_wait3A_517 = tpu.memref_squeeze %dma_wait3A_516 : memref<1x1x120xi32, #tpu.memory_space<vmem>> -> memref<120xi32, #tpu.memory_space<vmem>>
        %dma_wait3A_518 = arith.constant 0 : i32
        %dma_wait3A_519 = tpu.memref_slice %arg4[%dma_wait3A_518] : memref<322560xi32, #tpu.memory_space<hbm>> -> memref<120xi32, #tpu.memory_space<hbm>>
        tpu.wait_dma2 semaphore(%arg12 : memref<!tpu.dma_semaphore, #tpu.memory_space<semaphore_mem>>) src(%dma_wait3A_519 : memref<120xi32, #tpu.memory_space<hbm>>) dst(%dma_wait3A_517 : memref<120xi32, #tpu.memory_space<vmem>>)
        %dma_start3A_520 = arith.constant 2 : i32
        %dma_start3A_521 = arith.constant 0 : i32
        %dma_start3A_522 = arith.constant 2 : i32
        %dma_start3A_523 = arith.constant 0 : i32
        %dma_start3A_524 = arith.constant 0 : i32
        %dma_start3A_525 = tpu.memref_slice %arg9[%dma_start3A_522, %dma_start3A_523, %dma_start3A_524] : memref<3x120x128xf32, #tpu.memory_space<vmem>> -> memref<1x120x128xf32, #tpu.memory_space<vmem>>
        %dma_start3A_526 = tpu.memref_squeeze %dma_start3A_525 : memref<1x120x128xf32, #tpu.memory_space<vmem>> -> memref<120x128xf32, #tpu.memory_space<vmem>>
        %dma_start3A_527 = arith.constant 0 : i32
        %dma_start3A_528 = tpu.memref_slice %arg8[%dma_start3A_520, %dma_start3A_521, %dma_start3A_527] : memref<6x2x120xi32, #tpu.memory_space<vmem>> -> memref<1x1x120xi32, #tpu.memory_space<vmem>>
        %dma_start3A_529 = tpu.memref_squeeze %dma_start3A_528 : memref<1x1x120xi32, #tpu.memory_space<vmem>> -> memref<120xi32, #tpu.memory_space<vmem>>
        %dma_start3A_530 = arith.constant 0 : i32
        %dma_start3A_531 = arith.constant 0 : i32
        %dma_start3A_532 = tpu.memref_slice %arg2[%dma_start3A_530, %dma_start3A_531] : memref<10000x128xf32, #tpu.memory_space<hbm>> -> memref<10000x128xf32, #tpu.memory_space<hbm>>
        tpu.enqueue_indirect_dma source(%dma_start3A_532 : memref<10000x128xf32, #tpu.memory_space<hbm>>) target(%dma_start3A_526 : memref<120x128xf32, #tpu.memory_space<vmem>>) offsets(%dma_start3A_529 : memref<120xi32, #tpu.memory_space<vmem>>) semaphore(%arg18 : memref<!tpu.dma_semaphore, #tpu.memory_space<semaphore_mem>>)
      } else {
      }
      %dma_wait3A_264 = arith.constant 1 : i32
      %dma_wait3A_265 = arith.constant 0 : i32
      %dma_wait3A_266 = arith.constant 0 : i32
      %dma_wait3A_267 = tpu.memref_slice %arg9[%dma_wait3A_264, %dma_wait3A_265, %dma_wait3A_266] : memref<3x120x128xf32, #tpu.memory_space<vmem>> -> memref<1x120x128xf32, #tpu.memory_space<vmem>>
      %dma_wait3A_268 = tpu.memref_squeeze %dma_wait3A_267 : memref<1x120x128xf32, #tpu.memory_space<vmem>> -> memref<120x128xf32, #tpu.memory_space<vmem>>
      %dma_wait3A_269 = arith.constant 0 : i32
      %dma_wait3A_270 = arith.constant 0 : i32
      %dma_wait3A_271 = tpu.memref_slice %arg2[%dma_wait3A_269, %dma_wait3A_270] : memref<10000x128xf32, #tpu.memory_space<hbm>> -> memref<120x128xf32, #tpu.memory_space<hbm>>
      %dma_wait3A_272 = arith.constant 0 : i32
      %dma_wait3A_273 = arith.constant 0 : i32
      %dma_wait3A_274 = tpu.memref_slice %arg9[%dma_wait3A_264, %dma_wait3A_272, %dma_wait3A_273] : memref<3x120x128xf32, #tpu.memory_space<vmem>> -> memref<1x120x128xf32, #tpu.memory_space<vmem>>
      %dma_wait3A_275 = tpu.memref_squeeze %dma_wait3A_274 : memref<1x120x128xf32, #tpu.memory_space<vmem>> -> memref<120x128xf32, #tpu.memory_space<vmem>>
      %dma_wait3A_276 = arith.constant 0 : i32
      %dma_wait3A_277 = arith.constant 0 : i32
      %dma_wait3A_278 = tpu.memref_slice %arg2[%dma_wait3A_276, %dma_wait3A_277] : memref<10000x128xf32, #tpu.memory_space<hbm>> -> memref<120x128xf32, #tpu.memory_space<hbm>>
      tpu.wait_dma2 semaphore(%arg17 : memref<!tpu.dma_semaphore, #tpu.memory_space<semaphore_mem>>) src(%dma_wait3A_278 : memref<120x128xf32, #tpu.memory_space<hbm>>) dst(%dma_wait3A_275 : memref<120x128xf32, #tpu.memory_space<vmem>>)
      %dma_start3A_279 = arith.constant 1 : i32
      %dma_start3A_280 = arith.constant 1 : i32
      %dma_start3A_281 = arith.constant 1 : i32
      %dma_start3A_282 = arith.constant 0 : i32
      %dma_start3A_283 = arith.constant 0 : i32
      %dma_start3A_284 = tpu.memref_slice %arg9[%dma_start3A_279, %dma_start3A_282, %dma_start3A_283] : memref<3x120x128xf32, #tpu.memory_space<vmem>> -> memref<1x120x128xf32, #tpu.memory_space<vmem>>
      %dma_start3A_285 = tpu.memref_squeeze %dma_start3A_284 : memref<1x120x128xf32, #tpu.memory_space<vmem>> -> memref<120x128xf32, #tpu.memory_space<vmem>>
      %dma_start3A_286 = arith.constant 0 : i32
      %dma_start3A_287 = tpu.memref_slice %arg8[%dma_start3A_280, %dma_start3A_281, %dma_start3A_286] : memref<6x2x120xi32, #tpu.memory_space<vmem>> -> memref<1x1x120xi32, #tpu.memory_space<vmem>>
      %dma_start3A_288 = tpu.memref_squeeze %dma_start3A_287 : memref<1x1x120xi32, #tpu.memory_space<vmem>> -> memref<120xi32, #tpu.memory_space<vmem>>
      %dma_start3A_289 = arith.constant 0 : i32
      %dma_start3A_290 = arith.constant 0 : i32
      %dma_start3A_291 = tpu.memref_slice %arg7[%dma_start3A_289, %dma_start3A_290] : memref<10008x128xf32, #tpu.memory_space<vmem_shared>> -> memref<10008x128xf32, #tpu.memory_space<vmem_shared>>
      tpu.enqueue_indirect_dma source(%dma_start3A_285 : memref<120x128xf32, #tpu.memory_space<vmem>>) target(%dma_start3A_291 : memref<10008x128xf32, #tpu.memory_space<vmem_shared>>) offsets(%dma_start3A_288 : memref<120xi32, #tpu.memory_space<vmem>>) semaphore(%arg20 : memref<!tpu.dma_semaphore, #tpu.memory_space<semaphore_mem>>) {add = true}
      %mul3A_292 = arith.constant 6 : i32
      %mul3A_293 = arith.muli %scan3A_190, %mul3A_292 : i32
      %add3A_294 = arith.constant 2 : i32
      %add3A_295 = arith.addi %mul3A_293, %add3A_294 : i32
      %ge3A_296 = arith.constant 2 : i32
      %ge3A_297 = arith.cmpi sge, %add3A_295, %ge3A_296 : i32
      %convert_element_type3A_298 = arith.extui %ge3A_297 : i1 to i32
      %cond3A_299 = arith.constant 0 : i32
      %cond3A_300 = arith.cmpi ne, %convert_element_type3A_298, %cond3A_299 : i32
      scf.if %cond3A_300 {
        %dma_wait3A_496 = arith.constant 0 : i32
        %dma_wait3A_497 = arith.constant 0 : i32
        %dma_wait3A_498 = arith.constant 0 : i32
        %dma_wait3A_499 = tpu.memref_slice %arg9[%dma_wait3A_496, %dma_wait3A_497, %dma_wait3A_498] : memref<3x120x128xf32, #tpu.memory_space<vmem>> -> memref<1x120x128xf32, #tpu.memory_space<vmem>>
        %dma_wait3A_500 = tpu.memref_squeeze %dma_wait3A_499 : memref<1x120x128xf32, #tpu.memory_space<vmem>> -> memref<120x128xf32, #tpu.memory_space<vmem>>
        %dma_wait3A_501 = arith.constant 0 : i32
        %dma_wait3A_502 = arith.constant 0 : i32
        %dma_wait3A_503 = tpu.memref_slice %arg7[%dma_wait3A_501, %dma_wait3A_502] : memref<10008x128xf32, #tpu.memory_space<vmem_shared>> -> memref<120x128xf32, #tpu.memory_space<vmem_shared>>
        %dma_wait3A_504 = arith.constant 0 : i32
        %dma_wait3A_505 = arith.constant 0 : i32
        %dma_wait3A_506 = tpu.memref_slice %arg7[%dma_wait3A_504, %dma_wait3A_505] : memref<10008x128xf32, #tpu.memory_space<vmem_shared>> -> memref<120x128xf32, #tpu.memory_space<vmem_shared>>
        %dma_wait3A_507 = arith.constant 0 : i32
        %dma_wait3A_508 = arith.constant 0 : i32
        %dma_wait3A_509 = tpu.memref_slice %arg9[%dma_wait3A_496, %dma_wait3A_507, %dma_wait3A_508] : memref<3x120x128xf32, #tpu.memory_space<vmem>> -> memref<1x120x128xf32, #tpu.memory_space<vmem>>
        %dma_wait3A_510 = tpu.memref_squeeze %dma_wait3A_509 : memref<1x120x128xf32, #tpu.memory_space<vmem>> -> memref<120x128xf32, #tpu.memory_space<vmem>>
        tpu.wait_dma2 semaphore(%arg19 : memref<!tpu.dma_semaphore, #tpu.memory_space<semaphore_mem>>) src(%dma_wait3A_510 : memref<120x128xf32, #tpu.memory_space<vmem>>) dst(%dma_wait3A_506 : memref<120x128xf32, #tpu.memory_space<vmem_shared>>)
      } else {
      }
      %add3A_301 = arith.constant 4 : i32
      %add3A_302 = arith.addi %add3A_295, %add3A_301 : i32
      %lt3A_303 = arith.constant 84 : i32
      %lt3A_304 = arith.cmpi slt, %add3A_302, %lt3A_303 : i32
      %convert_element_type3A_305 = arith.extui %lt3A_304 : i1 to i32
      %cond3A_306 = arith.constant 0 : i32
      %cond3A_307 = arith.cmpi ne, %convert_element_type3A_305, %cond3A_306 : i32
      scf.if %cond3A_307 {
        %add3A_496 = arith.constant 4 : i32
        %add3A_497 = arith.addi %add3A_295, %add3A_496 : i32
        %mul3A_498 = arith.constant 32 : i32
        %mul3A_499 = arith.muli %add3A_497, %mul3A_498 : i32
        %add3A_500 = arith.addi %add3A, %mul3A_499 : i32
        %mul3A_501 = arith.constant 120 : i32
        %mul3A_502 = arith.muli %add3A_500, %mul3A_501 : i32
        %multiple_of3A_503 = tpu.assume_multiple %mul3A_502, 8 : i32
        %dma_start3A_504 = arith.constant 0 : i32
        %dma_start3A_505 = arith.constant 0 : i32
        %dma_start3A_506 = arith.constant 0 : i32
        %dma_start3A_507 = tpu.memref_slice %arg8[%dma_start3A_504, %dma_start3A_505, %dma_start3A_506] : memref<6x2x120xi32, #tpu.memory_space<vmem>> -> memref<1x1x120xi32, #tpu.memory_space<vmem>>
        %dma_start3A_508 = tpu.memref_squeeze %dma_start3A_507 : memref<1x1x120xi32, #tpu.memory_space<vmem>> -> memref<120xi32, #tpu.memory_space<vmem>>
        %dma_start3A_509 = tpu.memref_slice %arg3[%multiple_of3A_503] : memref<322560xi32, #tpu.memory_space<hbm>> -> memref<120xi32, #tpu.memory_space<hbm>>
        %dma_start3A_510 = arith.constant 0 : i32
        %dma_start3A_511 = tpu.memref_slice %arg8[%dma_start3A_504, %dma_start3A_505, %dma_start3A_510] : memref<6x2x120xi32, #tpu.memory_space<vmem>> -> memref<1x1x120xi32, #tpu.memory_space<vmem>>
        %dma_start3A_512 = tpu.memref_squeeze %dma_start3A_511 : memref<1x1x120xi32, #tpu.memory_space<vmem>> -> memref<120xi32, #tpu.memory_space<vmem>>
        %dma_start3A_513 = tpu.memref_slice %arg3[%multiple_of3A_503] : memref<322560xi32, #tpu.memory_space<hbm>> -> memref<120xi32, #tpu.memory_space<hbm>>
        tpu.enqueue_dma source(%dma_start3A_513 : memref<120xi32, #tpu.memory_space<hbm>>) target(%dma_start3A_512 : memref<120xi32, #tpu.memory_space<vmem>>) target_semaphore(%arg10 : memref<!tpu.dma_semaphore, #tpu.memory_space<semaphore_mem>>)
        %dma_start3A_514 = arith.constant 0 : i32
        %dma_start3A_515 = arith.constant 1 : i32
        %dma_start3A_516 = arith.constant 0 : i32
        %dma_start3A_517 = tpu.memref_slice %arg8[%dma_start3A_514, %dma_start3A_515, %dma_start3A_516] : memref<6x2x120xi32, #tpu.memory_space<vmem>> -> memref<1x1x120xi32, #tpu.memory_space<vmem>>
        %dma_start3A_518 = tpu.memref_squeeze %dma_start3A_517 : memref<1x1x120xi32, #tpu.memory_space<vmem>> -> memref<120xi32, #tpu.memory_space<vmem>>
        %dma_start3A_519 = tpu.memref_slice %arg4[%multiple_of3A_503] : memref<322560xi32, #tpu.memory_space<hbm>> -> memref<120xi32, #tpu.memory_space<hbm>>
        %dma_start3A_520 = arith.constant 0 : i32
        %dma_start3A_521 = tpu.memref_slice %arg8[%dma_start3A_514, %dma_start3A_515, %dma_start3A_520] : memref<6x2x120xi32, #tpu.memory_space<vmem>> -> memref<1x1x120xi32, #tpu.memory_space<vmem>>
        %dma_start3A_522 = tpu.memref_squeeze %dma_start3A_521 : memref<1x1x120xi32, #tpu.memory_space<vmem>> -> memref<120xi32, #tpu.memory_space<vmem>>
        %dma_start3A_523 = tpu.memref_slice %arg4[%multiple_of3A_503] : memref<322560xi32, #tpu.memory_space<hbm>> -> memref<120xi32, #tpu.memory_space<hbm>>
        tpu.enqueue_dma source(%dma_start3A_523 : memref<120xi32, #tpu.memory_space<hbm>>) target(%dma_start3A_522 : memref<120xi32, #tpu.memory_space<vmem>>) target_semaphore(%arg10 : memref<!tpu.dma_semaphore, #tpu.memory_space<semaphore_mem>>)
      } else {
      }
      %add3A_308 = arith.constant 1 : i32
      %add3A_309 = arith.addi %add3A_295, %add3A_308 : i32
      %lt3A_310 = arith.constant 84 : i32
      %lt3A_311 = arith.cmpi slt, %add3A_309, %lt3A_310 : i32
      %convert_element_type3A_312 = arith.extui %lt3A_311 : i1 to i32
      %cond3A_313 = arith.constant 0 : i32
      %cond3A_314 = arith.cmpi ne, %convert_element_type3A_312, %cond3A_313 : i32
      scf.if %cond3A_314 {
        %dma_wait3A_496 = arith.constant 3 : i32
        %dma_wait3A_497 = arith.constant 0 : i32
        %dma_wait3A_498 = arith.constant 0 : i32
        %dma_wait3A_499 = tpu.memref_slice %arg8[%dma_wait3A_496, %dma_wait3A_497, %dma_wait3A_498] : memref<6x2x120xi32, #tpu.memory_space<vmem>> -> memref<1x1x120xi32, #tpu.memory_space<vmem>>
        %dma_wait3A_500 = tpu.memref_squeeze %dma_wait3A_499 : memref<1x1x120xi32, #tpu.memory_space<vmem>> -> memref<120xi32, #tpu.memory_space<vmem>>
        %dma_wait3A_501 = arith.constant 0 : i32
        %dma_wait3A_502 = tpu.memref_slice %arg3[%dma_wait3A_501] : memref<322560xi32, #tpu.memory_space<hbm>> -> memref<120xi32, #tpu.memory_space<hbm>>
        %dma_wait3A_503 = arith.constant 0 : i32
        %dma_wait3A_504 = tpu.memref_slice %arg8[%dma_wait3A_496, %dma_wait3A_497, %dma_wait3A_503] : memref<6x2x120xi32, #tpu.memory_space<vmem>> -> memref<1x1x120xi32, #tpu.memory_space<vmem>>
        %dma_wait3A_505 = tpu.memref_squeeze %dma_wait3A_504 : memref<1x1x120xi32, #tpu.memory_space<vmem>> -> memref<120xi32, #tpu.memory_space<vmem>>
        %dma_wait3A_506 = arith.constant 0 : i32
        %dma_wait3A_507 = tpu.memref_slice %arg3[%dma_wait3A_506] : memref<322560xi32, #tpu.memory_space<hbm>> -> memref<120xi32, #tpu.memory_space<hbm>>
        tpu.wait_dma2 semaphore(%arg13 : memref<!tpu.dma_semaphore, #tpu.memory_space<semaphore_mem>>) src(%dma_wait3A_507 : memref<120xi32, #tpu.memory_space<hbm>>) dst(%dma_wait3A_505 : memref<120xi32, #tpu.memory_space<vmem>>)
        %dma_wait3A_508 = arith.constant 3 : i32
        %dma_wait3A_509 = arith.constant 1 : i32
        %dma_wait3A_510 = arith.constant 0 : i32
        %dma_wait3A_511 = tpu.memref_slice %arg8[%dma_wait3A_508, %dma_wait3A_509, %dma_wait3A_510] : memref<6x2x120xi32, #tpu.memory_space<vmem>> -> memref<1x1x120xi32, #tpu.memory_space<vmem>>
        %dma_wait3A_512 = tpu.memref_squeeze %dma_wait3A_511 : memref<1x1x120xi32, #tpu.memory_space<vmem>> -> memref<120xi32, #tpu.memory_space<vmem>>
        %dma_wait3A_513 = arith.constant 0 : i32
        %dma_wait3A_514 = tpu.memref_slice %arg4[%dma_wait3A_513] : memref<322560xi32, #tpu.memory_space<hbm>> -> memref<120xi32, #tpu.memory_space<hbm>>
        %dma_wait3A_515 = arith.constant 0 : i32
        %dma_wait3A_516 = tpu.memref_slice %arg8[%dma_wait3A_508, %dma_wait3A_509, %dma_wait3A_515] : memref<6x2x120xi32, #tpu.memory_space<vmem>> -> memref<1x1x120xi32, #tpu.memory_space<vmem>>
        %dma_wait3A_517 = tpu.memref_squeeze %dma_wait3A_516 : memref<1x1x120xi32, #tpu.memory_space<vmem>> -> memref<120xi32, #tpu.memory_space<vmem>>
        %dma_wait3A_518 = arith.constant 0 : i32
        %dma_wait3A_519 = tpu.memref_slice %arg4[%dma_wait3A_518] : memref<322560xi32, #tpu.memory_space<hbm>> -> memref<120xi32, #tpu.memory_space<hbm>>
        tpu.wait_dma2 semaphore(%arg13 : memref<!tpu.dma_semaphore, #tpu.memory_space<semaphore_mem>>) src(%dma_wait3A_519 : memref<120xi32, #tpu.memory_space<hbm>>) dst(%dma_wait3A_517 : memref<120xi32, #tpu.memory_space<vmem>>)
        %dma_start3A_520 = arith.constant 3 : i32
        %dma_start3A_521 = arith.constant 0 : i32
        %dma_start3A_522 = arith.constant 0 : i32
        %dma_start3A_523 = arith.constant 0 : i32
        %dma_start3A_524 = arith.constant 0 : i32
        %dma_start3A_525 = tpu.memref_slice %arg9[%dma_start3A_522, %dma_start3A_523, %dma_start3A_524] : memref<3x120x128xf32, #tpu.memory_space<vmem>> -> memref<1x120x128xf32, #tpu.memory_space<vmem>>
        %dma_start3A_526 = tpu.memref_squeeze %dma_start3A_525 : memref<1x120x128xf32, #tpu.memory_space<vmem>> -> memref<120x128xf32, #tpu.memory_space<vmem>>
        %dma_start3A_527 = arith.constant 0 : i32
        %dma_start3A_528 = tpu.memref_slice %arg8[%dma_start3A_520, %dma_start3A_521, %dma_start3A_527] : memref<6x2x120xi32, #tpu.memory_space<vmem>> -> memref<1x1x120xi32, #tpu.memory_space<vmem>>
        %dma_start3A_529 = tpu.memref_squeeze %dma_start3A_528 : memref<1x1x120xi32, #tpu.memory_space<vmem>> -> memref<120xi32, #tpu.memory_space<vmem>>
        %dma_start3A_530 = arith.constant 0 : i32
        %dma_start3A_531 = arith.constant 0 : i32
        %dma_start3A_532 = tpu.memref_slice %arg2[%dma_start3A_530, %dma_start3A_531] : memref<10000x128xf32, #tpu.memory_space<hbm>> -> memref<10000x128xf32, #tpu.memory_space<hbm>>
        tpu.enqueue_indirect_dma source(%dma_start3A_532 : memref<10000x128xf32, #tpu.memory_space<hbm>>) target(%dma_start3A_526 : memref<120x128xf32, #tpu.memory_space<vmem>>) offsets(%dma_start3A_529 : memref<120xi32, #tpu.memory_space<vmem>>) semaphore(%arg16 : memref<!tpu.dma_semaphore, #tpu.memory_space<semaphore_mem>>)
      } else {
      }
      %dma_wait3A_315 = arith.constant 2 : i32
      %dma_wait3A_316 = arith.constant 0 : i32
      %dma_wait3A_317 = arith.constant 0 : i32
      %dma_wait3A_318 = tpu.memref_slice %arg9[%dma_wait3A_315, %dma_wait3A_316, %dma_wait3A_317] : memref<3x120x128xf32, #tpu.memory_space<vmem>> -> memref<1x120x128xf32, #tpu.memory_space<vmem>>
      %dma_wait3A_319 = tpu.memref_squeeze %dma_wait3A_318 : memref<1x120x128xf32, #tpu.memory_space<vmem>> -> memref<120x128xf32, #tpu.memory_space<vmem>>
      %dma_wait3A_320 = arith.constant 0 : i32
      %dma_wait3A_321 = arith.constant 0 : i32
      %dma_wait3A_322 = tpu.memref_slice %arg2[%dma_wait3A_320, %dma_wait3A_321] : memref<10000x128xf32, #tpu.memory_space<hbm>> -> memref<120x128xf32, #tpu.memory_space<hbm>>
      %dma_wait3A_323 = arith.constant 0 : i32
      %dma_wait3A_324 = arith.constant 0 : i32
      %dma_wait3A_325 = tpu.memref_slice %arg9[%dma_wait3A_315, %dma_wait3A_323, %dma_wait3A_324] : memref<3x120x128xf32, #tpu.memory_space<vmem>> -> memref<1x120x128xf32, #tpu.memory_space<vmem>>
      %dma_wait3A_326 = tpu.memref_squeeze %dma_wait3A_325 : memref<1x120x128xf32, #tpu.memory_space<vmem>> -> memref<120x128xf32, #tpu.memory_space<vmem>>
      %dma_wait3A_327 = arith.constant 0 : i32
      %dma_wait3A_328 = arith.constant 0 : i32
      %dma_wait3A_329 = tpu.memref_slice %arg2[%dma_wait3A_327, %dma_wait3A_328] : memref<10000x128xf32, #tpu.memory_space<hbm>> -> memref<120x128xf32, #tpu.memory_space<hbm>>
      tpu.wait_dma2 semaphore(%arg18 : memref<!tpu.dma_semaphore, #tpu.memory_space<semaphore_mem>>) src(%dma_wait3A_329 : memref<120x128xf32, #tpu.memory_space<hbm>>) dst(%dma_wait3A_326 : memref<120x128xf32, #tpu.memory_space<vmem>>)
      %dma_start3A_330 = arith.constant 2 : i32
      %dma_start3A_331 = arith.constant 2 : i32
      %dma_start3A_332 = arith.constant 1 : i32
      %dma_start3A_333 = arith.constant 0 : i32
      %dma_start3A_334 = arith.constant 0 : i32
      %dma_start3A_335 = tpu.memref_slice %arg9[%dma_start3A_330, %dma_start3A_333, %dma_start3A_334] : memref<3x120x128xf32, #tpu.memory_space<vmem>> -> memref<1x120x128xf32, #tpu.memory_space<vmem>>
      %dma_start3A_336 = tpu.memref_squeeze %dma_start3A_335 : memref<1x120x128xf32, #tpu.memory_space<vmem>> -> memref<120x128xf32, #tpu.memory_space<vmem>>
      %dma_start3A_337 = arith.constant 0 : i32
      %dma_start3A_338 = tpu.memref_slice %arg8[%dma_start3A_331, %dma_start3A_332, %dma_start3A_337] : memref<6x2x120xi32, #tpu.memory_space<vmem>> -> memref<1x1x120xi32, #tpu.memory_space<vmem>>
      %dma_start3A_339 = tpu.memref_squeeze %dma_start3A_338 : memref<1x1x120xi32, #tpu.memory_space<vmem>> -> memref<120xi32, #tpu.memory_space<vmem>>
      %dma_start3A_340 = arith.constant 0 : i32
      %dma_start3A_341 = arith.constant 0 : i32
      %dma_start3A_342 = tpu.memref_slice %arg7[%dma_start3A_340, %dma_start3A_341] : memref<10008x128xf32, #tpu.memory_space<vmem_shared>> -> memref<10008x128xf32, #tpu.memory_space<vmem_shared>>
      tpu.enqueue_indirect_dma source(%dma_start3A_336 : memref<120x128xf32, #tpu.memory_space<vmem>>) target(%dma_start3A_342 : memref<10008x128xf32, #tpu.memory_space<vmem_shared>>) offsets(%dma_start3A_339 : memref<120xi32, #tpu.memory_space<vmem>>) semaphore(%arg21 : memref<!tpu.dma_semaphore, #tpu.memory_space<semaphore_mem>>) {add = true}
      %mul3A_343 = arith.constant 6 : i32
      %mul3A_344 = arith.muli %scan3A_190, %mul3A_343 : i32
      %add3A_345 = arith.constant 3 : i32
      %add3A_346 = arith.addi %mul3A_344, %add3A_345 : i32
      %ge3A_347 = arith.constant 2 : i32
      %ge3A_348 = arith.cmpi sge, %add3A_346, %ge3A_347 : i32
      %convert_element_type3A_349 = arith.extui %ge3A_348 : i1 to i32
      %cond3A_350 = arith.constant 0 : i32
      %cond3A_351 = arith.cmpi ne, %convert_element_type3A_349, %cond3A_350 : i32
      scf.if %cond3A_351 {
        %dma_wait3A_496 = arith.constant 1 : i32
        %dma_wait3A_497 = arith.constant 0 : i32
        %dma_wait3A_498 = arith.constant 0 : i32
        %dma_wait3A_499 = tpu.memref_slice %arg9[%dma_wait3A_496, %dma_wait3A_497, %dma_wait3A_498] : memref<3x120x128xf32, #tpu.memory_space<vmem>> -> memref<1x120x128xf32, #tpu.memory_space<vmem>>
        %dma_wait3A_500 = tpu.memref_squeeze %dma_wait3A_499 : memref<1x120x128xf32, #tpu.memory_space<vmem>> -> memref<120x128xf32, #tpu.memory_space<vmem>>
        %dma_wait3A_501 = arith.constant 0 : i32
        %dma_wait3A_502 = arith.constant 0 : i32
        %dma_wait3A_503 = tpu.memref_slice %arg7[%dma_wait3A_501, %dma_wait3A_502] : memref<10008x128xf32, #tpu.memory_space<vmem_shared>> -> memref<120x128xf32, #tpu.memory_space<vmem_shared>>
        %dma_wait3A_504 = arith.constant 0 : i32
        %dma_wait3A_505 = arith.constant 0 : i32
        %dma_wait3A_506 = tpu.memref_slice %arg7[%dma_wait3A_504, %dma_wait3A_505] : memref<10008x128xf32, #tpu.memory_space<vmem_shared>> -> memref<120x128xf32, #tpu.memory_space<vmem_shared>>
        %dma_wait3A_507 = arith.constant 0 : i32
        %dma_wait3A_508 = arith.constant 0 : i32
        %dma_wait3A_509 = tpu.memref_slice %arg9[%dma_wait3A_496, %dma_wait3A_507, %dma_wait3A_508] : memref<3x120x128xf32, #tpu.memory_space<vmem>> -> memref<1x120x128xf32, #tpu.memory_space<vmem>>
        %dma_wait3A_510 = tpu.memref_squeeze %dma_wait3A_509 : memref<1x120x128xf32, #tpu.memory_space<vmem>> -> memref<120x128xf32, #tpu.memory_space<vmem>>
        tpu.wait_dma2 semaphore(%arg20 : memref<!tpu.dma_semaphore, #tpu.memory_space<semaphore_mem>>) src(%dma_wait3A_510 : memref<120x128xf32, #tpu.memory_space<vmem>>) dst(%dma_wait3A_506 : memref<120x128xf32, #tpu.memory_space<vmem_shared>>)
      } else {
      }
      %add3A_352 = arith.constant 4 : i32
      %add3A_353 = arith.addi %add3A_346, %add3A_352 : i32
      %lt3A_354 = arith.constant 84 : i32
      %lt3A_355 = arith.cmpi slt, %add3A_353, %lt3A_354 : i32
      %convert_element_type3A_356 = arith.extui %lt3A_355 : i1 to i32
      %cond3A_357 = arith.constant 0 : i32
      %cond3A_358 = arith.cmpi ne, %convert_element_type3A_356, %cond3A_357 : i32
      scf.if %cond3A_358 {
        %add3A_496 = arith.constant 4 : i32
        %add3A_497 = arith.addi %add3A_346, %add3A_496 : i32
        %mul3A_498 = arith.constant 32 : i32
        %mul3A_499 = arith.muli %add3A_497, %mul3A_498 : i32
        %add3A_500 = arith.addi %add3A, %mul3A_499 : i32
        %mul3A_501 = arith.constant 120 : i32
        %mul3A_502 = arith.muli %add3A_500, %mul3A_501 : i32
        %multiple_of3A_503 = tpu.assume_multiple %mul3A_502, 8 : i32
        %dma_start3A_504 = arith.constant 1 : i32
        %dma_start3A_505 = arith.constant 0 : i32
        %dma_start3A_506 = arith.constant 0 : i32
        %dma_start3A_507 = tpu.memref_slice %arg8[%dma_start3A_504, %dma_start3A_505, %dma_start3A_506] : memref<6x2x120xi32, #tpu.memory_space<vmem>> -> memref<1x1x120xi32, #tpu.memory_space<vmem>>
        %dma_start3A_508 = tpu.memref_squeeze %dma_start3A_507 : memref<1x1x120xi32, #tpu.memory_space<vmem>> -> memref<120xi32, #tpu.memory_space<vmem>>
        %dma_start3A_509 = tpu.memref_slice %arg3[%multiple_of3A_503] : memref<322560xi32, #tpu.memory_space<hbm>> -> memref<120xi32, #tpu.memory_space<hbm>>
        %dma_start3A_510 = arith.constant 0 : i32
        %dma_start3A_511 = tpu.memref_slice %arg8[%dma_start3A_504, %dma_start3A_505, %dma_start3A_510] : memref<6x2x120xi32, #tpu.memory_space<vmem>> -> memref<1x1x120xi32, #tpu.memory_space<vmem>>
        %dma_start3A_512 = tpu.memref_squeeze %dma_start3A_511 : memref<1x1x120xi32, #tpu.memory_space<vmem>> -> memref<120xi32, #tpu.memory_space<vmem>>
        %dma_start3A_513 = tpu.memref_slice %arg3[%multiple_of3A_503] : memref<322560xi32, #tpu.memory_space<hbm>> -> memref<120xi32, #tpu.memory_space<hbm>>
        tpu.enqueue_dma source(%dma_start3A_513 : memref<120xi32, #tpu.memory_space<hbm>>) target(%dma_start3A_512 : memref<120xi32, #tpu.memory_space<vmem>>) target_semaphore(%arg11 : memref<!tpu.dma_semaphore, #tpu.memory_space<semaphore_mem>>)
        %dma_start3A_514 = arith.constant 1 : i32
        %dma_start3A_515 = arith.constant 1 : i32
        %dma_start3A_516 = arith.constant 0 : i32
        %dma_start3A_517 = tpu.memref_slice %arg8[%dma_start3A_514, %dma_start3A_515, %dma_start3A_516] : memref<6x2x120xi32, #tpu.memory_space<vmem>> -> memref<1x1x120xi32, #tpu.memory_space<vmem>>
        %dma_start3A_518 = tpu.memref_squeeze %dma_start3A_517 : memref<1x1x120xi32, #tpu.memory_space<vmem>> -> memref<120xi32, #tpu.memory_space<vmem>>
        %dma_start3A_519 = tpu.memref_slice %arg4[%multiple_of3A_503] : memref<322560xi32, #tpu.memory_space<hbm>> -> memref<120xi32, #tpu.memory_space<hbm>>
        %dma_start3A_520 = arith.constant 0 : i32
        %dma_start3A_521 = tpu.memref_slice %arg8[%dma_start3A_514, %dma_start3A_515, %dma_start3A_520] : memref<6x2x120xi32, #tpu.memory_space<vmem>> -> memref<1x1x120xi32, #tpu.memory_space<vmem>>
        %dma_start3A_522 = tpu.memref_squeeze %dma_start3A_521 : memref<1x1x120xi32, #tpu.memory_space<vmem>> -> memref<120xi32, #tpu.memory_space<vmem>>
        %dma_start3A_523 = tpu.memref_slice %arg4[%multiple_of3A_503] : memref<322560xi32, #tpu.memory_space<hbm>> -> memref<120xi32, #tpu.memory_space<hbm>>
        tpu.enqueue_dma source(%dma_start3A_523 : memref<120xi32, #tpu.memory_space<hbm>>) target(%dma_start3A_522 : memref<120xi32, #tpu.memory_space<vmem>>) target_semaphore(%arg11 : memref<!tpu.dma_semaphore, #tpu.memory_space<semaphore_mem>>)
      } else {
      }
      %add3A_359 = arith.constant 1 : i32
      %add3A_360 = arith.addi %add3A_346, %add3A_359 : i32
      %lt3A_361 = arith.constant 84 : i32
      %lt3A_362 = arith.cmpi slt, %add3A_360, %lt3A_361 : i32
      %convert_element_type3A_363 = arith.extui %lt3A_362 : i1 to i32
      %cond3A_364 = arith.constant 0 : i32
      %cond3A_365 = arith.cmpi ne, %convert_element_type3A_363, %cond3A_364 : i32
      scf.if %cond3A_365 {
        %dma_wait3A_496 = arith.constant 4 : i32
        %dma_wait3A_497 = arith.constant 0 : i32
        %dma_wait3A_498 = arith.constant 0 : i32
        %dma_wait3A_499 = tpu.memref_slice %arg8[%dma_wait3A_496, %dma_wait3A_497, %dma_wait3A_498] : memref<6x2x120xi32, #tpu.memory_space<vmem>> -> memref<1x1x120xi32, #tpu.memory_space<vmem>>
        %dma_wait3A_500 = tpu.memref_squeeze %dma_wait3A_499 : memref<1x1x120xi32, #tpu.memory_space<vmem>> -> memref<120xi32, #tpu.memory_space<vmem>>
        %dma_wait3A_501 = arith.constant 0 : i32
        %dma_wait3A_502 = tpu.memref_slice %arg3[%dma_wait3A_501] : memref<322560xi32, #tpu.memory_space<hbm>> -> memref<120xi32, #tpu.memory_space<hbm>>
        %dma_wait3A_503 = arith.constant 0 : i32
        %dma_wait3A_504 = tpu.memref_slice %arg8[%dma_wait3A_496, %dma_wait3A_497, %dma_wait3A_503] : memref<6x2x120xi32, #tpu.memory_space<vmem>> -> memref<1x1x120xi32, #tpu.memory_space<vmem>>
        %dma_wait3A_505 = tpu.memref_squeeze %dma_wait3A_504 : memref<1x1x120xi32, #tpu.memory_space<vmem>> -> memref<120xi32, #tpu.memory_space<vmem>>
        %dma_wait3A_506 = arith.constant 0 : i32
        %dma_wait3A_507 = tpu.memref_slice %arg3[%dma_wait3A_506] : memref<322560xi32, #tpu.memory_space<hbm>> -> memref<120xi32, #tpu.memory_space<hbm>>
        tpu.wait_dma2 semaphore(%arg14 : memref<!tpu.dma_semaphore, #tpu.memory_space<semaphore_mem>>) src(%dma_wait3A_507 : memref<120xi32, #tpu.memory_space<hbm>>) dst(%dma_wait3A_505 : memref<120xi32, #tpu.memory_space<vmem>>)
        %dma_wait3A_508 = arith.constant 4 : i32
        %dma_wait3A_509 = arith.constant 1 : i32
        %dma_wait3A_510 = arith.constant 0 : i32
        %dma_wait3A_511 = tpu.memref_slice %arg8[%dma_wait3A_508, %dma_wait3A_509, %dma_wait3A_510] : memref<6x2x120xi32, #tpu.memory_space<vmem>> -> memref<1x1x120xi32, #tpu.memory_space<vmem>>
        %dma_wait3A_512 = tpu.memref_squeeze %dma_wait3A_511 : memref<1x1x120xi32, #tpu.memory_space<vmem>> -> memref<120xi32, #tpu.memory_space<vmem>>
        %dma_wait3A_513 = arith.constant 0 : i32
        %dma_wait3A_514 = tpu.memref_slice %arg4[%dma_wait3A_513] : memref<322560xi32, #tpu.memory_space<hbm>> -> memref<120xi32, #tpu.memory_space<hbm>>
        %dma_wait3A_515 = arith.constant 0 : i32
        %dma_wait3A_516 = tpu.memref_slice %arg8[%dma_wait3A_508, %dma_wait3A_509, %dma_wait3A_515] : memref<6x2x120xi32, #tpu.memory_space<vmem>> -> memref<1x1x120xi32, #tpu.memory_space<vmem>>
        %dma_wait3A_517 = tpu.memref_squeeze %dma_wait3A_516 : memref<1x1x120xi32, #tpu.memory_space<vmem>> -> memref<120xi32, #tpu.memory_space<vmem>>
        %dma_wait3A_518 = arith.constant 0 : i32
        %dma_wait3A_519 = tpu.memref_slice %arg4[%dma_wait3A_518] : memref<322560xi32, #tpu.memory_space<hbm>> -> memref<120xi32, #tpu.memory_space<hbm>>
        tpu.wait_dma2 semaphore(%arg14 : memref<!tpu.dma_semaphore, #tpu.memory_space<semaphore_mem>>) src(%dma_wait3A_519 : memref<120xi32, #tpu.memory_space<hbm>>) dst(%dma_wait3A_517 : memref<120xi32, #tpu.memory_space<vmem>>)
        %dma_start3A_520 = arith.constant 4 : i32
        %dma_start3A_521 = arith.constant 0 : i32
        %dma_start3A_522 = arith.constant 1 : i32
        %dma_start3A_523 = arith.constant 0 : i32
        %dma_start3A_524 = arith.constant 0 : i32
        %dma_start3A_525 = tpu.memref_slice %arg9[%dma_start3A_522, %dma_start3A_523, %dma_start3A_524] : memref<3x120x128xf32, #tpu.memory_space<vmem>> -> memref<1x120x128xf32, #tpu.memory_space<vmem>>
        %dma_start3A_526 = tpu.memref_squeeze %dma_start3A_525 : memref<1x120x128xf32, #tpu.memory_space<vmem>> -> memref<120x128xf32, #tpu.memory_space<vmem>>
        %dma_start3A_527 = arith.constant 0 : i32
        %dma_start3A_528 = tpu.memref_slice %arg8[%dma_start3A_520, %dma_start3A_521, %dma_start3A_527] : memref<6x2x120xi32, #tpu.memory_space<vmem>> -> memref<1x1x120xi32, #tpu.memory_space<vmem>>
        %dma_start3A_529 = tpu.memref_squeeze %dma_start3A_528 : memref<1x1x120xi32, #tpu.memory_space<vmem>> -> memref<120xi32, #tpu.memory_space<vmem>>
        %dma_start3A_530 = arith.constant 0 : i32
        %dma_start3A_531 = arith.constant 0 : i32
        %dma_start3A_532 = tpu.memref_slice %arg2[%dma_start3A_530, %dma_start3A_531] : memref<10000x128xf32, #tpu.memory_space<hbm>> -> memref<10000x128xf32, #tpu.memory_space<hbm>>
        tpu.enqueue_indirect_dma source(%dma_start3A_532 : memref<10000x128xf32, #tpu.memory_space<hbm>>) target(%dma_start3A_526 : memref<120x128xf32, #tpu.memory_space<vmem>>) offsets(%dma_start3A_529 : memref<120xi32, #tpu.memory_space<vmem>>) semaphore(%arg17 : memref<!tpu.dma_semaphore, #tpu.memory_space<semaphore_mem>>)
      } else {
      }
      %dma_wait3A_366 = arith.constant 0 : i32
      %dma_wait3A_367 = arith.constant 0 : i32
      %dma_wait3A_368 = arith.constant 0 : i32
      %dma_wait3A_369 = tpu.memref_slice %arg9[%dma_wait3A_366, %dma_wait3A_367, %dma_wait3A_368] : memref<3x120x128xf32, #tpu.memory_space<vmem>> -> memref<1x120x128xf32, #tpu.memory_space<vmem>>
      %dma_wait3A_370 = tpu.memref_squeeze %dma_wait3A_369 : memref<1x120x128xf32, #tpu.memory_space<vmem>> -> memref<120x128xf32, #tpu.memory_space<vmem>>
      %dma_wait3A_371 = arith.constant 0 : i32
      %dma_wait3A_372 = arith.constant 0 : i32
      %dma_wait3A_373 = tpu.memref_slice %arg2[%dma_wait3A_371, %dma_wait3A_372] : memref<10000x128xf32, #tpu.memory_space<hbm>> -> memref<120x128xf32, #tpu.memory_space<hbm>>
      %dma_wait3A_374 = arith.constant 0 : i32
      %dma_wait3A_375 = arith.constant 0 : i32
      %dma_wait3A_376 = tpu.memref_slice %arg9[%dma_wait3A_366, %dma_wait3A_374, %dma_wait3A_375] : memref<3x120x128xf32, #tpu.memory_space<vmem>> -> memref<1x120x128xf32, #tpu.memory_space<vmem>>
      %dma_wait3A_377 = tpu.memref_squeeze %dma_wait3A_376 : memref<1x120x128xf32, #tpu.memory_space<vmem>> -> memref<120x128xf32, #tpu.memory_space<vmem>>
      %dma_wait3A_378 = arith.constant 0 : i32
      %dma_wait3A_379 = arith.constant 0 : i32
      %dma_wait3A_380 = tpu.memref_slice %arg2[%dma_wait3A_378, %dma_wait3A_379] : memref<10000x128xf32, #tpu.memory_space<hbm>> -> memref<120x128xf32, #tpu.memory_space<hbm>>
      tpu.wait_dma2 semaphore(%arg16 : memref<!tpu.dma_semaphore, #tpu.memory_space<semaphore_mem>>) src(%dma_wait3A_380 : memref<120x128xf32, #tpu.memory_space<hbm>>) dst(%dma_wait3A_377 : memref<120x128xf32, #tpu.memory_space<vmem>>)
      %dma_start3A_381 = arith.constant 0 : i32
      %dma_start3A_382 = arith.constant 3 : i32
      %dma_start3A_383 = arith.constant 1 : i32
      %dma_start3A_384 = arith.constant 0 : i32
      %dma_start3A_385 = arith.constant 0 : i32
      %dma_start3A_386 = tpu.memref_slice %arg9[%dma_start3A_381, %dma_start3A_384, %dma_start3A_385] : memref<3x120x128xf32, #tpu.memory_space<vmem>> -> memref<1x120x128xf32, #tpu.memory_space<vmem>>
      %dma_start3A_387 = tpu.memref_squeeze %dma_start3A_386 : memref<1x120x128xf32, #tpu.memory_space<vmem>> -> memref<120x128xf32, #tpu.memory_space<vmem>>
      %dma_start3A_388 = arith.constant 0 : i32
      %dma_start3A_389 = tpu.memref_slice %arg8[%dma_start3A_382, %dma_start3A_383, %dma_start3A_388] : memref<6x2x120xi32, #tpu.memory_space<vmem>> -> memref<1x1x120xi32, #tpu.memory_space<vmem>>
      %dma_start3A_390 = tpu.memref_squeeze %dma_start3A_389 : memref<1x1x120xi32, #tpu.memory_space<vmem>> -> memref<120xi32, #tpu.memory_space<vmem>>
      %dma_start3A_391 = arith.constant 0 : i32
      %dma_start3A_392 = arith.constant 0 : i32
      %dma_start3A_393 = tpu.memref_slice %arg7[%dma_start3A_391, %dma_start3A_392] : memref<10008x128xf32, #tpu.memory_space<vmem_shared>> -> memref<10008x128xf32, #tpu.memory_space<vmem_shared>>
      tpu.enqueue_indirect_dma source(%dma_start3A_387 : memref<120x128xf32, #tpu.memory_space<vmem>>) target(%dma_start3A_393 : memref<10008x128xf32, #tpu.memory_space<vmem_shared>>) offsets(%dma_start3A_390 : memref<120xi32, #tpu.memory_space<vmem>>) semaphore(%arg19 : memref<!tpu.dma_semaphore, #tpu.memory_space<semaphore_mem>>) {add = true}
      %mul3A_394 = arith.constant 6 : i32
      %mul3A_395 = arith.muli %scan3A_190, %mul3A_394 : i32
      %add3A_396 = arith.constant 4 : i32
      %add3A_397 = arith.addi %mul3A_395, %add3A_396 : i32
      %ge3A_398 = arith.constant 2 : i32
      %ge3A_399 = arith.cmpi sge, %add3A_397, %ge3A_398 : i32
      %convert_element_type3A_400 = arith.extui %ge3A_399 : i1 to i32
      %cond3A_401 = arith.constant 0 : i32
      %cond3A_402 = arith.cmpi ne, %convert_element_type3A_400, %cond3A_401 : i32
      scf.if %cond3A_402 {
        %dma_wait3A_496 = arith.constant 2 : i32
        %dma_wait3A_497 = arith.constant 0 : i32
        %dma_wait3A_498 = arith.constant 0 : i32
        %dma_wait3A_499 = tpu.memref_slice %arg9[%dma_wait3A_496, %dma_wait3A_497, %dma_wait3A_498] : memref<3x120x128xf32, #tpu.memory_space<vmem>> -> memref<1x120x128xf32, #tpu.memory_space<vmem>>
        %dma_wait3A_500 = tpu.memref_squeeze %dma_wait3A_499 : memref<1x120x128xf32, #tpu.memory_space<vmem>> -> memref<120x128xf32, #tpu.memory_space<vmem>>
        %dma_wait3A_501 = arith.constant 0 : i32
        %dma_wait3A_502 = arith.constant 0 : i32
        %dma_wait3A_503 = tpu.memref_slice %arg7[%dma_wait3A_501, %dma_wait3A_502] : memref<10008x128xf32, #tpu.memory_space<vmem_shared>> -> memref<120x128xf32, #tpu.memory_space<vmem_shared>>
        %dma_wait3A_504 = arith.constant 0 : i32
        %dma_wait3A_505 = arith.constant 0 : i32
        %dma_wait3A_506 = tpu.memref_slice %arg7[%dma_wait3A_504, %dma_wait3A_505] : memref<10008x128xf32, #tpu.memory_space<vmem_shared>> -> memref<120x128xf32, #tpu.memory_space<vmem_shared>>
        %dma_wait3A_507 = arith.constant 0 : i32
        %dma_wait3A_508 = arith.constant 0 : i32
        %dma_wait3A_509 = tpu.memref_slice %arg9[%dma_wait3A_496, %dma_wait3A_507, %dma_wait3A_508] : memref<3x120x128xf32, #tpu.memory_space<vmem>> -> memref<1x120x128xf32, #tpu.memory_space<vmem>>
        %dma_wait3A_510 = tpu.memref_squeeze %dma_wait3A_509 : memref<1x120x128xf32, #tpu.memory_space<vmem>> -> memref<120x128xf32, #tpu.memory_space<vmem>>
        tpu.wait_dma2 semaphore(%arg21 : memref<!tpu.dma_semaphore, #tpu.memory_space<semaphore_mem>>) src(%dma_wait3A_510 : memref<120x128xf32, #tpu.memory_space<vmem>>) dst(%dma_wait3A_506 : memref<120x128xf32, #tpu.memory_space<vmem_shared>>)
      } else {
      }
      %add3A_403 = arith.constant 4 : i32
      %add3A_404 = arith.addi %add3A_397, %add3A_403 : i32
      %lt3A_405 = arith.constant 84 : i32
      %lt3A_406 = arith.cmpi slt, %add3A_404, %lt3A_405 : i32
      %convert_element_type3A_407 = arith.extui %lt3A_406 : i1 to i32
      %cond3A_408 = arith.constant 0 : i32
      %cond3A_409 = arith.cmpi ne, %convert_element_type3A_407, %cond3A_408 : i32
      scf.if %cond3A_409 {
        %add3A_496 = arith.constant 4 : i32
        %add3A_497 = arith.addi %add3A_397, %add3A_496 : i32
        %mul3A_498 = arith.constant 32 : i32
        %mul3A_499 = arith.muli %add3A_497, %mul3A_498 : i32
        %add3A_500 = arith.addi %add3A, %mul3A_499 : i32
        %mul3A_501 = arith.constant 120 : i32
        %mul3A_502 = arith.muli %add3A_500, %mul3A_501 : i32
        %multiple_of3A_503 = tpu.assume_multiple %mul3A_502, 8 : i32
        %dma_start3A_504 = arith.constant 2 : i32
        %dma_start3A_505 = arith.constant 0 : i32
        %dma_start3A_506 = arith.constant 0 : i32
        %dma_start3A_507 = tpu.memref_slice %arg8[%dma_start3A_504, %dma_start3A_505, %dma_start3A_506] : memref<6x2x120xi32, #tpu.memory_space<vmem>> -> memref<1x1x120xi32, #tpu.memory_space<vmem>>
        %dma_start3A_508 = tpu.memref_squeeze %dma_start3A_507 : memref<1x1x120xi32, #tpu.memory_space<vmem>> -> memref<120xi32, #tpu.memory_space<vmem>>
        %dma_start3A_509 = tpu.memref_slice %arg3[%multiple_of3A_503] : memref<322560xi32, #tpu.memory_space<hbm>> -> memref<120xi32, #tpu.memory_space<hbm>>
        %dma_start3A_510 = arith.constant 0 : i32
        %dma_start3A_511 = tpu.memref_slice %arg8[%dma_start3A_504, %dma_start3A_505, %dma_start3A_510] : memref<6x2x120xi32, #tpu.memory_space<vmem>> -> memref<1x1x120xi32, #tpu.memory_space<vmem>>
        %dma_start3A_512 = tpu.memref_squeeze %dma_start3A_511 : memref<1x1x120xi32, #tpu.memory_space<vmem>> -> memref<120xi32, #tpu.memory_space<vmem>>
        %dma_start3A_513 = tpu.memref_slice %arg3[%multiple_of3A_503] : memref<322560xi32, #tpu.memory_space<hbm>> -> memref<120xi32, #tpu.memory_space<hbm>>
        tpu.enqueue_dma source(%dma_start3A_513 : memref<120xi32, #tpu.memory_space<hbm>>) target(%dma_start3A_512 : memref<120xi32, #tpu.memory_space<vmem>>) target_semaphore(%arg12 : memref<!tpu.dma_semaphore, #tpu.memory_space<semaphore_mem>>)
        %dma_start3A_514 = arith.constant 2 : i32
        %dma_start3A_515 = arith.constant 1 : i32
        %dma_start3A_516 = arith.constant 0 : i32
        %dma_start3A_517 = tpu.memref_slice %arg8[%dma_start3A_514, %dma_start3A_515, %dma_start3A_516] : memref<6x2x120xi32, #tpu.memory_space<vmem>> -> memref<1x1x120xi32, #tpu.memory_space<vmem>>
        %dma_start3A_518 = tpu.memref_squeeze %dma_start3A_517 : memref<1x1x120xi32, #tpu.memory_space<vmem>> -> memref<120xi32, #tpu.memory_space<vmem>>
        %dma_start3A_519 = tpu.memref_slice %arg4[%multiple_of3A_503] : memref<322560xi32, #tpu.memory_space<hbm>> -> memref<120xi32, #tpu.memory_space<hbm>>
        %dma_start3A_520 = arith.constant 0 : i32
        %dma_start3A_521 = tpu.memref_slice %arg8[%dma_start3A_514, %dma_start3A_515, %dma_start3A_520] : memref<6x2x120xi32, #tpu.memory_space<vmem>> -> memref<1x1x120xi32, #tpu.memory_space<vmem>>
        %dma_start3A_522 = tpu.memref_squeeze %dma_start3A_521 : memref<1x1x120xi32, #tpu.memory_space<vmem>> -> memref<120xi32, #tpu.memory_space<vmem>>
        %dma_start3A_523 = tpu.memref_slice %arg4[%multiple_of3A_503] : memref<322560xi32, #tpu.memory_space<hbm>> -> memref<120xi32, #tpu.memory_space<hbm>>
        tpu.enqueue_dma source(%dma_start3A_523 : memref<120xi32, #tpu.memory_space<hbm>>) target(%dma_start3A_522 : memref<120xi32, #tpu.memory_space<vmem>>) target_semaphore(%arg12 : memref<!tpu.dma_semaphore, #tpu.memory_space<semaphore_mem>>)
      } else {
      }
      %add3A_410 = arith.constant 1 : i32
      %add3A_411 = arith.addi %add3A_397, %add3A_410 : i32
      %lt3A_412 = arith.constant 84 : i32
      %lt3A_413 = arith.cmpi slt, %add3A_411, %lt3A_412 : i32
      %convert_element_type3A_414 = arith.extui %lt3A_413 : i1 to i32
      %cond3A_415 = arith.constant 0 : i32
      %cond3A_416 = arith.cmpi ne, %convert_element_type3A_414, %cond3A_415 : i32
      scf.if %cond3A_416 {
        %dma_wait3A_496 = arith.constant 5 : i32
        %dma_wait3A_497 = arith.constant 0 : i32
        %dma_wait3A_498 = arith.constant 0 : i32
        %dma_wait3A_499 = tpu.memref_slice %arg8[%dma_wait3A_496, %dma_wait3A_497, %dma_wait3A_498] : memref<6x2x120xi32, #tpu.memory_space<vmem>> -> memref<1x1x120xi32, #tpu.memory_space<vmem>>
        %dma_wait3A_500 = tpu.memref_squeeze %dma_wait3A_499 : memref<1x1x120xi32, #tpu.memory_space<vmem>> -> memref<120xi32, #tpu.memory_space<vmem>>
        %dma_wait3A_501 = arith.constant 0 : i32
        %dma_wait3A_502 = tpu.memref_slice %arg3[%dma_wait3A_501] : memref<322560xi32, #tpu.memory_space<hbm>> -> memref<120xi32, #tpu.memory_space<hbm>>
        %dma_wait3A_503 = arith.constant 0 : i32
        %dma_wait3A_504 = tpu.memref_slice %arg8[%dma_wait3A_496, %dma_wait3A_497, %dma_wait3A_503] : memref<6x2x120xi32, #tpu.memory_space<vmem>> -> memref<1x1x120xi32, #tpu.memory_space<vmem>>
        %dma_wait3A_505 = tpu.memref_squeeze %dma_wait3A_504 : memref<1x1x120xi32, #tpu.memory_space<vmem>> -> memref<120xi32, #tpu.memory_space<vmem>>
        %dma_wait3A_506 = arith.constant 0 : i32
        %dma_wait3A_507 = tpu.memref_slice %arg3[%dma_wait3A_506] : memref<322560xi32, #tpu.memory_space<hbm>> -> memref<120xi32, #tpu.memory_space<hbm>>
        tpu.wait_dma2 semaphore(%arg15 : memref<!tpu.dma_semaphore, #tpu.memory_space<semaphore_mem>>) src(%dma_wait3A_507 : memref<120xi32, #tpu.memory_space<hbm>>) dst(%dma_wait3A_505 : memref<120xi32, #tpu.memory_space<vmem>>)
        %dma_wait3A_508 = arith.constant 5 : i32
        %dma_wait3A_509 = arith.constant 1 : i32
        %dma_wait3A_510 = arith.constant 0 : i32
        %dma_wait3A_511 = tpu.memref_slice %arg8[%dma_wait3A_508, %dma_wait3A_509, %dma_wait3A_510] : memref<6x2x120xi32, #tpu.memory_space<vmem>> -> memref<1x1x120xi32, #tpu.memory_space<vmem>>
        %dma_wait3A_512 = tpu.memref_squeeze %dma_wait3A_511 : memref<1x1x120xi32, #tpu.memory_space<vmem>> -> memref<120xi32, #tpu.memory_space<vmem>>
        %dma_wait3A_513 = arith.constant 0 : i32
        %dma_wait3A_514 = tpu.memref_slice %arg4[%dma_wait3A_513] : memref<322560xi32, #tpu.memory_space<hbm>> -> memref<120xi32, #tpu.memory_space<hbm>>
        %dma_wait3A_515 = arith.constant 0 : i32
        %dma_wait3A_516 = tpu.memref_slice %arg8[%dma_wait3A_508, %dma_wait3A_509, %dma_wait3A_515] : memref<6x2x120xi32, #tpu.memory_space<vmem>> -> memref<1x1x120xi32, #tpu.memory_space<vmem>>
        %dma_wait3A_517 = tpu.memref_squeeze %dma_wait3A_516 : memref<1x1x120xi32, #tpu.memory_space<vmem>> -> memref<120xi32, #tpu.memory_space<vmem>>
        %dma_wait3A_518 = arith.constant 0 : i32
        %dma_wait3A_519 = tpu.memref_slice %arg4[%dma_wait3A_518] : memref<322560xi32, #tpu.memory_space<hbm>> -> memref<120xi32, #tpu.memory_space<hbm>>
        tpu.wait_dma2 semaphore(%arg15 : memref<!tpu.dma_semaphore, #tpu.memory_space<semaphore_mem>>) src(%dma_wait3A_519 : memref<120xi32, #tpu.memory_space<hbm>>) dst(%dma_wait3A_517 : memref<120xi32, #tpu.memory_space<vmem>>)
        %dma_start3A_520 = arith.constant 5 : i32
        %dma_start3A_521 = arith.constant 0 : i32
        %dma_start3A_522 = arith.constant 2 : i32
        %dma_start3A_523 = arith.constant 0 : i32
        %dma_start3A_524 = arith.constant 0 : i32
        %dma_start3A_525 = tpu.memref_slice %arg9[%dma_start3A_522, %dma_start3A_523, %dma_start3A_524] : memref<3x120x128xf32, #tpu.memory_space<vmem>> -> memref<1x120x128xf32, #tpu.memory_space<vmem>>
        %dma_start3A_526 = tpu.memref_squeeze %dma_start3A_525 : memref<1x120x128xf32, #tpu.memory_space<vmem>> -> memref<120x128xf32, #tpu.memory_space<vmem>>
        %dma_start3A_527 = arith.constant 0 : i32
        %dma_start3A_528 = tpu.memref_slice %arg8[%dma_start3A_520, %dma_start3A_521, %dma_start3A_527] : memref<6x2x120xi32, #tpu.memory_space<vmem>> -> memref<1x1x120xi32, #tpu.memory_space<vmem>>
        %dma_start3A_529 = tpu.memref_squeeze %dma_start3A_528 : memref<1x1x120xi32, #tpu.memory_space<vmem>> -> memref<120xi32, #tpu.memory_space<vmem>>
        %dma_start3A_530 = arith.constant 0 : i32
        %dma_start3A_531 = arith.constant 0 : i32
        %dma_start3A_532 = tpu.memref_slice %arg2[%dma_start3A_530, %dma_start3A_531] : memref<10000x128xf32, #tpu.memory_space<hbm>> -> memref<10000x128xf32, #tpu.memory_space<hbm>>
        tpu.enqueue_indirect_dma source(%dma_start3A_532 : memref<10000x128xf32, #tpu.memory_space<hbm>>) target(%dma_start3A_526 : memref<120x128xf32, #tpu.memory_space<vmem>>) offsets(%dma_start3A_529 : memref<120xi32, #tpu.memory_space<vmem>>) semaphore(%arg18 : memref<!tpu.dma_semaphore, #tpu.memory_space<semaphore_mem>>)
      } else {
      }
      %dma_wait3A_417 = arith.constant 1 : i32
      %dma_wait3A_418 = arith.constant 0 : i32
      %dma_wait3A_419 = arith.constant 0 : i32
      %dma_wait3A_420 = tpu.memref_slice %arg9[%dma_wait3A_417, %dma_wait3A_418, %dma_wait3A_419] : memref<3x120x128xf32, #tpu.memory_space<vmem>> -> memref<1x120x128xf32, #tpu.memory_space<vmem>>
      %dma_wait3A_421 = tpu.memref_squeeze %dma_wait3A_420 : memref<1x120x128xf32, #tpu.memory_space<vmem>> -> memref<120x128xf32, #tpu.memory_space<vmem>>
      %dma_wait3A_422 = arith.constant 0 : i32
      %dma_wait3A_423 = arith.constant 0 : i32
      %dma_wait3A_424 = tpu.memref_slice %arg2[%dma_wait3A_422, %dma_wait3A_423] : memref<10000x128xf32, #tpu.memory_space<hbm>> -> memref<120x128xf32, #tpu.memory_space<hbm>>
      %dma_wait3A_425 = arith.constant 0 : i32
      %dma_wait3A_426 = arith.constant 0 : i32
      %dma_wait3A_427 = tpu.memref_slice %arg9[%dma_wait3A_417, %dma_wait3A_425, %dma_wait3A_426] : memref<3x120x128xf32, #tpu.memory_space<vmem>> -> memref<1x120x128xf32, #tpu.memory_space<vmem>>
      %dma_wait3A_428 = tpu.memref_squeeze %dma_wait3A_427 : memref<1x120x128xf32, #tpu.memory_space<vmem>> -> memref<120x128xf32, #tpu.memory_space<vmem>>
      %dma_wait3A_429 = arith.constant 0 : i32
      %dma_wait3A_430 = arith.constant 0 : i32
      %dma_wait3A_431 = tpu.memref_slice %arg2[%dma_wait3A_429, %dma_wait3A_430] : memref<10000x128xf32, #tpu.memory_space<hbm>> -> memref<120x128xf32, #tpu.memory_space<hbm>>
      tpu.wait_dma2 semaphore(%arg17 : memref<!tpu.dma_semaphore, #tpu.memory_space<semaphore_mem>>) src(%dma_wait3A_431 : memref<120x128xf32, #tpu.memory_space<hbm>>) dst(%dma_wait3A_428 : memref<120x128xf32, #tpu.memory_space<vmem>>)
      %dma_start3A_432 = arith.constant 1 : i32
      %dma_start3A_433 = arith.constant 4 : i32
      %dma_start3A_434 = arith.constant 1 : i32
      %dma_start3A_435 = arith.constant 0 : i32
      %dma_start3A_436 = arith.constant 0 : i32
      %dma_start3A_437 = tpu.memref_slice %arg9[%dma_start3A_432, %dma_start3A_435, %dma_start3A_436] : memref<3x120x128xf32, #tpu.memory_space<vmem>> -> memref<1x120x128xf32, #tpu.memory_space<vmem>>
      %dma_start3A_438 = tpu.memref_squeeze %dma_start3A_437 : memref<1x120x128xf32, #tpu.memory_space<vmem>> -> memref<120x128xf32, #tpu.memory_space<vmem>>
      %dma_start3A_439 = arith.constant 0 : i32
      %dma_start3A_440 = tpu.memref_slice %arg8[%dma_start3A_433, %dma_start3A_434, %dma_start3A_439] : memref<6x2x120xi32, #tpu.memory_space<vmem>> -> memref<1x1x120xi32, #tpu.memory_space<vmem>>
      %dma_start3A_441 = tpu.memref_squeeze %dma_start3A_440 : memref<1x1x120xi32, #tpu.memory_space<vmem>> -> memref<120xi32, #tpu.memory_space<vmem>>
      %dma_start3A_442 = arith.constant 0 : i32
      %dma_start3A_443 = arith.constant 0 : i32
      %dma_start3A_444 = tpu.memref_slice %arg7[%dma_start3A_442, %dma_start3A_443] : memref<10008x128xf32, #tpu.memory_space<vmem_shared>> -> memref<10008x128xf32, #tpu.memory_space<vmem_shared>>
      tpu.enqueue_indirect_dma source(%dma_start3A_438 : memref<120x128xf32, #tpu.memory_space<vmem>>) target(%dma_start3A_444 : memref<10008x128xf32, #tpu.memory_space<vmem_shared>>) offsets(%dma_start3A_441 : memref<120xi32, #tpu.memory_space<vmem>>) semaphore(%arg20 : memref<!tpu.dma_semaphore, #tpu.memory_space<semaphore_mem>>) {add = true}
      %mul3A_445 = arith.constant 6 : i32
      %mul3A_446 = arith.muli %scan3A_190, %mul3A_445 : i32
      %add3A_447 = arith.constant 5 : i32
      %add3A_448 = arith.addi %mul3A_446, %add3A_447 : i32
      %ge3A_449 = arith.constant 2 : i32
      %ge3A_450 = arith.cmpi sge, %add3A_448, %ge3A_449 : i32
      %convert_element_type3A_451 = arith.extui %ge3A_450 : i1 to i32
      %cond3A_452 = arith.constant 0 : i32
      %cond3A_453 = arith.cmpi ne, %convert_element_type3A_451, %cond3A_452 : i32
      scf.if %cond3A_453 {
        %dma_wait3A_496 = arith.constant 0 : i32
        %dma_wait3A_497 = arith.constant 0 : i32
        %dma_wait3A_498 = arith.constant 0 : i32
        %dma_wait3A_499 = tpu.memref_slice %arg9[%dma_wait3A_496, %dma_wait3A_497, %dma_wait3A_498] : memref<3x120x128xf32, #tpu.memory_space<vmem>> -> memref<1x120x128xf32, #tpu.memory_space<vmem>>
        %dma_wait3A_500 = tpu.memref_squeeze %dma_wait3A_499 : memref<1x120x128xf32, #tpu.memory_space<vmem>> -> memref<120x128xf32, #tpu.memory_space<vmem>>
        %dma_wait3A_501 = arith.constant 0 : i32
        %dma_wait3A_502 = arith.constant 0 : i32
        %dma_wait3A_503 = tpu.memref_slice %arg7[%dma_wait3A_501, %dma_wait3A_502] : memref<10008x128xf32, #tpu.memory_space<vmem_shared>> -> memref<120x128xf32, #tpu.memory_space<vmem_shared>>
        %dma_wait3A_504 = arith.constant 0 : i32
        %dma_wait3A_505 = arith.constant 0 : i32
        %dma_wait3A_506 = tpu.memref_slice %arg7[%dma_wait3A_504, %dma_wait3A_505] : memref<10008x128xf32, #tpu.memory_space<vmem_shared>> -> memref<120x128xf32, #tpu.memory_space<vmem_shared>>
        %dma_wait3A_507 = arith.constant 0 : i32
        %dma_wait3A_508 = arith.constant 0 : i32
        %dma_wait3A_509 = tpu.memref_slice %arg9[%dma_wait3A_496, %dma_wait3A_507, %dma_wait3A_508] : memref<3x120x128xf32, #tpu.memory_space<vmem>> -> memref<1x120x128xf32, #tpu.memory_space<vmem>>
        %dma_wait3A_510 = tpu.memref_squeeze %dma_wait3A_509 : memref<1x120x128xf32, #tpu.memory_space<vmem>> -> memref<120x128xf32, #tpu.memory_space<vmem>>
        tpu.wait_dma2 semaphore(%arg19 : memref<!tpu.dma_semaphore, #tpu.memory_space<semaphore_mem>>) src(%dma_wait3A_510 : memref<120x128xf32, #tpu.memory_space<vmem>>) dst(%dma_wait3A_506 : memref<120x128xf32, #tpu.memory_space<vmem_shared>>)
      } else {
      }
      %add3A_454 = arith.constant 4 : i32
      %add3A_455 = arith.addi %add3A_448, %add3A_454 : i32
      %lt3A_456 = arith.constant 84 : i32
      %lt3A_457 = arith.cmpi slt, %add3A_455, %lt3A_456 : i32
      %convert_element_type3A_458 = arith.extui %lt3A_457 : i1 to i32
      %cond3A_459 = arith.constant 0 : i32
      %cond3A_460 = arith.cmpi ne, %convert_element_type3A_458, %cond3A_459 : i32
      scf.if %cond3A_460 {
        %add3A_496 = arith.constant 4 : i32
        %add3A_497 = arith.addi %add3A_448, %add3A_496 : i32
        %mul3A_498 = arith.constant 32 : i32
        %mul3A_499 = arith.muli %add3A_497, %mul3A_498 : i32
        %add3A_500 = arith.addi %add3A, %mul3A_499 : i32
        %mul3A_501 = arith.constant 120 : i32
        %mul3A_502 = arith.muli %add3A_500, %mul3A_501 : i32
        %multiple_of3A_503 = tpu.assume_multiple %mul3A_502, 8 : i32
        %dma_start3A_504 = arith.constant 3 : i32
        %dma_start3A_505 = arith.constant 0 : i32
        %dma_start3A_506 = arith.constant 0 : i32
        %dma_start3A_507 = tpu.memref_slice %arg8[%dma_start3A_504, %dma_start3A_505, %dma_start3A_506] : memref<6x2x120xi32, #tpu.memory_space<vmem>> -> memref<1x1x120xi32, #tpu.memory_space<vmem>>
        %dma_start3A_508 = tpu.memref_squeeze %dma_start3A_507 : memref<1x1x120xi32, #tpu.memory_space<vmem>> -> memref<120xi32, #tpu.memory_space<vmem>>
        %dma_start3A_509 = tpu.memref_slice %arg3[%multiple_of3A_503] : memref<322560xi32, #tpu.memory_space<hbm>> -> memref<120xi32, #tpu.memory_space<hbm>>
        %dma_start3A_510 = arith.constant 0 : i32
        %dma_start3A_511 = tpu.memref_slice %arg8[%dma_start3A_504, %dma_start3A_505, %dma_start3A_510] : memref<6x2x120xi32, #tpu.memory_space<vmem>> -> memref<1x1x120xi32, #tpu.memory_space<vmem>>
        %dma_start3A_512 = tpu.memref_squeeze %dma_start3A_511 : memref<1x1x120xi32, #tpu.memory_space<vmem>> -> memref<120xi32, #tpu.memory_space<vmem>>
        %dma_start3A_513 = tpu.memref_slice %arg3[%multiple_of3A_503] : memref<322560xi32, #tpu.memory_space<hbm>> -> memref<120xi32, #tpu.memory_space<hbm>>
        tpu.enqueue_dma source(%dma_start3A_513 : memref<120xi32, #tpu.memory_space<hbm>>) target(%dma_start3A_512 : memref<120xi32, #tpu.memory_space<vmem>>) target_semaphore(%arg13 : memref<!tpu.dma_semaphore, #tpu.memory_space<semaphore_mem>>)
        %dma_start3A_514 = arith.constant 3 : i32
        %dma_start3A_515 = arith.constant 1 : i32
        %dma_start3A_516 = arith.constant 0 : i32
        %dma_start3A_517 = tpu.memref_slice %arg8[%dma_start3A_514, %dma_start3A_515, %dma_start3A_516] : memref<6x2x120xi32, #tpu.memory_space<vmem>> -> memref<1x1x120xi32, #tpu.memory_space<vmem>>
        %dma_start3A_518 = tpu.memref_squeeze %dma_start3A_517 : memref<1x1x120xi32, #tpu.memory_space<vmem>> -> memref<120xi32, #tpu.memory_space<vmem>>
        %dma_start3A_519 = tpu.memref_slice %arg4[%multiple_of3A_503] : memref<322560xi32, #tpu.memory_space<hbm>> -> memref<120xi32, #tpu.memory_space<hbm>>
        %dma_start3A_520 = arith.constant 0 : i32
        %dma_start3A_521 = tpu.memref_slice %arg8[%dma_start3A_514, %dma_start3A_515, %dma_start3A_520] : memref<6x2x120xi32, #tpu.memory_space<vmem>> -> memref<1x1x120xi32, #tpu.memory_space<vmem>>
        %dma_start3A_522 = tpu.memref_squeeze %dma_start3A_521 : memref<1x1x120xi32, #tpu.memory_space<vmem>> -> memref<120xi32, #tpu.memory_space<vmem>>
        %dma_start3A_523 = tpu.memref_slice %arg4[%multiple_of3A_503] : memref<322560xi32, #tpu.memory_space<hbm>> -> memref<120xi32, #tpu.memory_space<hbm>>
        tpu.enqueue_dma source(%dma_start3A_523 : memref<120xi32, #tpu.memory_space<hbm>>) target(%dma_start3A_522 : memref<120xi32, #tpu.memory_space<vmem>>) target_semaphore(%arg13 : memref<!tpu.dma_semaphore, #tpu.memory_space<semaphore_mem>>)
      } else {
      }
      %add3A_461 = arith.constant 1 : i32
      %add3A_462 = arith.addi %add3A_448, %add3A_461 : i32
      %lt3A_463 = arith.constant 84 : i32
      %lt3A_464 = arith.cmpi slt, %add3A_462, %lt3A_463 : i32
      %convert_element_type3A_465 = arith.extui %lt3A_464 : i1 to i32
      %cond3A_466 = arith.constant 0 : i32
      %cond3A_467 = arith.cmpi ne, %convert_element_type3A_465, %cond3A_466 : i32
      scf.if %cond3A_467 {
        %dma_wait3A_496 = arith.constant 0 : i32
        %dma_wait3A_497 = arith.constant 0 : i32
        %dma_wait3A_498 = arith.constant 0 : i32
        %dma_wait3A_499 = tpu.memref_slice %arg8[%dma_wait3A_496, %dma_wait3A_497, %dma_wait3A_498] : memref<6x2x120xi32, #tpu.memory_space<vmem>> -> memref<1x1x120xi32, #tpu.memory_space<vmem>>
        %dma_wait3A_500 = tpu.memref_squeeze %dma_wait3A_499 : memref<1x1x120xi32, #tpu.memory_space<vmem>> -> memref<120xi32, #tpu.memory_space<vmem>>
        %dma_wait3A_501 = arith.constant 0 : i32
        %dma_wait3A_502 = tpu.memref_slice %arg3[%dma_wait3A_501] : memref<322560xi32, #tpu.memory_space<hbm>> -> memref<120xi32, #tpu.memory_space<hbm>>
        %dma_wait3A_503 = arith.constant 0 : i32
        %dma_wait3A_504 = tpu.memref_slice %arg8[%dma_wait3A_496, %dma_wait3A_497, %dma_wait3A_503] : memref<6x2x120xi32, #tpu.memory_space<vmem>> -> memref<1x1x120xi32, #tpu.memory_space<vmem>>
        %dma_wait3A_505 = tpu.memref_squeeze %dma_wait3A_504 : memref<1x1x120xi32, #tpu.memory_space<vmem>> -> memref<120xi32, #tpu.memory_space<vmem>>
        %dma_wait3A_506 = arith.constant 0 : i32
        %dma_wait3A_507 = tpu.memref_slice %arg3[%dma_wait3A_506] : memref<322560xi32, #tpu.memory_space<hbm>> -> memref<120xi32, #tpu.memory_space<hbm>>
        tpu.wait_dma2 semaphore(%arg10 : memref<!tpu.dma_semaphore, #tpu.memory_space<semaphore_mem>>) src(%dma_wait3A_507 : memref<120xi32, #tpu.memory_space<hbm>>) dst(%dma_wait3A_505 : memref<120xi32, #tpu.memory_space<vmem>>)
        %dma_wait3A_508 = arith.constant 0 : i32
        %dma_wait3A_509 = arith.constant 1 : i32
        %dma_wait3A_510 = arith.constant 0 : i32
        %dma_wait3A_511 = tpu.memref_slice %arg8[%dma_wait3A_508, %dma_wait3A_509, %dma_wait3A_510] : memref<6x2x120xi32, #tpu.memory_space<vmem>> -> memref<1x1x120xi32, #tpu.memory_space<vmem>>
        %dma_wait3A_512 = tpu.memref_squeeze %dma_wait3A_511 : memref<1x1x120xi32, #tpu.memory_space<vmem>> -> memref<120xi32, #tpu.memory_space<vmem>>
        %dma_wait3A_513 = arith.constant 0 : i32
        %dma_wait3A_514 = tpu.memref_slice %arg4[%dma_wait3A_513] : memref<322560xi32, #tpu.memory_space<hbm>> -> memref<120xi32, #tpu.memory_space<hbm>>
        %dma_wait3A_515 = arith.constant 0 : i32
        %dma_wait3A_516 = tpu.memref_slice %arg8[%dma_wait3A_508, %dma_wait3A_509, %dma_wait3A_515] : memref<6x2x120xi32, #tpu.memory_space<vmem>> -> memref<1x1x120xi32, #tpu.memory_space<vmem>>
        %dma_wait3A_517 = tpu.memref_squeeze %dma_wait3A_516 : memref<1x1x120xi32, #tpu.memory_space<vmem>> -> memref<120xi32, #tpu.memory_space<vmem>>
        %dma_wait3A_518 = arith.constant 0 : i32
        %dma_wait3A_519 = tpu.memref_slice %arg4[%dma_wait3A_518] : memref<322560xi32, #tpu.memory_space<hbm>> -> memref<120xi32, #tpu.memory_space<hbm>>
        tpu.wait_dma2 semaphore(%arg10 : memref<!tpu.dma_semaphore, #tpu.memory_space<semaphore_mem>>) src(%dma_wait3A_519 : memref<120xi32, #tpu.memory_space<hbm>>) dst(%dma_wait3A_517 : memref<120xi32, #tpu.memory_space<vmem>>)
        %dma_start3A_520 = arith.constant 0 : i32
        %dma_start3A_521 = arith.constant 0 : i32
        %dma_start3A_522 = arith.constant 0 : i32
        %dma_start3A_523 = arith.constant 0 : i32
        %dma_start3A_524 = arith.constant 0 : i32
        %dma_start3A_525 = tpu.memref_slice %arg9[%dma_start3A_522, %dma_start3A_523, %dma_start3A_524] : memref<3x120x128xf32, #tpu.memory_space<vmem>> -> memref<1x120x128xf32, #tpu.memory_space<vmem>>
        %dma_start3A_526 = tpu.memref_squeeze %dma_start3A_525 : memref<1x120x128xf32, #tpu.memory_space<vmem>> -> memref<120x128xf32, #tpu.memory_space<vmem>>
        %dma_start3A_527 = arith.constant 0 : i32
        %dma_start3A_528 = tpu.memref_slice %arg8[%dma_start3A_520, %dma_start3A_521, %dma_start3A_527] : memref<6x2x120xi32, #tpu.memory_space<vmem>> -> memref<1x1x120xi32, #tpu.memory_space<vmem>>
        %dma_start3A_529 = tpu.memref_squeeze %dma_start3A_528 : memref<1x1x120xi32, #tpu.memory_space<vmem>> -> memref<120xi32, #tpu.memory_space<vmem>>
        %dma_start3A_530 = arith.constant 0 : i32
        %dma_start3A_531 = arith.constant 0 : i32
        %dma_start3A_532 = tpu.memref_slice %arg2[%dma_start3A_530, %dma_start3A_531] : memref<10000x128xf32, #tpu.memory_space<hbm>> -> memref<10000x128xf32, #tpu.memory_space<hbm>>
        tpu.enqueue_indirect_dma source(%dma_start3A_532 : memref<10000x128xf32, #tpu.memory_space<hbm>>) target(%dma_start3A_526 : memref<120x128xf32, #tpu.memory_space<vmem>>) offsets(%dma_start3A_529 : memref<120xi32, #tpu.memory_space<vmem>>) semaphore(%arg16 : memref<!tpu.dma_semaphore, #tpu.memory_space<semaphore_mem>>)
      } else {
      }
      %dma_wait3A_468 = arith.constant 2 : i32
      %dma_wait3A_469 = arith.constant 0 : i32
      %dma_wait3A_470 = arith.constant 0 : i32
      %dma_wait3A_471 = tpu.memref_slice %arg9[%dma_wait3A_468, %dma_wait3A_469, %dma_wait3A_470] : memref<3x120x128xf32, #tpu.memory_space<vmem>> -> memref<1x120x128xf32, #tpu.memory_space<vmem>>
      %dma_wait3A_472 = tpu.memref_squeeze %dma_wait3A_471 : memref<1x120x128xf32, #tpu.memory_space<vmem>> -> memref<120x128xf32, #tpu.memory_space<vmem>>
      %dma_wait3A_473 = arith.constant 0 : i32
      %dma_wait3A_474 = arith.constant 0 : i32
      %dma_wait3A_475 = tpu.memref_slice %arg2[%dma_wait3A_473, %dma_wait3A_474] : memref<10000x128xf32, #tpu.memory_space<hbm>> -> memref<120x128xf32, #tpu.memory_space<hbm>>
      %dma_wait3A_476 = arith.constant 0 : i32
      %dma_wait3A_477 = arith.constant 0 : i32
      %dma_wait3A_478 = tpu.memref_slice %arg9[%dma_wait3A_468, %dma_wait3A_476, %dma_wait3A_477] : memref<3x120x128xf32, #tpu.memory_space<vmem>> -> memref<1x120x128xf32, #tpu.memory_space<vmem>>
      %dma_wait3A_479 = tpu.memref_squeeze %dma_wait3A_478 : memref<1x120x128xf32, #tpu.memory_space<vmem>> -> memref<120x128xf32, #tpu.memory_space<vmem>>
      %dma_wait3A_480 = arith.constant 0 : i32
      %dma_wait3A_481 = arith.constant 0 : i32
      %dma_wait3A_482 = tpu.memref_slice %arg2[%dma_wait3A_480, %dma_wait3A_481] : memref<10000x128xf32, #tpu.memory_space<hbm>> -> memref<120x128xf32, #tpu.memory_space<hbm>>
      tpu.wait_dma2 semaphore(%arg18 : memref<!tpu.dma_semaphore, #tpu.memory_space<semaphore_mem>>) src(%dma_wait3A_482 : memref<120x128xf32, #tpu.memory_space<hbm>>) dst(%dma_wait3A_479 : memref<120x128xf32, #tpu.memory_space<vmem>>)
      %dma_start3A_483 = arith.constant 2 : i32
      %dma_start3A_484 = arith.constant 5 : i32
      %dma_start3A_485 = arith.constant 1 : i32
      %dma_start3A_486 = arith.constant 0 : i32
      %dma_start3A_487 = arith.constant 0 : i32
      %dma_start3A_488 = tpu.memref_slice %arg9[%dma_start3A_483, %dma_start3A_486, %dma_start3A_487] : memref<3x120x128xf32, #tpu.memory_space<vmem>> -> memref<1x120x128xf32, #tpu.memory_space<vmem>>
      %dma_start3A_489 = tpu.memref_squeeze %dma_start3A_488 : memref<1x120x128xf32, #tpu.memory_space<vmem>> -> memref<120x128xf32, #tpu.memory_space<vmem>>
      %dma_start3A_490 = arith.constant 0 : i32
      %dma_start3A_491 = tpu.memref_slice %arg8[%dma_start3A_484, %dma_start3A_485, %dma_start3A_490] : memref<6x2x120xi32, #tpu.memory_space<vmem>> -> memref<1x1x120xi32, #tpu.memory_space<vmem>>
      %dma_start3A_492 = tpu.memref_squeeze %dma_start3A_491 : memref<1x1x120xi32, #tpu.memory_space<vmem>> -> memref<120xi32, #tpu.memory_space<vmem>>
      %dma_start3A_493 = arith.constant 0 : i32
      %dma_start3A_494 = arith.constant 0 : i32
      %dma_start3A_495 = tpu.memref_slice %arg7[%dma_start3A_493, %dma_start3A_494] : memref<10008x128xf32, #tpu.memory_space<vmem_shared>> -> memref<10008x128xf32, #tpu.memory_space<vmem_shared>>
      tpu.enqueue_indirect_dma source(%dma_start3A_489 : memref<120x128xf32, #tpu.memory_space<vmem>>) target(%dma_start3A_495 : memref<10008x128xf32, #tpu.memory_space<vmem_shared>>) offsets(%dma_start3A_492 : memref<120xi32, #tpu.memory_space<vmem>>) semaphore(%arg21 : memref<!tpu.dma_semaphore, #tpu.memory_space<semaphore_mem>>) {add = true}
    }
    %scan3A_148 = arith.constant 14 : i32
    %dma_wait3A_149 = arith.constant 1 : i32
    %dma_wait3A_150 = arith.constant 0 : i32
    %dma_wait3A_151 = arith.constant 0 : i32
    %dma_wait3A_152 = tpu.memref_slice %arg9[%dma_wait3A_149, %dma_wait3A_150, %dma_wait3A_151] : memref<3x120x128xf32, #tpu.memory_space<vmem>> -> memref<1x120x128xf32, #tpu.memory_space<vmem>>
    %dma_wait3A_153 = tpu.memref_squeeze %dma_wait3A_152 : memref<1x120x128xf32, #tpu.memory_space<vmem>> -> memref<120x128xf32, #tpu.memory_space<vmem>>
    %dma_wait3A_154 = arith.constant 0 : i32
    %dma_wait3A_155 = arith.constant 0 : i32
    %dma_wait3A_156 = tpu.memref_slice %arg7[%dma_wait3A_154, %dma_wait3A_155] : memref<10008x128xf32, #tpu.memory_space<vmem_shared>> -> memref<120x128xf32, #tpu.memory_space<vmem_shared>>
    %dma_wait3A_157 = arith.constant 0 : i32
    %dma_wait3A_158 = arith.constant 0 : i32
    %dma_wait3A_159 = tpu.memref_slice %arg7[%dma_wait3A_157, %dma_wait3A_158] : memref<10008x128xf32, #tpu.memory_space<vmem_shared>> -> memref<120x128xf32, #tpu.memory_space<vmem_shared>>
    %dma_wait3A_160 = arith.constant 0 : i32
    %dma_wait3A_161 = arith.constant 0 : i32
    %dma_wait3A_162 = tpu.memref_slice %arg9[%dma_wait3A_149, %dma_wait3A_160, %dma_wait3A_161] : memref<3x120x128xf32, #tpu.memory_space<vmem>> -> memref<1x120x128xf32, #tpu.memory_space<vmem>>
    %dma_wait3A_163 = tpu.memref_squeeze %dma_wait3A_162 : memref<1x120x128xf32, #tpu.memory_space<vmem>> -> memref<120x128xf32, #tpu.memory_space<vmem>>
    tpu.wait_dma2 semaphore(%arg20 : memref<!tpu.dma_semaphore, #tpu.memory_space<semaphore_mem>>) src(%dma_wait3A_163 : memref<120x128xf32, #tpu.memory_space<vmem>>) dst(%dma_wait3A_159 : memref<120x128xf32, #tpu.memory_space<vmem_shared>>)
    %dma_wait3A_164 = arith.constant 2 : i32
    %dma_wait3A_165 = arith.constant 0 : i32
    %dma_wait3A_166 = arith.constant 0 : i32
    %dma_wait3A_167 = tpu.memref_slice %arg9[%dma_wait3A_164, %dma_wait3A_165, %dma_wait3A_166] : memref<3x120x128xf32, #tpu.memory_space<vmem>> -> memref<1x120x128xf32, #tpu.memory_space<vmem>>
    %dma_wait3A_168 = tpu.memref_squeeze %dma_wait3A_167 : memref<1x120x128xf32, #tpu.memory_space<vmem>> -> memref<120x128xf32, #tpu.memory_space<vmem>>
    %dma_wait3A_169 = arith.constant 0 : i32
    %dma_wait3A_170 = arith.constant 0 : i32
    %dma_wait3A_171 = tpu.memref_slice %arg7[%dma_wait3A_169, %dma_wait3A_170] : memref<10008x128xf32, #tpu.memory_space<vmem_shared>> -> memref<120x128xf32, #tpu.memory_space<vmem_shared>>
    %dma_wait3A_172 = arith.constant 0 : i32
    %dma_wait3A_173 = arith.constant 0 : i32
    %dma_wait3A_174 = tpu.memref_slice %arg7[%dma_wait3A_172, %dma_wait3A_173] : memref<10008x128xf32, #tpu.memory_space<vmem_shared>> -> memref<120x128xf32, #tpu.memory_space<vmem_shared>>
    %dma_wait3A_175 = arith.constant 0 : i32
    %dma_wait3A_176 = arith.constant 0 : i32
    %dma_wait3A_177 = tpu.memref_slice %arg9[%dma_wait3A_164, %dma_wait3A_175, %dma_wait3A_176] : memref<3x120x128xf32, #tpu.memory_space<vmem>> -> memref<1x120x128xf32, #tpu.memory_space<vmem>>
    %dma_wait3A_178 = tpu.memref_squeeze %dma_wait3A_177 : memref<1x120x128xf32, #tpu.memory_space<vmem>> -> memref<120x128xf32, #tpu.memory_space<vmem>>
    tpu.wait_dma2 semaphore(%arg21 : memref<!tpu.dma_semaphore, #tpu.memory_space<semaphore_mem>>) src(%dma_wait3A_178 : memref<120x128xf32, #tpu.memory_space<vmem>>) dst(%dma_wait3A_174 : memref<120x128xf32, #tpu.memory_space<vmem_shared>>)
    %barrier3A_179 = arith.constant 0 : index
    tpu.barrier barrier_id(%barrier3A_179)
    %lt3A_180 = arith.constant 15 : i32
    %lt3A_181 = arith.cmpi slt, %arg1, %lt3A_180 : i32
    %convert_element_type3A_182 = arith.extui %lt3A_181 : i1 to i32
    %cond3A_183 = arith.constant 0 : i32
    %cond3A_184 = arith.cmpi ne, %convert_element_type3A_182, %cond3A_183 : i32
    scf.if %cond3A_184 {
      "tpu.region"() ({
        %run_scoped3A = tpu.sem_alloc : memref<!tpu.dma_semaphore, #tpu.memory_space<semaphore_mem>>
        %dma_start3A_190 = arith.constant 0 : i32
        %dma_start3A_191 = tpu.memref_slice %arg6[%arg0, %multiple_of3A, %dma_start3A_190] : memref<2x10000x128xf32, #tpu.memory_space<hbm>> -> memref<1x624x128xf32, #tpu.memory_space<hbm>>
        %dma_start3A_192 = tpu.memref_squeeze %dma_start3A_191 : memref<1x624x128xf32, #tpu.memory_space<hbm>> -> memref<624x128xf32, #tpu.memory_space<hbm>>
        %dma_start3A_193 = arith.constant 0 : i32
        %dma_start3A_194 = tpu.memref_slice %arg7[%multiple_of3A, %dma_start3A_193] : memref<10008x128xf32, #tpu.memory_space<vmem_shared>> -> memref<624x128xf32, #tpu.memory_space<vmem_shared>>
        tpu.enqueue_dma source(%dma_start3A_194 : memref<624x128xf32, #tpu.memory_space<vmem_shared>>) target(%dma_start3A_192 : memref<624x128xf32, #tpu.memory_space<hbm>>) target_semaphore(%run_scoped3A : memref<!tpu.dma_semaphore, #tpu.memory_space<semaphore_mem>>)
        %dma_wait3A_195 = arith.constant 0 : i32
        %dma_wait3A_196 = tpu.memref_slice %arg6[%arg0, %multiple_of3A, %dma_wait3A_195] : memref<2x10000x128xf32, #tpu.memory_space<hbm>> -> memref<1x624x128xf32, #tpu.memory_space<hbm>>
        %dma_wait3A_197 = tpu.memref_squeeze %dma_wait3A_196 : memref<1x624x128xf32, #tpu.memory_space<hbm>> -> memref<624x128xf32, #tpu.memory_space<hbm>>
        %dma_wait3A_198 = arith.constant 0 : i32
        %dma_wait3A_199 = tpu.memref_slice %arg7[%multiple_of3A, %dma_wait3A_198] : memref<10008x128xf32, #tpu.memory_space<vmem_shared>> -> memref<624x128xf32, #tpu.memory_space<vmem_shared>>
        tpu.wait_dma2 semaphore(%run_scoped3A : memref<!tpu.dma_semaphore, #tpu.memory_space<semaphore_mem>>) src(%dma_wait3A_199 : memref<624x128xf32, #tpu.memory_space<vmem_shared>>) dst(%dma_wait3A_197 : memref<624x128xf32, #tpu.memory_space<hbm>>)
        tpu.yield
      }) : () -> ()
    } else {
    }
    %eq3A_185 = arith.constant 15 : i32
    %eq3A_186 = arith.cmpi eq, %arg1, %eq3A_185 : i32
    %convert_element_type3A_187 = arith.extui %eq3A_186 : i1 to i32
    %cond3A_188 = arith.constant 0 : i32
    %cond3A_189 = arith.cmpi ne, %convert_element_type3A_187, %cond3A_188 : i32
    scf.if %cond3A_189 {
      "tpu.region"() ({
        %run_scoped3A = tpu.sem_alloc : memref<!tpu.dma_semaphore, #tpu.memory_space<semaphore_mem>>
        %dma_start3A_190 = arith.constant 0 : i32
        %dma_start3A_191 = tpu.memref_slice %arg6[%arg0, %multiple_of3A, %dma_start3A_190] : memref<2x10000x128xf32, #tpu.memory_space<hbm>> -> memref<1x640x128xf32, #tpu.memory_space<hbm>>
        %dma_start3A_192 = tpu.memref_squeeze %dma_start3A_191 : memref<1x640x128xf32, #tpu.memory_space<hbm>> -> memref<640x128xf32, #tpu.memory_space<hbm>>
        %dma_start3A_193 = arith.constant 0 : i32
        %dma_start3A_194 = tpu.memref_slice %arg7[%multiple_of3A, %dma_start3A_193] : memref<10008x128xf32, #tpu.memory_space<vmem_shared>> -> memref<640x128xf32, #tpu.memory_space<vmem_shared>>
        tpu.enqueue_dma source(%dma_start3A_194 : memref<640x128xf32, #tpu.memory_space<vmem_shared>>) target(%dma_start3A_192 : memref<640x128xf32, #tpu.memory_space<hbm>>) target_semaphore(%run_scoped3A : memref<!tpu.dma_semaphore, #tpu.memory_space<semaphore_mem>>)
        %dma_wait3A_195 = arith.constant 0 : i32
        %dma_wait3A_196 = tpu.memref_slice %arg6[%arg0, %multiple_of3A, %dma_wait3A_195] : memref<2x10000x128xf32, #tpu.memory_space<hbm>> -> memref<1x640x128xf32, #tpu.memory_space<hbm>>
        %dma_wait3A_197 = tpu.memref_squeeze %dma_wait3A_196 : memref<1x640x128xf32, #tpu.memory_space<hbm>> -> memref<640x128xf32, #tpu.memory_space<hbm>>
        %dma_wait3A_198 = arith.constant 0 : i32
        %dma_wait3A_199 = tpu.memref_slice %arg7[%multiple_of3A, %dma_wait3A_198] : memref<10008x128xf32, #tpu.memory_space<vmem_shared>> -> memref<640x128xf32, #tpu.memory_space<vmem_shared>>
        tpu.wait_dma2 semaphore(%run_scoped3A : memref<!tpu.dma_semaphore, #tpu.memory_space<semaphore_mem>>) src(%dma_wait3A_199 : memref<640x128xf32, #tpu.memory_space<vmem_shared>>) dst(%dma_wait3A_197 : memref<640x128xf32, #tpu.memory_space<hbm>>)
        tpu.yield
      }) : () -> ()
    } else {
    }
    return
  }
}

module attributes {stable_mosaic.version = 14 : i64} {
  func.func @_initsmi_body(%arg0: i32, %arg1: memref<200x128xf32, #tpu.memory_space<vmem>>, %arg2: memref<2x100x300xf32, #tpu.memory_space<vmem>>, %arg3: memref<128x128xf32, #tpu.memory_space<vmem>>, %arg4: memref<300x128xf32, #tpu.memory_space<vmem>>, %arg5: memref<300x128xf32, #tpu.memory_space<vmem>>, %arg6: memref<300x128xf32, #tpu.memory_space<vmem>>, %arg7: memref<1x128xf32, #tpu.memory_space<vmem>>, %arg8: memref<1x128xf32, #tpu.memory_space<vmem>>, %arg9: memref<1x128xf32, #tpu.memory_space<vmem>>, %arg10: memref<128x128xf32, #tpu.memory_space<vmem>>, %arg11: memref<1x128xf32, #tpu.memory_space<vmem>>, %arg12: memref<128x128xf32, #tpu.memory_space<vmem>>, %arg13: memref<1x128xf32, #tpu.memory_space<vmem>>, %arg14: memref<200x128xf32, #tpu.memory_space<vmem>>, %arg15: memref<2x1x128xf32, #tpu.memory_space<vmem>>) attributes {dimension_semantics = [#tpu.dimension_semantics<arbitrary>], iteration_bounds = array<i64: 50>, scalar_prefetch = 0 : i64, scratch_operands = 0 : i64, tpu.core_type = #tpu.core_type<tc>, window_params = [{transform_indices = @transform_0, window_bounds = array<i64: 200, 128>}, {transform_indices = @transform_1, window_bounds = array<i64: 2, 100, 300>}, {pipeline_mode = #tpu.pipeline_mode<synchronous>, transform_indices = @transform_2, window_bounds = array<i64: 128, 128>}, {pipeline_mode = #tpu.pipeline_mode<synchronous>, transform_indices = @transform_3, window_bounds = array<i64: 300, 128>}, {pipeline_mode = #tpu.pipeline_mode<synchronous>, transform_indices = @transform_4, window_bounds = array<i64: 300, 128>}, {pipeline_mode = #tpu.pipeline_mode<synchronous>, transform_indices = @transform_5, window_bounds = array<i64: 300, 128>}, {pipeline_mode = #tpu.pipeline_mode<synchronous>, transform_indices = @transform_6, window_bounds = array<i64: 1, 128>}, {pipeline_mode = #tpu.pipeline_mode<synchronous>, transform_indices = @transform_7, window_bounds = array<i64: 1, 128>}, {pipeline_mode = #tpu.pipeline_mode<synchronous>, transform_indices = @transform_8, window_bounds = array<i64: 1, 128>}, {pipeline_mode = #tpu.pipeline_mode<synchronous>, transform_indices = @transform_9, window_bounds = array<i64: 128, 128>}, {pipeline_mode = #tpu.pipeline_mode<synchronous>, transform_indices = @transform_10, window_bounds = array<i64: 1, 128>}, {pipeline_mode = #tpu.pipeline_mode<synchronous>, transform_indices = @transform_11, window_bounds = array<i64: 128, 128>}, {pipeline_mode = #tpu.pipeline_mode<synchronous>, transform_indices = @transform_12, window_bounds = array<i64: 1, 128>}, {transform_indices = @transform_13, window_bounds = array<i64: 200, 128>}, {transform_indices = @transform_14, window_bounds = array<i64: 2, 1, 128>}]} {
    %get3A = arith.constant 0 : index
    %get3A_0 = arith.constant 0 : index
    %get3A_1 = vector.load %arg1[%get3A, %get3A_0] : memref<200x128xf32, #tpu.memory_space<vmem>>, vector<200x128xf32>
    %get3A_2 = arith.constant 0 : index
    %get3A_3 = arith.constant 0 : index
    %get3A_4 = vector.load %arg3[%get3A_2, %get3A_3] : memref<128x128xf32, #tpu.memory_space<vmem>>, vector<128x128xf32>
    %dot_general3A = arith.constant dense<0.000000e+00> : vector<200x128xf32>
    %dot_general3A_5 = tpu.matmul %get3A_1, %get3A_4, %dot_general3A {dimension_numbers = #tpu.dot_dimension_numbers<[1], [0], [0], [1], [0, 0, 1, 1], [], []>, transpose_lhs_hint = false} : vector<200x128xf32>, vector<128x128xf32>, vector<200x128xf32> -> vector<200x128xf32>
    %swap3A = arith.constant 0 : index
    %swap3A_6 = arith.constant 0 : index
    %swap3A_7 = vector.load %arg14[%swap3A, %swap3A_6] : memref<200x128xf32, #tpu.memory_space<vmem>>, vector<200x128xf32>
    tpu.vector_store %arg14[%swap3A, %swap3A_6], %dot_general3A_5 {strides = array<i32>} : memref<200x128xf32, #tpu.memory_space<vmem>>, vector<200x128xf32>,
    %broadcast_in_dim3A = arith.constant 0.000000e+00 : f32
    %broadcast_in_dim3A_8 = vector.broadcast %broadcast_in_dim3A : f32 to vector<1x128xf32>
    %get3A_9 = arith.constant 0 : index
    %get3A_10 = arith.constant 0 : index
    %get3A_11 = arith.constant 0 : index
    %get3A_12 = vector.load %arg2[%get3A_9, %get3A_10, %get3A_11] : memref<2x100x300xf32, #tpu.memory_space<vmem>>, vector<1x100x300xf32>
    %get3A_13 = vector.shape_cast %get3A_12 : vector<1x100x300xf32> to vector<100x300xf32>
    %get3A_14 = arith.constant 0 : index
    %get3A_15 = arith.constant 0 : index
    %get3A_16 = vector.load %arg4[%get3A_14, %get3A_15] : memref<300x128xf32, #tpu.memory_space<vmem>>, vector<300x128xf32>
    %dot_general3A_17 = arith.constant dense<0.000000e+00> : vector<100x128xf32>
    %dot_general3A_18 = tpu.matmul %get3A_13, %get3A_16, %dot_general3A_17 {dimension_numbers = #tpu.dot_dimension_numbers<[1], [0], [0], [1], [0, 0, 1, 1], [], []>, transpose_lhs_hint = false} : vector<100x300xf32>, vector<300x128xf32>, vector<100x128xf32> -> vector<100x128xf32>
    %get3A_19 = arith.constant 0 : index
    %get3A_20 = arith.constant 0 : index
    %get3A_21 = vector.load %arg5[%get3A_19, %get3A_20] : memref<300x128xf32, #tpu.memory_space<vmem>>, vector<300x128xf32>
    %dot_general3A_22 = arith.constant dense<0.000000e+00> : vector<100x128xf32>
    %dot_general3A_23 = tpu.matmul %get3A_13, %get3A_21, %dot_general3A_22 {dimension_numbers = #tpu.dot_dimension_numbers<[1], [0], [0], [1], [0, 0, 1, 1], [], []>, transpose_lhs_hint = false} : vector<100x300xf32>, vector<300x128xf32>, vector<100x128xf32> -> vector<100x128xf32>
    %get3A_24 = arith.constant 0 : index
    %get3A_25 = arith.constant 0 : index
    %get3A_26 = vector.load %arg6[%get3A_24, %get3A_25] : memref<300x128xf32, #tpu.memory_space<vmem>>, vector<300x128xf32>
    %dot_general3A_27 = arith.constant dense<0.000000e+00> : vector<100x128xf32>
    %dot_general3A_28 = tpu.matmul %get3A_13, %get3A_26, %dot_general3A_27 {dimension_numbers = #tpu.dot_dimension_numbers<[1], [0], [0], [1], [0, 0, 1, 1], [], []>, transpose_lhs_hint = false} : vector<100x300xf32>, vector<300x128xf32>, vector<100x128xf32> -> vector<100x128xf32>
    %slice3A = vector.extract_strided_slice %dot_general3A_18 {offsets = [0, 0], sizes = [99, 128], strides = [1, 1]} : vector<100x128xf32> to vector<99x128xf32>
    %concatenate3A = tpu.concatenate %broadcast_in_dim3A_8, %slice3A in 0 : vector<1x128xf32>, vector<99x128xf32> -> vector<100x128xf32>
    %add3A = arith.addf %dot_general3A_23, %concatenate3A : vector<100x128xf32>
    %slice3A_29 = vector.extract_strided_slice %dot_general3A_28 {offsets = [1, 0], sizes = [99, 128], strides = [1, 1]} : vector<100x128xf32> to vector<99x128xf32>
    %concatenate3A_30 = tpu.concatenate %slice3A_29, %broadcast_in_dim3A_8 in 0 : vector<99x128xf32>, vector<1x128xf32> -> vector<100x128xf32>
    %add3A_31 = arith.addf %add3A, %concatenate3A_30 : vector<100x128xf32>
    %get3A_32 = arith.constant 0 : index
    %get3A_33 = arith.constant 0 : index
    %get3A_34 = vector.load %arg7[%get3A_32, %get3A_33] : memref<1x128xf32, #tpu.memory_space<vmem>>, vector<1x128xf32>
    %add3A_35 = vector.broadcast %get3A_34 : vector<1x128xf32> to vector<100x128xf32>
    %add3A_36 = arith.addf %add3A_31, %add3A_35 : vector<100x128xf32>
    %get3A_37 = arith.constant 0 : index
    %get3A_38 = arith.constant 0 : index
    %get3A_39 = vector.load %arg8[%get3A_37, %get3A_38] : memref<1x128xf32, #tpu.memory_space<vmem>>, vector<1x128xf32>
    %mul3A = vector.broadcast %get3A_39 : vector<1x128xf32> to vector<100x128xf32>
    %mul3A_40 = arith.mulf %add3A_36, %mul3A : vector<100x128xf32>
    %get3A_41 = arith.constant 0 : index
    %get3A_42 = arith.constant 0 : index
    %get3A_43 = vector.load %arg9[%get3A_41, %get3A_42] : memref<1x128xf32, #tpu.memory_space<vmem>>, vector<1x128xf32>
    %add3A_44 = vector.broadcast %get3A_43 : vector<1x128xf32> to vector<100x128xf32>
    %add3A_45 = arith.addf %mul3A_40, %add3A_44 : vector<100x128xf32>
    %max3A = arith.constant 0.000000e+00 : f32
    %max3A_46 = vector.broadcast %max3A : f32 to vector<100x128xf32>
    %max3A_47 = arith.maximumf %add3A_45, %max3A_46 : vector<100x128xf32>
    %reduce_max3A = arith.constant dense<0xFF800000> : vector<128xf32>
    %reduce_max3A_48 = vector.multi_reduction <maximumf>, %max3A_47, %reduce_max3A [0] : vector<100x128xf32> to vector<128xf32>
    %broadcast_in_dim3A_49 = vector.shape_cast %reduce_max3A_48 : vector<128xf32> to vector<1x128xf32>
    %get3A_50 = arith.constant 0 : index
    %get3A_51 = arith.constant 0 : index
    %get3A_52 = vector.load %arg10[%get3A_50, %get3A_51] : memref<128x128xf32, #tpu.memory_space<vmem>>, vector<128x128xf32>
    %dot_general3A_53 = arith.constant dense<0.000000e+00> : vector<1x128xf32>
    %dot_general3A_54 = tpu.matmul %broadcast_in_dim3A_49, %get3A_52, %dot_general3A_53 {dimension_numbers = #tpu.dot_dimension_numbers<[1], [0], [0], [1], [0, 0, 1, 1], [], []>, transpose_lhs_hint = false} : vector<1x128xf32>, vector<128x128xf32>, vector<1x128xf32> -> vector<1x128xf32>
    %get3A_55 = arith.constant 0 : index
    %get3A_56 = arith.constant 0 : index
    %get3A_57 = vector.load %arg11[%get3A_55, %get3A_56] : memref<1x128xf32, #tpu.memory_space<vmem>>, vector<1x128xf32>
    %add3A_58 = arith.addf %dot_general3A_54, %get3A_57 : vector<1x128xf32>
    %get3A_59 = arith.constant 0 : index
    %get3A_60 = arith.constant 0 : index
    %get3A_61 = vector.load %arg12[%get3A_59, %get3A_60] : memref<128x128xf32, #tpu.memory_space<vmem>>, vector<128x128xf32>
    %dot_general3A_62 = arith.constant dense<0.000000e+00> : vector<1x128xf32>
    %dot_general3A_63 = tpu.matmul %add3A_58, %get3A_61, %dot_general3A_62 {dimension_numbers = #tpu.dot_dimension_numbers<[1], [0], [0], [1], [0, 0, 1, 1], [], []>, transpose_lhs_hint = false} : vector<1x128xf32>, vector<128x128xf32>, vector<1x128xf32> -> vector<1x128xf32>
    %get3A_64 = arith.constant 0 : index
    %get3A_65 = arith.constant 0 : index
    %get3A_66 = vector.load %arg13[%get3A_64, %get3A_65] : memref<1x128xf32, #tpu.memory_space<vmem>>, vector<1x128xf32>
    %add3A_67 = arith.addf %dot_general3A_63, %get3A_66 : vector<1x128xf32>
    %swap3A_68 = arith.constant 0 : index
    %swap3A_69 = arith.constant 0 : index
    %swap3A_70 = arith.constant 0 : index
    %swap3A_71 = vector.load %arg15[%swap3A_68, %swap3A_69, %swap3A_70] : memref<2x1x128xf32, #tpu.memory_space<vmem>>, vector<1x1x128xf32>
    %swap3A_72 = vector.shape_cast %swap3A_71 : vector<1x1x128xf32> to vector<1x128xf32>
    %swap3A_73 = vector.shape_cast %add3A_67 : vector<1x128xf32> to vector<1x1x128xf32>
    tpu.vector_store %arg15[%swap3A_68, %swap3A_69, %swap3A_70], %swap3A_73 {strides = array<i32>} : memref<2x1x128xf32, #tpu.memory_space<vmem>>, vector<1x1x128xf32>,
    %get3A_74 = arith.constant 1 : index
    %get3A_75 = arith.constant 0 : index
    %get3A_76 = arith.constant 0 : index
    %get3A_77 = vector.load %arg2[%get3A_74, %get3A_75, %get3A_76] : memref<2x100x300xf32, #tpu.memory_space<vmem>>, vector<1x100x300xf32>
    %get3A_78 = vector.shape_cast %get3A_77 : vector<1x100x300xf32> to vector<100x300xf32>
    %get3A_79 = arith.constant 0 : index
    %get3A_80 = arith.constant 0 : index
    %get3A_81 = vector.load %arg4[%get3A_79, %get3A_80] : memref<300x128xf32, #tpu.memory_space<vmem>>, vector<300x128xf32>
    %dot_general3A_82 = arith.constant dense<0.000000e+00> : vector<100x128xf32>
    %dot_general3A_83 = tpu.matmul %get3A_78, %get3A_81, %dot_general3A_82 {dimension_numbers = #tpu.dot_dimension_numbers<[1], [0], [0], [1], [0, 0, 1, 1], [], []>, transpose_lhs_hint = false} : vector<100x300xf32>, vector<300x128xf32>, vector<100x128xf32> -> vector<100x128xf32>
    %get3A_84 = arith.constant 0 : index
    %get3A_85 = arith.constant 0 : index
    %get3A_86 = vector.load %arg5[%get3A_84, %get3A_85] : memref<300x128xf32, #tpu.memory_space<vmem>>, vector<300x128xf32>
    %dot_general3A_87 = arith.constant dense<0.000000e+00> : vector<100x128xf32>
    %dot_general3A_88 = tpu.matmul %get3A_78, %get3A_86, %dot_general3A_87 {dimension_numbers = #tpu.dot_dimension_numbers<[1], [0], [0], [1], [0, 0, 1, 1], [], []>, transpose_lhs_hint = false} : vector<100x300xf32>, vector<300x128xf32>, vector<100x128xf32> -> vector<100x128xf32>
    %get3A_89 = arith.constant 0 : index
    %get3A_90 = arith.constant 0 : index
    %get3A_91 = vector.load %arg6[%get3A_89, %get3A_90] : memref<300x128xf32, #tpu.memory_space<vmem>>, vector<300x128xf32>
    %dot_general3A_92 = arith.constant dense<0.000000e+00> : vector<100x128xf32>
    %dot_general3A_93 = tpu.matmul %get3A_78, %get3A_91, %dot_general3A_92 {dimension_numbers = #tpu.dot_dimension_numbers<[1], [0], [0], [1], [0, 0, 1, 1], [], []>, transpose_lhs_hint = false} : vector<100x300xf32>, vector<300x128xf32>, vector<100x128xf32> -> vector<100x128xf32>
    %slice3A_94 = vector.extract_strided_slice %dot_general3A_83 {offsets = [0, 0], sizes = [99, 128], strides = [1, 1]} : vector<100x128xf32> to vector<99x128xf32>
    %concatenate3A_95 = tpu.concatenate %broadcast_in_dim3A_8, %slice3A_94 in 0 : vector<1x128xf32>, vector<99x128xf32> -> vector<100x128xf32>
    %add3A_96 = arith.addf %dot_general3A_88, %concatenate3A_95 : vector<100x128xf32>
    %slice3A_97 = vector.extract_strided_slice %dot_general3A_93 {offsets = [1, 0], sizes = [99, 128], strides = [1, 1]} : vector<100x128xf32> to vector<99x128xf32>
    %concatenate3A_98 = tpu.concatenate %slice3A_97, %broadcast_in_dim3A_8 in 0 : vector<99x128xf32>, vector<1x128xf32> -> vector<100x128xf32>
    %add3A_99 = arith.addf %add3A_96, %concatenate3A_98 : vector<100x128xf32>
    %get3A_100 = arith.constant 0 : index
    %get3A_101 = arith.constant 0 : index
    %get3A_102 = vector.load %arg7[%get3A_100, %get3A_101] : memref<1x128xf32, #tpu.memory_space<vmem>>, vector<1x128xf32>
    %add3A_103 = vector.broadcast %get3A_102 : vector<1x128xf32> to vector<100x128xf32>
    %add3A_104 = arith.addf %add3A_99, %add3A_103 : vector<100x128xf32>
    %get3A_105 = arith.constant 0 : index
    %get3A_106 = arith.constant 0 : index
    %get3A_107 = vector.load %arg8[%get3A_105, %get3A_106] : memref<1x128xf32, #tpu.memory_space<vmem>>, vector<1x128xf32>
    %mul3A_108 = vector.broadcast %get3A_107 : vector<1x128xf32> to vector<100x128xf32>
    %mul3A_109 = arith.mulf %add3A_104, %mul3A_108 : vector<100x128xf32>
    %get3A_110 = arith.constant 0 : index
    %get3A_111 = arith.constant 0 : index
    %get3A_112 = vector.load %arg9[%get3A_110, %get3A_111] : memref<1x128xf32, #tpu.memory_space<vmem>>, vector<1x128xf32>
    %add3A_113 = vector.broadcast %get3A_112 : vector<1x128xf32> to vector<100x128xf32>
    %add3A_114 = arith.addf %mul3A_109, %add3A_113 : vector<100x128xf32>
    %max3A_115 = arith.constant 0.000000e+00 : f32
    %max3A_116 = vector.broadcast %max3A_115 : f32 to vector<100x128xf32>
    %max3A_117 = arith.maximumf %add3A_114, %max3A_116 : vector<100x128xf32>
    %reduce_max3A_118 = arith.constant dense<0xFF800000> : vector<128xf32>
    %reduce_max3A_119 = vector.multi_reduction <maximumf>, %max3A_117, %reduce_max3A_118 [0] : vector<100x128xf32> to vector<128xf32>
    %broadcast_in_dim3A_120 = vector.shape_cast %reduce_max3A_119 : vector<128xf32> to vector<1x128xf32>
    %get3A_121 = arith.constant 0 : index
    %get3A_122 = arith.constant 0 : index
    %get3A_123 = vector.load %arg10[%get3A_121, %get3A_122] : memref<128x128xf32, #tpu.memory_space<vmem>>, vector<128x128xf32>
    %dot_general3A_124 = arith.constant dense<0.000000e+00> : vector<1x128xf32>
    %dot_general3A_125 = tpu.matmul %broadcast_in_dim3A_120, %get3A_123, %dot_general3A_124 {dimension_numbers = #tpu.dot_dimension_numbers<[1], [0], [0], [1], [0, 0, 1, 1], [], []>, transpose_lhs_hint = false} : vector<1x128xf32>, vector<128x128xf32>, vector<1x128xf32> -> vector<1x128xf32>
    %get3A_126 = arith.constant 0 : index
    %get3A_127 = arith.constant 0 : index
    %get3A_128 = vector.load %arg11[%get3A_126, %get3A_127] : memref<1x128xf32, #tpu.memory_space<vmem>>, vector<1x128xf32>
    %add3A_129 = arith.addf %dot_general3A_125, %get3A_128 : vector<1x128xf32>
    %get3A_130 = arith.constant 0 : index
    %get3A_131 = arith.constant 0 : index
    %get3A_132 = vector.load %arg12[%get3A_130, %get3A_131] : memref<128x128xf32, #tpu.memory_space<vmem>>, vector<128x128xf32>
    %dot_general3A_133 = arith.constant dense<0.000000e+00> : vector<1x128xf32>
    %dot_general3A_134 = tpu.matmul %add3A_129, %get3A_132, %dot_general3A_133 {dimension_numbers = #tpu.dot_dimension_numbers<[1], [0], [0], [1], [0, 0, 1, 1], [], []>, transpose_lhs_hint = false} : vector<1x128xf32>, vector<128x128xf32>, vector<1x128xf32> -> vector<1x128xf32>
    %get3A_135 = arith.constant 0 : index
    %get3A_136 = arith.constant 0 : index
    %get3A_137 = vector.load %arg13[%get3A_135, %get3A_136] : memref<1x128xf32, #tpu.memory_space<vmem>>, vector<1x128xf32>
    %add3A_138 = arith.addf %dot_general3A_134, %get3A_137 : vector<1x128xf32>
    %swap3A_139 = arith.constant 1 : index
    %swap3A_140 = arith.constant 0 : index
    %swap3A_141 = arith.constant 0 : index
    %swap3A_142 = vector.load %arg15[%swap3A_139, %swap3A_140, %swap3A_141] : memref<2x1x128xf32, #tpu.memory_space<vmem>>, vector<1x1x128xf32>
    %swap3A_143 = vector.shape_cast %swap3A_142 : vector<1x1x128xf32> to vector<1x128xf32>
    %swap3A_144 = vector.shape_cast %add3A_138 : vector<1x128xf32> to vector<1x1x128xf32>
    tpu.vector_store %arg15[%swap3A_139, %swap3A_140, %swap3A_141], %swap3A_144 {strides = array<i32>} : memref<2x1x128xf32, #tpu.memory_space<vmem>>, vector<1x1x128xf32>,
    return
  }
  func.func @transform_0(%arg0: i32) -> (i32, i32) {
    %c0_i32 = arith.constant 0 : i32
    %c0_i32_0 = arith.constant 0 : i32
    return %arg0, %c0_i32 : i32, i32
  }
  func.func @transform_1(%arg0: i32) -> (i32, i32, i32) {
    %c0_i32 = arith.constant 0 : i32
    %c0_i32_0 = arith.constant 0 : i32
    %c0_i32_1 = arith.constant 0 : i32
    return %arg0, %c0_i32, %c0_i32_0 : i32, i32, i32
  }
  func.func @transform_2(%arg0: i32) -> (i32, i32) {
    %c0_i32 = arith.constant 0 : i32
    %c0_i32_0 = arith.constant 0 : i32
    %c0_i32_1 = arith.constant 0 : i32
    return %c0_i32, %c0_i32_0 : i32, i32
  }
  func.func @transform_3(%arg0: i32) -> (i32, i32) {
    %c0_i32 = arith.constant 0 : i32
    %c0_i32_0 = arith.constant 0 : i32
    %c0_i32_1 = arith.constant 0 : i32
    return %c0_i32, %c0_i32_0 : i32, i32
  }
  func.func @transform_4(%arg0: i32) -> (i32, i32) {
    %c0_i32 = arith.constant 0 : i32
    %c0_i32_0 = arith.constant 0 : i32
    %c0_i32_1 = arith.constant 0 : i32
    return %c0_i32, %c0_i32_0 : i32, i32
  }
  func.func @transform_5(%arg0: i32) -> (i32, i32) {
    %c0_i32 = arith.constant 0 : i32
    %c0_i32_0 = arith.constant 0 : i32
    %c0_i32_1 = arith.constant 0 : i32
    return %c0_i32, %c0_i32_0 : i32, i32
  }
  func.func @transform_6(%arg0: i32) -> (i32, i32) {
    %c0_i32 = arith.constant 0 : i32
    %c0_i32_0 = arith.constant 0 : i32
    %c0_i32_1 = arith.constant 0 : i32
    return %c0_i32, %c0_i32_0 : i32, i32
  }
  func.func @transform_7(%arg0: i32) -> (i32, i32) {
    %c0_i32 = arith.constant 0 : i32
    %c0_i32_0 = arith.constant 0 : i32
    %c0_i32_1 = arith.constant 0 : i32
    return %c0_i32, %c0_i32_0 : i32, i32
  }
  func.func @transform_8(%arg0: i32) -> (i32, i32) {
    %c0_i32 = arith.constant 0 : i32
    %c0_i32_0 = arith.constant 0 : i32
    %c0_i32_1 = arith.constant 0 : i32
    return %c0_i32, %c0_i32_0 : i32, i32
  }
  func.func @transform_9(%arg0: i32) -> (i32, i32) {
    %c0_i32 = arith.constant 0 : i32
    %c0_i32_0 = arith.constant 0 : i32
    %c0_i32_1 = arith.constant 0 : i32
    return %c0_i32, %c0_i32_0 : i32, i32
  }
  func.func @transform_10(%arg0: i32) -> (i32, i32) {
    %c0_i32 = arith.constant 0 : i32
    %c0_i32_0 = arith.constant 0 : i32
    %c0_i32_1 = arith.constant 0 : i32
    return %c0_i32, %c0_i32_0 : i32, i32
  }
  func.func @transform_11(%arg0: i32) -> (i32, i32) {
    %c0_i32 = arith.constant 0 : i32
    %c0_i32_0 = arith.constant 0 : i32
    %c0_i32_1 = arith.constant 0 : i32
    return %c0_i32, %c0_i32_0 : i32, i32
  }
  func.func @transform_12(%arg0: i32) -> (i32, i32) {
    %c0_i32 = arith.constant 0 : i32
    %c0_i32_0 = arith.constant 0 : i32
    %c0_i32_1 = arith.constant 0 : i32
    return %c0_i32, %c0_i32_0 : i32, i32
  }
  func.func @transform_13(%arg0: i32) -> (i32, i32) {
    %c0_i32 = arith.constant 0 : i32
    %c0_i32_0 = arith.constant 0 : i32
    return %arg0, %c0_i32 : i32, i32
  }
  func.func @transform_14(%arg0: i32) -> (i32, i32, i32) {
    %c0_i32 = arith.constant 0 : i32
    %c0_i32_0 = arith.constant 0 : i32
    %c0_i32_1 = arith.constant 0 : i32
    return %arg0, %c0_i32, %c0_i32_0 : i32, i32, i32
  }
}

module attributes {stable_mosaic.version = 14 : i64} {
  func.func @_mlayer0_body(%arg0: memref<2x10000x128xf32, #tpu.memory_space<vmem>>, %arg1: memref<10000x128xf32, #tpu.memory_space<vmem>>, %arg2: memref<128x128xf32, #tpu.memory_space<vmem>>, %arg3: memref<128x128xf32, #tpu.memory_space<vmem>>, %arg4: memref<1x128xf32, #tpu.memory_space<vmem>>, %arg5: memref<128x128xf32, #tpu.memory_space<vmem>>, %arg6: memref<1x128xf32, #tpu.memory_space<vmem>>, %arg7: memref<1x128xf32, #tpu.memory_space<vmem>>, %arg8: memref<1x128xf32, #tpu.memory_space<vmem>>, %arg9: memref<10000x128xf32, #tpu.memory_space<vmem>>) attributes {dimension_semantics = [], scalar_prefetch = 0 : i64, scratch_operands = 0 : i64, tpu.core_type = #tpu.core_type<tc>} {
    %get3A = arith.constant 0 : index
    %get3A_0 = arith.constant 0 : index
    %get3A_1 = arith.constant 0 : index
    %get3A_2 = vector.load %arg0[%get3A, %get3A_0, %get3A_1] : memref<2x10000x128xf32, #tpu.memory_space<vmem>>, vector<1x10000x128xf32>
    %get3A_3 = vector.shape_cast %get3A_2 : vector<1x10000x128xf32> to vector<10000x128xf32>
    %get3A_4 = arith.constant 1 : index
    %get3A_5 = arith.constant 0 : index
    %get3A_6 = arith.constant 0 : index
    %get3A_7 = vector.load %arg0[%get3A_4, %get3A_5, %get3A_6] : memref<2x10000x128xf32, #tpu.memory_space<vmem>>, vector<1x10000x128xf32>
    %get3A_8 = vector.shape_cast %get3A_7 : vector<1x10000x128xf32> to vector<10000x128xf32>
    %add3A = arith.addf %get3A_3, %get3A_8 : vector<10000x128xf32>
    %get3A_9 = arith.constant 0 : index
    %get3A_10 = arith.constant 0 : index
    %get3A_11 = vector.load %arg2[%get3A_9, %get3A_10] : memref<128x128xf32, #tpu.memory_space<vmem>>, vector<128x128xf32>
    %dot_general3A = arith.constant dense<0.000000e+00> : vector<10000x128xf32>
    %dot_general3A_12 = tpu.matmul %add3A, %get3A_11, %dot_general3A {dimension_numbers = #tpu.dot_dimension_numbers<[1], [0], [0], [1], [0, 0, 1, 1], [], []>, transpose_lhs_hint = false} : vector<10000x128xf32>, vector<128x128xf32>, vector<10000x128xf32> -> vector<10000x128xf32>
    %get3A_13 = arith.constant 0 : index
    %get3A_14 = arith.constant 0 : index
    %get3A_15 = vector.load %arg3[%get3A_13, %get3A_14] : memref<128x128xf32, #tpu.memory_space<vmem>>, vector<128x128xf32>
    %dot_general3A_16 = arith.constant dense<0.000000e+00> : vector<10000x128xf32>
    %dot_general3A_17 = tpu.matmul %dot_general3A_12, %get3A_15, %dot_general3A_16 {dimension_numbers = #tpu.dot_dimension_numbers<[1], [0], [0], [1], [0, 0, 1, 1], [], []>, transpose_lhs_hint = false} : vector<10000x128xf32>, vector<128x128xf32>, vector<10000x128xf32> -> vector<10000x128xf32>
    %get3A_18 = arith.constant 0 : index
    %get3A_19 = arith.constant 0 : index
    %get3A_20 = vector.load %arg4[%get3A_18, %get3A_19] : memref<1x128xf32, #tpu.memory_space<vmem>>, vector<1x128xf32>
    %add3A_21 = vector.broadcast %get3A_20 : vector<1x128xf32> to vector<10000x128xf32>
    %add3A_22 = arith.addf %dot_general3A_17, %add3A_21 : vector<10000x128xf32>
    %max3A = arith.constant 0.000000e+00 : f32
    %max3A_23 = vector.broadcast %max3A : f32 to vector<10000x128xf32>
    %max3A_24 = arith.maximumf %add3A_22, %max3A_23 : vector<10000x128xf32>
    %get3A_25 = arith.constant 0 : index
    %get3A_26 = arith.constant 0 : index
    %get3A_27 = vector.load %arg1[%get3A_25, %get3A_26] : memref<10000x128xf32, #tpu.memory_space<vmem>>, vector<10000x128xf32>
    %get3A_28 = arith.constant 0 : index
    %get3A_29 = arith.constant 0 : index
    %get3A_30 = vector.load %arg5[%get3A_28, %get3A_29] : memref<128x128xf32, #tpu.memory_space<vmem>>, vector<128x128xf32>
    %dot_general3A_31 = arith.constant dense<0.000000e+00> : vector<10000x128xf32>
    %dot_general3A_32 = tpu.matmul %get3A_27, %get3A_30, %dot_general3A_31 {dimension_numbers = #tpu.dot_dimension_numbers<[1], [0], [0], [1], [0, 0, 1, 1], [], []>, transpose_lhs_hint = false} : vector<10000x128xf32>, vector<128x128xf32>, vector<10000x128xf32> -> vector<10000x128xf32>
    %get3A_33 = arith.constant 0 : index
    %get3A_34 = arith.constant 0 : index
    %get3A_35 = vector.load %arg6[%get3A_33, %get3A_34] : memref<1x128xf32, #tpu.memory_space<vmem>>, vector<1x128xf32>
    %add3A_36 = vector.broadcast %get3A_35 : vector<1x128xf32> to vector<10000x128xf32>
    %add3A_37 = arith.addf %dot_general3A_32, %add3A_36 : vector<10000x128xf32>
    %add3A_38 = arith.addf %max3A_24, %add3A_37 : vector<10000x128xf32>
    %get3A_39 = arith.constant 0 : index
    %get3A_40 = arith.constant 0 : index
    %get3A_41 = vector.load %arg7[%get3A_39, %get3A_40] : memref<1x128xf32, #tpu.memory_space<vmem>>, vector<1x128xf32>
    %mul3A = vector.broadcast %get3A_41 : vector<1x128xf32> to vector<10000x128xf32>
    %mul3A_42 = arith.mulf %add3A_38, %mul3A : vector<10000x128xf32>
    %get3A_43 = arith.constant 0 : index
    %get3A_44 = arith.constant 0 : index
    %get3A_45 = vector.load %arg8[%get3A_43, %get3A_44] : memref<1x128xf32, #tpu.memory_space<vmem>>, vector<1x128xf32>
    %add3A_46 = vector.broadcast %get3A_45 : vector<1x128xf32> to vector<10000x128xf32>
    %add3A_47 = arith.addf %mul3A_42, %add3A_46 : vector<10000x128xf32>
    %swap3A = arith.constant 0 : index
    %swap3A_48 = arith.constant 0 : index
    %swap3A_49 = vector.load %arg9[%swap3A, %swap3A_48] : memref<10000x128xf32, #tpu.memory_space<vmem>>, vector<10000x128xf32>
    tpu.vector_store %arg9[%swap3A, %swap3A_48], %add3A_47 {strides = array<i32>} : memref<10000x128xf32, #tpu.memory_space<vmem>>, vector<10000x128xf32>,
    return
  }
}

module attributes {stable_mosaic.version = 14 : i64} {
  func.func @_layerfuse_body(%arg0: memref<2x10000x128xf32, #tpu.memory_space<vmem>>, %arg1: memref<10000x128xf32, #tpu.memory_space<vmem>>, %arg2: memref<128x128xf32, #tpu.memory_space<vmem>>, %arg3: memref<1x128xf32, #tpu.memory_space<vmem>>, %arg4: memref<128x128xf32, #tpu.memory_space<vmem>>, %arg5: memref<1x128xf32, #tpu.memory_space<vmem>>, %arg6: memref<1x128xf32, #tpu.memory_space<vmem>>, %arg7: memref<1x128xf32, #tpu.memory_space<vmem>>, %arg8: memref<128x128xf32, #tpu.memory_space<vmem>>, %arg9: memref<10000x128xf32, #tpu.memory_space<vmem>>, %arg10: memref<1x128xf32, #tpu.memory_space<vmem>>, %arg11: memref<1x128xf32, #tpu.memory_space<vmem>>, %arg12: memref<10000x128xf32, #tpu.memory_space<vmem>>) attributes {dimension_semantics = [], scalar_prefetch = 0 : i64, scratch_operands = 0 : i64, tpu.core_type = #tpu.core_type<tc>} {
    %get3A = arith.constant 0 : index
    %get3A_0 = arith.constant 0 : index
    %get3A_1 = arith.constant 0 : index
    %get3A_2 = vector.load %arg0[%get3A, %get3A_0, %get3A_1] : memref<2x10000x128xf32, #tpu.memory_space<vmem>>, vector<1x10000x128xf32>
    %get3A_3 = vector.shape_cast %get3A_2 : vector<1x10000x128xf32> to vector<10000x128xf32>
    %get3A_4 = arith.constant 1 : index
    %get3A_5 = arith.constant 0 : index
    %get3A_6 = arith.constant 0 : index
    %get3A_7 = vector.load %arg0[%get3A_4, %get3A_5, %get3A_6] : memref<2x10000x128xf32, #tpu.memory_space<vmem>>, vector<1x10000x128xf32>
    %get3A_8 = vector.shape_cast %get3A_7 : vector<1x10000x128xf32> to vector<10000x128xf32>
    %add3A = arith.addf %get3A_3, %get3A_8 : vector<10000x128xf32>
    %get3A_9 = arith.constant 0 : index
    %get3A_10 = arith.constant 0 : index
    %get3A_11 = vector.load %arg2[%get3A_9, %get3A_10] : memref<128x128xf32, #tpu.memory_space<vmem>>, vector<128x128xf32>
    %dot_general3A = arith.constant dense<0.000000e+00> : vector<10000x128xf32>
    %dot_general3A_12 = tpu.matmul %add3A, %get3A_11, %dot_general3A {dimension_numbers = #tpu.dot_dimension_numbers<[1], [0], [0], [1], [0, 0, 1, 1], [], []>, transpose_lhs_hint = false} : vector<10000x128xf32>, vector<128x128xf32>, vector<10000x128xf32> -> vector<10000x128xf32>
    %get3A_13 = arith.constant 0 : index
    %get3A_14 = arith.constant 0 : index
    %get3A_15 = vector.load %arg3[%get3A_13, %get3A_14] : memref<1x128xf32, #tpu.memory_space<vmem>>, vector<1x128xf32>
    %add3A_16 = vector.broadcast %get3A_15 : vector<1x128xf32> to vector<10000x128xf32>
    %add3A_17 = arith.addf %dot_general3A_12, %add3A_16 : vector<10000x128xf32>
    %max3A = arith.constant 0.000000e+00 : f32
    %max3A_18 = vector.broadcast %max3A : f32 to vector<10000x128xf32>
    %max3A_19 = arith.maximumf %add3A_17, %max3A_18 : vector<10000x128xf32>
    %get3A_20 = arith.constant 0 : index
    %get3A_21 = arith.constant 0 : index
    %get3A_22 = vector.load %arg1[%get3A_20, %get3A_21] : memref<10000x128xf32, #tpu.memory_space<vmem>>, vector<10000x128xf32>
    %get3A_23 = arith.constant 0 : index
    %get3A_24 = arith.constant 0 : index
    %get3A_25 = vector.load %arg4[%get3A_23, %get3A_24] : memref<128x128xf32, #tpu.memory_space<vmem>>, vector<128x128xf32>
    %dot_general3A_26 = arith.constant dense<0.000000e+00> : vector<10000x128xf32>
    %dot_general3A_27 = tpu.matmul %get3A_22, %get3A_25, %dot_general3A_26 {dimension_numbers = #tpu.dot_dimension_numbers<[1], [0], [0], [1], [0, 0, 1, 1], [], []>, transpose_lhs_hint = false} : vector<10000x128xf32>, vector<128x128xf32>, vector<10000x128xf32> -> vector<10000x128xf32>
    %get3A_28 = arith.constant 0 : index
    %get3A_29 = arith.constant 0 : index
    %get3A_30 = vector.load %arg5[%get3A_28, %get3A_29] : memref<1x128xf32, #tpu.memory_space<vmem>>, vector<1x128xf32>
    %add3A_31 = vector.broadcast %get3A_30 : vector<1x128xf32> to vector<10000x128xf32>
    %add3A_32 = arith.addf %dot_general3A_27, %add3A_31 : vector<10000x128xf32>
    %add3A_33 = arith.addf %max3A_19, %add3A_32 : vector<10000x128xf32>
    %get3A_34 = arith.constant 0 : index
    %get3A_35 = arith.constant 0 : index
    %get3A_36 = vector.load %arg6[%get3A_34, %get3A_35] : memref<1x128xf32, #tpu.memory_space<vmem>>, vector<1x128xf32>
    %mul3A = vector.broadcast %get3A_36 : vector<1x128xf32> to vector<10000x128xf32>
    %mul3A_37 = arith.mulf %add3A_33, %mul3A : vector<10000x128xf32>
    %get3A_38 = arith.constant 0 : index
    %get3A_39 = arith.constant 0 : index
    %get3A_40 = vector.load %arg7[%get3A_38, %get3A_39] : memref<1x128xf32, #tpu.memory_space<vmem>>, vector<1x128xf32>
    %add3A_41 = vector.broadcast %get3A_40 : vector<1x128xf32> to vector<10000x128xf32>
    %add3A_42 = arith.addf %mul3A_37, %add3A_41 : vector<10000x128xf32>
    %get3A_43 = arith.constant 0 : index
    %get3A_44 = arith.constant 0 : index
    %get3A_45 = vector.load %arg8[%get3A_43, %get3A_44] : memref<128x128xf32, #tpu.memory_space<vmem>>, vector<128x128xf32>
    %dot_general3A_46 = arith.constant dense<0.000000e+00> : vector<10000x128xf32>
    %dot_general3A_47 = tpu.matmul %add3A_42, %get3A_45, %dot_general3A_46 {dimension_numbers = #tpu.dot_dimension_numbers<[1], [0], [0], [1], [0, 0, 1, 1], [], []>, transpose_lhs_hint = false} : vector<10000x128xf32>, vector<128x128xf32>, vector<10000x128xf32> -> vector<10000x128xf32>
    %get3A_48 = arith.constant 0 : index
    %get3A_49 = arith.constant 0 : index
    %get3A_50 = vector.load %arg9[%get3A_48, %get3A_49] : memref<10000x128xf32, #tpu.memory_space<vmem>>, vector<10000x128xf32>
    %add3A_51 = arith.addf %dot_general3A_47, %get3A_50 : vector<10000x128xf32>
    %get3A_52 = arith.constant 0 : index
    %get3A_53 = arith.constant 0 : index
    %get3A_54 = vector.load %arg10[%get3A_52, %get3A_53] : memref<1x128xf32, #tpu.memory_space<vmem>>, vector<1x128xf32>
    %mul3A_55 = vector.broadcast %get3A_54 : vector<1x128xf32> to vector<10000x128xf32>
    %mul3A_56 = arith.mulf %add3A_51, %mul3A_55 : vector<10000x128xf32>
    %get3A_57 = arith.constant 0 : index
    %get3A_58 = arith.constant 0 : index
    %get3A_59 = vector.load %arg11[%get3A_57, %get3A_58] : memref<1x128xf32, #tpu.memory_space<vmem>>, vector<1x128xf32>
    %add3A_60 = vector.broadcast %get3A_59 : vector<1x128xf32> to vector<10000x128xf32>
    %add3A_61 = arith.addf %mul3A_56, %add3A_60 : vector<10000x128xf32>
    %max3A_62 = arith.constant 0.000000e+00 : f32
    %max3A_63 = vector.broadcast %max3A_62 : f32 to vector<10000x128xf32>
    %max3A_64 = arith.maximumf %add3A_61, %max3A_63 : vector<10000x128xf32>
    %swap3A = arith.constant 0 : index
    %swap3A_65 = arith.constant 0 : index
    %swap3A_66 = vector.load %arg12[%swap3A, %swap3A_65] : memref<10000x128xf32, #tpu.memory_space<vmem>>, vector<10000x128xf32>
    tpu.vector_store %arg12[%swap3A, %swap3A_65], %max3A_64 {strides = array<i32>} : memref<10000x128xf32, #tpu.memory_space<vmem>>, vector<10000x128xf32>,
    return
  }
}

</mosaic_0001>

<sc_bundles>
// kernel: kernel.10.cloned.1.call-start
scs
__scs_entry_jumppad:
0x0: {  	(pc) =	sbr.rel $0x88, $3  }
0x1: {  	(tag) =	ssettag $0x0;
	lr =	simm.s32 $0x1  }
0x2: {  	[smem:$0x3F87] =	sst lr;
	_ =	strace $0xD0000000  }
0x3: {  	_ = 	snop  }
0x4: {  	_ = 	snop  }
0x5: {  	_ = 	snop  }
0x6: {  	_ = 	snop  }
0x7: {  	_ = 	snop  }
__scs_overlays_trampoline_lowered:
0x8: {  	[smem:$0x3F96] =	sst s0  }
0x9: {  	[smem:$0x3F97] =	sst s1  }
0xa: {  	[smem:$0x3F98] =	sst s2  }
0xb: {  	[smem:$0x3F99] =	sst s3  }
0xc: {  	[smem:$0x3F9A] =	sst s4  }
0xd: {  	[smem:$0x3F9B] =	sst s5  }
0xe: {  	[smem:$0x3F9C] =	sst s6  }
0xf: {  	[smem:$0x3F9D] =	sst s7  }
0x10: {  	[smem:$0x3F9E] =	sst s8  }
0x11: {  	[smem:$0x3F9F] =	sst s9;
	s0 =	simm.s32 @!p0 $0x0  }
0x12: {  	s1 =	sld [smem:$0x3F85];
	s0 =	simm.s32 @p0 $0x1  }
0x13: {  	[smem:$0x3FA0] =	sst s0;
	s0 =	simm.s32 @!p1 $0x0  }
0x14: {  	s2 =	sld [smem:$0x3F84];
	s0 =	simm.s32 @p1 $0x1  }
0x15: {  	[smem:$0x3FA1] =	sst s0;
	s0 =	simm.s32 @!p2 $0x0  }
0x16: {  	s3 =	sld [smem:$0x3FDB];
	s0 =	simm.s32 @p2 $0x1  }
0x17: {  	s4 =	simm.s32 $0x1BF5;
	[smem:$0x3FA3] =	sst s0  }
0x18: {  	s0 =	sld [smem:$0x3F86];
	_ =	swait.ge [sflag:s4], $0x0  }
0x19: {  	s7 =	sld [smem:$0x3F87]  }
0x1a: {  	s8 =	sadd.s32 $0xFFFFE003, lr  }
0x1b: {  	s9 =	sadd.s32 $0xFFFFFEF7, lr;
	s5 =	simm.s32 $0xFFFFFFFF;
	p2 =	slt.u32 s8, $0xFFFFF086  }
0x1c: {  	p1 =	slt.u32 s9, $0xF7A;
	s5 =	simm.s32 @!p2 $0x0  }
0x1d: {  	s5 =	simm.s32 @p1 $0x1;
	p0 =	seq.s32 s7, s2  }
0x1e: {  	s7 =	smul.u32 @!p0 $0xF7A, s2;
	p2 =	seq.s32 @!p0 s5, $0x0  }
0x1f: {  	s9 =	smul.u32 $0xF7A, s1;
	s8 =	simm.s32 @!p0 $0x1BF5;
	p2 =	por !p2, p0  }
0x20: {  	[sflag:s8] =	ssyncset.s32 @!p0 $0xFFFFF086;
	s6 =	sadd.s32 @!p0 s3, s7;
	s7 =	simm.s32 @!p0 $0x108  }
0x21: {  	s3 =	sadd.s32 s3, s9;
	s6 =	sadd.s32 @!p0 $0x88, s6;
	s7 =	simm.s32 @p2 $0x1082  }
0x22: {  	[simem:s7], [sflag:s8] =	dma.local @!p0 [hbm:s6], $0xF7A  }
0x23: {  	s9 =	sor.u32 $0xD0000000, s2;
	s6 =	simm.s32 $0x108;
	_ =	swait.ge @!p0 [sflag:s8], $0x0  }
0x24: {  	s3 =	sadd.s32 $0x88, s3;
	s6 =	simm.s32 @!p1 $0x1082;
	[sflag:s4] =	ssyncset.s32 $0xFFFFF086  }
0x25: {  	[simem:s6], [sflag:s4] =	dma.local [hbm:s3], $0xF7A  }
0x26: {  	[smem:$0x3F87] =	sst s1;
	(tag) =	ssettag s2;
	_ =	strace s9  }
0x27: {  	s1 =	sld [smem:$0x3F97]  }
0x28: {  	s2 =	sld [smem:$0x3F98]  }
0x29: {  	s4 =	sld [smem:$0x3F9A]  }
0x2a: {  	p0 =	seq.s32 s5, $0x0;
	s5 =	sld [smem:$0x3F9B]  }
0x2b: {  	s6 =	sld [smem:$0x3F9C]  }
0x2c: {  	s7 =	sld [smem:$0x3F9D]  }
0x2d: {  	s3 =	simm.s32 $0x108;
	s8 =	sld [smem:$0x3F9E]  }
0x2e: {  	s3 =	simm.s32 @!p0 $0x1082;
	s9 =	sld [smem:$0x3F9F]  }
0x2f: {  	lr =	sadd.s32 s0, s3;
	s0 =	sld [smem:$0x3F96]  }
0x30: {  	s3 =	sld [smem:$0x3F99]  }
0x31: {  	[smem:$0x3FA2] =	sst s10  }
0x32: {  	s10 =	sld [smem:$0x3FA0];
	_ =	sdelay $0x3  }
0x33: {  	p0 =	seq.s32 s10, $0x1;
	s10 =	sld [smem:$0x3FA2];
	_ =	sdelay $0x3  }
0x34: {  	[smem:$0x3FA2] =	sst s10  }
0x35: {  	s10 =	sld [smem:$0x3FA1];
	_ =	sdelay $0x3  }
0x36: {  	p1 =	seq.s32 s10, $0x1;
	s10 =	sld [smem:$0x3FA2];
	_ =	sdelay $0x3  }
0x37: {  	[smem:$0x3FA2] =	sst s10  }
0x38: {  	s10 =	sld [smem:$0x3FA3]  }
0x39: {  	_ = 	snop;
	(pc) =	sbr.ind lr, $3  }
0x3a: {  	_ = 	snop  }
0x3b: {  	_ = 	snop  }
0x3c: {  	p2 =	seq.s32 s10, $0x1;
	s10 =	sld [smem:$0x3FA2]  }
0x3d: {  	_ =	shalt  }
0x3e: {  	_ =	shalt  }
0x3f: {  	_ =	shalt  }
0x40: {  	_ =	shalt  }
0x41: {  	_ =	shalt  }
0x42: {  	_ =	shalt  }
0x43: {  	_ =	shalt  }
0x44: {  	_ =	shalt  }
0x45: {  	_ =	shalt  }
0x46: {  	_ =	shalt  }
0x47: {  	_ =	shalt  }
0x48: {  	_ =	shalt  }
0x49: {  	_ =	shalt  }
0x4a: {  	_ =	shalt  }
0x4b: {  	_ =	shalt  }
0x4c: {  	_ =	shalt  }
0x4d: {  	_ =	shalt  }
0x4e: {  	_ =	shalt  }
0x4f: {  	_ =	shalt  }
0x50: {  	_ =	shalt  }
0x51: {  	_ =	shalt  }
0x52: {  	_ =	shalt  }
0x53: {  	_ =	shalt  }
0x54: {  	_ =	shalt  }
0x55: {  	_ =	shalt  }
0x56: {  	_ =	shalt  }
0x57: {  	_ =	shalt  }
0x58: {  	_ =	shalt  }
0x59: {  	_ =	shalt  }
0x5a: {  	_ =	shalt  }
0x5b: {  	_ =	shalt  }
0x5c: {  	_ =	shalt  }
0x5d: {  	_ =	shalt  }
0x5e: {  	_ =	shalt  }
0x5f: {  	_ =	shalt  }
0x60: {  	_ =	shalt  }
0x61: {  	_ =	shalt  }
0x62: {  	_ =	shalt  }
0x63: {  	_ =	shalt  }
0x64: {  	_ =	shalt  }
0x65: {  	_ =	shalt  }
0x66: {  	_ =	shalt  }
0x67: {  	_ =	shalt  }
0x68: {  	_ =	shalt  }
0x69: {  	_ =	shalt  }
0x6a: {  	_ =	shalt  }
0x6b: {  	_ =	shalt  }
0x6c: {  	_ =	shalt  }
0x6d: {  	_ =	shalt  }
0x6e: {  	_ =	shalt  }
0x6f: {  	_ =	shalt  }
0x70: {  	_ =	shalt  }
0x71: {  	_ =	shalt  }
0x72: {  	_ =	shalt  }
0x73: {  	_ =	shalt  }
0x74: {  	_ =	shalt  }
0x75: {  	_ =	shalt  }
0x76: {  	_ =	shalt  }
0x77: {  	_ =	shalt  }
0x78: {  	_ =	shalt  }
0x79: {  	_ =	shalt  }
0x7a: {  	_ =	shalt  }
0x7b: {  	_ =	shalt  }
0x7c: {  	_ =	shalt  }
0x7d: {  	_ =	shalt  }
0x7e: {  	_ =	shalt  }
0x7f: {  	_ =	shalt  }
0x80: {  	_ =	shalt  }
0x81: {  	_ =	shalt  }
0x82: {  	_ =	shalt  }
0x83: {  	_ =	shalt  }
0x84: {  	_ =	shalt  }
0x85: {  	_ =	shalt  }
0x86: {  	_ =	shalt  }
0x87: {  	_ =	shalt  }
.Lfunc_end0:
.L_simem_size_0:
called_computation.1_lowered:
.L_overlay_start_0:
0x88: {  	s2 =	sld [smem:$0x3FD9]  }
0x89: {  	s3 =	sld [smem:$0x3FFE];
	_ =	sdelay $0x1  }
0x8a: {  	s1 =	srdreg.scid  }
0x8b: {  	s0 =	sand.u32 $0x1, s1  }
0x8c: {  	s17 =	sshll.u32 s0, $0xA;
	s2 =	sadd.s32 s3, s2  }
0x8d: {  	s2 =	sadd.s32 s2, s17  }
0x8e: {  	[smem:$0x3FAE] =	sst s2  }
0x8f: {  	_ = 	snop  }
0x90: {  	s2 =	sld [smem:$0x3FD0];
	(tm) =	ssettm $0x1  }
0x91: {  	s18 =	sld [smem:$0x3FFB];
	_ =	sdelay $0x3  }
0x92: {  	_ =	strace s18  }
0x93: {  	s3 =	sld [smem:$0x3FFC];
	_ =	sdelay $0x3  }
0x94: {  	_ =	strace s3  }
0x95: {  	s3 =	sld [smem:$0x3FFD];
	_ =	sdelay $0x3  }
0x96: {  	_ =	strace s3  }
0x97: {  	_ =	strace $0x8FFFFFFF  }
0x98: {  	s19 =	sld [smem:$0x3FDB];
	_ =	sdelay $0x1  }
0x99: {  	s4 =	simm.s32 $_scs_section_size  }
0x9a: {  	s5 =	simm.s32 $_size__tile_overlayer_lowered;
	s6 =	simm.s32 $_tile_overlayer_lowered  }
0x9b: {  	s22 =	simm.s32 $0x1BFF;
	s21 =	sshll.u32 s6, $0x1;
	s3 =	sadd.s32 s4, s19  }
0x9c: {  	s7 =	simm.s32 $0x0;
	s20 =	sshll.u32 s5, $0x1;
	s5 =	sadd.s32 s21, s3  }
0x9d: {  	[timem:s7], [sflag:s22] =	dma.local [hbm:s5], s20  }
0x9e: {  	_ =	swait.ge [sflag:s22], s20  }
0x9f: {  	s4 =	ssub.s32 $0x0, s20;
	[sflag:s22] =	ssyncset.done $0x0  }
0xa0: {  	[sflag:s22] =	ssyncadd.s32 s4;
	_ =	sdelay $0x1  }
0xa1: {  	s23 =	simm.s32 $0x1B8B  }
0xa2: {  	_ =	swait.ge [sflag:s23], $0x1  }
0xa3: {  	[sflag:s23] =	ssyncset.done $0x0  }
0xa4: {  	s25 =	simm.s32 $0x1B8E;
	s24 =	sld [smem:$0x3FFE];
	[sflag:s23] =	ssyncadd.s32 $0xFFFFFFFF  }
0xa5: {  	s26 =	simm.s32 $execute0_lowered;
	[smem:$0x3FD2] =	sst s25  }
0xa6: {  	s5 =	sshll.u32 s26, $0x1;
	_ =	strace $0x80000049;
	[dreg:$0x1] =	wrdreg $0xFFFFFFFF  }
0xa7: {  	s28 =	simm.s32 $_size_execute0_lowered;
	s3 =	sadd.s32 s3, s5;
	[dreg:$0x0] =	wrdreg $0x0  }
0xa8: {  	s5 =	sshll.u32 s28, $0x1;
	[dreg:$0x2] =	wrdreg s3  }
0xa9: {  	[dreg:$0x3] =	wrdreg s5  }
0xaa: {  	[dreg:$0x4] =	wrdreg $0xC0  }
0xab: {  	_ =	task [dreg:s7], $0x5FFFF  }
0xac: {  	[dreg:$0x1] =	wrdreg $0xFFFFFFFF  }
0xad: {  	[dreg:$0x0] =	wrdreg $0x60  }
0xae: {  	[dreg:$0x2] =	wrdreg s24  }
0xaf: {  	[dreg:$0x3] =	wrdreg s2  }
0xb0: {  	[dreg:$0x4] =	wrdreg $0x0  }
0xb1: {  	[dreg:$0x5] =	wrdreg $0x9  }
0xb2: {  	_ =	task.clear_ibuf [dreg:s7], $0x6FFFF;
	_ =	strace $0x90000049  }
0xb3: {  	s29 =	simm.s32 $0x9;
	_ =	strace $0x8000004B  }
0xb4: {  	_ =	swait.ge [sflag:s29], $0x1  }
0xb5: {  	[sflag:s29] =	ssyncadd.s32 $0xFFFFFFFF  }
0xb6: {  	_ =	strace $0x9000004B  }
0xb7: {  	_ =	sfence  }
0xb8: {  	s30 =	sld [smem:$0x0];
	_ =	sdelay $0x2  }
0xb9: {  	s31 =	sshll.u32 s1, $0xD;
	s1 =	sshrl.u32 s1, $0x2  }
0xba: {  	s3 =	sand.u32 $0x4000, s31;
	s1 =	sadd.s32 s1, s30  }
0xbb: {  	s0 =	sor.u32 s3, s0;
	s1 =	sshll.u32 s1, $0x11  }
0xbc: {  	s0 =	sor.u32 s1, s0  }
0xbd: {  	s0 =	sadd.s32 $0x8F2B, s0  }
0xbe: {  	[sflag:s0] =	ssyncadd.remote.s32 $0x1  }
0xbf: {  	_ =	sfence.sel $0xFFFF  }
0xc0: {  	[dreg:$0x0] =	wrdreg $0xFFFFFFFF;
	(pc) =	sbr.abs _section_cstart, $3  }
0xc1: {  	[dreg:$0x1] =	wrdreg $0xFFFFFFFF  }
0xc2: {  	_ =	task.clear_ibuf [dreg:s7], $0x2FFFF;
	_ =	strace $0x9FFFFFFF  }
0xc3: {  	(tm) =	ssettm $0x7FFFFFFF  }
tec
execute0_lowered:
.L_overlay_start_1:
0x0: {  	(tag) =	ssettag $0x1  }
0x1: {  	s0 =	rddreg [dreg:$0x0]  }
0x2: {  	s4 =	rddreg [dreg:$0x1]  }
0x3: {  	s1 =	rddreg [dreg:$0x2]  }
0x4: {  	s2 =	simm.s32 $0x0;
	s7 =	srdreg.scid;
	s14 =	stileid.u32  }
0x5: {  	s29 =	simm.s32 $0x13E40;
	s31 =	simm.s32 $0x6;
	[smem:$0x7FF] =	sst s2  }
0x6: {  	s3 =	sadd.s32 $0x19400, s0;
	s5 =	sadd.s32 $0x5800, s0;
	s9 =	smul.u32 $0x4E000, s14  }
0x7: {  	s6 =	sadd.s32 $0xF600, s0;
	s0 =	sadd.s32 $0x40600, s0;
	s11 =	smul.u32 $0x2700, s14  }
0x8: {  	s7 =	sand.u32 $0x1, s7;
	s8 =	sshll.u32 s14, $0x1;
	s20 =	smul.u32 $0x13800, s14  }
0x9: {  	s24 =	smul.u32 $0x1E, s14;
	p0 =	seq.s32 s14, $0xF;
	s14 =	simm.s32 $0x8  }
0xa: {  	s2 =	simm.s32 $0x0;
	_ =	strace $0x8000004A;
	s18 =	smul.u32 $0x138800, s7  }
0xb: {  	s10 =	ssub.s32 $0x2, s7;
	s8 =	sor.u32 s7, s8;
	s25 =	smul.u32 $0xF, s7  }
0xc: {  	s7 =	simm.s32 $0x2;
	s12 =	sshrl.u32 s10, $0x1;
	s13 =	smul.u32 $0x78, s8  }
0xd: {  	s9 =	sshrl.u32 s9, $0x2;
	s8 =	smul.u32 $0xF, s8;
	s11 =	sadd.s32 s4, s11  }
0xe: {  	s4 =	sadd.s32 $0x24900, s4;
	s26 =	sadd.s32 s24, s5;
	[dreg:$0x5] =	wrdreg s11  }
0xf: {  	s28 =	sadd.s32 s24, s6;
	s9 =	sadd.s32 s9, s1;
	[dreg:$0x7] =	wrdreg s4  }
0x10: {  	s10 =	ssub.s32 s10, s12;
	s12 =	sadd.s32 $0x124800, s1;
	[dreg:$0x4] =	wrdreg s9  }
0x11: {  	s23 =	sadd.s32 s20, s18;
	s20 =	sadd.s32 s25, s26;
	[dreg:$0x6] =	wrdreg s12  }
0x12: {  	s13 =	sshrl.u32 s13, $0x3;
	s15 =	sadd.s32 s5, s8;
	s8 =	sadd.s32 s6, s8  }
0x13: {  	s30 =	smax.u32 s10, $0x1;
	s12 =	simm.s32 $0x3;
	[dreg:$0x8] =	wrdreg s15  }
0x14: {  	s16 =	sadd.s32 $0x1E0, s13;
	[dreg:$0x9] =	wrdreg s8;
	s19 =	sadd.s32 $0x3C0, s13  }
0x15: {  	s22 =	sadd.s32 $0x5A0, s13;
	[dreg:$0x12] =	wrdreg s30;
	s17 =	sadd.s32 s5, s16  }
0x16: {  	s8 =	sshrl.u32 s18, $0x3;
	s4 =	sadd.s32 s6, s16;
	[dreg:$0xa] =	wrdreg s17  }
0x17: {  	s13 =	simm.s32 $0x1B6C0;
	s21 =	sadd.s32 s5, s19;
	[dreg:$0xb] =	wrdreg s4  }
0x18: {  	s15 =	simm.s32 $0xA;
	s9 =	sadd.s32 s5, s22;
	[dreg:$0xc] =	wrdreg s21  }
0x19: {  	s18 =	simm.s32 $0x5;
	s4 =	sadd.s32 s6, s19;
	[dreg:$0xe] =	wrdreg s9  }
0x1a: {  	s16 =	simm.s32 $0x4;
	[dreg:$0xd] =	wrdreg s4;
	s4 =	sadd.s32 s6, s22  }
0x1b: {  	s21 =	sadd.s32 s25, s28;
	[dreg:$0xf] =	wrdreg s4;
	s4 =	sshrl.u32 s23, $0x3  }
0x1c: {  	s9 =	simm.s32 $0x7;
	s4 =	sadd.s32 s0, s4;
	s0 =	sadd.s32 s0, s8  }
0x1d: {  	s17 =	simm.s32 $0x9;
	[dreg:$0x10] =	wrdreg s4;
	s0 =	sadd.s32 $0x24900, s0  }
0x1e: {  	s8 =	simm.s32 $0x17AC0;
	[dreg:$0x11] =	wrdreg s0;
	s0 =	simm.s32 $0x78  }
.LBB2_1:
0x1f: {  	[dreg:$0x13] =	wrdreg s2  }
0x20: {  	s5 =	rddreg [dreg:$0x6]  }
0x21: {  	s6 =	rddreg [dreg:$0x7];
	s2 =	sshrl.u32 @p0 s5, $0x3  }
0x22: {  	s5 =	simm.s32 @p0 $0x1FCD;
	[dreg:$0x14] =	wrdreg s2  }
0x23: {  	[spmem:s2], [sflag:s5] =	dma.local @p0 [hbm:s6], $0x2880  }
0x24: {  	s5 =	simm.s32 @p0 $0xD  }
0x25: {  	s6 =	stileid.u32;
	_ =	swait.ge @p0 [sflag:s5], $0x2880  }
0x26: {  	s23 =	sshll.u32 @!p0 s6, $0x6;
	[sflag:s5] =	ssyncset.done @p0 $0x0  }
0x27: {  	s2 =	sor.u32 @!p0 $0x1C0D, s23;
	[sflag:s5] =	ssyncadd.s32 @p0 $0xFFFFD780;
	s5 =	rddreg [dreg:$0x4]  }
0x28: {  	[dreg:$0x15] =	wrdreg s2  }
0x29: {  	s4 =	sshrl.u32 @!p0 s5, $0x3;
	s5 =	rddreg [dreg:$0x5]  }
0x2a: {  	[dreg:$0x16] =	wrdreg s4  }
0x2b: {  	[spmem:s4], [sflag:s2] =	dma.local @!p0 [hbm:s5], $0x2700  }
0x2c: {  	s5 =	simm.s32 @!p0 $0xD  }
0x2d: {  	_ =	swait.ge @!p0 [sflag:s5], $0x2700  }
0x2e: {  	[sflag:s5] =	ssyncset.done @!p0 $0x0  }
0x2f: {  	[sflag:s5] =	ssyncadd.s32 @!p0 $0xFFFFD900  }
0x30: {  	[bflag:$0x0] =	sbarrier.arrive $0xFFFF  }
0x31: {  	s19 =	simm.s32 $0x0;
	s6 =	simm.s32 $0x138C0;
	s24 =	rddreg [dreg:$0x8]  }
0x32: {  	[tilespmem:s6], [sflag:$0x1] =	stream.linear.gather [hbm4b:s24+s19], $0x78, $0x38;
	[tilespmem:$0x1F2C0] =	vst v63  }
0x33: {  	s10 =	simm.s32 $0x13940;
	s25 =	rddreg [dreg:$0x9]  }
0x34: {  	[tilespmem:s10], [sflag:$0x1] =	stream.linear.gather [hbm4b:s25+s19], $0x78, $0x38;
	[tilespmem:$0x1F2C0] =	vst v63  }
0x35: {  	s11 =	simm.s32 $0x139C0;
	s26 =	rddreg [dreg:$0xa]  }
0x36: {  	[tilespmem:s11], [sflag:$0x2] =	stream.linear.gather [hbm4b:s26+s19], $0x78, $0x38;
	[tilespmem:$0x1F2C0] =	vst v63  }
0x37: {  	s28 =	rddreg [dreg:$0xb];
	s26 =	simm.s32 $0x13A40  }
0x38: {  	[tilespmem:s26], [sflag:$0x2] =	stream.linear.gather [hbm4b:s28+s19], $0x78, $0x38;
	[tilespmem:$0x1F2C0] =	vst v63  }
0x39: {  	s30 =	rddreg [dreg:$0xc];
	s28 =	simm.s32 $0x13AC0  }
0x3a: {  	[tilespmem:s28], [sflag:$0x3] =	stream.linear.gather [hbm4b:s30+s19], $0x78, $0x38;
	[tilespmem:$0x1F2C0] =	vst v63  }
0x3b: {  	s4 =	simm.s32 $0x13B40;
	s2 =	rddreg [dreg:$0xd]  }
0x3c: {  	[tilespmem:s4], [sflag:$0x3] =	stream.linear.gather [hbm4b:s2+s19], $0x78, $0x38;
	[tilespmem:$0x1F2C0] =	vst v63  }
0x3d: {  	s22 =	rddreg [dreg:$0xe];
	s30 =	simm.s32 $0x13BC0  }
0x3e: {  	[tilespmem:s30], [sflag:$0x4] =	stream.linear.gather [hbm4b:s22+s19], $0x78, $0x38;
	[tilespmem:$0x1F2C0] =	vst v63  }
0x3f: {  	s23 =	rddreg [dreg:$0xf];
	s24 =	simm.s32 $0x13C40;
	s25 =	simm.s32 $0x1  }
0x40: {  	[tilespmem:s24], [sflag:$0x4] =	stream.linear.gather [hbm4b:s23+s19], $0x78, $0x38;
	[tilespmem:$0x1F2C0] =	vst v63  }
0x41: {  	_ =	swait.ge [sflag:s25], $0x78  }
0x42: {  	[sflag:s25] =	ssyncset.done $0x0  }
0x43: {  	[sflag:s25] =	ssyncadd.s32 $0xFFFFFF88  }
0x44: {  	_ =	swait.ge [sflag:s25], $0x78  }
0x45: {  	p1 =	por $0x1, $0x1;
	[sflag:s25] =	ssyncset.done $0x0  }
0x46: {  	s5 =	simm.s32 @!p1 $0xB;
	s22 =	simm.s32 $0x13EC0;
	[sflag:s25] =	ssyncadd.s32 $0xFFFFFF88  }
0x47: {  	[tilespmem:s22], [sflag:$0x7] =	stream.indirect.gather [hbm4b:s3+s0], $0x80, s6, s0, $0xb8;
	[tilespmem:$0x1F2C0] =	vst v63  }
0x48: {  	_ =	swait.ge @!p1 [sflag:s5], $0x3C00  }
0x49: {  	s4 =	simm.s32 $0x13CC0;
	s23 =	sadd.s32 $0x0, s20;
	[sflag:s5] =	ssyncset.done @!p1 $0x0  }
0x4a: {  	s24 =	sadd.s32 $0x780, s23;
	s25 =	sadd.s32 $0x0, s21;
	[sflag:s5] =	ssyncadd.s32 @!p1 $0xFFFFC400  }
0x4b: {  	[tilespmem:s4], [sflag:$0x5] =	stream.linear.gather [hbm4b:s24+s19], $0x78, $0x38;
	[tilespmem:$0x1F2C0] =	vst v63  }
0x4c: {  	s2 =	sadd.s32 $0x780, s25;
	s6 =	simm.s32 $0x13D40  }
0x4d: {  	[tilespmem:s6], [sflag:$0x5] =	stream.linear.gather [hbm4b:s2+s19], $0x78, $0x38;
	[tilespmem:$0x1F2C0] =	vst v63  }
0x4e: {  	_ =	swait.ge [sflag:s7], $0x78  }
0x4f: {  	[sflag:s7] =	ssyncset.done $0x0  }
0x50: {  	[sflag:s7] =	ssyncadd.s32 $0xFFFFFF88  }
0x51: {  	_ =	swait.ge [sflag:s7], $0x78  }
0x52: {  	[sflag:s7] =	ssyncset.done $0x0  }
0x53: {  	[sflag:s7] =	ssyncadd.s32 $0xFFFFFF88  }
0x54: {  	[tilespmem:s8], [sflag:$0x8] =	stream.indirect.gather [hbm4b:s3+s0], $0x80, s11, s0, $0xb8;
	[tilespmem:$0x1F2C0] =	vst v63  }
0x55: {  	_ =	swait.ge [sflag:s9], $0x3C00  }
0x56: {  	[sflag:s9] =	ssyncset.done $0x0  }
0x57: {  	s5 =	simm.s32 @!p1 $0xC;
	[sflag:s9] =	ssyncadd.s32 $0xFFFFC400  }
0x58: {  	[spmem:s1] =	stream.indirect.scatter.add.f32 [tilespmem:s22], [sflag:$0xA], $0x80, s10, s0, $0xb8;
	[tilespmem:$0x1F2C0] =	vst v63  }
0x59: {  	_ =	swait.ge @!p1 [sflag:s5], $0x3C00  }
0x5a: {  	[sflag:s5] =	ssyncset.done @!p1 $0x0  }
0x5b: {  	s23 =	sadd.s32 $0x960, s23;
	s2 =	simm.s32 $0x13DC0;
	[sflag:s5] =	ssyncadd.s32 @!p1 $0xFFFFC400  }
0x5c: {  	[tilespmem:s2], [sflag:$0x6] =	stream.linear.gather [hbm4b:s23+s19], $0x78, $0x38;
	[tilespmem:$0x1F2C0] =	vst v63  }
0x5d: {  	s10 =	sadd.s32 $0x960, s25  }
0x5e: {  	[tilespmem:s29], [sflag:$0x6] =	stream.linear.gather [hbm4b:s10+s19], $0x78, $0x38;
	[tilespmem:$0x1F2C0] =	vst v63  }
0x5f: {  	_ =	swait.ge [sflag:s12], $0x78  }
0x60: {  	[sflag:s12] =	ssyncset.done $0x0  }
0x61: {  	[sflag:s12] =	ssyncadd.s32 $0xFFFFFF88  }
0x62: {  	_ =	swait.ge [sflag:s12], $0x78  }
0x63: {  	[sflag:s12] =	ssyncset.done $0x0  }
0x64: {  	[sflag:s12] =	ssyncadd.s32 $0xFFFFFF88  }
0x65: {  	[tilespmem:s13], [sflag:$0x9] =	stream.indirect.gather [hbm4b:s3+s0], $0x80, s28, s0, $0xb8;
	[tilespmem:$0x1F2C0] =	vst v63  }
0x66: {  	_ =	swait.ge [sflag:s14], $0x3C00  }
0x67: {  	[sflag:s14] =	ssyncset.done $0x0  }
0x68: {  	p1 =	por $0x0, $0x0;
	[sflag:s14] =	ssyncadd.s32 $0xFFFFC400  }
0x69: {  	[spmem:s1] =	stream.indirect.scatter.add.f32 [tilespmem:s8], [sflag:$0xB], $0x80, s26, s0, $0xb8;
	[tilespmem:$0x1F2C0] =	vst v63  }
0x6a: {  	s24 =	sadd.s32 @!p1 $0x0, s20;
	_ =	swait.ge [sflag:s15], $0x3C00  }
0x6b: {  	s23 =	simm.s32 @!p1 $0x0;
	s5 =	simm.s32 @!p1 $0x138C0;
	[sflag:s15] =	ssyncset.done $0x0  }
0x6c: {  	s25 =	sadd.s32 @!p1 $0xB40, s24;
	s26 =	sadd.s32 @!p1 $0x0, s21;
	[sflag:s15] =	ssyncadd.s32 $0xFFFFC400  }
0x6d: {  	[tilespmem:s5], [sflag:$0x1] =	stream.linear.gather @!p1 [hbm4b:s25+s23], $0x78, $0x38;
	[tilespmem:$0x1F2C0] =	vst v63  }
0x6e: {  	s28 =	sadd.s32 @!p1 $0xB40, s26;
	s25 =	simm.s32 @!p1 $0x13940  }
0x6f: {  	[tilespmem:s25], [sflag:$0x1] =	stream.linear.gather @!p1 [hbm4b:s28+s23], $0x78, $0x38;
	[tilespmem:$0x1F2C0] =	vst v63  }
0x70: {  	_ =	swait.ge [sflag:s16], $0x78  }
0x71: {  	[sflag:s16] =	ssyncset.done $0x0  }
0x72: {  	[sflag:s16] =	ssyncadd.s32 $0xFFFFFF88  }
0x73: {  	_ =	swait.ge [sflag:s16], $0x78  }
0x74: {  	[sflag:s16] =	ssyncset.done $0x0  }
0x75: {  	[sflag:s16] =	ssyncadd.s32 $0xFFFFFF88  }
0x76: {  	[tilespmem:s22], [sflag:$0x7] =	stream.indirect.gather [hbm4b:s3+s0], $0x80, s30, s0, $0xb8;
	[tilespmem:$0x1F2C0] =	vst v63  }
0x77: {  	_ =	swait.ge [sflag:s17], $0x3C00  }
0x78: {  	[sflag:s17] =	ssyncset.done $0x0  }
0x79: {  	s11 =	simm.s32 $0x13B40;
	s19 =	simm.s32 $0xB;
	[sflag:s17] =	ssyncadd.s32 $0xFFFFC400  }
0x7a: {  	[spmem:s1] =	stream.indirect.scatter.add.f32 [tilespmem:s13], [sflag:$0xC], $0x80, s11, s0, $0xb8;
	[tilespmem:$0x1F2C0] =	vst v63  }
0x7b: {  	_ =	swait.ge [sflag:s19], $0x3C00  }
0x7c: {  	[sflag:s19] =	ssyncset.done $0x0  }
0x7d: {  	s25 =	sadd.s32 @!p1 $0xD20, s24;
	s28 =	simm.s32 @!p1 $0x139C0;
	[sflag:s19] =	ssyncadd.s32 $0xFFFFC400  }
0x7e: {  	[tilespmem:s28], [sflag:$0x2] =	stream.linear.gather @!p1 [hbm4b:s25+s23], $0x78, $0x38;
	[tilespmem:$0x1F2C0] =	vst v63  }
0x7f: {  	s25 =	sadd.s32 @!p1 $0xD20, s26;
	s28 =	simm.s32 @!p1 $0x13A40  }
0x80: {  	[tilespmem:s28], [sflag:$0x2] =	stream.linear.gather @!p1 [hbm4b:s25+s23], $0x78, $0x38;
	[tilespmem:$0x1F2C0] =	vst v63  }
0x81: {  	_ =	swait.ge [sflag:s18], $0x78  }
0x82: {  	[sflag:s18] =	ssyncset.done $0x0  }
0x83: {  	[sflag:s18] =	ssyncadd.s32 $0xFFFFFF88  }
0x84: {  	_ =	swait.ge [sflag:s18], $0x78  }
0x85: {  	[sflag:s18] =	ssyncset.done $0x0  }
0x86: {  	[sflag:s18] =	ssyncadd.s32 $0xFFFFFF88  }
0x87: {  	[tilespmem:s8], [sflag:$0x8] =	stream.indirect.gather [hbm4b:s3+s0], $0x80, s4, s0, $0xb8;
	[tilespmem:$0x1F2C0] =	vst v63  }
0x88: {  	_ =	swait.ge [sflag:s9], $0x3C00  }
0x89: {  	[sflag:s9] =	ssyncset.done $0x0  }
0x8a: {  	s29 =	simm.s32 $0x13C40;
	s30 =	simm.s32 $0xC;
	[sflag:s9] =	ssyncadd.s32 $0xFFFFC400  }
0x8b: {  	[spmem:s1] =	stream.indirect.scatter.add.f32 [tilespmem:s22], [sflag:$0xA], $0x80, s29, s0, $0xb8;
	[tilespmem:$0x1F2C0] =	vst v63  }
0x8c: {  	_ =	swait.ge [sflag:s30], $0x3C00  }
0x8d: {  	[sflag:s30] =	ssyncset.done $0x0  }
0x8e: {  	s25 =	sadd.s32 @!p1 $0xF00, s24;
	s28 =	simm.s32 @!p1 $0x13AC0;
	[sflag:s30] =	ssyncadd.s32 $0xFFFFC400  }
0x8f: {  	[tilespmem:s28], [sflag:$0x3] =	stream.linear.gather @!p1 [hbm4b:s25+s23], $0x78, $0x38;
	[tilespmem:$0x1F2C0] =	vst v63  }
0x90: {  	s25 =	sadd.s32 @!p1 $0xF00, s26;
	s28 =	simm.s32 @!p1 $0x13B40  }
0x91: {  	[tilespmem:s28], [sflag:$0x3] =	stream.linear.gather @!p1 [hbm4b:s25+s23], $0x78, $0x38;
	[tilespmem:$0x1F2C0] =	vst v63  }
0x92: {  	_ =	swait.ge [sflag:s31], $0x78  }
0x93: {  	[sflag:s31] =	ssyncset.done $0x0  }
0x94: {  	[sflag:s31] =	ssyncadd.s32 $0xFFFFFF88  }
0x95: {  	_ =	swait.ge [sflag:s31], $0x78  }
0x96: {  	[sflag:s31] =	ssyncset.done $0x0  }
0x97: {  	[sflag:s31] =	ssyncadd.s32 $0xFFFFFF88  }
0x98: {  	[tilespmem:s13], [sflag:$0x9] =	stream.indirect.gather [hbm4b:s3+s0], $0x80, s2, s0, $0xb8;
	[tilespmem:$0x1F2C0] =	vst v63  }
0x99: {  	_ =	swait.ge [sflag:s14], $0x3C00  }
0x9a: {  	[sflag:s14] =	ssyncset.done $0x0  }
0x9b: {  	[sflag:s14] =	ssyncadd.s32 $0xFFFFC400  }
0x9c: {  	[spmem:s1] =	stream.indirect.scatter.add.f32 [tilespmem:s8], [sflag:$0xB], $0x80, s6, s0, $0xb8;
	[tilespmem:$0x1F2C0] =	vst v63  }
0x9d: {  	_ =	swait.ge [sflag:s15], $0x3C00  }
0x9e: {  	[sflag:s15] =	ssyncset.done $0x0  }
0x9f: {  	s24 =	sadd.s32 @!p1 $0x10E0, s24;
	s25 =	simm.s32 @!p1 $0x13BC0;
	[sflag:s15] =	ssyncadd.s32 $0xFFFFC400  }
0xa0: {  	[tilespmem:s25], [sflag:$0x4] =	stream.linear.gather @!p1 [hbm4b:s24+s23], $0x78, $0x38;
	[tilespmem:$0x1F2C0] =	vst v63  }
0xa1: {  	s24 =	sadd.s32 @!p1 $0x10E0, s26;
	s25 =	simm.s32 @!p1 $0x13C40  }
0xa2: {  	[tilespmem:s25], [sflag:$0x4] =	stream.linear.gather @!p1 [hbm4b:s24+s23], $0x78, $0x38;
	[tilespmem:$0x1F2C0] =	vst v63  }
0xa3: {  	s23 =	simm.s32 @!p1 $0x1  }
0xa4: {  	_ =	swait.ge @!p1 [sflag:s23], $0x78  }
0xa5: {  	[sflag:s23] =	ssyncset.done @!p1 $0x0  }
0xa6: {  	[sflag:s23] =	ssyncadd.s32 @!p1 $0xFFFFFF88  }
0xa7: {  	_ =	swait.ge @!p1 [sflag:s23], $0x78  }
0xa8: {  	p2 =	por $0x0, $0x0;
	[sflag:s23] =	ssyncset.done @!p1 $0x0  }
0xa9: {  	s24 =	simm.s32 @!p1 $0x78;
	[sflag:s23] =	ssyncadd.s32 @!p1 $0xFFFFFF88;
	s23 =	simm.s32 @!p1 $0x13EC0  }
0xaa: {  	[tilespmem:s23], [sflag:$0x7] =	stream.indirect.gather @!p1 [hbm4b:s3+s24], $0x80, s5, s24, $0xb8;
	[tilespmem:$0x1F2C0] =	vst v63  }
0xab: {  	s23 =	simm.s32 $0xB40;
	s24 =	simm.s32 $0x1680;
	_ =	swait.ge [sflag:s17], $0x3C00  }
.LBB2_2:
0xac: {  	s5 =	simm.s32 @!p2 $0xB  }
0xad: {  	[sflag:s17] =	ssyncset.done $0x0;
	s30 =	smov.u32 s24;
	s24 =	sadd.s32 $0xB40, s24  }
0xae: {  	s11 =	simm.s32 $0x13E40;
	p1 =	sne.s32 s24, $0x9D80;
	[sflag:s17] =	ssyncadd.s32 $0xFFFFC400  }
0xaf: {  	[spmem:s1] =	stream.indirect.scatter.add.f32 [tilespmem:s13], [sflag:$0xC], $0x80, s11, s0, $0xb8;
	[tilespmem:$0x1F2C0] =	vst v63  }
0xb0: {  	s25 =	sadd.s32 s23, s20;
	_ =	swait.ge @!p2 [sflag:s5], $0x3C00  }
0xb1: {  	s28 =	sadd.s32 s23, s21;
	s26 =	sadd.s32 $0x780, s25;
	[sflag:s5] =	ssyncset.done @!p2 $0x0  }
0xb2: {  	s4 =	simm.s32 $0x13CC0;
	s10 =	simm.s32 $0x0;
	[sflag:s5] =	ssyncadd.s32 @!p2 $0xFFFFC400  }
0xb3: {  	[tilespmem:s4], [sflag:$0x5] =	stream.linear.gather [hbm4b:s26+s10], $0x78, $0x38;
	[tilespmem:$0x1F2C0] =	vst v63  }
0xb4: {  	s19 =	simm.s32 $0x13D40;
	s5 =	sadd.s32 $0x780, s28  }
0xb5: {  	[tilespmem:s19], [sflag:$0x5] =	stream.linear.gather [hbm4b:s5+s10], $0x78, $0x38;
	[tilespmem:$0x1F2C0] =	vst v63  }
0xb6: {  	_ =	swait.ge [sflag:s7], $0x78  }
0xb7: {  	[sflag:s7] =	ssyncset.done $0x0  }
0xb8: {  	[sflag:s7] =	ssyncadd.s32 $0xFFFFFF88  }
0xb9: {  	_ =	swait.ge [sflag:s7], $0x78  }
0xba: {  	[sflag:s7] =	ssyncset.done $0x0  }
0xbb: {  	s5 =	simm.s32 $0x139C0;
	[sflag:s7] =	ssyncadd.s32 $0xFFFFFF88  }
0xbc: {  	[tilespmem:s8], [sflag:$0x8] =	stream.indirect.gather [hbm4b:s3+s0], $0x80, s5, s0, $0xb8;
	[tilespmem:$0x1F2C0] =	vst v63  }
0xbd: {  	_ =	swait.ge [sflag:s9], $0x3C00  }
0xbe: {  	s5 =	simm.s32 @!p2 $0xC;
	[sflag:s9] =	ssyncset.done $0x0  }
0xbf: {  	s6 =	simm.s32 $0x13940;
	s22 =	simm.s32 $0x13EC0;
	[sflag:s9] =	ssyncadd.s32 $0xFFFFC400  }
0xc0: {  	[spmem:s1] =	stream.indirect.scatter.add.f32 [tilespmem:s22], [sflag:$0xA], $0x80, s6, s0, $0xb8;
	[tilespmem:$0x1F2C0] =	vst v63  }
0xc1: {  	_ =	swait.ge @!p2 [sflag:s5], $0x3C00  }
0xc2: {  	s25 =	sadd.s32 $0x960, s25;
	[sflag:s5] =	ssyncset.done @!p2 $0x0  }
0xc3: {  	s2 =	simm.s32 $0x13DC0;
	[sflag:s5] =	ssyncadd.s32 @!p2 $0xFFFFC400  }
0xc4: {  	[tilespmem:s2], [sflag:$0x6] =	stream.linear.gather [hbm4b:s25+s10], $0x78, $0x38;
	[tilespmem:$0x1F2C0] =	vst v63  }
0xc5: {  	s5 =	sadd.s32 $0x960, s28  }
0xc6: {  	[tilespmem:s11], [sflag:$0x6] =	stream.linear.gather [hbm4b:s5+s10], $0x78, $0x38;
	[tilespmem:$0x1F2C0] =	vst v63  }
0xc7: {  	_ =	swait.ge [sflag:s12], $0x78  }
0xc8: {  	[sflag:s12] =	ssyncset.done $0x0  }
0xc9: {  	[sflag:s12] =	ssyncadd.s32 $0xFFFFFF88  }
0xca: {  	_ =	swait.ge [sflag:s12], $0x78  }
0xcb: {  	[sflag:s12] =	ssyncset.done $0x0  }
0xcc: {  	s5 =	simm.s32 $0x13AC0;
	[sflag:s12] =	ssyncadd.s32 $0xFFFFFF88  }
0xcd: {  	[tilespmem:s13], [sflag:$0x9] =	stream.indirect.gather [hbm4b:s3+s0], $0x80, s5, s0, $0xb8;
	[tilespmem:$0x1F2C0] =	vst v63  }
0xce: {  	_ =	swait.ge [sflag:s14], $0x3C00  }
0xcf: {  	[sflag:s14] =	ssyncset.done $0x0  }
0xd0: {  	p2 =	seq.s32 s23, $0x9240;
	s5 =	simm.s32 $0x13A40;
	[sflag:s14] =	ssyncadd.s32 $0xFFFFC400  }
0xd1: {  	[spmem:s1] =	stream.indirect.scatter.add.f32 [tilespmem:s8], [sflag:$0xB], $0x80, s5, s0, $0xb8;
	[tilespmem:$0x1F2C0] =	vst v63  }
0xd2: {  	s28 =	sadd.s32 @!p2 s23, s20;
	s26 =	simm.s32 @!p2 $0x0;
	_ =	swait.ge [sflag:s15], $0x3C00  }
0xd3: {  	s25 =	simm.s32 @!p2 $0x138C0;
	s5 =	sadd.s32 @!p2 $0xB40, s28;
	[sflag:s15] =	ssyncset.done $0x0  }
0xd4: {  	s23 =	sadd.s32 @!p2 s23, s21;
	s29 =	simm.s32 @!p2 $0x13940;
	[sflag:s15] =	ssyncadd.s32 $0xFFFFC400  }
0xd5: {  	[tilespmem:s25], [sflag:$0x1] =	stream.linear.gather @!p2 [hbm4b:s5+s26], $0x78, $0x38;
	[tilespmem:$0x1F2C0] =	vst v63  }
0xd6: {  	s6 =	sadd.s32 @!p2 $0xB40, s23;
	s10 =	sadd.s32 @!p2 $0xD20, s23;
	s5 =	sadd.s32 @!p2 $0xF00, s23  }
0xd7: {  	[tilespmem:s29], [sflag:$0x1] =	stream.linear.gather @!p2 [hbm4b:s6+s26], $0x78, $0x38;
	[tilespmem:$0x1F2C0] =	vst v63  }
0xd8: {  	s29 =	sadd.s32 @!p2 $0x10E0, s23;
	s23 =	smov.u32 s30;
	_ =	swait.ge [sflag:s16], $0x78  }
0xd9: {  	[sflag:s16] =	ssyncset.done $0x0  }
0xda: {  	[sflag:s16] =	ssyncadd.s32 $0xFFFFFF88  }
0xdb: {  	_ =	swait.ge [sflag:s16], $0x78  }
0xdc: {  	[sflag:s16] =	ssyncset.done $0x0  }
0xdd: {  	s6 =	simm.s32 $0x13BC0;
	[sflag:s16] =	ssyncadd.s32 $0xFFFFFF88  }
0xde: {  	[tilespmem:s22], [sflag:$0x7] =	stream.indirect.gather [hbm4b:s3+s0], $0x80, s6, s0, $0xb8;
	[tilespmem:$0x1F2C0] =	vst v63  }
0xdf: {  	_ =	swait.ge [sflag:s17], $0x3C00  }
0xe0: {  	[sflag:s17] =	ssyncset.done $0x0  }
0xe1: {  	s11 =	simm.s32 $0xB;
	s6 =	simm.s32 $0x13B40;
	[sflag:s17] =	ssyncadd.s32 $0xFFFFC400  }
0xe2: {  	[spmem:s1] =	stream.indirect.scatter.add.f32 [tilespmem:s13], [sflag:$0xC], $0x80, s6, s0, $0xb8;
	[tilespmem:$0x1F2C0] =	vst v63  }
0xe3: {  	_ =	swait.ge [sflag:s11], $0x3C00  }
0xe4: {  	s30 =	simm.s32 @!p2 $0x139C0;
	s6 =	sadd.s32 @!p2 $0xD20, s28;
	[sflag:s11] =	ssyncset.done $0x0  }
0xe5: {  	[sflag:s11] =	ssyncadd.s32 $0xFFFFC400;
	s11 =	simm.s32 @!p2 $0x13A40  }
0xe6: {  	[tilespmem:s30], [sflag:$0x2] =	stream.linear.gather @!p2 [hbm4b:s6+s26], $0x78, $0x38;
	[tilespmem:$0x1F2C0] =	vst v63  }
0xe7: {  	_ = 	snop  }
0xe8: {  	[tilespmem:s11], [sflag:$0x2] =	stream.linear.gather @!p2 [hbm4b:s10+s26], $0x78, $0x38;
	[tilespmem:$0x1F2C0] =	vst v63  }
0xe9: {  	_ =	swait.ge [sflag:s18], $0x78  }
0xea: {  	[sflag:s18] =	ssyncset.done $0x0  }
0xeb: {  	[sflag:s18] =	ssyncadd.s32 $0xFFFFFF88  }
0xec: {  	_ =	swait.ge [sflag:s18], $0x78  }
0xed: {  	[sflag:s18] =	ssyncset.done $0x0  }
0xee: {  	[sflag:s18] =	ssyncadd.s32 $0xFFFFFF88  }
0xef: {  	[tilespmem:s8], [sflag:$0x8] =	stream.indirect.gather [hbm4b:s3+s0], $0x80, s4, s0, $0xb8;
	[tilespmem:$0x1F2C0] =	vst v63  }
0xf0: {  	_ =	swait.ge [sflag:s9], $0x3C00  }
0xf1: {  	[sflag:s9] =	ssyncset.done $0x0  }
0xf2: {  	s6 =	simm.s32 $0x13C40;
	s4 =	simm.s32 $0xC;
	[sflag:s9] =	ssyncadd.s32 $0xFFFFC400  }
0xf3: {  	[spmem:s1] =	stream.indirect.scatter.add.f32 [tilespmem:s22], [sflag:$0xA], $0x80, s6, s0, $0xb8;
	[tilespmem:$0x1F2C0] =	vst v63  }
0xf4: {  	_ =	swait.ge [sflag:s4], $0x3C00  }
0xf5: {  	s10 =	simm.s32 @!p2 $0x13AC0;
	s6 =	sadd.s32 @!p2 $0xF00, s28;
	[sflag:s4] =	ssyncset.done $0x0  }
0xf6: {  	s11 =	simm.s32 @!p2 $0x13B40;
	[sflag:s4] =	ssyncadd.s32 $0xFFFFC400  }
0xf7: {  	[tilespmem:s10], [sflag:$0x3] =	stream.linear.gather @!p2 [hbm4b:s6+s26], $0x78, $0x38;
	[tilespmem:$0x1F2C0] =	vst v63  }
0xf8: {  	_ = 	snop  }
0xf9: {  	[tilespmem:s11], [sflag:$0x3] =	stream.linear.gather @!p2 [hbm4b:s5+s26], $0x78, $0x38;
	[tilespmem:$0x1F2C0] =	vst v63  }
0xfa: {  	_ =	swait.ge [sflag:s31], $0x78  }
0xfb: {  	[sflag:s31] =	ssyncset.done $0x0  }
0xfc: {  	[sflag:s31] =	ssyncadd.s32 $0xFFFFFF88  }
0xfd: {  	_ =	swait.ge [sflag:s31], $0x78  }
0xfe: {  	[sflag:s31] =	ssyncset.done $0x0  }
0xff: {  	[sflag:s31] =	ssyncadd.s32 $0xFFFFFF88  }
0x100: {  	[tilespmem:s13], [sflag:$0x9] =	stream.indirect.gather [hbm4b:s3+s0], $0x80, s2, s0, $0xb8;
	[tilespmem:$0x1F2C0] =	vst v63  }
0x101: {  	_ =	swait.ge [sflag:s14], $0x3C00  }
0x102: {  	[sflag:s14] =	ssyncset.done $0x0  }
0x103: {  	[sflag:s14] =	ssyncadd.s32 $0xFFFFC400  }
0x104: {  	[spmem:s1] =	stream.indirect.scatter.add.f32 [tilespmem:s8], [sflag:$0xB], $0x80, s19, s0, $0xb8;
	[tilespmem:$0x1F2C0] =	vst v63  }
0x105: {  	_ =	swait.ge [sflag:s15], $0x3C00  }
0x106: {  	s6 =	simm.s32 @!p2 $0x13BC0;
	s5 =	sadd.s32 @!p2 $0x10E0, s28;
	[sflag:s15] =	ssyncset.done $0x0  }
0x107: {  	s10 =	simm.s32 @!p2 $0x13C40;
	[sflag:s15] =	ssyncadd.s32 $0xFFFFC400  }
0x108: {  	[tilespmem:s6], [sflag:$0x4] =	stream.linear.gather @!p2 [hbm4b:s5+s26], $0x78, $0x38;
	[tilespmem:$0x1F2C0] =	vst v63  }
0x109: {  	s5 =	simm.s32 @!p2 $0x1  }
0x10a: {  	[tilespmem:s10], [sflag:$0x4] =	stream.linear.gather @!p2 [hbm4b:s29+s26], $0x78, $0x38;
	[tilespmem:$0x1F2C0] =	vst v63  }
0x10b: {  	_ =	swait.ge @!p2 [sflag:s5], $0x78  }
0x10c: {  	[sflag:s5] =	ssyncset.done @!p2 $0x0  }
0x10d: {  	[sflag:s5] =	ssyncadd.s32 @!p2 $0xFFFFFF88  }
.Ltmp0:
0x10e: {  	_ =	swait.ge @!p2 [sflag:s5], $0x78;
	(pc) =	sbr.rel @p1 .LBB2_2-.Ltmp0, $4  }
0x10f: {  	s6 =	simm.s32 @!p2 $0x78;
	s10 =	simm.s32 @!p2 $0x13EC0;
	[sflag:s5] =	ssyncset.done @!p2 $0x0  }
0x110: {  	[sflag:s5] =	ssyncadd.s32 @!p2 $0xFFFFFF88  }
0x111: {  	[tilespmem:s10], [sflag:$0x7] =	stream.indirect.gather @!p2 [hbm4b:s3+s6], $0x80, s25, s6, $0xb8;
	[tilespmem:$0x1F2C0] =	vst v63  }
0x112: {  	p2 =	seq.s32 s23, $0x0;
	_ =	swait.ge [sflag:s17], $0x3C00  }
0x113: {  	[sflag:s17] =	ssyncset.done $0x0  }
0x114: {  	s5 =	simm.s32 @!p2 $0xB;
	s26 =	simm.s32 $0x13E40;
	[sflag:s17] =	ssyncadd.s32 $0xFFFFC400  }
0x115: {  	[spmem:s1] =	stream.indirect.scatter.add.f32 [tilespmem:s13], [sflag:$0xC], $0x80, s26, s0, $0xb8;
	[tilespmem:$0x1F2C0] =	vst v63  }
0x116: {  	s6 =	sadd.s32 s23, s20;
	_ =	swait.ge @!p2 [sflag:s5], $0x3C00  }
0x117: {  	s11 =	sadd.s32 s23, s21;
	s4 =	simm.s32 $0x13CC0;
	[sflag:s5] =	ssyncset.done @!p2 $0x0  }
0x118: {  	s24 =	simm.s32 $0x0;
	s10 =	sadd.s32 $0x780, s6;
	[sflag:s5] =	ssyncadd.s32 @!p2 $0xFFFFC400  }
0x119: {  	[tilespmem:s4], [sflag:$0x5] =	stream.linear.gather [hbm4b:s10+s24], $0x78, $0x38;
	[tilespmem:$0x1F2C0] =	vst v63  }
0x11a: {  	s19 =	simm.s32 $0x13D40;
	s28 =	sadd.s32 $0x780, s11  }
0x11b: {  	[tilespmem:s19], [sflag:$0x5] =	stream.linear.gather [hbm4b:s28+s24], $0x78, $0x38;
	[tilespmem:$0x1F2C0] =	vst v63  }
0x11c: {  	_ =	swait.ge [sflag:s7], $0x78  }
0x11d: {  	[sflag:s7] =	ssyncset.done $0x0  }
0x11e: {  	[sflag:s7] =	ssyncadd.s32 $0xFFFFFF88  }
0x11f: {  	_ =	swait.ge [sflag:s7], $0x78  }
0x120: {  	[sflag:s7] =	ssyncset.done $0x0  }
0x121: {  	s30 =	simm.s32 $0x139C0;
	[sflag:s7] =	ssyncadd.s32 $0xFFFFFF88  }
0x122: {  	[tilespmem:s8], [sflag:$0x8] =	stream.indirect.gather [hbm4b:s3+s0], $0x80, s30, s0, $0xb8;
	[tilespmem:$0x1F2C0] =	vst v63  }
0x123: {  	_ =	swait.ge [sflag:s9], $0x3C00  }
0x124: {  	s2 =	simm.s32 $0x13940;
	[sflag:s9] =	ssyncset.done $0x0  }
0x125: {  	s22 =	simm.s32 $0x13EC0;
	s5 =	simm.s32 @!p2 $0xC;
	[sflag:s9] =	ssyncadd.s32 $0xFFFFC400  }
0x126: {  	[spmem:s1] =	stream.indirect.scatter.add.f32 [tilespmem:s22], [sflag:$0xA], $0x80, s2, s0, $0xb8;
	[tilespmem:$0x1F2C0] =	vst v63  }
0x127: {  	_ =	swait.ge @!p2 [sflag:s5], $0x3C00  }
0x128: {  	[sflag:s5] =	ssyncset.done @!p2 $0x0  }
0x129: {  	s6 =	sadd.s32 $0x960, s6;
	s2 =	simm.s32 $0x13DC0;
	[sflag:s5] =	ssyncadd.s32 @!p2 $0xFFFFC400  }
0x12a: {  	[tilespmem:s2], [sflag:$0x6] =	stream.linear.gather [hbm4b:s6+s24], $0x78, $0x38;
	[tilespmem:$0x1F2C0] =	vst v63  }
0x12b: {  	s6 =	sadd.s32 $0x960, s11  }
0x12c: {  	[tilespmem:s26], [sflag:$0x6] =	stream.linear.gather [hbm4b:s6+s24], $0x78, $0x38;
	[tilespmem:$0x1F2C0] =	vst v63  }
0x12d: {  	_ =	swait.ge [sflag:s12], $0x78  }
0x12e: {  	[sflag:s12] =	ssyncset.done $0x0  }
0x12f: {  	[sflag:s12] =	ssyncadd.s32 $0xFFFFFF88  }
0x130: {  	_ =	swait.ge [sflag:s12], $0x78  }
0x131: {  	[sflag:s12] =	ssyncset.done $0x0  }
0x132: {  	s10 =	simm.s32 $0x13AC0;
	[sflag:s12] =	ssyncadd.s32 $0xFFFFFF88  }
0x133: {  	[tilespmem:s13], [sflag:$0x9] =	stream.indirect.gather [hbm4b:s3+s0], $0x80, s10, s0, $0xb8;
	[tilespmem:$0x1F2C0] =	vst v63  }
0x134: {  	_ =	swait.ge [sflag:s14], $0x3C00  }
0x135: {  	[sflag:s14] =	ssyncset.done $0x0  }
0x136: {  	p1 =	seq.s32 s23, $0x9240;
	s11 =	simm.s32 $0x13A40;
	[sflag:s14] =	ssyncadd.s32 $0xFFFFC400  }
0x137: {  	[spmem:s1] =	stream.indirect.scatter.add.f32 [tilespmem:s8], [sflag:$0xB], $0x80, s11, s0, $0xb8;
	[tilespmem:$0x1F2C0] =	vst v63  }
0x138: {  	s25 =	sadd.s32 @!p1 s23, s20;
	_ =	swait.ge [sflag:s15], $0x3C00  }
0x139: {  	s5 =	simm.s32 @!p1 $0x138C0;
	s24 =	simm.s32 @!p1 $0x0;
	[sflag:s15] =	ssyncset.done $0x0  }
0x13a: {  	s6 =	sadd.s32 @!p1 $0xB40, s25;
	s10 =	sadd.s32 @!p1 s23, s21;
	[sflag:s15] =	ssyncadd.s32 $0xFFFFC400  }
0x13b: {  	[tilespmem:s5], [sflag:$0x1] =	stream.linear.gather @!p1 [hbm4b:s6+s24], $0x78, $0x38;
	[tilespmem:$0x1F2C0] =	vst v63  }
0x13c: {  	s11 =	sadd.s32 @!p1 $0xB40, s10;
	s6 =	simm.s32 @!p1 $0x13940  }
0x13d: {  	[tilespmem:s6], [sflag:$0x1] =	stream.linear.gather @!p1 [hbm4b:s11+s24], $0x78, $0x38;
	[tilespmem:$0x1F2C0] =	vst v63  }
0x13e: {  	_ =	swait.ge [sflag:s16], $0x78  }
0x13f: {  	[sflag:s16] =	ssyncset.done $0x0  }
0x140: {  	[sflag:s16] =	ssyncadd.s32 $0xFFFFFF88  }
0x141: {  	_ =	swait.ge [sflag:s16], $0x78  }
0x142: {  	[sflag:s16] =	ssyncset.done $0x0  }
0x143: {  	s23 =	simm.s32 $0x13BC0;
	[sflag:s16] =	ssyncadd.s32 $0xFFFFFF88  }
0x144: {  	[tilespmem:s22], [sflag:$0x7] =	stream.indirect.gather [hbm4b:s3+s0], $0x80, s23, s0, $0xb8;
	[tilespmem:$0x1F2C0] =	vst v63  }
0x145: {  	_ =	swait.ge [sflag:s17], $0x3C00  }
0x146: {  	[sflag:s17] =	ssyncset.done $0x0  }
0x147: {  	s28 =	simm.s32 $0x13B40;
	s30 =	simm.s32 $0xB;
	[sflag:s17] =	ssyncadd.s32 $0xFFFFC400  }
0x148: {  	[spmem:s1] =	stream.indirect.scatter.add.f32 [tilespmem:s13], [sflag:$0xC], $0x80, s28, s0, $0xb8;
	[tilespmem:$0x1F2C0] =	vst v63  }
0x149: {  	_ =	swait.ge [sflag:s30], $0x3C00  }
0x14a: {  	[sflag:s30] =	ssyncset.done $0x0  }
0x14b: {  	s6 =	sadd.s32 @!p1 $0xD20, s25;
	s11 =	simm.s32 @!p1 $0x139C0;
	[sflag:s30] =	ssyncadd.s32 $0xFFFFC400  }
0x14c: {  	[tilespmem:s11], [sflag:$0x2] =	stream.linear.gather @!p1 [hbm4b:s6+s24], $0x78, $0x38;
	[tilespmem:$0x1F2C0] =	vst v63  }
0x14d: {  	s6 =	sadd.s32 @!p1 $0xD20, s10;
	s11 =	simm.s32 @!p1 $0x13A40  }
0x14e: {  	[tilespmem:s11], [sflag:$0x2] =	stream.linear.gather @!p1 [hbm4b:s6+s24], $0x78, $0x38;
	[tilespmem:$0x1F2C0] =	vst v63  }
0x14f: {  	_ =	swait.ge [sflag:s18], $0x78  }
0x150: {  	[sflag:s18] =	ssyncset.done $0x0  }
0x151: {  	[sflag:s18] =	ssyncadd.s32 $0xFFFFFF88  }
0x152: {  	_ =	swait.ge [sflag:s18], $0x78  }
0x153: {  	[sflag:s18] =	ssyncset.done $0x0  }
0x154: {  	[sflag:s18] =	ssyncadd.s32 $0xFFFFFF88  }
0x155: {  	[tilespmem:s8], [sflag:$0x8] =	stream.indirect.gather [hbm4b:s3+s0], $0x80, s4, s0, $0xb8;
	[tilespmem:$0x1F2C0] =	vst v63  }
0x156: {  	_ =	swait.ge [sflag:s9], $0x3C00  }
0x157: {  	[sflag:s9] =	ssyncset.done $0x0  }
0x158: {  	s11 =	simm.s32 $0x13C40;
	[sflag:s9] =	ssyncadd.s32 $0xFFFFC400  }
0x159: {  	[spmem:s1] =	stream.indirect.scatter.add.f32 [tilespmem:s22], [sflag:$0xA], $0x80, s11, s0, $0xb8;
	[tilespmem:$0x1F2C0] =	vst v63  }
0x15a: {  	s22 =	simm.s32 $0xC  }
0x15b: {  	_ =	swait.ge [sflag:s22], $0x3C00  }
0x15c: {  	[sflag:s22] =	ssyncset.done $0x0  }
0x15d: {  	s6 =	sadd.s32 @!p1 $0xF00, s25;
	s11 =	simm.s32 @!p1 $0x13AC0;
	[sflag:s22] =	ssyncadd.s32 $0xFFFFC400  }
0x15e: {  	[tilespmem:s11], [sflag:$0x3] =	stream.linear.gather @!p1 [hbm4b:s6+s24], $0x78, $0x38;
	[tilespmem:$0x1F2C0] =	vst v63  }
0x15f: {  	s6 =	sadd.s32 @!p1 $0xF00, s10;
	s11 =	simm.s32 @!p1 $0x13B40  }
0x160: {  	[tilespmem:s11], [sflag:$0x3] =	stream.linear.gather @!p1 [hbm4b:s6+s24], $0x78, $0x38;
	[tilespmem:$0x1F2C0] =	vst v63  }
0x161: {  	_ =	swait.ge [sflag:s31], $0x78  }
0x162: {  	[sflag:s31] =	ssyncset.done $0x0  }
0x163: {  	[sflag:s31] =	ssyncadd.s32 $0xFFFFFF88  }
0x164: {  	_ =	swait.ge [sflag:s31], $0x78  }
0x165: {  	[sflag:s31] =	ssyncset.done $0x0  }
0x166: {  	[sflag:s31] =	ssyncadd.s32 $0xFFFFFF88  }
0x167: {  	[tilespmem:s13], [sflag:$0x9] =	stream.indirect.gather [hbm4b:s3+s0], $0x80, s2, s0, $0xb8;
	[tilespmem:$0x1F2C0] =	vst v63  }
0x168: {  	_ =	swait.ge [sflag:s14], $0x3C00  }
0x169: {  	[sflag:s14] =	ssyncset.done $0x0  }
0x16a: {  	[sflag:s14] =	ssyncadd.s32 $0xFFFFC400  }
0x16b: {  	[spmem:s1] =	stream.indirect.scatter.add.f32 [tilespmem:s8], [sflag:$0xB], $0x80, s19, s0, $0xb8;
	[tilespmem:$0x1F2C0] =	vst v63  }
0x16c: {  	_ =	swait.ge [sflag:s15], $0x3C00  }
0x16d: {  	[sflag:s15] =	ssyncset.done $0x0  }
0x16e: {  	s6 =	sadd.s32 @!p1 $0x10E0, s25;
	s11 =	simm.s32 @!p1 $0x13BC0;
	[sflag:s15] =	ssyncadd.s32 $0xFFFFC400  }
0x16f: {  	[tilespmem:s11], [sflag:$0x4] =	stream.linear.gather @!p1 [hbm4b:s6+s24], $0x78, $0x38;
	[tilespmem:$0x1F2C0] =	vst v63  }
0x170: {  	s6 =	sadd.s32 @!p1 $0x10E0, s10;
	s10 =	simm.s32 @!p1 $0x13C40  }
0x171: {  	[tilespmem:s10], [sflag:$0x4] =	stream.linear.gather @!p1 [hbm4b:s6+s24], $0x78, $0x38;
	[tilespmem:$0x1F2C0] =	vst v63  }
0x172: {  	s6 =	simm.s32 @!p1 $0x1  }
0x173: {  	_ =	swait.ge @!p1 [sflag:s6], $0x78  }
0x174: {  	[sflag:s6] =	ssyncset.done @!p1 $0x0  }
0x175: {  	[sflag:s6] =	ssyncadd.s32 @!p1 $0xFFFFFF88  }
0x176: {  	_ =	swait.ge @!p1 [sflag:s6], $0x78  }
0x177: {  	[sflag:s6] =	ssyncset.done @!p1 $0x0  }
0x178: {  	s10 =	simm.s32 @!p1 $0x78;
	[sflag:s6] =	ssyncadd.s32 @!p1 $0xFFFFFF88;
	s6 =	simm.s32 @!p1 $0x13EC0  }
0x179: {  	[tilespmem:s6], [sflag:$0x7] =	stream.indirect.gather @!p1 [hbm4b:s3+s10], $0x80, s5, s10, $0xb8;
	[tilespmem:$0x1F2C0] =	vst v63  }
0x17a: {  	_ =	swait.ge [sflag:s17], $0x3C00  }
0x17b: {  	[sflag:s17] =	ssyncset.done $0x0  }
0x17c: {  	[sflag:s17] =	ssyncadd.s32 $0xFFFFC400  }
0x17d: {  	[spmem:s1] =	stream.indirect.scatter.add.f32 [tilespmem:s13], [sflag:$0xC], $0x80, s26, s0, $0xb8;
	[tilespmem:$0x1F2C0] =	vst v63  }
0x17e: {  	_ =	swait.ge [sflag:s30], $0x3C00  }
0x17f: {  	[sflag:s30] =	ssyncset.done $0x0  }
0x180: {  	[sflag:s30] =	ssyncadd.s32 $0xFFFFC400  }
0x181: {  	_ =	swait.ge [sflag:s22], $0x3C00  }
0x182: {  	[sflag:s22] =	ssyncset.done $0x0  }
0x183: {  	[sflag:s22] =	ssyncadd.s32 $0xFFFFC400  }
0x184: {  	[bflag:$0x0] =	sbarrier.arrive $0xFFFF  }
0x185: {  	s6 =	rddreg [dreg:$0x11]  }
0x186: {  	s5 =	simm.s32 @p0 $0x1FCD;
	s2 =	rddreg [dreg:$0x14]  }
0x187: {  	[hbm:s6], [sflag:s5] =	dma.local @p0 [spmem:s2], $0x2800  }
0x188: {  	s5 =	simm.s32 @p0 $0xD  }
0x189: {  	_ =	swait.ge @p0 [sflag:s5], $0x2800  }
0x18a: {  	s2 =	rddreg [dreg:$0x15]  }
0x18b: {  	[sflag:s5] =	ssyncset.done @p0 $0x0;
	s4 =	rddreg [dreg:$0x16]  }
0x18c: {  	[sflag:s5] =	ssyncadd.s32 @p0 $0xFFFFD800;
	s5 =	rddreg [dreg:$0x10]  }
0x18d: {  	[hbm:s5], [sflag:s2] =	dma.local @!p0 [spmem:s4], $0x2700  }
0x18e: {  	s5 =	simm.s32 @!p0 $0xD  }
0x18f: {  	_ =	swait.ge @!p0 [sflag:s5], $0x2700  }
0x190: {  	s28 =	rddreg [dreg:$0x13]  }
0x191: {  	s30 =	rddreg [dreg:$0x12];
	s2 =	sadd.s32 $0x1, s28  }
0x192: {  	p1 =	sne.s32 s2, s30  }
.Ltmp1:
0x193: {  	_ = 	snop;
	(pc) =	sbr.rel @p1 .LBB2_1-.Ltmp1, $3  }
0x194: {  	_ =	sdelay $0x1  }
0x195: {  	[sflag:s5] =	ssyncset.done @!p0 $0x0  }
0x196: {  	s29 =	simm.s32 $0x13E40;
	[sflag:s5] =	ssyncadd.s32 @!p0 $0xFFFFD900  }
0x197: {  	_ =	sfence.sel $0x180000  }
0x198: {  	[bflag:$0x0] =	sbarrier.arrive $0xFFFF  }
0x199: {  	_ =	strace $0x9000004A  }
0x19a: {  	s0 =	stileid.u32;
	[bflag:$0x2] =	sbarrier.arrive $0xFFFF  }
0x19b: {  	p0 =	sne.s32 s0, $0x0;
	s0 =	rddreg [dreg:$0x3]  }
0x19c: {  	s0 =	sadd.s32 @!p0 $0x100000, s0  }
0x19d: {  	[sflag:s0] =	ssyncadd.tile.s32 @!p0 $0x1;
	_ =	shalt  }
.Lfunc_end2:
_tile_overlayer_lowered:
.L_overlay_start_2:
0x19e: {  	(tag) =	ssettag $0x2  }
0x19f: {  	s0 =	rddreg [dreg:$0x0];
	s2 =	stileid.u32  }
0x1a0: {  	s1 =	rddreg [dreg:$0x1];
	p0 =	sne.s32 s2, $0x0  }
0x1a1: {  	s3 =	rddreg [dreg:$0x2];
	[bflag:$0x3] =	sbarrier.arrive $0xFFFF;
	s2 =	simm.s32 @!p0 $0x1C0D  }
0x1a2: {  	[timem:s3], [sflag:s2] =	dma.local @!p0 [hbm:s0], s1  }
0x1a3: {  	s0 =	simm.s32 @!p0 $0xD  }
0x1a4: {  	_ =	swait.ge @!p0 [sflag:s0], s1  }
0x1a5: {  	s1 =	ssub.s32 @!p0 $0x0, s1;
	[sflag:s0] =	ssyncset.done @!p0 $0x0  }
0x1a6: {  	[sflag:s0] =	ssyncadd.s32 @!p0 s1  }
0x1a7: {  	[bflag:$0x3] =	sbarrier.arrive $0xFFFF  }
0x1a8: {  	_ =	shalt  }

// kernel: kernel.7.cloned.1.call-start
scs
__scs_entry_jumppad:
0x0: {  	(pc) =	sbr.rel $0x88, $3  }
0x1: {  	(tag) =	ssettag $0x0;
	lr =	simm.s32 $0x1  }
0x2: {  	[smem:$0x3F87] =	sst lr;
	_ =	strace $0xD0000000  }
0x3: {  	_ = 	snop  }
0x4: {  	_ = 	snop  }
0x5: {  	_ = 	snop  }
0x6: {  	_ = 	snop  }
0x7: {  	_ = 	snop  }
__scs_overlays_trampoline_lowered:
0x8: {  	[smem:$0x3F96] =	sst s0  }
0x9: {  	[smem:$0x3F97] =	sst s1  }
0xa: {  	[smem:$0x3F98] =	sst s2  }
0xb: {  	[smem:$0x3F99] =	sst s3  }
0xc: {  	[smem:$0x3F9A] =	sst s4  }
0xd: {  	[smem:$0x3F9B] =	sst s5  }
0xe: {  	[smem:$0x3F9C] =	sst s6  }
0xf: {  	[smem:$0x3F9D] =	sst s7  }
0x10: {  	[smem:$0x3F9E] =	sst s8  }
0x11: {  	[smem:$0x3F9F] =	sst s9;
	s0 =	simm.s32 @!p0 $0x0  }
0x12: {  	s1 =	sld [smem:$0x3F85];
	s0 =	simm.s32 @p0 $0x1  }
0x13: {  	[smem:$0x3FA0] =	sst s0;
	s0 =	simm.s32 @!p1 $0x0  }
0x14: {  	s2 =	sld [smem:$0x3F84];
	s0 =	simm.s32 @p1 $0x1  }
0x15: {  	[smem:$0x3FA1] =	sst s0;
	s0 =	simm.s32 @!p2 $0x0  }
0x16: {  	s3 =	sld [smem:$0x3FDB];
	s0 =	simm.s32 @p2 $0x1  }
0x17: {  	s4 =	simm.s32 $0x1BF5;
	[smem:$0x3FA3] =	sst s0  }
0x18: {  	s0 =	sld [smem:$0x3F86];
	_ =	swait.ge [sflag:s4], $0x0  }
0x19: {  	s7 =	sld [smem:$0x3F87]  }
0x1a: {  	s8 =	sadd.s32 $0xFFFFE003, lr  }
0x1b: {  	s9 =	sadd.s32 $0xFFFFFEF7, lr;
	s5 =	simm.s32 $0xFFFFFFFF;
	p2 =	slt.u32 s8, $0xFFFFF086  }
0x1c: {  	p1 =	slt.u32 s9, $0xF7A;
	s5 =	simm.s32 @!p2 $0x0  }
0x1d: {  	s5 =	simm.s32 @p1 $0x1;
	p0 =	seq.s32 s7, s2  }
0x1e: {  	s7 =	smul.u32 @!p0 $0xF7A, s2;
	p2 =	seq.s32 @!p0 s5, $0x0  }
0x1f: {  	s9 =	smul.u32 $0xF7A, s1;
	s8 =	simm.s32 @!p0 $0x1BF5;
	p2 =	por !p2, p0  }
0x20: {  	[sflag:s8] =	ssyncset.s32 @!p0 $0xFFFFF086;
	s6 =	sadd.s32 @!p0 s3, s7;
	s7 =	simm.s32 @!p0 $0x108  }
0x21: {  	s3 =	sadd.s32 s3, s9;
	s6 =	sadd.s32 @!p0 $0x88, s6;
	s7 =	simm.s32 @p2 $0x1082  }
0x22: {  	[simem:s7], [sflag:s8] =	dma.local @!p0 [hbm:s6], $0xF7A  }
0x23: {  	s9 =	sor.u32 $0xD0000000, s2;
	s6 =	simm.s32 $0x108;
	_ =	swait.ge @!p0 [sflag:s8], $0x0  }
0x24: {  	s3 =	sadd.s32 $0x88, s3;
	s6 =	simm.s32 @!p1 $0x1082;
	[sflag:s4] =	ssyncset.s32 $0xFFFFF086  }
0x25: {  	[simem:s6], [sflag:s4] =	dma.local [hbm:s3], $0xF7A  }
0x26: {  	[smem:$0x3F87] =	sst s1;
	(tag) =	ssettag s2;
	_ =	strace s9  }
0x27: {  	s1 =	sld [smem:$0x3F97]  }
0x28: {  	s2 =	sld [smem:$0x3F98]  }
0x29: {  	s4 =	sld [smem:$0x3F9A]  }
0x2a: {  	p0 =	seq.s32 s5, $0x0;
	s5 =	sld [smem:$0x3F9B]  }
0x2b: {  	s6 =	sld [smem:$0x3F9C]  }
0x2c: {  	s7 =	sld [smem:$0x3F9D]  }
0x2d: {  	s3 =	simm.s32 $0x108;
	s8 =	sld [smem:$0x3F9E]  }
0x2e: {  	s3 =	simm.s32 @!p0 $0x1082;
	s9 =	sld [smem:$0x3F9F]  }
0x2f: {  	lr =	sadd.s32 s0, s3;
	s0 =	sld [smem:$0x3F96]  }
0x30: {  	s3 =	sld [smem:$0x3F99]  }
0x31: {  	[smem:$0x3FA2] =	sst s10  }
0x32: {  	s10 =	sld [smem:$0x3FA0];
	_ =	sdelay $0x3  }
0x33: {  	p0 =	seq.s32 s10, $0x1;
	s10 =	sld [smem:$0x3FA2];
	_ =	sdelay $0x3  }
0x34: {  	[smem:$0x3FA2] =	sst s10  }
0x35: {  	s10 =	sld [smem:$0x3FA1];
	_ =	sdelay $0x3  }
0x36: {  	p1 =	seq.s32 s10, $0x1;
	s10 =	sld [smem:$0x3FA2];
	_ =	sdelay $0x3  }
0x37: {  	[smem:$0x3FA2] =	sst s10  }
0x38: {  	s10 =	sld [smem:$0x3FA3]  }
0x39: {  	_ = 	snop;
	(pc) =	sbr.ind lr, $3  }
0x3a: {  	_ = 	snop  }
0x3b: {  	_ = 	snop  }
0x3c: {  	p2 =	seq.s32 s10, $0x1;
	s10 =	sld [smem:$0x3FA2]  }
0x3d: {  	_ =	shalt  }
0x3e: {  	_ =	shalt  }
0x3f: {  	_ =	shalt  }
0x40: {  	_ =	shalt  }
0x41: {  	_ =	shalt  }
0x42: {  	_ =	shalt  }
0x43: {  	_ =	shalt  }
0x44: {  	_ =	shalt  }
0x45: {  	_ =	shalt  }
0x46: {  	_ =	shalt  }
0x47: {  	_ =	shalt  }
0x48: {  	_ =	shalt  }
0x49: {  	_ =	shalt  }
0x4a: {  	_ =	shalt  }
0x4b: {  	_ =	shalt  }
0x4c: {  	_ =	shalt  }
0x4d: {  	_ =	shalt  }
0x4e: {  	_ =	shalt  }
0x4f: {  	_ =	shalt  }
0x50: {  	_ =	shalt  }
0x51: {  	_ =	shalt  }
0x52: {  	_ =	shalt  }
0x53: {  	_ =	shalt  }
0x54: {  	_ =	shalt  }
0x55: {  	_ =	shalt  }
0x56: {  	_ =	shalt  }
0x57: {  	_ =	shalt  }
0x58: {  	_ =	shalt  }
0x59: {  	_ =	shalt  }
0x5a: {  	_ =	shalt  }
0x5b: {  	_ =	shalt  }
0x5c: {  	_ =	shalt  }
0x5d: {  	_ =	shalt  }
0x5e: {  	_ =	shalt  }
0x5f: {  	_ =	shalt  }
0x60: {  	_ =	shalt  }
0x61: {  	_ =	shalt  }
0x62: {  	_ =	shalt  }
0x63: {  	_ =	shalt  }
0x64: {  	_ =	shalt  }
0x65: {  	_ =	shalt  }
0x66: {  	_ =	shalt  }
0x67: {  	_ =	shalt  }
0x68: {  	_ =	shalt  }
0x69: {  	_ =	shalt  }
0x6a: {  	_ =	shalt  }
0x6b: {  	_ =	shalt  }
0x6c: {  	_ =	shalt  }
0x6d: {  	_ =	shalt  }
0x6e: {  	_ =	shalt  }
0x6f: {  	_ =	shalt  }
0x70: {  	_ =	shalt  }
0x71: {  	_ =	shalt  }
0x72: {  	_ =	shalt  }
0x73: {  	_ =	shalt  }
0x74: {  	_ =	shalt  }
0x75: {  	_ =	shalt  }
0x76: {  	_ =	shalt  }
0x77: {  	_ =	shalt  }
0x78: {  	_ =	shalt  }
0x79: {  	_ =	shalt  }
0x7a: {  	_ =	shalt  }
0x7b: {  	_ =	shalt  }
0x7c: {  	_ =	shalt  }
0x7d: {  	_ =	shalt  }
0x7e: {  	_ =	shalt  }
0x7f: {  	_ =	shalt  }
0x80: {  	_ =	shalt  }
0x81: {  	_ =	shalt  }
0x82: {  	_ =	shalt  }
0x83: {  	_ =	shalt  }
0x84: {  	_ =	shalt  }
0x85: {  	_ =	shalt  }
0x86: {  	_ =	shalt  }
0x87: {  	_ =	shalt  }
.Lfunc_end0:
.L_simem_size_0:
called_computation_lowered:
.L_overlay_start_0:
0x88: {  	s2 =	sld [smem:$0x3FD9]  }
0x89: {  	s3 =	sld [smem:$0x3FFE];
	_ =	sdelay $0x1  }
0x8a: {  	s1 =	srdreg.scid  }
0x8b: {  	s0 =	sand.u32 $0x1, s1  }
0x8c: {  	s17 =	sshll.u32 s0, $0xA;
	s2 =	sadd.s32 s3, s2  }
0x8d: {  	s2 =	sadd.s32 s2, s17  }
0x8e: {  	[smem:$0x3FAE] =	sst s2  }
0x8f: {  	_ = 	snop  }
0x90: {  	s2 =	sld [smem:$0x3FC9]  }
0x91: {  	s18 =	sld [smem:$0x3FD0];
	(tm) =	ssettm $0x1  }
0x92: {  	s4 =	sld [smem:$0x3FFB];
	_ =	sdelay $0x3  }
0x93: {  	_ =	strace s4  }
0x94: {  	s4 =	sld [smem:$0x3FFC];
	_ =	sdelay $0x3  }
0x95: {  	_ =	strace s4  }
0x96: {  	s4 =	sld [smem:$0x3FFD];
	_ =	sdelay $0x3  }
0x97: {  	_ =	strace s4  }
0x98: {  	_ =	strace $0x8FFFFFFF  }
0x99: {  	s19 =	sld [smem:$0x3FDB];
	_ =	sdelay $0x1  }
0x9a: {  	s5 =	simm.s32 $_scs_section_size  }
0x9b: {  	s6 =	simm.s32 $_size__tile_overlayer_lowered;
	s7 =	simm.s32 $_tile_overlayer_lowered  }
0x9c: {  	s22 =	simm.s32 $0x1BFF;
	s21 =	sshll.u32 s7, $0x1;
	s4 =	sadd.s32 s5, s19  }
0x9d: {  	s8 =	simm.s32 $0x0;
	s20 =	sshll.u32 s6, $0x1;
	s6 =	sadd.s32 s21, s4  }
0x9e: {  	[timem:s8], [sflag:s22] =	dma.local [hbm:s6], s20  }
0x9f: {  	_ =	swait.ge [sflag:s22], s20  }
0xa0: {  	s5 =	ssub.s32 $0x0, s20;
	[sflag:s22] =	ssyncset.done $0x0  }
0xa1: {  	[sflag:s22] =	ssyncadd.s32 s5;
	_ =	sdelay $0x1  }
0xa2: {  	s23 =	simm.s32 $0x1B8B  }
0xa3: {  	_ =	swait.ge [sflag:s23], $0x1  }
0xa4: {  	[sflag:s23] =	ssyncset.done $0x0  }
0xa5: {  	s25 =	simm.s32 $0x1B8E;
	s24 =	sld [smem:$0x3FFE];
	[sflag:s23] =	ssyncadd.s32 $0xFFFFFFFF  }
0xa6: {  	s26 =	simm.s32 $execute0_lowered;
	[smem:$0x3FD2] =	sst s25  }
0xa7: {  	s6 =	sshll.u32 s26, $0x1;
	_ =	strace $0x80000046;
	[dreg:$0x1] =	wrdreg $0xFFFFFFFF  }
0xa8: {  	s28 =	simm.s32 $_size_execute0_lowered;
	s4 =	sadd.s32 s4, s6;
	[dreg:$0x0] =	wrdreg $0x0  }
0xa9: {  	s6 =	sshll.u32 s28, $0x1;
	[dreg:$0x2] =	wrdreg s4  }
0xaa: {  	[dreg:$0x3] =	wrdreg s6  }
0xab: {  	[dreg:$0x4] =	wrdreg $0xC0  }
0xac: {  	_ =	task [dreg:s8], $0x5FFFF  }
0xad: {  	[dreg:$0x1] =	wrdreg $0xFFFFFFFF  }
0xae: {  	[dreg:$0x0] =	wrdreg $0x60  }
0xaf: {  	[dreg:$0x2] =	wrdreg s2  }
0xb0: {  	[dreg:$0x3] =	wrdreg s24  }
0xb1: {  	[dreg:$0x4] =	wrdreg s18  }
0xb2: {  	[dreg:$0x5] =	wrdreg $0x0  }
0xb3: {  	[dreg:$0x6] =	wrdreg $0x9  }
0xb4: {  	_ =	task.clear_ibuf [dreg:s8], $0x7FFFF;
	_ =	strace $0x90000046  }
0xb5: {  	s29 =	simm.s32 $0x9;
	_ =	strace $0x80000048  }
0xb6: {  	_ =	swait.ge [sflag:s29], $0x1  }
0xb7: {  	[sflag:s29] =	ssyncadd.s32 $0xFFFFFFFF  }
0xb8: {  	_ =	strace $0x90000048  }
0xb9: {  	_ =	sfence  }
0xba: {  	s30 =	sld [smem:$0x0];
	_ =	sdelay $0x2  }
0xbb: {  	s31 =	sshll.u32 s1, $0xD;
	s1 =	sshrl.u32 s1, $0x2  }
0xbc: {  	s3 =	sand.u32 $0x4000, s31;
	s1 =	sadd.s32 s1, s30  }
0xbd: {  	s0 =	sor.u32 s3, s0;
	s1 =	sshll.u32 s1, $0x11  }
0xbe: {  	s0 =	sor.u32 s1, s0  }
0xbf: {  	s0 =	sadd.s32 $0x8F2B, s0  }
0xc0: {  	[sflag:s0] =	ssyncadd.remote.s32 $0x1  }
0xc1: {  	_ =	sfence.sel $0xFFFF  }
0xc2: {  	[dreg:$0x0] =	wrdreg $0xFFFFFFFF;
	(pc) =	sbr.abs _section_cstart, $3  }
0xc3: {  	[dreg:$0x1] =	wrdreg $0xFFFFFFFF  }
0xc4: {  	_ =	task.clear_ibuf [dreg:s8], $0x2FFFF;
	_ =	strace $0x9FFFFFFF  }
0xc5: {  	(tm) =	ssettm $0x7FFFFFFF  }
tec
execute0_lowered:
.L_overlay_start_1:
0x0: {  	(tag) =	ssettag $0x1  }
0x1: {  	s1 =	rddreg [dreg:$0x0]  }
0x2: {  	s0 =	rddreg [dreg:$0x1]  }
0x3: {  	s4 =	rddreg [dreg:$0x2]  }
0x4: {  	s2 =	rddreg [dreg:$0x3];
	s3 =	simm.s32 $0x0;
	s7 =	srdreg.scid  }
0x5: {  	s14 =	stileid.u32;
	s29 =	simm.s32 $0x13E40;
	s31 =	simm.s32 $0x6  }
0x6: {  	[smem:$0x7FF] =	sst s3;
	s5 =	sadd.s32 $0x5800, s0;
	s9 =	smul.u32 $0x4E000, s14  }
0x7: {  	s6 =	sadd.s32 $0xF600, s0;
	s0 =	sadd.s32 $0x19400, s0;
	s11 =	smul.u32 $0x2700, s14  }
0x8: {  	s7 =	sand.u32 $0x1, s7;
	s8 =	sshll.u32 s14, $0x1;
	s20 =	smul.u32 $0x13800, s14  }
0x9: {  	s24 =	smul.u32 $0x1E, s14;
	p0 =	seq.s32 s14, $0xF;
	s14 =	simm.s32 $0x8  }
0xa: {  	s3 =	simm.s32 $0x0;
	_ =	strace $0x80000047;
	s18 =	smul.u32 $0x138800, s7  }
0xb: {  	s10 =	ssub.s32 $0x2, s7;
	s8 =	sor.u32 s7, s8;
	s25 =	smul.u32 $0xF, s7  }
0xc: {  	s7 =	simm.s32 $0x2;
	s12 =	sshrl.u32 s10, $0x1;
	s13 =	smul.u32 $0x78, s8  }
0xd: {  	s9 =	sshrl.u32 s9, $0x2;
	s8 =	smul.u32 $0xF, s8;
	s11 =	sadd.s32 s4, s11  }
0xe: {  	s4 =	sadd.s32 $0x24900, s4;
	s26 =	sadd.s32 s24, s5;
	[dreg:$0x6] =	wrdreg s11  }
0xf: {  	s28 =	sadd.s32 s24, s6;
	s9 =	sadd.s32 s9, s2;
	[dreg:$0x8] =	wrdreg s4  }
0x10: {  	s10 =	ssub.s32 s10, s12;
	s12 =	sadd.s32 $0x124800, s2;
	[dreg:$0x5] =	wrdreg s9  }
0x11: {  	s23 =	sadd.s32 s20, s18;
	s20 =	sadd.s32 s25, s26;
	[dreg:$0x7] =	wrdreg s12  }
0x12: {  	s13 =	sshrl.u32 s13, $0x3;
	s15 =	sadd.s32 s5, s8;
	s8 =	sadd.s32 s6, s8  }
0x13: {  	s30 =	smax.u32 s10, $0x1;
	s12 =	simm.s32 $0x3;
	[dreg:$0x9] =	wrdreg s15  }
0x14: {  	s16 =	sadd.s32 $0x1E0, s13;
	[dreg:$0xa] =	wrdreg s8;
	s19 =	sadd.s32 $0x3C0, s13  }
0x15: {  	s22 =	sadd.s32 $0x5A0, s13;
	[dreg:$0x13] =	wrdreg s30;
	s17 =	sadd.s32 s5, s16  }
0x16: {  	s8 =	sshrl.u32 s18, $0x3;
	s4 =	sadd.s32 s6, s16;
	[dreg:$0xb] =	wrdreg s17  }
0x17: {  	s13 =	simm.s32 $0x1B6C0;
	s21 =	sadd.s32 s5, s19;
	[dreg:$0xc] =	wrdreg s4  }
0x18: {  	s15 =	simm.s32 $0xA;
	s9 =	sadd.s32 s5, s22;
	[dreg:$0xd] =	wrdreg s21  }
0x19: {  	s18 =	simm.s32 $0x5;
	s4 =	sadd.s32 s6, s19;
	[dreg:$0xf] =	wrdreg s9  }
0x1a: {  	s16 =	simm.s32 $0x4;
	[dreg:$0xe] =	wrdreg s4;
	s4 =	sadd.s32 s6, s22  }
0x1b: {  	s21 =	sadd.s32 s25, s28;
	[dreg:$0x10] =	wrdreg s4;
	s4 =	sshrl.u32 s23, $0x3  }
0x1c: {  	s9 =	simm.s32 $0x7;
	s4 =	sadd.s32 s0, s4;
	s0 =	sadd.s32 s0, s8  }
0x1d: {  	s17 =	simm.s32 $0x9;
	[dreg:$0x11] =	wrdreg s4;
	s0 =	sadd.s32 $0x24900, s0  }
0x1e: {  	s8 =	simm.s32 $0x17AC0;
	[dreg:$0x12] =	wrdreg s0;
	s0 =	simm.s32 $0x78  }
.LBB2_1:
0x1f: {  	[dreg:$0x14] =	wrdreg s3  }
0x20: {  	s5 =	rddreg [dreg:$0x7]  }
0x21: {  	s6 =	rddreg [dreg:$0x8];
	s3 =	sshrl.u32 @p0 s5, $0x3  }
0x22: {  	s5 =	simm.s32 @p0 $0x1FCD;
	[dreg:$0x15] =	wrdreg s3  }
0x23: {  	[spmem:s3], [sflag:s5] =	dma.local @p0 [hbm:s6], $0x2880  }
0x24: {  	s5 =	simm.s32 @p0 $0xD  }
0x25: {  	s6 =	stileid.u32;
	_ =	swait.ge @p0 [sflag:s5], $0x2880  }
0x26: {  	s23 =	sshll.u32 @!p0 s6, $0x6;
	[sflag:s5] =	ssyncset.done @p0 $0x0  }
0x27: {  	s3 =	sor.u32 @!p0 $0x1C0D, s23;
	[sflag:s5] =	ssyncadd.s32 @p0 $0xFFFFD780;
	s5 =	rddreg [dreg:$0x5]  }
0x28: {  	[dreg:$0x16] =	wrdreg s3  }
0x29: {  	s4 =	sshrl.u32 @!p0 s5, $0x3;
	s5 =	rddreg [dreg:$0x6]  }
0x2a: {  	[dreg:$0x17] =	wrdreg s4  }
0x2b: {  	[spmem:s4], [sflag:s3] =	dma.local @!p0 [hbm:s5], $0x2700  }
0x2c: {  	s5 =	simm.s32 @!p0 $0xD  }
0x2d: {  	_ =	swait.ge @!p0 [sflag:s5], $0x2700  }
0x2e: {  	[sflag:s5] =	ssyncset.done @!p0 $0x0  }
0x2f: {  	[sflag:s5] =	ssyncadd.s32 @!p0 $0xFFFFD900  }
0x30: {  	[bflag:$0x0] =	sbarrier.arrive $0xFFFF  }
0x31: {  	s19 =	simm.s32 $0x0;
	s6 =	simm.s32 $0x138C0;
	s24 =	rddreg [dreg:$0x9]  }
0x32: {  	[tilespmem:s6], [sflag:$0x1] =	stream.linear.gather [hbm4b:s24+s19], $0x78, $0x38;
	[tilespmem:$0x1F2C0] =	vst v63  }
0x33: {  	s10 =	simm.s32 $0x13940;
	s25 =	rddreg [dreg:$0xa]  }
0x34: {  	[tilespmem:s10], [sflag:$0x1] =	stream.linear.gather [hbm4b:s25+s19], $0x78, $0x38;
	[tilespmem:$0x1F2C0] =	vst v63  }
0x35: {  	s11 =	simm.s32 $0x139C0;
	s26 =	rddreg [dreg:$0xb]  }
0x36: {  	[tilespmem:s11], [sflag:$0x2] =	stream.linear.gather [hbm4b:s26+s19], $0x78, $0x38;
	[tilespmem:$0x1F2C0] =	vst v63  }
0x37: {  	s28 =	rddreg [dreg:$0xc];
	s26 =	simm.s32 $0x13A40  }
0x38: {  	[tilespmem:s26], [sflag:$0x2] =	stream.linear.gather [hbm4b:s28+s19], $0x78, $0x38;
	[tilespmem:$0x1F2C0] =	vst v63  }
0x39: {  	s30 =	rddreg [dreg:$0xd];
	s28 =	simm.s32 $0x13AC0  }
0x3a: {  	[tilespmem:s28], [sflag:$0x3] =	stream.linear.gather [hbm4b:s30+s19], $0x78, $0x38;
	[tilespmem:$0x1F2C0] =	vst v63  }
0x3b: {  	s4 =	simm.s32 $0x13B40;
	s3 =	rddreg [dreg:$0xe]  }
0x3c: {  	[tilespmem:s4], [sflag:$0x3] =	stream.linear.gather [hbm4b:s3+s19], $0x78, $0x38;
	[tilespmem:$0x1F2C0] =	vst v63  }
0x3d: {  	s22 =	rddreg [dreg:$0xf];
	s30 =	simm.s32 $0x13BC0  }
0x3e: {  	[tilespmem:s30], [sflag:$0x4] =	stream.linear.gather [hbm4b:s22+s19], $0x78, $0x38;
	[tilespmem:$0x1F2C0] =	vst v63  }
0x3f: {  	s23 =	rddreg [dreg:$0x10];
	s24 =	simm.s32 $0x13C40;
	s25 =	simm.s32 $0x1  }
0x40: {  	[tilespmem:s24], [sflag:$0x4] =	stream.linear.gather [hbm4b:s23+s19], $0x78, $0x38;
	[tilespmem:$0x1F2C0] =	vst v63  }
0x41: {  	_ =	swait.ge [sflag:s25], $0x78  }
0x42: {  	[sflag:s25] =	ssyncset.done $0x0  }
0x43: {  	[sflag:s25] =	ssyncadd.s32 $0xFFFFFF88  }
0x44: {  	_ =	swait.ge [sflag:s25], $0x78  }
0x45: {  	p1 =	por $0x1, $0x1;
	[sflag:s25] =	ssyncset.done $0x0  }
0x46: {  	s5 =	simm.s32 @!p1 $0xB;
	s22 =	simm.s32 $0x13EC0;
	[sflag:s25] =	ssyncadd.s32 $0xFFFFFF88  }
0x47: {  	[tilespmem:s22], [sflag:$0x7] =	stream.indirect.gather [hbm4b:s1+s0], $0x80, s6, s0, $0xb8;
	[tilespmem:$0x1F2C0] =	vst v63  }
0x48: {  	_ =	swait.ge @!p1 [sflag:s5], $0x3C00  }
0x49: {  	s4 =	simm.s32 $0x13CC0;
	s23 =	sadd.s32 $0x0, s20;
	[sflag:s5] =	ssyncset.done @!p1 $0x0  }
0x4a: {  	s24 =	sadd.s32 $0x780, s23;
	s25 =	sadd.s32 $0x0, s21;
	[sflag:s5] =	ssyncadd.s32 @!p1 $0xFFFFC400  }
0x4b: {  	[tilespmem:s4], [sflag:$0x5] =	stream.linear.gather [hbm4b:s24+s19], $0x78, $0x38;
	[tilespmem:$0x1F2C0] =	vst v63  }
0x4c: {  	s3 =	sadd.s32 $0x780, s25;
	s6 =	simm.s32 $0x13D40  }
0x4d: {  	[tilespmem:s6], [sflag:$0x5] =	stream.linear.gather [hbm4b:s3+s19], $0x78, $0x38;
	[tilespmem:$0x1F2C0] =	vst v63  }
0x4e: {  	_ =	swait.ge [sflag:s7], $0x78  }
0x4f: {  	[sflag:s7] =	ssyncset.done $0x0  }
0x50: {  	[sflag:s7] =	ssyncadd.s32 $0xFFFFFF88  }
0x51: {  	_ =	swait.ge [sflag:s7], $0x78  }
0x52: {  	[sflag:s7] =	ssyncset.done $0x0  }
0x53: {  	[sflag:s7] =	ssyncadd.s32 $0xFFFFFF88  }
0x54: {  	[tilespmem:s8], [sflag:$0x8] =	stream.indirect.gather [hbm4b:s1+s0], $0x80, s11, s0, $0xb8;
	[tilespmem:$0x1F2C0] =	vst v63  }
0x55: {  	_ =	swait.ge [sflag:s9], $0x3C00  }
0x56: {  	[sflag:s9] =	ssyncset.done $0x0  }
0x57: {  	s5 =	simm.s32 @!p1 $0xC;
	[sflag:s9] =	ssyncadd.s32 $0xFFFFC400  }
0x58: {  	[spmem:s2] =	stream.indirect.scatter.add.f32 [tilespmem:s22], [sflag:$0xA], $0x80, s10, s0, $0xb8;
	[tilespmem:$0x1F2C0] =	vst v63  }
0x59: {  	_ =	swait.ge @!p1 [sflag:s5], $0x3C00  }
0x5a: {  	[sflag:s5] =	ssyncset.done @!p1 $0x0  }
0x5b: {  	s23 =	sadd.s32 $0x960, s23;
	s3 =	simm.s32 $0x13DC0;
	[sflag:s5] =	ssyncadd.s32 @!p1 $0xFFFFC400  }
0x5c: {  	[tilespmem:s3], [sflag:$0x6] =	stream.linear.gather [hbm4b:s23+s19], $0x78, $0x38;
	[tilespmem:$0x1F2C0] =	vst v63  }
0x5d: {  	s10 =	sadd.s32 $0x960, s25  }
0x5e: {  	[tilespmem:s29], [sflag:$0x6] =	stream.linear.gather [hbm4b:s10+s19], $0x78, $0x38;
	[tilespmem:$0x1F2C0] =	vst v63  }
0x5f: {  	_ =	swait.ge [sflag:s12], $0x78  }
0x60: {  	[sflag:s12] =	ssyncset.done $0x0  }
0x61: {  	[sflag:s12] =	ssyncadd.s32 $0xFFFFFF88  }
0x62: {  	_ =	swait.ge [sflag:s12], $0x78  }
0x63: {  	[sflag:s12] =	ssyncset.done $0x0  }
0x64: {  	[sflag:s12] =	ssyncadd.s32 $0xFFFFFF88  }
0x65: {  	[tilespmem:s13], [sflag:$0x9] =	stream.indirect.gather [hbm4b:s1+s0], $0x80, s28, s0, $0xb8;
	[tilespmem:$0x1F2C0] =	vst v63  }
0x66: {  	_ =	swait.ge [sflag:s14], $0x3C00  }
0x67: {  	[sflag:s14] =	ssyncset.done $0x0  }
0x68: {  	p1 =	por $0x0, $0x0;
	[sflag:s14] =	ssyncadd.s32 $0xFFFFC400  }
0x69: {  	[spmem:s2] =	stream.indirect.scatter.add.f32 [tilespmem:s8], [sflag:$0xB], $0x80, s26, s0, $0xb8;
	[tilespmem:$0x1F2C0] =	vst v63  }
0x6a: {  	s24 =	sadd.s32 @!p1 $0x0, s20;
	_ =	swait.ge [sflag:s15], $0x3C00  }
0x6b: {  	s23 =	simm.s32 @!p1 $0x0;
	s5 =	simm.s32 @!p1 $0x138C0;
	[sflag:s15] =	ssyncset.done $0x0  }
0x6c: {  	s25 =	sadd.s32 @!p1 $0xB40, s24;
	s26 =	sadd.s32 @!p1 $0x0, s21;
	[sflag:s15] =	ssyncadd.s32 $0xFFFFC400  }
0x6d: {  	[tilespmem:s5], [sflag:$0x1] =	stream.linear.gather @!p1 [hbm4b:s25+s23], $0x78, $0x38;
	[tilespmem:$0x1F2C0] =	vst v63  }
0x6e: {  	s28 =	sadd.s32 @!p1 $0xB40, s26;
	s25 =	simm.s32 @!p1 $0x13940  }
0x6f: {  	[tilespmem:s25], [sflag:$0x1] =	stream.linear.gather @!p1 [hbm4b:s28+s23], $0x78, $0x38;
	[tilespmem:$0x1F2C0] =	vst v63  }
0x70: {  	_ =	swait.ge [sflag:s16], $0x78  }
0x71: {  	[sflag:s16] =	ssyncset.done $0x0  }
0x72: {  	[sflag:s16] =	ssyncadd.s32 $0xFFFFFF88  }
0x73: {  	_ =	swait.ge [sflag:s16], $0x78  }
0x74: {  	[sflag:s16] =	ssyncset.done $0x0  }
0x75: {  	[sflag:s16] =	ssyncadd.s32 $0xFFFFFF88  }
0x76: {  	[tilespmem:s22], [sflag:$0x7] =	stream.indirect.gather [hbm4b:s1+s0], $0x80, s30, s0, $0xb8;
	[tilespmem:$0x1F2C0] =	vst v63  }
0x77: {  	_ =	swait.ge [sflag:s17], $0x3C00  }
0x78: {  	[sflag:s17] =	ssyncset.done $0x0  }
0x79: {  	s11 =	simm.s32 $0x13B40;
	s19 =	simm.s32 $0xB;
	[sflag:s17] =	ssyncadd.s32 $0xFFFFC400  }
0x7a: {  	[spmem:s2] =	stream.indirect.scatter.add.f32 [tilespmem:s13], [sflag:$0xC], $0x80, s11, s0, $0xb8;
	[tilespmem:$0x1F2C0] =	vst v63  }
0x7b: {  	_ =	swait.ge [sflag:s19], $0x3C00  }
0x7c: {  	[sflag:s19] =	ssyncset.done $0x0  }
0x7d: {  	s25 =	sadd.s32 @!p1 $0xD20, s24;
	s28 =	simm.s32 @!p1 $0x139C0;
	[sflag:s19] =	ssyncadd.s32 $0xFFFFC400  }
0x7e: {  	[tilespmem:s28], [sflag:$0x2] =	stream.linear.gather @!p1 [hbm4b:s25+s23], $0x78, $0x38;
	[tilespmem:$0x1F2C0] =	vst v63  }
0x7f: {  	s25 =	sadd.s32 @!p1 $0xD20, s26;
	s28 =	simm.s32 @!p1 $0x13A40  }
0x80: {  	[tilespmem:s28], [sflag:$0x2] =	stream.linear.gather @!p1 [hbm4b:s25+s23], $0x78, $0x38;
	[tilespmem:$0x1F2C0] =	vst v63  }
0x81: {  	_ =	swait.ge [sflag:s18], $0x78  }
0x82: {  	[sflag:s18] =	ssyncset.done $0x0  }
0x83: {  	[sflag:s18] =	ssyncadd.s32 $0xFFFFFF88  }
0x84: {  	_ =	swait.ge [sflag:s18], $0x78  }
0x85: {  	[sflag:s18] =	ssyncset.done $0x0  }
0x86: {  	[sflag:s18] =	ssyncadd.s32 $0xFFFFFF88  }
0x87: {  	[tilespmem:s8], [sflag:$0x8] =	stream.indirect.gather [hbm4b:s1+s0], $0x80, s4, s0, $0xb8;
	[tilespmem:$0x1F2C0] =	vst v63  }
0x88: {  	_ =	swait.ge [sflag:s9], $0x3C00  }
0x89: {  	[sflag:s9] =	ssyncset.done $0x0  }
0x8a: {  	s29 =	simm.s32 $0x13C40;
	s30 =	simm.s32 $0xC;
	[sflag:s9] =	ssyncadd.s32 $0xFFFFC400  }
0x8b: {  	[spmem:s2] =	stream.indirect.scatter.add.f32 [tilespmem:s22], [sflag:$0xA], $0x80, s29, s0, $0xb8;
	[tilespmem:$0x1F2C0] =	vst v63  }
0x8c: {  	_ =	swait.ge [sflag:s30], $0x3C00  }
0x8d: {  	[sflag:s30] =	ssyncset.done $0x0  }
0x8e: {  	s25 =	sadd.s32 @!p1 $0xF00, s24;
	s28 =	simm.s32 @!p1 $0x13AC0;
	[sflag:s30] =	ssyncadd.s32 $0xFFFFC400  }
0x8f: {  	[tilespmem:s28], [sflag:$0x3] =	stream.linear.gather @!p1 [hbm4b:s25+s23], $0x78, $0x38;
	[tilespmem:$0x1F2C0] =	vst v63  }
0x90: {  	s25 =	sadd.s32 @!p1 $0xF00, s26;
	s28 =	simm.s32 @!p1 $0x13B40  }
0x91: {  	[tilespmem:s28], [sflag:$0x3] =	stream.linear.gather @!p1 [hbm4b:s25+s23], $0x78, $0x38;
	[tilespmem:$0x1F2C0] =	vst v63  }
0x92: {  	_ =	swait.ge [sflag:s31], $0x78  }
0x93: {  	[sflag:s31] =	ssyncset.done $0x0  }
0x94: {  	[sflag:s31] =	ssyncadd.s32 $0xFFFFFF88  }
0x95: {  	_ =	swait.ge [sflag:s31], $0x78  }
0x96: {  	[sflag:s31] =	ssyncset.done $0x0  }
0x97: {  	[sflag:s31] =	ssyncadd.s32 $0xFFFFFF88  }
0x98: {  	[tilespmem:s13], [sflag:$0x9] =	stream.indirect.gather [hbm4b:s1+s0], $0x80, s3, s0, $0xb8;
	[tilespmem:$0x1F2C0] =	vst v63  }
0x99: {  	_ =	swait.ge [sflag:s14], $0x3C00  }
0x9a: {  	[sflag:s14] =	ssyncset.done $0x0  }
0x9b: {  	[sflag:s14] =	ssyncadd.s32 $0xFFFFC400  }
0x9c: {  	[spmem:s2] =	stream.indirect.scatter.add.f32 [tilespmem:s8], [sflag:$0xB], $0x80, s6, s0, $0xb8;
	[tilespmem:$0x1F2C0] =	vst v63  }
0x9d: {  	_ =	swait.ge [sflag:s15], $0x3C00  }
0x9e: {  	[sflag:s15] =	ssyncset.done $0x0  }
0x9f: {  	s24 =	sadd.s32 @!p1 $0x10E0, s24;
	s25 =	simm.s32 @!p1 $0x13BC0;
	[sflag:s15] =	ssyncadd.s32 $0xFFFFC400  }
0xa0: {  	[tilespmem:s25], [sflag:$0x4] =	stream.linear.gather @!p1 [hbm4b:s24+s23], $0x78, $0x38;
	[tilespmem:$0x1F2C0] =	vst v63  }
0xa1: {  	s24 =	sadd.s32 @!p1 $0x10E0, s26;
	s25 =	simm.s32 @!p1 $0x13C40  }
0xa2: {  	[tilespmem:s25], [sflag:$0x4] =	stream.linear.gather @!p1 [hbm4b:s24+s23], $0x78, $0x38;
	[tilespmem:$0x1F2C0] =	vst v63  }
0xa3: {  	s23 =	simm.s32 @!p1 $0x1  }
0xa4: {  	_ =	swait.ge @!p1 [sflag:s23], $0x78  }
0xa5: {  	[sflag:s23] =	ssyncset.done @!p1 $0x0  }
0xa6: {  	[sflag:s23] =	ssyncadd.s32 @!p1 $0xFFFFFF88  }
0xa7: {  	_ =	swait.ge @!p1 [sflag:s23], $0x78  }
0xa8: {  	p2 =	por $0x0, $0x0;
	[sflag:s23] =	ssyncset.done @!p1 $0x0  }
0xa9: {  	s24 =	simm.s32 @!p1 $0x78;
	[sflag:s23] =	ssyncadd.s32 @!p1 $0xFFFFFF88;
	s23 =	simm.s32 @!p1 $0x13EC0  }
0xaa: {  	[tilespmem:s23], [sflag:$0x7] =	stream.indirect.gather @!p1 [hbm4b:s1+s24], $0x80, s5, s24, $0xb8;
	[tilespmem:$0x1F2C0] =	vst v63  }
0xab: {  	s23 =	simm.s32 $0xB40;
	s24 =	simm.s32 $0x1680;
	_ =	swait.ge [sflag:s17], $0x3C00  }
.LBB2_2:
0xac: {  	s5 =	simm.s32 @!p2 $0xB  }
0xad: {  	[sflag:s17] =	ssyncset.done $0x0;
	s30 =	smov.u32 s24;
	s24 =	sadd.s32 $0xB40, s24  }
0xae: {  	s11 =	simm.s32 $0x13E40;
	p1 =	sne.s32 s24, $0x9D80;
	[sflag:s17] =	ssyncadd.s32 $0xFFFFC400  }
0xaf: {  	[spmem:s2] =	stream.indirect.scatter.add.f32 [tilespmem:s13], [sflag:$0xC], $0x80, s11, s0, $0xb8;
	[tilespmem:$0x1F2C0] =	vst v63  }
0xb0: {  	s25 =	sadd.s32 s23, s20;
	_ =	swait.ge @!p2 [sflag:s5], $0x3C00  }
0xb1: {  	s28 =	sadd.s32 s23, s21;
	s26 =	sadd.s32 $0x780, s25;
	[sflag:s5] =	ssyncset.done @!p2 $0x0  }
0xb2: {  	s4 =	simm.s32 $0x13CC0;
	s10 =	simm.s32 $0x0;
	[sflag:s5] =	ssyncadd.s32 @!p2 $0xFFFFC400  }
0xb3: {  	[tilespmem:s4], [sflag:$0x5] =	stream.linear.gather [hbm4b:s26+s10], $0x78, $0x38;
	[tilespmem:$0x1F2C0] =	vst v63  }
0xb4: {  	s19 =	simm.s32 $0x13D40;
	s5 =	sadd.s32 $0x780, s28  }
0xb5: {  	[tilespmem:s19], [sflag:$0x5] =	stream.linear.gather [hbm4b:s5+s10], $0x78, $0x38;
	[tilespmem:$0x1F2C0] =	vst v63  }
0xb6: {  	_ =	swait.ge [sflag:s7], $0x78  }
0xb7: {  	[sflag:s7] =	ssyncset.done $0x0  }
0xb8: {  	[sflag:s7] =	ssyncadd.s32 $0xFFFFFF88  }
0xb9: {  	_ =	swait.ge [sflag:s7], $0x78  }
0xba: {  	[sflag:s7] =	ssyncset.done $0x0  }
0xbb: {  	s5 =	simm.s32 $0x139C0;
	[sflag:s7] =	ssyncadd.s32 $0xFFFFFF88  }
0xbc: {  	[tilespmem:s8], [sflag:$0x8] =	stream.indirect.gather [hbm4b:s1+s0], $0x80, s5, s0, $0xb8;
	[tilespmem:$0x1F2C0] =	vst v63  }
0xbd: {  	_ =	swait.ge [sflag:s9], $0x3C00  }
0xbe: {  	s5 =	simm.s32 @!p2 $0xC;
	[sflag:s9] =	ssyncset.done $0x0  }
0xbf: {  	s6 =	simm.s32 $0x13940;
	s22 =	simm.s32 $0x13EC0;
	[sflag:s9] =	ssyncadd.s32 $0xFFFFC400  }
0xc0: {  	[spmem:s2] =	stream.indirect.scatter.add.f32 [tilespmem:s22], [sflag:$0xA], $0x80, s6, s0, $0xb8;
	[tilespmem:$0x1F2C0] =	vst v63  }
0xc1: {  	_ =	swait.ge @!p2 [sflag:s5], $0x3C00  }
0xc2: {  	s25 =	sadd.s32 $0x960, s25;
	[sflag:s5] =	ssyncset.done @!p2 $0x0  }
0xc3: {  	s3 =	simm.s32 $0x13DC0;
	[sflag:s5] =	ssyncadd.s32 @!p2 $0xFFFFC400  }
0xc4: {  	[tilespmem:s3], [sflag:$0x6] =	stream.linear.gather [hbm4b:s25+s10], $0x78, $0x38;
	[tilespmem:$0x1F2C0] =	vst v63  }
0xc5: {  	s5 =	sadd.s32 $0x960, s28  }
0xc6: {  	[tilespmem:s11], [sflag:$0x6] =	stream.linear.gather [hbm4b:s5+s10], $0x78, $0x38;
	[tilespmem:$0x1F2C0] =	vst v63  }
0xc7: {  	_ =	swait.ge [sflag:s12], $0x78  }
0xc8: {  	[sflag:s12] =	ssyncset.done $0x0  }
0xc9: {  	[sflag:s12] =	ssyncadd.s32 $0xFFFFFF88  }
0xca: {  	_ =	swait.ge [sflag:s12], $0x78  }
0xcb: {  	[sflag:s12] =	ssyncset.done $0x0  }
0xcc: {  	s5 =	simm.s32 $0x13AC0;
	[sflag:s12] =	ssyncadd.s32 $0xFFFFFF88  }
0xcd: {  	[tilespmem:s13], [sflag:$0x9] =	stream.indirect.gather [hbm4b:s1+s0], $0x80, s5, s0, $0xb8;
	[tilespmem:$0x1F2C0] =	vst v63  }
0xce: {  	_ =	swait.ge [sflag:s14], $0x3C00  }
0xcf: {  	[sflag:s14] =	ssyncset.done $0x0  }
0xd0: {  	p2 =	seq.s32 s23, $0x9240;
	s5 =	simm.s32 $0x13A40;
	[sflag:s14] =	ssyncadd.s32 $0xFFFFC400  }
0xd1: {  	[spmem:s2] =	stream.indirect.scatter.add.f32 [tilespmem:s8], [sflag:$0xB], $0x80, s5, s0, $0xb8;
	[tilespmem:$0x1F2C0] =	vst v63  }
0xd2: {  	s28 =	sadd.s32 @!p2 s23, s20;
	s26 =	simm.s32 @!p2 $0x0;
	_ =	swait.ge [sflag:s15], $0x3C00  }
0xd3: {  	s25 =	simm.s32 @!p2 $0x138C0;
	s5 =	sadd.s32 @!p2 $0xB40, s28;
	[sflag:s15] =	ssyncset.done $0x0  }
0xd4: {  	s23 =	sadd.s32 @!p2 s23, s21;
	s29 =	simm.s32 @!p2 $0x13940;
	[sflag:s15] =	ssyncadd.s32 $0xFFFFC400  }
0xd5: {  	[tilespmem:s25], [sflag:$0x1] =	stream.linear.gather @!p2 [hbm4b:s5+s26], $0x78, $0x38;
	[tilespmem:$0x1F2C0] =	vst v63  }
0xd6: {  	s6 =	sadd.s32 @!p2 $0xB40, s23;
	s10 =	sadd.s32 @!p2 $0xD20, s23;
	s5 =	sadd.s32 @!p2 $0xF00, s23  }
0xd7: {  	[tilespmem:s29], [sflag:$0x1] =	stream.linear.gather @!p2 [hbm4b:s6+s26], $0x78, $0x38;
	[tilespmem:$0x1F2C0] =	vst v63  }
0xd8: {  	s29 =	sadd.s32 @!p2 $0x10E0, s23;
	s23 =	smov.u32 s30;
	_ =	swait.ge [sflag:s16], $0x78  }
0xd9: {  	[sflag:s16] =	ssyncset.done $0x0  }
0xda: {  	[sflag:s16] =	ssyncadd.s32 $0xFFFFFF88  }
0xdb: {  	_ =	swait.ge [sflag:s16], $0x78  }
0xdc: {  	[sflag:s16] =	ssyncset.done $0x0  }
0xdd: {  	s6 =	simm.s32 $0x13BC0;
	[sflag:s16] =	ssyncadd.s32 $0xFFFFFF88  }
0xde: {  	[tilespmem:s22], [sflag:$0x7] =	stream.indirect.gather [hbm4b:s1+s0], $0x80, s6, s0, $0xb8;
	[tilespmem:$0x1F2C0] =	vst v63  }
0xdf: {  	_ =	swait.ge [sflag:s17], $0x3C00  }
0xe0: {  	[sflag:s17] =	ssyncset.done $0x0  }
0xe1: {  	s11 =	simm.s32 $0xB;
	s6 =	simm.s32 $0x13B40;
	[sflag:s17] =	ssyncadd.s32 $0xFFFFC400  }
0xe2: {  	[spmem:s2] =	stream.indirect.scatter.add.f32 [tilespmem:s13], [sflag:$0xC], $0x80, s6, s0, $0xb8;
	[tilespmem:$0x1F2C0] =	vst v63  }
0xe3: {  	_ =	swait.ge [sflag:s11], $0x3C00  }
0xe4: {  	s30 =	simm.s32 @!p2 $0x139C0;
	s6 =	sadd.s32 @!p2 $0xD20, s28;
	[sflag:s11] =	ssyncset.done $0x0  }
0xe5: {  	[sflag:s11] =	ssyncadd.s32 $0xFFFFC400;
	s11 =	simm.s32 @!p2 $0x13A40  }
0xe6: {  	[tilespmem:s30], [sflag:$0x2] =	stream.linear.gather @!p2 [hbm4b:s6+s26], $0x78, $0x38;
	[tilespmem:$0x1F2C0] =	vst v63  }
0xe7: {  	_ = 	snop  }
0xe8: {  	[tilespmem:s11], [sflag:$0x2] =	stream.linear.gather @!p2 [hbm4b:s10+s26], $0x78, $0x38;
	[tilespmem:$0x1F2C0] =	vst v63  }
0xe9: {  	_ =	swait.ge [sflag:s18], $0x78  }
0xea: {  	[sflag:s18] =	ssyncset.done $0x0  }
0xeb: {  	[sflag:s18] =	ssyncadd.s32 $0xFFFFFF88  }
0xec: {  	_ =	swait.ge [sflag:s18], $0x78  }
0xed: {  	[sflag:s18] =	ssyncset.done $0x0  }
0xee: {  	[sflag:s18] =	ssyncadd.s32 $0xFFFFFF88  }
0xef: {  	[tilespmem:s8], [sflag:$0x8] =	stream.indirect.gather [hbm4b:s1+s0], $0x80, s4, s0, $0xb8;
	[tilespmem:$0x1F2C0] =	vst v63  }
0xf0: {  	_ =	swait.ge [sflag:s9], $0x3C00  }
0xf1: {  	[sflag:s9] =	ssyncset.done $0x0  }
0xf2: {  	s6 =	simm.s32 $0x13C40;
	s4 =	simm.s32 $0xC;
	[sflag:s9] =	ssyncadd.s32 $0xFFFFC400  }
0xf3: {  	[spmem:s2] =	stream.indirect.scatter.add.f32 [tilespmem:s22], [sflag:$0xA], $0x80, s6, s0, $0xb8;
	[tilespmem:$0x1F2C0] =	vst v63  }
0xf4: {  	_ =	swait.ge [sflag:s4], $0x3C00  }
0xf5: {  	s10 =	simm.s32 @!p2 $0x13AC0;
	s6 =	sadd.s32 @!p2 $0xF00, s28;
	[sflag:s4] =	ssyncset.done $0x0  }
0xf6: {  	s11 =	simm.s32 @!p2 $0x13B40;
	[sflag:s4] =	ssyncadd.s32 $0xFFFFC400  }
0xf7: {  	[tilespmem:s10], [sflag:$0x3] =	stream.linear.gather @!p2 [hbm4b:s6+s26], $0x78, $0x38;
	[tilespmem:$0x1F2C0] =	vst v63  }
0xf8: {  	_ = 	snop  }
0xf9: {  	[tilespmem:s11], [sflag:$0x3] =	stream.linear.gather @!p2 [hbm4b:s5+s26], $0x78, $0x38;
	[tilespmem:$0x1F2C0] =	vst v63  }
0xfa: {  	_ =	swait.ge [sflag:s31], $0x78  }
0xfb: {  	[sflag:s31] =	ssyncset.done $0x0  }
0xfc: {  	[sflag:s31] =	ssyncadd.s32 $0xFFFFFF88  }
0xfd: {  	_ =	swait.ge [sflag:s31], $0x78  }
0xfe: {  	[sflag:s31] =	ssyncset.done $0x0  }
0xff: {  	[sflag:s31] =	ssyncadd.s32 $0xFFFFFF88  }
0x100: {  	[tilespmem:s13], [sflag:$0x9] =	stream.indirect.gather [hbm4b:s1+s0], $0x80, s3, s0, $0xb8;
	[tilespmem:$0x1F2C0] =	vst v63  }
0x101: {  	_ =	swait.ge [sflag:s14], $0x3C00  }
0x102: {  	[sflag:s14] =	ssyncset.done $0x0  }
0x103: {  	[sflag:s14] =	ssyncadd.s32 $0xFFFFC400  }
0x104: {  	[spmem:s2] =	stream.indirect.scatter.add.f32 [tilespmem:s8], [sflag:$0xB], $0x80, s19, s0, $0xb8;
	[tilespmem:$0x1F2C0] =	vst v63  }
0x105: {  	_ =	swait.ge [sflag:s15], $0x3C00  }
0x106: {  	s6 =	simm.s32 @!p2 $0x13BC0;
	s5 =	sadd.s32 @!p2 $0x10E0, s28;
	[sflag:s15] =	ssyncset.done $0x0  }
0x107: {  	s10 =	simm.s32 @!p2 $0x13C40;
	[sflag:s15] =	ssyncadd.s32 $0xFFFFC400  }
0x108: {  	[tilespmem:s6], [sflag:$0x4] =	stream.linear.gather @!p2 [hbm4b:s5+s26], $0x78, $0x38;
	[tilespmem:$0x1F2C0] =	vst v63  }
0x109: {  	s5 =	simm.s32 @!p2 $0x1  }
0x10a: {  	[tilespmem:s10], [sflag:$0x4] =	stream.linear.gather @!p2 [hbm4b:s29+s26], $0x78, $0x38;
	[tilespmem:$0x1F2C0] =	vst v63  }
0x10b: {  	_ =	swait.ge @!p2 [sflag:s5], $0x78  }
0x10c: {  	[sflag:s5] =	ssyncset.done @!p2 $0x0  }
0x10d: {  	[sflag:s5] =	ssyncadd.s32 @!p2 $0xFFFFFF88  }
.Ltmp0:
0x10e: {  	_ =	swait.ge @!p2 [sflag:s5], $0x78;
	(pc) =	sbr.rel @p1 .LBB2_2-.Ltmp0, $4  }
0x10f: {  	s6 =	simm.s32 @!p2 $0x78;
	s10 =	simm.s32 @!p2 $0x13EC0;
	[sflag:s5] =	ssyncset.done @!p2 $0x0  }
0x110: {  	[sflag:s5] =	ssyncadd.s32 @!p2 $0xFFFFFF88  }
0x111: {  	[tilespmem:s10], [sflag:$0x7] =	stream.indirect.gather @!p2 [hbm4b:s1+s6], $0x80, s25, s6, $0xb8;
	[tilespmem:$0x1F2C0] =	vst v63  }
0x112: {  	p2 =	seq.s32 s23, $0x0;
	_ =	swait.ge [sflag:s17], $0x3C00  }
0x113: {  	[sflag:s17] =	ssyncset.done $0x0  }
0x114: {  	s5 =	simm.s32 @!p2 $0xB;
	s26 =	simm.s32 $0x13E40;
	[sflag:s17] =	ssyncadd.s32 $0xFFFFC400  }
0x115: {  	[spmem:s2] =	stream.indirect.scatter.add.f32 [tilespmem:s13], [sflag:$0xC], $0x80, s26, s0, $0xb8;
	[tilespmem:$0x1F2C0] =	vst v63  }
0x116: {  	s6 =	sadd.s32 s23, s20;
	_ =	swait.ge @!p2 [sflag:s5], $0x3C00  }
0x117: {  	s11 =	sadd.s32 s23, s21;
	s4 =	simm.s32 $0x13CC0;
	[sflag:s5] =	ssyncset.done @!p2 $0x0  }
0x118: {  	s24 =	simm.s32 $0x0;
	s10 =	sadd.s32 $0x780, s6;
	[sflag:s5] =	ssyncadd.s32 @!p2 $0xFFFFC400  }
0x119: {  	[tilespmem:s4], [sflag:$0x5] =	stream.linear.gather [hbm4b:s10+s24], $0x78, $0x38;
	[tilespmem:$0x1F2C0] =	vst v63  }
0x11a: {  	s19 =	simm.s32 $0x13D40;
	s28 =	sadd.s32 $0x780, s11  }
0x11b: {  	[tilespmem:s19], [sflag:$0x5] =	stream.linear.gather [hbm4b:s28+s24], $0x78, $0x38;
	[tilespmem:$0x1F2C0] =	vst v63  }
0x11c: {  	_ =	swait.ge [sflag:s7], $0x78  }
0x11d: {  	[sflag:s7] =	ssyncset.done $0x0  }
0x11e: {  	[sflag:s7] =	ssyncadd.s32 $0xFFFFFF88  }
0x11f: {  	_ =	swait.ge [sflag:s7], $0x78  }
0x120: {  	[sflag:s7] =	ssyncset.done $0x0  }
0x121: {  	s30 =	simm.s32 $0x139C0;
	[sflag:s7] =	ssyncadd.s32 $0xFFFFFF88  }
0x122: {  	[tilespmem:s8], [sflag:$0x8] =	stream.indirect.gather [hbm4b:s1+s0], $0x80, s30, s0, $0xb8;
	[tilespmem:$0x1F2C0] =	vst v63  }
0x123: {  	_ =	swait.ge [sflag:s9], $0x3C00  }
0x124: {  	s3 =	simm.s32 $0x13940;
	[sflag:s9] =	ssyncset.done $0x0  }
0x125: {  	s22 =	simm.s32 $0x13EC0;
	s5 =	simm.s32 @!p2 $0xC;
	[sflag:s9] =	ssyncadd.s32 $0xFFFFC400  }
0x126: {  	[spmem:s2] =	stream.indirect.scatter.add.f32 [tilespmem:s22], [sflag:$0xA], $0x80, s3, s0, $0xb8;
	[tilespmem:$0x1F2C0] =	vst v63  }
0x127: {  	_ =	swait.ge @!p2 [sflag:s5], $0x3C00  }
0x128: {  	[sflag:s5] =	ssyncset.done @!p2 $0x0  }
0x129: {  	s6 =	sadd.s32 $0x960, s6;
	s3 =	simm.s32 $0x13DC0;
	[sflag:s5] =	ssyncadd.s32 @!p2 $0xFFFFC400  }
0x12a: {  	[tilespmem:s3], [sflag:$0x6] =	stream.linear.gather [hbm4b:s6+s24], $0x78, $0x38;
	[tilespmem:$0x1F2C0] =	vst v63  }
0x12b: {  	s6 =	sadd.s32 $0x960, s11  }
0x12c: {  	[tilespmem:s26], [sflag:$0x6] =	stream.linear.gather [hbm4b:s6+s24], $0x78, $0x38;
	[tilespmem:$0x1F2C0] =	vst v63  }
0x12d: {  	_ =	swait.ge [sflag:s12], $0x78  }
0x12e: {  	[sflag:s12] =	ssyncset.done $0x0  }
0x12f: {  	[sflag:s12] =	ssyncadd.s32 $0xFFFFFF88  }
0x130: {  	_ =	swait.ge [sflag:s12], $0x78  }
0x131: {  	[sflag:s12] =	ssyncset.done $0x0  }
0x132: {  	s10 =	simm.s32 $0x13AC0;
	[sflag:s12] =	ssyncadd.s32 $0xFFFFFF88  }
0x133: {  	[tilespmem:s13], [sflag:$0x9] =	stream.indirect.gather [hbm4b:s1+s0], $0x80, s10, s0, $0xb8;
	[tilespmem:$0x1F2C0] =	vst v63  }
0x134: {  	_ =	swait.ge [sflag:s14], $0x3C00  }
0x135: {  	[sflag:s14] =	ssyncset.done $0x0  }
0x136: {  	p1 =	seq.s32 s23, $0x9240;
	s11 =	simm.s32 $0x13A40;
	[sflag:s14] =	ssyncadd.s32 $0xFFFFC400  }
0x137: {  	[spmem:s2] =	stream.indirect.scatter.add.f32 [tilespmem:s8], [sflag:$0xB], $0x80, s11, s0, $0xb8;
	[tilespmem:$0x1F2C0] =	vst v63  }
0x138: {  	s25 =	sadd.s32 @!p1 s23, s20;
	_ =	swait.ge [sflag:s15], $0x3C00  }
0x139: {  	s5 =	simm.s32 @!p1 $0x138C0;
	s24 =	simm.s32 @!p1 $0x0;
	[sflag:s15] =	ssyncset.done $0x0  }
0x13a: {  	s6 =	sadd.s32 @!p1 $0xB40, s25;
	s10 =	sadd.s32 @!p1 s23, s21;
	[sflag:s15] =	ssyncadd.s32 $0xFFFFC400  }
0x13b: {  	[tilespmem:s5], [sflag:$0x1] =	stream.linear.gather @!p1 [hbm4b:s6+s24], $0x78, $0x38;
	[tilespmem:$0x1F2C0] =	vst v63  }
0x13c: {  	s11 =	sadd.s32 @!p1 $0xB40, s10;
	s6 =	simm.s32 @!p1 $0x13940  }
0x13d: {  	[tilespmem:s6], [sflag:$0x1] =	stream.linear.gather @!p1 [hbm4b:s11+s24], $0x78, $0x38;
	[tilespmem:$0x1F2C0] =	vst v63  }
0x13e: {  	_ =	swait.ge [sflag:s16], $0x78  }
0x13f: {  	[sflag:s16] =	ssyncset.done $0x0  }
0x140: {  	[sflag:s16] =	ssyncadd.s32 $0xFFFFFF88  }
0x141: {  	_ =	swait.ge [sflag:s16], $0x78  }
0x142: {  	[sflag:s16] =	ssyncset.done $0x0  }
0x143: {  	s23 =	simm.s32 $0x13BC0;
	[sflag:s16] =	ssyncadd.s32 $0xFFFFFF88  }
0x144: {  	[tilespmem:s22], [sflag:$0x7] =	stream.indirect.gather [hbm4b:s1+s0], $0x80, s23, s0, $0xb8;
	[tilespmem:$0x1F2C0] =	vst v63  }
0x145: {  	_ =	swait.ge [sflag:s17], $0x3C00  }
0x146: {  	[sflag:s17] =	ssyncset.done $0x0  }
0x147: {  	s28 =	simm.s32 $0x13B40;
	s30 =	simm.s32 $0xB;
	[sflag:s17] =	ssyncadd.s32 $0xFFFFC400  }
0x148: {  	[spmem:s2] =	stream.indirect.scatter.add.f32 [tilespmem:s13], [sflag:$0xC], $0x80, s28, s0, $0xb8;
	[tilespmem:$0x1F2C0] =	vst v63  }
0x149: {  	_ =	swait.ge [sflag:s30], $0x3C00  }
0x14a: {  	[sflag:s30] =	ssyncset.done $0x0  }
0x14b: {  	s6 =	sadd.s32 @!p1 $0xD20, s25;
	s11 =	simm.s32 @!p1 $0x139C0;
	[sflag:s30] =	ssyncadd.s32 $0xFFFFC400  }
0x14c: {  	[tilespmem:s11], [sflag:$0x2] =	stream.linear.gather @!p1 [hbm4b:s6+s24], $0x78, $0x38;
	[tilespmem:$0x1F2C0] =	vst v63  }
0x14d: {  	s6 =	sadd.s32 @!p1 $0xD20, s10;
	s11 =	simm.s32 @!p1 $0x13A40  }
0x14e: {  	[tilespmem:s11], [sflag:$0x2] =	stream.linear.gather @!p1 [hbm4b:s6+s24], $0x78, $0x38;
	[tilespmem:$0x1F2C0] =	vst v63  }
0x14f: {  	_ =	swait.ge [sflag:s18], $0x78  }
0x150: {  	[sflag:s18] =	ssyncset.done $0x0  }
0x151: {  	[sflag:s18] =	ssyncadd.s32 $0xFFFFFF88  }
0x152: {  	_ =	swait.ge [sflag:s18], $0x78  }
0x153: {  	[sflag:s18] =	ssyncset.done $0x0  }
0x154: {  	[sflag:s18] =	ssyncadd.s32 $0xFFFFFF88  }
0x155: {  	[tilespmem:s8], [sflag:$0x8] =	stream.indirect.gather [hbm4b:s1+s0], $0x80, s4, s0, $0xb8;
	[tilespmem:$0x1F2C0] =	vst v63  }
0x156: {  	_ =	swait.ge [sflag:s9], $0x3C00  }
0x157: {  	[sflag:s9] =	ssyncset.done $0x0  }
0x158: {  	s11 =	simm.s32 $0x13C40;
	[sflag:s9] =	ssyncadd.s32 $0xFFFFC400  }
0x159: {  	[spmem:s2] =	stream.indirect.scatter.add.f32 [tilespmem:s22], [sflag:$0xA], $0x80, s11, s0, $0xb8;
	[tilespmem:$0x1F2C0] =	vst v63  }
0x15a: {  	s22 =	simm.s32 $0xC  }
0x15b: {  	_ =	swait.ge [sflag:s22], $0x3C00  }
0x15c: {  	[sflag:s22] =	ssyncset.done $0x0  }
0x15d: {  	s6 =	sadd.s32 @!p1 $0xF00, s25;
	s11 =	simm.s32 @!p1 $0x13AC0;
	[sflag:s22] =	ssyncadd.s32 $0xFFFFC400  }
0x15e: {  	[tilespmem:s11], [sflag:$0x3] =	stream.linear.gather @!p1 [hbm4b:s6+s24], $0x78, $0x38;
	[tilespmem:$0x1F2C0] =	vst v63  }
0x15f: {  	s6 =	sadd.s32 @!p1 $0xF00, s10;
	s11 =	simm.s32 @!p1 $0x13B40  }
0x160: {  	[tilespmem:s11], [sflag:$0x3] =	stream.linear.gather @!p1 [hbm4b:s6+s24], $0x78, $0x38;
	[tilespmem:$0x1F2C0] =	vst v63  }
0x161: {  	_ =	swait.ge [sflag:s31], $0x78  }
0x162: {  	[sflag:s31] =	ssyncset.done $0x0  }
0x163: {  	[sflag:s31] =	ssyncadd.s32 $0xFFFFFF88  }
0x164: {  	_ =	swait.ge [sflag:s31], $0x78  }
0x165: {  	[sflag:s31] =	ssyncset.done $0x0  }
0x166: {  	[sflag:s31] =	ssyncadd.s32 $0xFFFFFF88  }
0x167: {  	[tilespmem:s13], [sflag:$0x9] =	stream.indirect.gather [hbm4b:s1+s0], $0x80, s3, s0, $0xb8;
	[tilespmem:$0x1F2C0] =	vst v63  }
0x168: {  	_ =	swait.ge [sflag:s14], $0x3C00  }
0x169: {  	[sflag:s14] =	ssyncset.done $0x0  }
0x16a: {  	[sflag:s14] =	ssyncadd.s32 $0xFFFFC400  }
0x16b: {  	[spmem:s2] =	stream.indirect.scatter.add.f32 [tilespmem:s8], [sflag:$0xB], $0x80, s19, s0, $0xb8;
	[tilespmem:$0x1F2C0] =	vst v63  }
0x16c: {  	_ =	swait.ge [sflag:s15], $0x3C00  }
0x16d: {  	[sflag:s15] =	ssyncset.done $0x0  }
0x16e: {  	s6 =	sadd.s32 @!p1 $0x10E0, s25;
	s11 =	simm.s32 @!p1 $0x13BC0;
	[sflag:s15] =	ssyncadd.s32 $0xFFFFC400  }
0x16f: {  	[tilespmem:s11], [sflag:$0x4] =	stream.linear.gather @!p1 [hbm4b:s6+s24], $0x78, $0x38;
	[tilespmem:$0x1F2C0] =	vst v63  }
0x170: {  	s6 =	sadd.s32 @!p1 $0x10E0, s10;
	s10 =	simm.s32 @!p1 $0x13C40  }
0x171: {  	[tilespmem:s10], [sflag:$0x4] =	stream.linear.gather @!p1 [hbm4b:s6+s24], $0x78, $0x38;
	[tilespmem:$0x1F2C0] =	vst v63  }
0x172: {  	s6 =	simm.s32 @!p1 $0x1  }
0x173: {  	_ =	swait.ge @!p1 [sflag:s6], $0x78  }
0x174: {  	[sflag:s6] =	ssyncset.done @!p1 $0x0  }
0x175: {  	[sflag:s6] =	ssyncadd.s32 @!p1 $0xFFFFFF88  }
0x176: {  	_ =	swait.ge @!p1 [sflag:s6], $0x78  }
0x177: {  	[sflag:s6] =	ssyncset.done @!p1 $0x0  }
0x178: {  	s10 =	simm.s32 @!p1 $0x78;
	[sflag:s6] =	ssyncadd.s32 @!p1 $0xFFFFFF88;
	s6 =	simm.s32 @!p1 $0x13EC0  }
0x179: {  	[tilespmem:s6], [sflag:$0x7] =	stream.indirect.gather @!p1 [hbm4b:s1+s10], $0x80, s5, s10, $0xb8;
	[tilespmem:$0x1F2C0] =	vst v63  }
0x17a: {  	_ =	swait.ge [sflag:s17], $0x3C00  }
0x17b: {  	[sflag:s17] =	ssyncset.done $0x0  }
0x17c: {  	[sflag:s17] =	ssyncadd.s32 $0xFFFFC400  }
0x17d: {  	[spmem:s2] =	stream.indirect.scatter.add.f32 [tilespmem:s13], [sflag:$0xC], $0x80, s26, s0, $0xb8;
	[tilespmem:$0x1F2C0] =	vst v63  }
0x17e: {  	_ =	swait.ge [sflag:s30], $0x3C00  }
0x17f: {  	[sflag:s30] =	ssyncset.done $0x0  }
0x180: {  	[sflag:s30] =	ssyncadd.s32 $0xFFFFC400  }
0x181: {  	_ =	swait.ge [sflag:s22], $0x3C00  }
0x182: {  	[sflag:s22] =	ssyncset.done $0x0  }
0x183: {  	[sflag:s22] =	ssyncadd.s32 $0xFFFFC400  }
0x184: {  	[bflag:$0x0] =	sbarrier.arrive $0xFFFF  }
0x185: {  	s6 =	rddreg [dreg:$0x12]  }
0x186: {  	s5 =	simm.s32 @p0 $0x1FCD;
	s3 =	rddreg [dreg:$0x15]  }
0x187: {  	[hbm:s6], [sflag:s5] =	dma.local @p0 [spmem:s3], $0x2800  }
0x188: {  	s5 =	simm.s32 @p0 $0xD  }
0x189: {  	_ =	swait.ge @p0 [sflag:s5], $0x2800  }
0x18a: {  	s3 =	rddreg [dreg:$0x16]  }
0x18b: {  	[sflag:s5] =	ssyncset.done @p0 $0x0;
	s4 =	rddreg [dreg:$0x17]  }
0x18c: {  	[sflag:s5] =	ssyncadd.s32 @p0 $0xFFFFD800;
	s5 =	rddreg [dreg:$0x11]  }
0x18d: {  	[hbm:s5], [sflag:s3] =	dma.local @!p0 [spmem:s4], $0x2700  }
0x18e: {  	s5 =	simm.s32 @!p0 $0xD  }
0x18f: {  	_ =	swait.ge @!p0 [sflag:s5], $0x2700  }
0x190: {  	s28 =	rddreg [dreg:$0x14]  }
0x191: {  	s30 =	rddreg [dreg:$0x13];
	s3 =	sadd.s32 $0x1, s28  }
0x192: {  	p1 =	sne.s32 s3, s30  }
.Ltmp1:
0x193: {  	_ = 	snop;
	(pc) =	sbr.rel @p1 .LBB2_1-.Ltmp1, $3  }
0x194: {  	_ =	sdelay $0x1  }
0x195: {  	[sflag:s5] =	ssyncset.done @!p0 $0x0  }
0x196: {  	s29 =	simm.s32 $0x13E40;
	[sflag:s5] =	ssyncadd.s32 @!p0 $0xFFFFD900  }
0x197: {  	_ =	sfence.sel $0x180000  }
0x198: {  	[bflag:$0x0] =	sbarrier.arrive $0xFFFF  }
0x199: {  	_ =	strace $0x90000047  }
0x19a: {  	s0 =	stileid.u32;
	[bflag:$0x2] =	sbarrier.arrive $0xFFFF  }
0x19b: {  	p0 =	sne.s32 s0, $0x0;
	s0 =	rddreg [dreg:$0x4]  }
0x19c: {  	s0 =	sadd.s32 @!p0 $0x100000, s0  }
0x19d: {  	[sflag:s0] =	ssyncadd.tile.s32 @!p0 $0x1;
	_ =	shalt  }
.Lfunc_end2:
_tile_overlayer_lowered:
.L_overlay_start_2:
0x19e: {  	(tag) =	ssettag $0x2  }
0x19f: {  	s0 =	rddreg [dreg:$0x0];
	s2 =	stileid.u32  }
0x1a0: {  	s1 =	rddreg [dreg:$0x1];
	p0 =	sne.s32 s2, $0x0  }
0x1a1: {  	s3 =	rddreg [dreg:$0x2];
	[bflag:$0x3] =	sbarrier.arrive $0xFFFF;
	s2 =	simm.s32 @!p0 $0x1C0D  }
0x1a2: {  	[timem:s3], [sflag:s2] =	dma.local @!p0 [hbm:s0], s1  }
0x1a3: {  	s0 =	simm.s32 @!p0 $0xD  }
0x1a4: {  	_ =	swait.ge @!p0 [sflag:s0], s1  }
0x1a5: {  	s1 =	ssub.s32 @!p0 $0x0, s1;
	[sflag:s0] =	ssyncset.done @!p0 $0x0  }
0x1a6: {  	[sflag:s0] =	ssyncadd.s32 @!p0 s1  }
0x1a7: {  	[bflag:$0x3] =	sbarrier.arrive $0xFFFF  }
0x1a8: {  	_ =	shalt  }

</sc_bundles>
